<compile_context>
chip_gen: v7x
topology: tpu7x:2x2x1
jax: 0.10.2.dev20260603
libtpu: 0.0.44.dev20260713+nightly
codegen_flags: <defaults>
</compile_context>

<pallas_src>
import functools

import jax
import jax.numpy as jnp
from jax import lax
from jax.experimental import pallas as pl
from jax.experimental.pallas import tpu as pltpu
from jax.experimental.pallas import tpu_sc as plsc

_F32 = jnp.float32
_PREC = lax.Precision.DEFAULT


def _dot(a, b):
    return lax.dot(a, b, precision=_PREC, preferred_element_type=_F32)


def _vmlp_body(x_ref, v_ref, wi, bi, w1, b1, w2, b2, wo, bo, o_ref):
    x = x_ref[...]
    h = jnp.maximum(_dot(x, wi[...]) + bi[...], 0.0)
    h = h + jnp.maximum(_dot(h, w1[...]) + b1[...], 0.0)
    h = h + jnp.maximum(_dot(h, w2[...]) + b2[...], 0.0)
    o_ref[:, 0:256] = _dot(h, wo[...]) + bo[...]
    o_ref[:, 256:384] = jnp.pad(v_ref[...], ((0, 0), (0, 124)))


def _vertex_mlp(xp, vp, params):
    npad = xp.shape[0]
    blk = 1024
    grid = (npad // blk,)

    def wspec(shape):
        return pl.BlockSpec(shape, lambda i: (0, 0))

    args = [
        params['Wd_in'], params['bd_in'].reshape(1, -1),
        params['Wd1'], params['bd1'].reshape(1, -1),
        params['Wd2'], params['bd2'].reshape(1, -1),
        params['Wd_out'], params['bd_out'].reshape(1, -1),
    ]
    return pl.pallas_call(
        _vmlp_body,
        grid=grid,
        in_specs=[pl.BlockSpec((blk, 128), lambda i: (i, 0)),
                  pl.BlockSpec((blk, 4), lambda i: (i, 0))] +
                 [wspec(a.shape) for a in args],
        out_specs=pl.BlockSpec((blk, 384), lambda i: (i, 0)),
        out_shape=jax.ShapeDtypeStruct((npad, 384), _F32),
    )(xp, vp, *args)


def _rmlp_body(s_ref, w0, b0, w1, b1, w2, b2, w3, b3, w4, b4, w5, b5, o_ref):
    h = jnp.maximum(_dot(s_ref[...], w0[...]) + b0[...], 0.0)
    h = jnp.maximum(_dot(h, w1[...]) + b1[...], 0.0)
    h = jnp.maximum(_dot(h, w2[...]) + b2[...], 0.0)
    h = jnp.maximum(_dot(h, w3[...]) + b3[...], 0.0)
    h = jnp.maximum(_dot(h, w4[...]) + b4[...], 0.0)
    ft = lax.dot_general(w5[...], h, (((0,), (1,)), ((), ())),
                         precision=_PREC, preferred_element_type=_F32)
    o_ref[...] = ft + b5[...]


def _refine_mlp(s, params):
    fp = s.shape[0]
    blk = 1024
    grid = (fp // blk,)
    w5 = jnp.pad(params['Wr5'], ((0, 0), (0, 4)))
    b5 = jnp.pad(params['br5'], ((0, 4),))
    args = [
        jnp.pad(params['Wr0'] * (1.0 / 3.0), ((0, 128), (0, 0))),
        params['br0'].reshape(1, -1),
        params['Wr1'], params['br1'].reshape(1, -1),
        params['Wr2'], params['br2'].reshape(1, -1),
        params['Wr3'], params['br3'].reshape(1, -1),
        params['Wr4'], params['br4'].reshape(1, -1),
        w5, b5.reshape(-1, 1),
    ]

    def wspec(shape):
        return pl.BlockSpec(shape, lambda i: (0, 0))

    return pl.pallas_call(
        _rmlp_body,
        grid=grid,
        in_specs=[pl.BlockSpec((blk, 384), lambda i: (i, 0))] +
                 [wspec(a.shape) for a in args],
        out_specs=pl.BlockSpec((16, blk), lambda i: (0, i)),
        out_shape=jax.ShapeDtypeStruct((16, fp), _F32),
    )(s, *args)


def _sym4_sq_norm(b):
    b00, b01, b02, b03, b11, b12, b13, b22, b23, b33 = b
    c00 = b00 * b00 + b01 * b01 + b02 * b02 + b03 * b03
    c01 = b00 * b01 + b01 * b11 + b02 * b12 + b03 * b13
    c02 = b00 * b02 + b01 * b12 + b02 * b22 + b03 * b23
    c03 = b00 * b03 + b01 * b13 + b02 * b23 + b03 * b33
    c11 = b01 * b01 + b11 * b11 + b12 * b12 + b13 * b13
    c12 = b01 * b02 + b11 * b12 + b12 * b22 + b13 * b23
    c13 = b01 * b03 + b11 * b13 + b12 * b23 + b13 * b33
    c22 = b02 * b02 + b12 * b12 + b22 * b22 + b23 * b23
    c23 = b02 * b03 + b12 * b13 + b22 * b23 + b23 * b33
    c33 = b03 * b03 + b13 * b13 + b23 * b23 + b33 * b33
    tr = c00 + c11 + c22 + c33
    r = 1.0 / jnp.maximum(tr, 1e-30)
    return tuple(v * r for v in (c00, c01, c02, c03, c11, c12, c13, c22, c23, c33))


def _proc_body(f_real, f_ref, p_ref, r_ref, tp_ref, sc_ref):
    m = [f_ref[k] for k in range(9)]
    t = [f_ref[9 + k] for k in range(3)]
    m00, m01, m02, m10, m11, m12, m20, m21, m22 = m
    fro2 = m00 * m00
    for mi in m[1:]:
        fro2 = fro2 + mi * mi
    sig = jnp.sqrt(3.0 * fro2)
    k00 = m00 + m11 + m22
    k01 = m21 - m12
    k02 = m02 - m20
    k03 = m10 - m01
    k11 = m00 - m11 - m22
    k12 = m01 + m10
    k13 = m02 + m20
    k22 = m11 - m00 - m22
    k23 = m12 + m21
    k33 = m22 - m00 - m11
    r0 = 1.0 / jnp.maximum(4.0 * sig, 1e-30)
    b = tuple(v * r0 for v in (k00 + sig, k01, k02, k03, k11 + sig, k12, k13,
                               k22 + sig, k23, k33 + sig))
    for _ in range(12):
        b = _sym4_sq_norm(b)
    b00, b01, b02, b03, b11, b12, b13, b22, b23, b33 = b
    c01 = b00 >= b11
    a0 = jnp.where(c01, b00, b01)
    a1 = jnp.where(c01, b01, b11)
    a2 = jnp.where(c01, b02, b12)
    a3 = jnp.where(c01, b03, b13)
    da = jnp.where(c01, b00, b11)
    c23 = b22 >= b33
    e0 = jnp.where(c23, b02, b03)
    e1 = jnp.where(c23, b12, b13)
    e2 = jnp.where(c23, b22, b23)
    e3 = jnp.where(c23, b23, b33)
    de = jnp.where(c23, b22, b33)
    cab = da >= de
    qw = jnp.where(cab, a0, e0)
    qx = jnp.where(cab, a1, e1)
    qy = jnp.where(cab, a2, e2)
    qz = jnp.where(cab, a3, e3)
    inn = qw * qw + qx * qx + qy * qy + qz * qz
    s = lax.rsqrt(jnp.maximum(inn, 1e-30))
    w, x, y, z = qw * s, qx * s, qy * s, qz * s
    r00 = 1.0 - 2.0 * (y * y + z * z)
    r01 = 2.0 * (x * y - w * z)
    r02 = 2.0 * (x * z + w * y)
    r10 = 2.0 * (x * y + w * z)
    r11 = 1.0 - 2.0 * (x * x + z * z)
    r12 = 2.0 * (y * z - w * x)
    r20 = 2.0 * (x * z - w * y)
    r21 = 2.0 * (y * z + w * x)
    r22 = 1.0 - 2.0 * (x * x + y * y)
    rm = [r00, r01, r02, r10, r11, r12, r20, r21, r22]
    for k in range(9):
        r_ref[k] = rm[k]
    for k in range(9, 16):
        r_ref[k] = jnp.zeros((8, 128), _F32)
    gi = pl.program_id(0)
    row = lax.broadcasted_iota(jnp.int32, (8, 128), 0)
    col = lax.broadcasted_iota(jnp.int32, (8, 128), 1)
    valid = ((gi * 1024 + row * 128 + col) < f_real).astype(_F32)
    tp = [[None] * 3 for _ in range(3)]
    for i in range(3):
        pik = [p_ref[i, k] for k in range(3)]
        for k in range(3):
            tp[i][k] = (pik[0] * rm[k] + pik[1] * rm[3 + k] +
                        pik[2] * rm[6 + k] + t[k])
    for i in range(3):
        for k in range(3):
            tp_ref[3 * i + k] = tp[i][k]
    for k in range(9, 16):
        tp_ref[k] = jnp.zeros((8, 128), _F32)
    for k in range(3):
        for i in range(3):
            sc_ref[k * 3 + i] = tp[i][k] * valid
    for i in range(3):
        sc_ref[9 + i] = valid


def _procrustes(ft, pcm, f_real):
    nblk = ft.shape[1]
    nb = nblk // 8
    grid = (nb,)
    return pl.pallas_call(
        functools.partial(_proc_body, f_real),
        grid=grid,
        in_specs=[pl.BlockSpec((16, 8, 128), lambda i: (0, i, 0)),
                  pl.BlockSpec((3, 16, 8, 128), lambda i: (0, 0, i, 0))],
        out_specs=[pl.BlockSpec((16, 8, 128), lambda i: (0, i, 0)),
                   pl.BlockSpec((16, 8, 128), lambda i: (0, i, 0)),
                   pl.BlockSpec((12, 8, 128), lambda i: (0, i, 0))],
        out_shape=[jax.ShapeDtypeStruct((16, nblk, 128), _F32),
                   jax.ShapeDtypeStruct((16, nblk, 128), _F32),
                   jax.ShapeDtypeStruct((12, nblk, 128), _F32)],
    )(ft, pcm)


def _tx_cm_body(p_ref, eye_ref, o_ref):
    for kk in range(4):
        blk = p_ref[0, pl.ds(kk * 128, 128), :]
        o_ref[0, :, pl.ds(kk * 128, 128)] = lax.dot_general(
            blk, eye_ref[...], (((0,), (0,)), ((), ())),
            precision=lax.Precision.HIGHEST, preferred_element_type=_F32)


def _prism_to_cm(prism):
    fp = prism.shape[1]
    eye = jnp.eye(128, dtype=_F32)
    return pl.pallas_call(
        _tx_cm_body,
        grid=(3, fp // 512),
        in_specs=[pl.BlockSpec((1, 512, 16), lambda j, i: (j, i, 0)),
                  pl.BlockSpec((128, 128), lambda j, i: (0, 0))],
        out_specs=pl.BlockSpec((1, 16, 512), lambda j, i: (j, 0, i)),
        out_shape=jax.ShapeDtypeStruct((3, 16, fp), _F32),
    )(prism, eye)


def _tx_rm_body(a_ref, b_ref, eye_ref, oa_ref, ob_ref):
    for kk in range(4):
        sl = pl.ds(kk * 128, 128)
        oa_ref[sl, :] = lax.dot_general(
            a_ref[:, sl], eye_ref[...], (((0,), (0,)), ((), ())),
            precision=lax.Precision.HIGHEST, preferred_element_type=_F32)
        ob_ref[sl, :] = lax.dot_general(
            b_ref[:, sl], eye_ref[...], (((0,), (0,)), ((), ())),
            precision=lax.Precision.HIGHEST, preferred_element_type=_F32)


def _cm_to_rm(a, b):
    fp = a.shape[1]
    eye = jnp.eye(16, dtype=_F32)
    spec = pl.BlockSpec((16, 512), lambda i: (0, i))
    ospec = pl.BlockSpec((512, 16), lambda i: (i, 0))
    return pl.pallas_call(
        _tx_rm_body,
        grid=(fp // 512,),
        in_specs=[spec, spec, pl.BlockSpec((16, 16), lambda i: (0, 0))],
        out_specs=[ospec, ospec],
        out_shape=[jax.ShapeDtypeStruct((fp, 16), _F32),
                   jax.ShapeDtypeStruct((fp, 16), _F32)],
    )(a, b, eye)


def _comb_body(p_ref, o_ref):
    cnt = jnp.maximum(p_ref[0, 3, :] + p_ref[1, 3, :], 1.0)
    for k in range(3):
        o_ref[k] = (p_ref[0, k, :] + p_ref[1, k, :]) / cnt


def _combine(parts):
    nv = parts.shape[2]
    blk = 2048
    grid = (nv // blk,)
    return pl.pallas_call(
        _comb_body,
        grid=grid,
        in_specs=[pl.BlockSpec((2, 4, blk), lambda i: (0, 0, i))],
        out_specs=pl.BlockSpec((3, blk), lambda i: (0, i)),
        out_shape=jax.ShapeDtypeStruct((3, nv), _F32),
    )(parts)


def _face_gather(x, facep):
    fp = facep.shape[1]
    face_flat = facep.reshape(3 * fp)
    ch = 128
    nw = 32
    fw = fp // nw
    nch = fw // ch
    mesh = plsc.VectorSubcoreMesh(core_axis_name="c", subcore_axis_name="s")

    @functools.partial(
        pl.kernel, mesh=mesh,
        out_type=[jax.ShapeDtypeStruct((fp, 384), _F32),
                  jax.ShapeDtypeStruct((3, fp, 16), _F32)],
        scratch_types=[pltpu.VMEM((ch,), jnp.int32),
                       pltpu.VMEM((ch, 384), _F32),
                       pltpu.VMEM((ch, 384), _F32),
                       pltpu.VMEM((ch, 16), _F32),
                       pltpu.SemaphoreType.DMA],
    )
    def k(x_hbm, face_hbm, s_out, p_out, idx_v, rows_v, acc_v, vrow_v, sem):
        c = lax.axis_index("c")
        s = lax.axis_index("s")
        wid = s * 2 + c

        def chunk(i, carry):
            base = wid * fw + i * ch
            for j in range(3):
                pltpu.sync_copy(face_hbm.at[pl.ds(j * fp + base, ch)], idx_v)
                dst = acc_v if j == 0 else rows_v
                pltpu.async_copy(x_hbm.at[idx_v], dst, sem).wait()

                def row_fix(r, carry2):
                    if j > 0:
                        for g in range(256 // 16):
                            sl = pl.ds(g * 16, 16)
                            acc_v[r, sl] = acc_v[r, sl] + rows_v[r, sl]
                    vrow_v[r, :] = dst[r, pl.ds(256, 16)]
                    return carry2

                lax.fori_loop(0, ch, row_fix, 0)
                pltpu.sync_copy(vrow_v, p_out.at[j, pl.ds(base, ch)])
            pltpu.sync_copy(acc_v, s_out.at[pl.ds(base, ch)])
            return carry

        lax.fori_loop(0, nch, chunk, 0)

    return k(x, face_flat)


def _vertex_scatter(sdata_flat, sidx, nv):
    rp = sdata_flat.shape[0] // 4
    ch = 2048
    half = rp // 2
    nchunk = half // ch
    vt = nv // 16
    mesh = plsc.VectorSubcoreMesh(core_axis_name="c", subcore_axis_name="s")

    @functools.partial(
        pl.kernel, mesh=mesh,
        compiler_params=pltpu.CompilerParams(needs_layout_passes=False),
        out_type=jax.ShapeDtypeStruct((8 * nv,), _F32),
        scratch_types=[pltpu.VMEM((ch,), jnp.int32),
                       pltpu.VMEM((4 * ch,), _F32),
                       pltpu.VMEM((4 * vt,), _F32)],
    )
    def k(data_hbm, idx_hbm, out_hbm, idx_v, dbuf, acc):
        c = lax.axis_index("c")
        s = lax.axis_index("s")
        vbase = s * vt

        def z(i, carry):
            acc[pl.ds(i * 16, 16)] = jnp.zeros((16,), _F32)
            return carry

        lax.fori_loop(0, (4 * vt) // 16, z, 0)

        def chunk(i, carry):
            base = c * half + i * ch
            pltpu.sync_copy(idx_hbm.at[pl.ds(base, ch)], idx_v)
            for kk in range(4):
                pltpu.sync_copy(data_hbm.at[pl.ds(kk * rp + base, ch)],
                                dbuf.at[pl.ds(kk * ch, ch)])

            def g(j, carry2):
                iv = idx_v[pl.ds(j * 16, 16)]
                local = iv - vbase
                msk = (local >= 0) & (local < vt)
                loc = jnp.minimum(jnp.maximum(local, 0), vt - 1)
                for kk in range(4):
                    dk = dbuf[pl.ds(kk * ch + j * 16, 16)]
                    plsc.addupdate_scatter(acc, [loc + kk * vt], dk, mask=msk)
                return carry2

            lax.fori_loop(0, ch // 16, g, 0)
            return carry

        lax.fori_loop(0, nchunk, chunk, 0)
        for kk in range(4):
            pltpu.sync_copy(
                acc.at[pl.ds(kk * vt, vt)],
                out_hbm.at[pl.ds((c * 4 + kk) * nv + s * vt, vt)])

    return k(sdata_flat, sidx)


def kernel(pos, x_in, face, params):
    n = pos.shape[1]
    f = face.shape[1]
    blk = 1024
    npad = ((n + blk - 1) // blk) * blk
    fp = ((f + 4095) // 4096) * 4096

    xp = jnp.pad(x_in.reshape(n, 128), ((0, npad - n), (0, 0)))
    verts = pos.reshape(n, 3)
    vp = jnp.pad(verts, ((0, npad - n), (0, 1)))
    x = _vertex_mlp(xp, vp, params)

    facep = jnp.pad(face, ((0, 0), (0, fp - f)))

    ssum, prism = _face_gather(x, facep)

    fvec_cm = _refine_mlp(ssum, params)

    ft = fvec_cm.reshape(16, fp // 128, 128)
    pcm = _prism_to_cm(prism).reshape(3, 16, fp // 128, 128)
    r16, tp16, out12 = _procrustes(ft, pcm, f)
    r_rm, tp_rm = _cm_to_rm(r16.reshape(16, fp), tp16.reshape(16, fp))

    rmat = r_rm[:f, :9].reshape(f, 3, 3)
    tprism = tp_rm[:f, :9].reshape(f, 3, 3)

    sdata_flat = out12.reshape(12 * fp)
    sidx = facep.reshape(3 * fp)
    nvp = ((n + 16383) // 16384) * 16384

    parts = _vertex_scatter(sdata_flat, sidx, nvp)
    vcomb = _combine(parts.reshape(2, 4, nvp))

    return vcomb.T[:n].reshape(1, n, 3), tprism, rmat

# --- scband reference (transcript-rebuilt; emitter-appended) ---
"""Pipeline reference for scband-prism-decoder-75917841924405 (READ-ONLY COPY).

The authoritative reference and input builder live on the scoring server;
editing this copy changes nothing except your own understanding.
"""

import jax, jax.numpy as jnp
import numpy as np


def _glorot(key, fan_in, fan_out):
    lim = float(np.sqrt(6.0 / (fan_in + fan_out)))
    return jax.random.uniform(key, (fan_in, fan_out), jnp.float32, -lim, lim)


def _make_params(key):
    ks = jax.random.split(key, 16)
    p = {}
    p['Wd_in'] = _glorot(ks[0], 128, 128); p['bd_in'] = jnp.zeros((128,), jnp.float32)
    p['Wd1'] = _glorot(ks[1], 128, 128); p['bd1'] = jnp.zeros((128,), jnp.float32)
    p['Wd2'] = _glorot(ks[2], 128, 128); p['bd2'] = jnp.zeros((128,), jnp.float32)
    p['Wd_out'] = _glorot(ks[3], 128, 256); p['bd_out'] = jnp.zeros((256,), jnp.float32)
    refine = [(256, 256), (256, 512), (512, 256), (256, 128), (128, 64), (64, 12)]
    for i, (a, b) in enumerate(refine):
        p['Wr%d' % i] = _glorot(ks[4 + i], a, b)
        p['br%d' % i] = jnp.zeros((b,), jnp.float32)
    return p


def setup_inputs(seed: int = 0):
    key = jax.random.key(seed)
    N = 100000
    F = 200000
    pos = jax.random.normal(jax.random.fold_in(key, 0), (1, N, 3), jnp.float32)
    x_in = jax.random.normal(jax.random.fold_in(key, 1), (1, N, 128), jnp.float32)
    face = jax.random.randint(jax.random.fold_in(key, 2), (3, F), 0, N, dtype=jnp.int32)
    params = _make_params(jax.random.fold_in(key, 3))
    return {'pos': pos, 'x_in': x_in, 'face': face, 'params': params}


def _special_procrustes(M):
    # roma.special_procrustes: closest rotation (SO(3) projection) via SVD
    U, S, Vt = jnp.linalg.svd(M, full_matrices=False)
    det = jnp.linalg.det(jnp.matmul(U, Vt))
    D = jnp.concatenate([jnp.ones(det.shape + (2,), M.dtype), det[..., None]], axis=-1)
    return jnp.matmul(U * D[..., None, :], Vt)


def _forward(pos, x_in, face, params):
    verts = pos.reshape(-1, 3)                      # [N, 3]
    faces = face.T                                   # [F, 3]
    prism_base = verts[faces]                        # [F, 3, 3] gather
    # DiffusionNet stand-in: per-vertex residual MLP C_in -> C_width (N_block) -> C_out
    h = jax.nn.relu(jnp.matmul(x_in, params['Wd_in']) + params['bd_in'])
    h = h + jax.nn.relu(jnp.matmul(h, params['Wd1']) + params['bd1'])
    h = h + jax.nn.relu(jnp.matmul(h, params['Wd2']) + params['bd2'])
    x = jnp.matmul(h, params['Wd_out']) + params['bd_out']   # [1, N, 256]
    # torch.gather over face-vertex features, then mean over the 3 corners
    xf = x[0][faces]                                 # [F, 3, d] gather
    feats = jnp.mean(xf, axis=1)[None]               # [1, F, d]
    f = feats
    for i in range(5):
        f = jax.nn.relu(jnp.matmul(f, params['Wr%d' % i]) + params['br%d' % i])
    f = jnp.matmul(f, params['Wr5']) + params['br5']  # [1, F, 12]
    R = _special_procrustes(f[:, :, :9].reshape(-1, 3, 3))   # [F, 3, 3]
    t = f[:, :, 9:].reshape(-1, 3)                   # [F, 3]
    transformed_prism = jnp.matmul(prism_base, R) + t[:, None, :]  # [F, 3, 3]
    # prism_to_vertices: scatter-add per-face features to vertices, mean by count
    idx = faces.reshape(-1)                          # [3F]
    Nv = verts.shape[0]
    vfeat = jnp.zeros((Nv, 3), jnp.float32).at[idx].add(transformed_prism.reshape(-1, 3))
    cnt = jnp.zeros((Nv,), jnp.float32).at[idx].add(1.0)
    vfeat = vfeat / jnp.maximum(cnt, 1.0)[:, None]
    return vfeat.reshape(1, -1, 3), transformed_prism, R


def reference(pos, x_in, face, params):
    return _forward(pos, x_in, face, params)

if __name__ == "__main__":
    import jax
    _d = setup_inputs()
    print(jax.jit(kernel)(*tuple(_d.values())))

</pallas_src>

<mosaic_0001>
#map = affine_map<(d0, d1) -> (0, 0)>
#map1 = affine_map<(d0, d1) -> (0)>
#map2 = affine_map<(d0, d1) -> (0, 0, 0)>
module attributes {stable_mosaic.version = 14 : i64} {
  func.func @k(%arg0: i32, %arg1: i32, %arg2: memref<100352x384xf32, #tpu.memory_space<hbm>>, %arg3: memref<602112xi32, #tpu.memory_space<hbm>>, %arg4: memref<200704x384xf32, #tpu.memory_space<hbm>>, %arg5: memref<3x200704x16xf32, #tpu.memory_space<hbm>>, %arg6: memref<128xi32, #tpu.memory_space<vmem>>, %arg7: memref<128x384xf32, #tpu.memory_space<vmem>>, %arg8: memref<128x384xf32, #tpu.memory_space<vmem>>, %arg9: memref<128x16xf32, #tpu.memory_space<vmem>>, %arg10: memref<!tpu.dma_semaphore, #tpu.memory_space<semaphore_mem>>) attributes {dimension_semantics = [#tpu.dimension_semantics<core_parallel>, #tpu.dimension_semantics<subcore_parallel>], iteration_bounds = array<i64: 2, 16>, scalar_prefetch = 0 : i64, scratch_operands = 5 : i64, tpu.core_type = #tpu.core_type<sc_vector_subcore>, window_params = [{transform_indices = #map}, {transform_indices = #map1}, {transform_indices = #map}, {transform_indices = #map2}]} {
    %mul3A = arith.constant 2 : i32
    %mul3A_0 = arith.muli %arg1, %mul3A : i32
    %add3A = arith.addi %mul3A_0, %arg0 : i32
    %scan3A = arith.constant 0 : i32
    %scan3A_1 = arith.constant 0 : i32
    %scan3A_2 = arith.constant 49 : i32
    %scan3A_3 = arith.addi %scan3A_1, %scan3A_2 : i32
    %scan3A_4 = arith.constant 1 : i32
    scf.for %scan3A_6 = %scan3A_1 to %scan3A_3 step %scan3A_4  : i32 {
      %mul3A_7 = arith.constant 6272 : i32
      %mul3A_8 = arith.muli %add3A, %mul3A_7 : i32
      %mul3A_9 = arith.constant 128 : i32
      %mul3A_10 = arith.muli %scan3A_6, %mul3A_9 : i32
      %add3A_11 = arith.addi %mul3A_8, %mul3A_10 : i32
      %add3A_12 = arith.constant 0 : i32
      %add3A_13 = arith.addi %add3A_12, %add3A_11 : i32
      "tpu.region"() ({
        %run_scoped3A_54 = tpu.sem_alloc : memref<!tpu.dma_semaphore, #tpu.memory_space<semaphore_mem>>
        %dma_start3A_55 = tpu.memref_slice %arg3[%add3A_13] : memref<602112xi32, #tpu.memory_space<hbm>> -> memref<128xi32, #tpu.memory_space<hbm>>
        %dma_start3A_56 = tpu.memref_slice %arg3[%add3A_13] : memref<602112xi32, #tpu.memory_space<hbm>> -> memref<128xi32, #tpu.memory_space<hbm>>
        tpu.enqueue_dma source(%dma_start3A_56 : memref<128xi32, #tpu.memory_space<hbm>>) target(%arg6 : memref<128xi32, #tpu.memory_space<vmem>>) target_semaphore(%run_scoped3A_54 : memref<!tpu.dma_semaphore, #tpu.memory_space<semaphore_mem>>)
        %dma_wait3A_57 = tpu.memref_slice %arg3[%add3A_13] : memref<602112xi32, #tpu.memory_space<hbm>> -> memref<128xi32, #tpu.memory_space<hbm>>
        %dma_wait3A_58 = tpu.memref_slice %arg3[%add3A_13] : memref<602112xi32, #tpu.memory_space<hbm>> -> memref<128xi32, #tpu.memory_space<hbm>>
        tpu.wait_dma2 semaphore(%run_scoped3A_54 : memref<!tpu.dma_semaphore, #tpu.memory_space<semaphore_mem>>) src(%dma_wait3A_58 : memref<128xi32, #tpu.memory_space<hbm>>) dst(%arg6 : memref<128xi32, #tpu.memory_space<vmem>>)
        tpu.yield
      }) : () -> ()
      %dma_start3A = arith.constant 0 : i32
      %dma_start3A_14 = arith.constant 0 : i32
      %dma_start3A_15 = tpu.memref_slice %arg2[%dma_start3A, %dma_start3A_14] : memref<100352x384xf32, #tpu.memory_space<hbm>> -> memref<100352x384xf32, #tpu.memory_space<hbm>>
      tpu.enqueue_indirect_dma source(%dma_start3A_15 : memref<100352x384xf32, #tpu.memory_space<hbm>>) target(%arg8 : memref<128x384xf32, #tpu.memory_space<vmem>>) offsets(%arg6 : memref<128xi32, #tpu.memory_space<vmem>>) semaphore(%arg10 : memref<!tpu.dma_semaphore, #tpu.memory_space<semaphore_mem>>)
      %dma_wait3A = arith.constant 0 : i32
      %dma_wait3A_16 = arith.constant 0 : i32
      %dma_wait3A_17 = tpu.memref_slice %arg2[%dma_wait3A, %dma_wait3A_16] : memref<100352x384xf32, #tpu.memory_space<hbm>> -> memref<100352x384xf32, #tpu.memory_space<hbm>>
      tpu.wait_indirect_dma semaphore(%arg10 : memref<!tpu.dma_semaphore, #tpu.memory_space<semaphore_mem>>) src(%dma_wait3A_17 : memref<100352x384xf32, #tpu.memory_space<hbm>>) dst(%arg8 : memref<128x384xf32, #tpu.memory_space<vmem>>)
      %scan3A_18 = arith.constant 0 : i32
      %scan3A_19 = arith.constant 0 : i32
      %scan3A_20 = arith.constant 128 : i32
      %scan3A_21 = arith.addi %scan3A_19, %scan3A_20 : i32
      %scan3A_22 = arith.constant 1 : i32
      scf.for %scan3A_54 = %scan3A_19 to %scan3A_21 step %scan3A_22  : i32 {
        %get3A = arith.index_cast %scan3A_54 : i32 to index
        %get3A_55 = arith.constant 256 : index
        %get3A_56 = tpu.vector_load %arg8[%get3A, %get3A_55] {strides = array<i32>} : memref<128x384xf32, #tpu.memory_space<vmem>>, vector<1x16xf32>,
        %get3A_57 = vector.shape_cast %get3A_56 : vector<1x16xf32> to vector<16xf32>
        %swap3A = arith.index_cast %scan3A_54 : i32 to index
        %swap3A_58 = arith.constant 0 : index
        %swap3A_59 = tpu.vector_load %arg9[%swap3A, %swap3A_58] {strides = array<i32>} : memref<128x16xf32, #tpu.memory_space<vmem>>, vector<1x16xf32>,
        %swap3A_60 = vector.shape_cast %swap3A_59 : vector<1x16xf32> to vector<16xf32>
        %swap3A_61 = vector.shape_cast %get3A_57 : vector<16xf32> to vector<1x16xf32>
        tpu.vector_store %arg9[%swap3A, %swap3A_58], %swap3A_61 {strides = array<i32>} : memref<128x16xf32, #tpu.memory_space<vmem>>, vector<1x16xf32>,
      }
      %scan3A_23 = arith.constant 128 : i32
      %run_scoped3A = arith.constant 0 : i32
      "tpu.region"() ({
        %run_scoped3A_54 = tpu.sem_alloc : memref<!tpu.dma_semaphore, #tpu.memory_space<semaphore_mem>>
        %dma_start3A_55 = arith.constant 0 : i32
        %dma_start3A_56 = tpu.memref_slice %arg5[%run_scoped3A, %add3A_11, %dma_start3A_55] : memref<3x200704x16xf32, #tpu.memory_space<hbm>> -> memref<1x128x16xf32, #tpu.memory_space<hbm>>
        %dma_start3A_57 = tpu.memref_squeeze %dma_start3A_56 : memref<1x128x16xf32, #tpu.memory_space<hbm>> -> memref<128x16xf32, #tpu.memory_space<hbm>>
        %dma_start3A_58 = arith.constant 0 : i32
        %dma_start3A_59 = tpu.memref_slice %arg5[%run_scoped3A, %add3A_11, %dma_start3A_58] : memref<3x200704x16xf32, #tpu.memory_space<hbm>> -> memref<1x128x16xf32, #tpu.memory_space<hbm>>
        %dma_start3A_60 = tpu.memref_squeeze %dma_start3A_59 : memref<1x128x16xf32, #tpu.memory_space<hbm>> -> memref<128x16xf32, #tpu.memory_space<hbm>>
        tpu.enqueue_dma source(%arg9 : memref<128x16xf32, #tpu.memory_space<vmem>>) target(%dma_start3A_60 : memref<128x16xf32, #tpu.memory_space<hbm>>) target_semaphore(%run_scoped3A_54 : memref<!tpu.dma_semaphore, #tpu.memory_space<semaphore_mem>>)
        %dma_wait3A_61 = arith.constant 0 : i32
        %dma_wait3A_62 = tpu.memref_slice %arg5[%run_scoped3A, %add3A_11, %dma_wait3A_61] : memref<3x200704x16xf32, #tpu.memory_space<hbm>> -> memref<1x128x16xf32, #tpu.memory_space<hbm>>
        %dma_wait3A_63 = tpu.memref_squeeze %dma_wait3A_62 : memref<1x128x16xf32, #tpu.memory_space<hbm>> -> memref<128x16xf32, #tpu.memory_space<hbm>>
        %dma_wait3A_64 = arith.constant 0 : i32
        %dma_wait3A_65 = tpu.memref_slice %arg5[%run_scoped3A, %add3A_11, %dma_wait3A_64] : memref<3x200704x16xf32, #tpu.memory_space<hbm>> -> memref<1x128x16xf32, #tpu.memory_space<hbm>>
        %dma_wait3A_66 = tpu.memref_squeeze %dma_wait3A_65 : memref<1x128x16xf32, #tpu.memory_space<hbm>> -> memref<128x16xf32, #tpu.memory_space<hbm>>
        tpu.wait_dma2 semaphore(%run_scoped3A_54 : memref<!tpu.dma_semaphore, #tpu.memory_space<semaphore_mem>>) src(%arg9 : memref<128x16xf32, #tpu.memory_space<vmem>>) dst(%dma_wait3A_66 : memref<128x16xf32, #tpu.memory_space<hbm>>)
        tpu.yield
      }) : () -> ()
      %add3A_24 = arith.constant 200704 : i32
      %add3A_25 = arith.addi %add3A_24, %add3A_11 : i32
      "tpu.region"() ({
        %run_scoped3A_54 = tpu.sem_alloc : memref<!tpu.dma_semaphore, #tpu.memory_space<semaphore_mem>>
        %dma_start3A_55 = tpu.memref_slice %arg3[%add3A_25] : memref<602112xi32, #tpu.memory_space<hbm>> -> memref<128xi32, #tpu.memory_space<hbm>>
        %dma_start3A_56 = tpu.memref_slice %arg3[%add3A_25] : memref<602112xi32, #tpu.memory_space<hbm>> -> memref<128xi32, #tpu.memory_space<hbm>>
        tpu.enqueue_dma source(%dma_start3A_56 : memref<128xi32, #tpu.memory_space<hbm>>) target(%arg6 : memref<128xi32, #tpu.memory_space<vmem>>) target_semaphore(%run_scoped3A_54 : memref<!tpu.dma_semaphore, #tpu.memory_space<semaphore_mem>>)
        %dma_wait3A_57 = tpu.memref_slice %arg3[%add3A_25] : memref<602112xi32, #tpu.memory_space<hbm>> -> memref<128xi32, #tpu.memory_space<hbm>>
        %dma_wait3A_58 = tpu.memref_slice %arg3[%add3A_25] : memref<602112xi32, #tpu.memory_space<hbm>> -> memref<128xi32, #tpu.memory_space<hbm>>
        tpu.wait_dma2 semaphore(%run_scoped3A_54 : memref<!tpu.dma_semaphore, #tpu.memory_space<semaphore_mem>>) src(%dma_wait3A_58 : memref<128xi32, #tpu.memory_space<hbm>>) dst(%arg6 : memref<128xi32, #tpu.memory_space<vmem>>)
        tpu.yield
      }) : () -> ()
      %dma_start3A_26 = arith.constant 0 : i32
      %dma_start3A_27 = arith.constant 0 : i32
      %dma_start3A_28 = tpu.memref_slice %arg2[%dma_start3A_26, %dma_start3A_27] : memref<100352x384xf32, #tpu.memory_space<hbm>> -> memref<100352x384xf32, #tpu.memory_space<hbm>>
      tpu.enqueue_indirect_dma source(%dma_start3A_28 : memref<100352x384xf32, #tpu.memory_space<hbm>>) target(%arg7 : memref<128x384xf32, #tpu.memory_space<vmem>>) offsets(%arg6 : memref<128xi32, #tpu.memory_space<vmem>>) semaphore(%arg10 : memref<!tpu.dma_semaphore, #tpu.memory_space<semaphore_mem>>)
      %dma_wait3A_29 = arith.constant 0 : i32
      %dma_wait3A_30 = arith.constant 0 : i32
      %dma_wait3A_31 = tpu.memref_slice %arg2[%dma_wait3A_29, %dma_wait3A_30] : memref<100352x384xf32, #tpu.memory_space<hbm>> -> memref<100352x384xf32, #tpu.memory_space<hbm>>
      tpu.wait_indirect_dma semaphore(%arg10 : memref<!tpu.dma_semaphore, #tpu.memory_space<semaphore_mem>>) src(%dma_wait3A_31 : memref<100352x384xf32, #tpu.memory_space<hbm>>) dst(%arg7 : memref<128x384xf32, #tpu.memory_space<vmem>>)
      %scan3A_32 = arith.constant 0 : i32
      %scan3A_33 = arith.constant 0 : i32
      %scan3A_34 = arith.constant 128 : i32
      %scan3A_35 = arith.addi %scan3A_33, %scan3A_34 : i32
      %scan3A_36 = arith.constant 1 : i32
      scf.for %scan3A_54 = %scan3A_33 to %scan3A_35 step %scan3A_36  : i32 {
        %get3A = arith.index_cast %scan3A_54 : i32 to index
        %get3A_55 = arith.constant 0 : index
        %get3A_56 = tpu.vector_load %arg8[%get3A, %get3A_55] {strides = array<i32>} : memref<128x384xf32, #tpu.memory_space<vmem>>, vector<1x16xf32>,
        %get3A_57 = vector.shape_cast %get3A_56 : vector<1x16xf32> to vector<16xf32>
        %get3A_58 = arith.index_cast %scan3A_54 : i32 to index
        %get3A_59 = arith.constant 0 : index
        %get3A_60 = tpu.vector_load %arg7[%get3A_58, %get3A_59] {strides = array<i32>} : memref<128x384xf32, #tpu.memory_space<vmem>>, vector<1x16xf32>,
        %get3A_61 = vector.shape_cast %get3A_60 : vector<1x16xf32> to vector<16xf32>
        %add3A_62 = arith.addf %get3A_57, %get3A_61 : vector<16xf32>
        %swap3A = arith.index_cast %scan3A_54 : i32 to index
        %swap3A_63 = arith.constant 0 : index
        %swap3A_64 = tpu.vector_load %arg8[%swap3A, %swap3A_63] {strides = array<i32>} : memref<128x384xf32, #tpu.memory_space<vmem>>, vector<1x16xf32>,
        %swap3A_65 = vector.shape_cast %swap3A_64 : vector<1x16xf32> to vector<16xf32>
        %swap3A_66 = vector.shape_cast %add3A_62 : vector<16xf32> to vector<1x16xf32>
        tpu.vector_store %arg8[%swap3A, %swap3A_63], %swap3A_66 {strides = array<i32>} : memref<128x384xf32, #tpu.memory_space<vmem>>, vector<1x16xf32>,
        %get3A_67 = arith.index_cast %scan3A_54 : i32 to index
        %get3A_68 = arith.constant 16 : index
        %get3A_69 = tpu.vector_load %arg8[%get3A_67, %get3A_68] {strides = array<i32>} : memref<128x384xf32, #tpu.memory_space<vmem>>, vector<1x16xf32>,
        %get3A_70 = vector.shape_cast %get3A_69 : vector<1x16xf32> to vector<16xf32>
        %get3A_71 = arith.index_cast %scan3A_54 : i32 to index
        %get3A_72 = arith.constant 16 : index
        %get3A_73 = tpu.vector_load %arg7[%get3A_71, %get3A_72] {strides = array<i32>} : memref<128x384xf32, #tpu.memory_space<vmem>>, vector<1x16xf32>,
        %get3A_74 = vector.shape_cast %get3A_73 : vector<1x16xf32> to vector<16xf32>
        %add3A_75 = arith.addf %get3A_70, %get3A_74 : vector<16xf32>
        %swap3A_76 = arith.index_cast %scan3A_54 : i32 to index
        %swap3A_77 = arith.constant 16 : index
        %swap3A_78 = tpu.vector_load %arg8[%swap3A_76, %swap3A_77] {strides = array<i32>} : memref<128x384xf32, #tpu.memory_space<vmem>>, vector<1x16xf32>,
        %swap3A_79 = vector.shape_cast %swap3A_78 : vector<1x16xf32> to vector<16xf32>
        %swap3A_80 = vector.shape_cast %add3A_75 : vector<16xf32> to vector<1x16xf32>
        tpu.vector_store %arg8[%swap3A_76, %swap3A_77], %swap3A_80 {strides = array<i32>} : memref<128x384xf32, #tpu.memory_space<vmem>>, vector<1x16xf32>,
        %get3A_81 = arith.index_cast %scan3A_54 : i32 to index
        %get3A_82 = arith.constant 32 : index
        %get3A_83 = tpu.vector_load %arg8[%get3A_81, %get3A_82] {strides = array<i32>} : memref<128x384xf32, #tpu.memory_space<vmem>>, vector<1x16xf32>,
        %get3A_84 = vector.shape_cast %get3A_83 : vector<1x16xf32> to vector<16xf32>
        %get3A_85 = arith.index_cast %scan3A_54 : i32 to index
        %get3A_86 = arith.constant 32 : index
        %get3A_87 = tpu.vector_load %arg7[%get3A_85, %get3A_86] {strides = array<i32>} : memref<128x384xf32, #tpu.memory_space<vmem>>, vector<1x16xf32>,
        %get3A_88 = vector.shape_cast %get3A_87 : vector<1x16xf32> to vector<16xf32>
        %add3A_89 = arith.addf %get3A_84, %get3A_88 : vector<16xf32>
        %swap3A_90 = arith.index_cast %scan3A_54 : i32 to index
        %swap3A_91 = arith.constant 32 : index
        %swap3A_92 = tpu.vector_load %arg8[%swap3A_90, %swap3A_91] {strides = array<i32>} : memref<128x384xf32, #tpu.memory_space<vmem>>, vector<1x16xf32>,
        %swap3A_93 = vector.shape_cast %swap3A_92 : vector<1x16xf32> to vector<16xf32>
        %swap3A_94 = vector.shape_cast %add3A_89 : vector<16xf32> to vector<1x16xf32>
        tpu.vector_store %arg8[%swap3A_90, %swap3A_91], %swap3A_94 {strides = array<i32>} : memref<128x384xf32, #tpu.memory_space<vmem>>, vector<1x16xf32>,
        %get3A_95 = arith.index_cast %scan3A_54 : i32 to index
        %get3A_96 = arith.constant 48 : index
        %get3A_97 = tpu.vector_load %arg8[%get3A_95, %get3A_96] {strides = array<i32>} : memref<128x384xf32, #tpu.memory_space<vmem>>, vector<1x16xf32>,
        %get3A_98 = vector.shape_cast %get3A_97 : vector<1x16xf32> to vector<16xf32>
        %get3A_99 = arith.index_cast %scan3A_54 : i32 to index
        %get3A_100 = arith.constant 48 : index
        %get3A_101 = tpu.vector_load %arg7[%get3A_99, %get3A_100] {strides = array<i32>} : memref<128x384xf32, #tpu.memory_space<vmem>>, vector<1x16xf32>,
        %get3A_102 = vector.shape_cast %get3A_101 : vector<1x16xf32> to vector<16xf32>
        %add3A_103 = arith.addf %get3A_98, %get3A_102 : vector<16xf32>
        %swap3A_104 = arith.index_cast %scan3A_54 : i32 to index
        %swap3A_105 = arith.constant 48 : index
        %swap3A_106 = tpu.vector_load %arg8[%swap3A_104, %swap3A_105] {strides = array<i32>} : memref<128x384xf32, #tpu.memory_space<vmem>>, vector<1x16xf32>,
        %swap3A_107 = vector.shape_cast %swap3A_106 : vector<1x16xf32> to vector<16xf32>
        %swap3A_108 = vector.shape_cast %add3A_103 : vector<16xf32> to vector<1x16xf32>
        tpu.vector_store %arg8[%swap3A_104, %swap3A_105], %swap3A_108 {strides = array<i32>} : memref<128x384xf32, #tpu.memory_space<vmem>>, vector<1x16xf32>,
        %get3A_109 = arith.index_cast %scan3A_54 : i32 to index
        %get3A_110 = arith.constant 64 : index
        %get3A_111 = tpu.vector_load %arg8[%get3A_109, %get3A_110] {strides = array<i32>} : memref<128x384xf32, #tpu.memory_space<vmem>>, vector<1x16xf32>,
        %get3A_112 = vector.shape_cast %get3A_111 : vector<1x16xf32> to vector<16xf32>
        %get3A_113 = arith.index_cast %scan3A_54 : i32 to index
        %get3A_114 = arith.constant 64 : index
        %get3A_115 = tpu.vector_load %arg7[%get3A_113, %get3A_114] {strides = array<i32>} : memref<128x384xf32, #tpu.memory_space<vmem>>, vector<1x16xf32>,
        %get3A_116 = vector.shape_cast %get3A_115 : vector<1x16xf32> to vector<16xf32>
        %add3A_117 = arith.addf %get3A_112, %get3A_116 : vector<16xf32>
        %swap3A_118 = arith.index_cast %scan3A_54 : i32 to index
        %swap3A_119 = arith.constant 64 : index
        %swap3A_120 = tpu.vector_load %arg8[%swap3A_118, %swap3A_119] {strides = array<i32>} : memref<128x384xf32, #tpu.memory_space<vmem>>, vector<1x16xf32>,
        %swap3A_121 = vector.shape_cast %swap3A_120 : vector<1x16xf32> to vector<16xf32>
        %swap3A_122 = vector.shape_cast %add3A_117 : vector<16xf32> to vector<1x16xf32>
        tpu.vector_store %arg8[%swap3A_118, %swap3A_119], %swap3A_122 {strides = array<i32>} : memref<128x384xf32, #tpu.memory_space<vmem>>, vector<1x16xf32>,
        %get3A_123 = arith.index_cast %scan3A_54 : i32 to index
        %get3A_124 = arith.constant 80 : index
        %get3A_125 = tpu.vector_load %arg8[%get3A_123, %get3A_124] {strides = array<i32>} : memref<128x384xf32, #tpu.memory_space<vmem>>, vector<1x16xf32>,
        %get3A_126 = vector.shape_cast %get3A_125 : vector<1x16xf32> to vector<16xf32>
        %get3A_127 = arith.index_cast %scan3A_54 : i32 to index
        %get3A_128 = arith.constant 80 : index
        %get3A_129 = tpu.vector_load %arg7[%get3A_127, %get3A_128] {strides = array<i32>} : memref<128x384xf32, #tpu.memory_space<vmem>>, vector<1x16xf32>,
        %get3A_130 = vector.shape_cast %get3A_129 : vector<1x16xf32> to vector<16xf32>
        %add3A_131 = arith.addf %get3A_126, %get3A_130 : vector<16xf32>
        %swap3A_132 = arith.index_cast %scan3A_54 : i32 to index
        %swap3A_133 = arith.constant 80 : index
        %swap3A_134 = tpu.vector_load %arg8[%swap3A_132, %swap3A_133] {strides = array<i32>} : memref<128x384xf32, #tpu.memory_space<vmem>>, vector<1x16xf32>,
        %swap3A_135 = vector.shape_cast %swap3A_134 : vector<1x16xf32> to vector<16xf32>
        %swap3A_136 = vector.shape_cast %add3A_131 : vector<16xf32> to vector<1x16xf32>
        tpu.vector_store %arg8[%swap3A_132, %swap3A_133], %swap3A_136 {strides = array<i32>} : memref<128x384xf32, #tpu.memory_space<vmem>>, vector<1x16xf32>,
        %get3A_137 = arith.index_cast %scan3A_54 : i32 to index
        %get3A_138 = arith.constant 96 : index
        %get3A_139 = tpu.vector_load %arg8[%get3A_137, %get3A_138] {strides = array<i32>} : memref<128x384xf32, #tpu.memory_space<vmem>>, vector<1x16xf32>,
        %get3A_140 = vector.shape_cast %get3A_139 : vector<1x16xf32> to vector<16xf32>
        %get3A_141 = arith.index_cast %scan3A_54 : i32 to index
        %get3A_142 = arith.constant 96 : index
        %get3A_143 = tpu.vector_load %arg7[%get3A_141, %get3A_142] {strides = array<i32>} : memref<128x384xf32, #tpu.memory_space<vmem>>, vector<1x16xf32>,
        %get3A_144 = vector.shape_cast %get3A_143 : vector<1x16xf32> to vector<16xf32>
        %add3A_145 = arith.addf %get3A_140, %get3A_144 : vector<16xf32>
        %swap3A_146 = arith.index_cast %scan3A_54 : i32 to index
        %swap3A_147 = arith.constant 96 : index
        %swap3A_148 = tpu.vector_load %arg8[%swap3A_146, %swap3A_147] {strides = array<i32>} : memref<128x384xf32, #tpu.memory_space<vmem>>, vector<1x16xf32>,
        %swap3A_149 = vector.shape_cast %swap3A_148 : vector<1x16xf32> to vector<16xf32>
        %swap3A_150 = vector.shape_cast %add3A_145 : vector<16xf32> to vector<1x16xf32>
        tpu.vector_store %arg8[%swap3A_146, %swap3A_147], %swap3A_150 {strides = array<i32>} : memref<128x384xf32, #tpu.memory_space<vmem>>, vector<1x16xf32>,
        %get3A_151 = arith.index_cast %scan3A_54 : i32 to index
        %get3A_152 = arith.constant 112 : index
        %get3A_153 = tpu.vector_load %arg8[%get3A_151, %get3A_152] {strides = array<i32>} : memref<128x384xf32, #tpu.memory_space<vmem>>, vector<1x16xf32>,
        %get3A_154 = vector.shape_cast %get3A_153 : vector<1x16xf32> to vector<16xf32>
        %get3A_155 = arith.index_cast %scan3A_54 : i32 to index
        %get3A_156 = arith.constant 112 : index
        %get3A_157 = tpu.vector_load %arg7[%get3A_155, %get3A_156] {strides = array<i32>} : memref<128x384xf32, #tpu.memory_space<vmem>>, vector<1x16xf32>,
        %get3A_158 = vector.shape_cast %get3A_157 : vector<1x16xf32> to vector<16xf32>
        %add3A_159 = arith.addf %get3A_154, %get3A_158 : vector<16xf32>
        %swap3A_160 = arith.index_cast %scan3A_54 : i32 to index
        %swap3A_161 = arith.constant 112 : index
        %swap3A_162 = tpu.vector_load %arg8[%swap3A_160, %swap3A_161] {strides = array<i32>} : memref<128x384xf32, #tpu.memory_space<vmem>>, vector<1x16xf32>,
        %swap3A_163 = vector.shape_cast %swap3A_162 : vector<1x16xf32> to vector<16xf32>
        %swap3A_164 = vector.shape_cast %add3A_159 : vector<16xf32> to vector<1x16xf32>
        tpu.vector_store %arg8[%swap3A_160, %swap3A_161], %swap3A_164 {strides = array<i32>} : memref<128x384xf32, #tpu.memory_space<vmem>>, vector<1x16xf32>,
        %get3A_165 = arith.index_cast %scan3A_54 : i32 to index
        %get3A_166 = arith.constant 128 : index
        %get3A_167 = tpu.vector_load %arg8[%get3A_165, %get3A_166] {strides = array<i32>} : memref<128x384xf32, #tpu.memory_space<vmem>>, vector<1x16xf32>,
        %get3A_168 = vector.shape_cast %get3A_167 : vector<1x16xf32> to vector<16xf32>
        %get3A_169 = arith.index_cast %scan3A_54 : i32 to index
        %get3A_170 = arith.constant 128 : index
        %get3A_171 = tpu.vector_load %arg7[%get3A_169, %get3A_170] {strides = array<i32>} : memref<128x384xf32, #tpu.memory_space<vmem>>, vector<1x16xf32>,
        %get3A_172 = vector.shape_cast %get3A_171 : vector<1x16xf32> to vector<16xf32>
        %add3A_173 = arith.addf %get3A_168, %get3A_172 : vector<16xf32>
        %swap3A_174 = arith.index_cast %scan3A_54 : i32 to index
        %swap3A_175 = arith.constant 128 : index
        %swap3A_176 = tpu.vector_load %arg8[%swap3A_174, %swap3A_175] {strides = array<i32>} : memref<128x384xf32, #tpu.memory_space<vmem>>, vector<1x16xf32>,
        %swap3A_177 = vector.shape_cast %swap3A_176 : vector<1x16xf32> to vector<16xf32>
        %swap3A_178 = vector.shape_cast %add3A_173 : vector<16xf32> to vector<1x16xf32>
        tpu.vector_store %arg8[%swap3A_174, %swap3A_175], %swap3A_178 {strides = array<i32>} : memref<128x384xf32, #tpu.memory_space<vmem>>, vector<1x16xf32>,
        %get3A_179 = arith.index_cast %scan3A_54 : i32 to index
        %get3A_180 = arith.constant 144 : index
        %get3A_181 = tpu.vector_load %arg8[%get3A_179, %get3A_180] {strides = array<i32>} : memref<128x384xf32, #tpu.memory_space<vmem>>, vector<1x16xf32>,
        %get3A_182 = vector.shape_cast %get3A_181 : vector<1x16xf32> to vector<16xf32>
        %get3A_183 = arith.index_cast %scan3A_54 : i32 to index
        %get3A_184 = arith.constant 144 : index
        %get3A_185 = tpu.vector_load %arg7[%get3A_183, %get3A_184] {strides = array<i32>} : memref<128x384xf32, #tpu.memory_space<vmem>>, vector<1x16xf32>,
        %get3A_186 = vector.shape_cast %get3A_185 : vector<1x16xf32> to vector<16xf32>
        %add3A_187 = arith.addf %get3A_182, %get3A_186 : vector<16xf32>
        %swap3A_188 = arith.index_cast %scan3A_54 : i32 to index
        %swap3A_189 = arith.constant 144 : index
        %swap3A_190 = tpu.vector_load %arg8[%swap3A_188, %swap3A_189] {strides = array<i32>} : memref<128x384xf32, #tpu.memory_space<vmem>>, vector<1x16xf32>,
        %swap3A_191 = vector.shape_cast %swap3A_190 : vector<1x16xf32> to vector<16xf32>
        %swap3A_192 = vector.shape_cast %add3A_187 : vector<16xf32> to vector<1x16xf32>
        tpu.vector_store %arg8[%swap3A_188, %swap3A_189], %swap3A_192 {strides = array<i32>} : memref<128x384xf32, #tpu.memory_space<vmem>>, vector<1x16xf32>,
        %get3A_193 = arith.index_cast %scan3A_54 : i32 to index
        %get3A_194 = arith.constant 160 : index
        %get3A_195 = tpu.vector_load %arg8[%get3A_193, %get3A_194] {strides = array<i32>} : memref<128x384xf32, #tpu.memory_space<vmem>>, vector<1x16xf32>,
        %get3A_196 = vector.shape_cast %get3A_195 : vector<1x16xf32> to vector<16xf32>
        %get3A_197 = arith.index_cast %scan3A_54 : i32 to index
        %get3A_198 = arith.constant 160 : index
        %get3A_199 = tpu.vector_load %arg7[%get3A_197, %get3A_198] {strides = array<i32>} : memref<128x384xf32, #tpu.memory_space<vmem>>, vector<1x16xf32>,
        %get3A_200 = vector.shape_cast %get3A_199 : vector<1x16xf32> to vector<16xf32>
        %add3A_201 = arith.addf %get3A_196, %get3A_200 : vector<16xf32>
        %swap3A_202 = arith.index_cast %scan3A_54 : i32 to index
        %swap3A_203 = arith.constant 160 : index
        %swap3A_204 = tpu.vector_load %arg8[%swap3A_202, %swap3A_203] {strides = array<i32>} : memref<128x384xf32, #tpu.memory_space<vmem>>, vector<1x16xf32>,
        %swap3A_205 = vector.shape_cast %swap3A_204 : vector<1x16xf32> to vector<16xf32>
        %swap3A_206 = vector.shape_cast %add3A_201 : vector<16xf32> to vector<1x16xf32>
        tpu.vector_store %arg8[%swap3A_202, %swap3A_203], %swap3A_206 {strides = array<i32>} : memref<128x384xf32, #tpu.memory_space<vmem>>, vector<1x16xf32>,
        %get3A_207 = arith.index_cast %scan3A_54 : i32 to index
        %get3A_208 = arith.constant 176 : index
        %get3A_209 = tpu.vector_load %arg8[%get3A_207, %get3A_208] {strides = array<i32>} : memref<128x384xf32, #tpu.memory_space<vmem>>, vector<1x16xf32>,
        %get3A_210 = vector.shape_cast %get3A_209 : vector<1x16xf32> to vector<16xf32>
        %get3A_211 = arith.index_cast %scan3A_54 : i32 to index
        %get3A_212 = arith.constant 176 : index
        %get3A_213 = tpu.vector_load %arg7[%get3A_211, %get3A_212] {strides = array<i32>} : memref<128x384xf32, #tpu.memory_space<vmem>>, vector<1x16xf32>,
        %get3A_214 = vector.shape_cast %get3A_213 : vector<1x16xf32> to vector<16xf32>
        %add3A_215 = arith.addf %get3A_210, %get3A_214 : vector<16xf32>
        %swap3A_216 = arith.index_cast %scan3A_54 : i32 to index
        %swap3A_217 = arith.constant 176 : index
        %swap3A_218 = tpu.vector_load %arg8[%swap3A_216, %swap3A_217] {strides = array<i32>} : memref<128x384xf32, #tpu.memory_space<vmem>>, vector<1x16xf32>,
        %swap3A_219 = vector.shape_cast %swap3A_218 : vector<1x16xf32> to vector<16xf32>
        %swap3A_220 = vector.shape_cast %add3A_215 : vector<16xf32> to vector<1x16xf32>
        tpu.vector_store %arg8[%swap3A_216, %swap3A_217], %swap3A_220 {strides = array<i32>} : memref<128x384xf32, #tpu.memory_space<vmem>>, vector<1x16xf32>,
        %get3A_221 = arith.index_cast %scan3A_54 : i32 to index
        %get3A_222 = arith.constant 192 : index
        %get3A_223 = tpu.vector_load %arg8[%get3A_221, %get3A_222] {strides = array<i32>} : memref<128x384xf32, #tpu.memory_space<vmem>>, vector<1x16xf32>,
        %get3A_224 = vector.shape_cast %get3A_223 : vector<1x16xf32> to vector<16xf32>
        %get3A_225 = arith.index_cast %scan3A_54 : i32 to index
        %get3A_226 = arith.constant 192 : index
        %get3A_227 = tpu.vector_load %arg7[%get3A_225, %get3A_226] {strides = array<i32>} : memref<128x384xf32, #tpu.memory_space<vmem>>, vector<1x16xf32>,
        %get3A_228 = vector.shape_cast %get3A_227 : vector<1x16xf32> to vector<16xf32>
        %add3A_229 = arith.addf %get3A_224, %get3A_228 : vector<16xf32>
        %swap3A_230 = arith.index_cast %scan3A_54 : i32 to index
        %swap3A_231 = arith.constant 192 : index
        %swap3A_232 = tpu.vector_load %arg8[%swap3A_230, %swap3A_231] {strides = array<i32>} : memref<128x384xf32, #tpu.memory_space<vmem>>, vector<1x16xf32>,
        %swap3A_233 = vector.shape_cast %swap3A_232 : vector<1x16xf32> to vector<16xf32>
        %swap3A_234 = vector.shape_cast %add3A_229 : vector<16xf32> to vector<1x16xf32>
        tpu.vector_store %arg8[%swap3A_230, %swap3A_231], %swap3A_234 {strides = array<i32>} : memref<128x384xf32, #tpu.memory_space<vmem>>, vector<1x16xf32>,
        %get3A_235 = arith.index_cast %scan3A_54 : i32 to index
        %get3A_236 = arith.constant 208 : index
        %get3A_237 = tpu.vector_load %arg8[%get3A_235, %get3A_236] {strides = array<i32>} : memref<128x384xf32, #tpu.memory_space<vmem>>, vector<1x16xf32>,
        %get3A_238 = vector.shape_cast %get3A_237 : vector<1x16xf32> to vector<16xf32>
        %get3A_239 = arith.index_cast %scan3A_54 : i32 to index
        %get3A_240 = arith.constant 208 : index
        %get3A_241 = tpu.vector_load %arg7[%get3A_239, %get3A_240] {strides = array<i32>} : memref<128x384xf32, #tpu.memory_space<vmem>>, vector<1x16xf32>,
        %get3A_242 = vector.shape_cast %get3A_241 : vector<1x16xf32> to vector<16xf32>
        %add3A_243 = arith.addf %get3A_238, %get3A_242 : vector<16xf32>
        %swap3A_244 = arith.index_cast %scan3A_54 : i32 to index
        %swap3A_245 = arith.constant 208 : index
        %swap3A_246 = tpu.vector_load %arg8[%swap3A_244, %swap3A_245] {strides = array<i32>} : memref<128x384xf32, #tpu.memory_space<vmem>>, vector<1x16xf32>,
        %swap3A_247 = vector.shape_cast %swap3A_246 : vector<1x16xf32> to vector<16xf32>
        %swap3A_248 = vector.shape_cast %add3A_243 : vector<16xf32> to vector<1x16xf32>
        tpu.vector_store %arg8[%swap3A_244, %swap3A_245], %swap3A_248 {strides = array<i32>} : memref<128x384xf32, #tpu.memory_space<vmem>>, vector<1x16xf32>,
        %get3A_249 = arith.index_cast %scan3A_54 : i32 to index
        %get3A_250 = arith.constant 224 : index
        %get3A_251 = tpu.vector_load %arg8[%get3A_249, %get3A_250] {strides = array<i32>} : memref<128x384xf32, #tpu.memory_space<vmem>>, vector<1x16xf32>,
        %get3A_252 = vector.shape_cast %get3A_251 : vector<1x16xf32> to vector<16xf32>
        %get3A_253 = arith.index_cast %scan3A_54 : i32 to index
        %get3A_254 = arith.constant 224 : index
        %get3A_255 = tpu.vector_load %arg7[%get3A_253, %get3A_254] {strides = array<i32>} : memref<128x384xf32, #tpu.memory_space<vmem>>, vector<1x16xf32>,
        %get3A_256 = vector.shape_cast %get3A_255 : vector<1x16xf32> to vector<16xf32>
        %add3A_257 = arith.addf %get3A_252, %get3A_256 : vector<16xf32>
        %swap3A_258 = arith.index_cast %scan3A_54 : i32 to index
        %swap3A_259 = arith.constant 224 : index
        %swap3A_260 = tpu.vector_load %arg8[%swap3A_258, %swap3A_259] {strides = array<i32>} : memref<128x384xf32, #tpu.memory_space<vmem>>, vector<1x16xf32>,
        %swap3A_261 = vector.shape_cast %swap3A_260 : vector<1x16xf32> to vector<16xf32>
        %swap3A_262 = vector.shape_cast %add3A_257 : vector<16xf32> to vector<1x16xf32>
        tpu.vector_store %arg8[%swap3A_258, %swap3A_259], %swap3A_262 {strides = array<i32>} : memref<128x384xf32, #tpu.memory_space<vmem>>, vector<1x16xf32>,
        %get3A_263 = arith.index_cast %scan3A_54 : i32 to index
        %get3A_264 = arith.constant 240 : index
        %get3A_265 = tpu.vector_load %arg8[%get3A_263, %get3A_264] {strides = array<i32>} : memref<128x384xf32, #tpu.memory_space<vmem>>, vector<1x16xf32>,
        %get3A_266 = vector.shape_cast %get3A_265 : vector<1x16xf32> to vector<16xf32>
        %get3A_267 = arith.index_cast %scan3A_54 : i32 to index
        %get3A_268 = arith.constant 240 : index
        %get3A_269 = tpu.vector_load %arg7[%get3A_267, %get3A_268] {strides = array<i32>} : memref<128x384xf32, #tpu.memory_space<vmem>>, vector<1x16xf32>,
        %get3A_270 = vector.shape_cast %get3A_269 : vector<1x16xf32> to vector<16xf32>
        %add3A_271 = arith.addf %get3A_266, %get3A_270 : vector<16xf32>
        %swap3A_272 = arith.index_cast %scan3A_54 : i32 to index
        %swap3A_273 = arith.constant 240 : index
        %swap3A_274 = tpu.vector_load %arg8[%swap3A_272, %swap3A_273] {strides = array<i32>} : memref<128x384xf32, #tpu.memory_space<vmem>>, vector<1x16xf32>,
        %swap3A_275 = vector.shape_cast %swap3A_274 : vector<1x16xf32> to vector<16xf32>
        %swap3A_276 = vector.shape_cast %add3A_271 : vector<16xf32> to vector<1x16xf32>
        tpu.vector_store %arg8[%swap3A_272, %swap3A_273], %swap3A_276 {strides = array<i32>} : memref<128x384xf32, #tpu.memory_space<vmem>>, vector<1x16xf32>,
        %get3A_277 = arith.index_cast %scan3A_54 : i32 to index
        %get3A_278 = arith.constant 256 : index
        %get3A_279 = tpu.vector_load %arg7[%get3A_277, %get3A_278] {strides = array<i32>} : memref<128x384xf32, #tpu.memory_space<vmem>>, vector<1x16xf32>,
        %get3A_280 = vector.shape_cast %get3A_279 : vector<1x16xf32> to vector<16xf32>
        %swap3A_281 = arith.index_cast %scan3A_54 : i32 to index
        %swap3A_282 = arith.constant 0 : index
        %swap3A_283 = tpu.vector_load %arg9[%swap3A_281, %swap3A_282] {strides = array<i32>} : memref<128x16xf32, #tpu.memory_space<vmem>>, vector<1x16xf32>,
        %swap3A_284 = vector.shape_cast %swap3A_283 : vector<1x16xf32> to vector<16xf32>
        %swap3A_285 = vector.shape_cast %get3A_280 : vector<16xf32> to vector<1x16xf32>
        tpu.vector_store %arg9[%swap3A_281, %swap3A_282], %swap3A_285 {strides = array<i32>} : memref<128x16xf32, #tpu.memory_space<vmem>>, vector<1x16xf32>,
      }
      %scan3A_37 = arith.constant 128 : i32
      %run_scoped3A_38 = arith.constant 1 : i32
      "tpu.region"() ({
        %run_scoped3A_54 = tpu.sem_alloc : memref<!tpu.dma_semaphore, #tpu.memory_space<semaphore_mem>>
        %dma_start3A_55 = arith.constant 0 : i32
        %dma_start3A_56 = tpu.memref_slice %arg5[%run_scoped3A_38, %add3A_11, %dma_start3A_55] : memref<3x200704x16xf32, #tpu.memory_space<hbm>> -> memref<1x128x16xf32, #tpu.memory_space<hbm>>
        %dma_start3A_57 = tpu.memref_squeeze %dma_start3A_56 : memref<1x128x16xf32, #tpu.memory_space<hbm>> -> memref<128x16xf32, #tpu.memory_space<hbm>>
        %dma_start3A_58 = arith.constant 0 : i32
        %dma_start3A_59 = tpu.memref_slice %arg5[%run_scoped3A_38, %add3A_11, %dma_start3A_58] : memref<3x200704x16xf32, #tpu.memory_space<hbm>> -> memref<1x128x16xf32, #tpu.memory_space<hbm>>
        %dma_start3A_60 = tpu.memref_squeeze %dma_start3A_59 : memref<1x128x16xf32, #tpu.memory_space<hbm>> -> memref<128x16xf32, #tpu.memory_space<hbm>>
        tpu.enqueue_dma source(%arg9 : memref<128x16xf32, #tpu.memory_space<vmem>>) target(%dma_start3A_60 : memref<128x16xf32, #tpu.memory_space<hbm>>) target_semaphore(%run_scoped3A_54 : memref<!tpu.dma_semaphore, #tpu.memory_space<semaphore_mem>>)
        %dma_wait3A_61 = arith.constant 0 : i32
        %dma_wait3A_62 = tpu.memref_slice %arg5[%run_scoped3A_38, %add3A_11, %dma_wait3A_61] : memref<3x200704x16xf32, #tpu.memory_space<hbm>> -> memref<1x128x16xf32, #tpu.memory_space<hbm>>
        %dma_wait3A_63 = tpu.memref_squeeze %dma_wait3A_62 : memref<1x128x16xf32, #tpu.memory_space<hbm>> -> memref<128x16xf32, #tpu.memory_space<hbm>>
        %dma_wait3A_64 = arith.constant 0 : i32
        %dma_wait3A_65 = tpu.memref_slice %arg5[%run_scoped3A_38, %add3A_11, %dma_wait3A_64] : memref<3x200704x16xf32, #tpu.memory_space<hbm>> -> memref<1x128x16xf32, #tpu.memory_space<hbm>>
        %dma_wait3A_66 = tpu.memref_squeeze %dma_wait3A_65 : memref<1x128x16xf32, #tpu.memory_space<hbm>> -> memref<128x16xf32, #tpu.memory_space<hbm>>
        tpu.wait_dma2 semaphore(%run_scoped3A_54 : memref<!tpu.dma_semaphore, #tpu.memory_space<semaphore_mem>>) src(%arg9 : memref<128x16xf32, #tpu.memory_space<vmem>>) dst(%dma_wait3A_66 : memref<128x16xf32, #tpu.memory_space<hbm>>)
        tpu.yield
      }) : () -> ()
      %add3A_39 = arith.constant 401408 : i32
      %add3A_40 = arith.addi %add3A_39, %add3A_11 : i32
      "tpu.region"() ({
        %run_scoped3A_54 = tpu.sem_alloc : memref<!tpu.dma_semaphore, #tpu.memory_space<semaphore_mem>>
        %dma_start3A_55 = tpu.memref_slice %arg3[%add3A_40] : memref<602112xi32, #tpu.memory_space<hbm>> -> memref<128xi32, #tpu.memory_space<hbm>>
        %dma_start3A_56 = tpu.memref_slice %arg3[%add3A_40] : memref<602112xi32, #tpu.memory_space<hbm>> -> memref<128xi32, #tpu.memory_space<hbm>>
        tpu.enqueue_dma source(%dma_start3A_56 : memref<128xi32, #tpu.memory_space<hbm>>) target(%arg6 : memref<128xi32, #tpu.memory_space<vmem>>) target_semaphore(%run_scoped3A_54 : memref<!tpu.dma_semaphore, #tpu.memory_space<semaphore_mem>>)
        %dma_wait3A_57 = tpu.memref_slice %arg3[%add3A_40] : memref<602112xi32, #tpu.memory_space<hbm>> -> memref<128xi32, #tpu.memory_space<hbm>>
        %dma_wait3A_58 = tpu.memref_slice %arg3[%add3A_40] : memref<602112xi32, #tpu.memory_space<hbm>> -> memref<128xi32, #tpu.memory_space<hbm>>
        tpu.wait_dma2 semaphore(%run_scoped3A_54 : memref<!tpu.dma_semaphore, #tpu.memory_space<semaphore_mem>>) src(%dma_wait3A_58 : memref<128xi32, #tpu.memory_space<hbm>>) dst(%arg6 : memref<128xi32, #tpu.memory_space<vmem>>)
        tpu.yield
      }) : () -> ()
      %dma_start3A_41 = arith.constant 0 : i32
      %dma_start3A_42 = arith.constant 0 : i32
      %dma_start3A_43 = tpu.memref_slice %arg2[%dma_start3A_41, %dma_start3A_42] : memref<100352x384xf32, #tpu.memory_space<hbm>> -> memref<100352x384xf32, #tpu.memory_space<hbm>>
      tpu.enqueue_indirect_dma source(%dma_start3A_43 : memref<100352x384xf32, #tpu.memory_space<hbm>>) target(%arg7 : memref<128x384xf32, #tpu.memory_space<vmem>>) offsets(%arg6 : memref<128xi32, #tpu.memory_space<vmem>>) semaphore(%arg10 : memref<!tpu.dma_semaphore, #tpu.memory_space<semaphore_mem>>)
      %dma_wait3A_44 = arith.constant 0 : i32
      %dma_wait3A_45 = arith.constant 0 : i32
      %dma_wait3A_46 = tpu.memref_slice %arg2[%dma_wait3A_44, %dma_wait3A_45] : memref<100352x384xf32, #tpu.memory_space<hbm>> -> memref<100352x384xf32, #tpu.memory_space<hbm>>
      tpu.wait_indirect_dma semaphore(%arg10 : memref<!tpu.dma_semaphore, #tpu.memory_space<semaphore_mem>>) src(%dma_wait3A_46 : memref<100352x384xf32, #tpu.memory_space<hbm>>) dst(%arg7 : memref<128x384xf32, #tpu.memory_space<vmem>>)
      %scan3A_47 = arith.constant 0 : i32
      %scan3A_48 = arith.constant 0 : i32
      %scan3A_49 = arith.constant 128 : i32
      %scan3A_50 = arith.addi %scan3A_48, %scan3A_49 : i32
      %scan3A_51 = arith.constant 1 : i32
      scf.for %scan3A_54 = %scan3A_48 to %scan3A_50 step %scan3A_51  : i32 {
        %get3A = arith.index_cast %scan3A_54 : i32 to index
        %get3A_55 = arith.constant 0 : index
        %get3A_56 = tpu.vector_load %arg8[%get3A, %get3A_55] {strides = array<i32>} : memref<128x384xf32, #tpu.memory_space<vmem>>, vector<1x16xf32>,
        %get3A_57 = vector.shape_cast %get3A_56 : vector<1x16xf32> to vector<16xf32>
        %get3A_58 = arith.index_cast %scan3A_54 : i32 to index
        %get3A_59 = arith.constant 0 : index
        %get3A_60 = tpu.vector_load %arg7[%get3A_58, %get3A_59] {strides = array<i32>} : memref<128x384xf32, #tpu.memory_space<vmem>>, vector<1x16xf32>,
        %get3A_61 = vector.shape_cast %get3A_60 : vector<1x16xf32> to vector<16xf32>
        %add3A_62 = arith.addf %get3A_57, %get3A_61 : vector<16xf32>
        %swap3A = arith.index_cast %scan3A_54 : i32 to index
        %swap3A_63 = arith.constant 0 : index
        %swap3A_64 = tpu.vector_load %arg8[%swap3A, %swap3A_63] {strides = array<i32>} : memref<128x384xf32, #tpu.memory_space<vmem>>, vector<1x16xf32>,
        %swap3A_65 = vector.shape_cast %swap3A_64 : vector<1x16xf32> to vector<16xf32>
        %swap3A_66 = vector.shape_cast %add3A_62 : vector<16xf32> to vector<1x16xf32>
        tpu.vector_store %arg8[%swap3A, %swap3A_63], %swap3A_66 {strides = array<i32>} : memref<128x384xf32, #tpu.memory_space<vmem>>, vector<1x16xf32>,
        %get3A_67 = arith.index_cast %scan3A_54 : i32 to index
        %get3A_68 = arith.constant 16 : index
        %get3A_69 = tpu.vector_load %arg8[%get3A_67, %get3A_68] {strides = array<i32>} : memref<128x384xf32, #tpu.memory_space<vmem>>, vector<1x16xf32>,
        %get3A_70 = vector.shape_cast %get3A_69 : vector<1x16xf32> to vector<16xf32>
        %get3A_71 = arith.index_cast %scan3A_54 : i32 to index
        %get3A_72 = arith.constant 16 : index
        %get3A_73 = tpu.vector_load %arg7[%get3A_71, %get3A_72] {strides = array<i32>} : memref<128x384xf32, #tpu.memory_space<vmem>>, vector<1x16xf32>,
        %get3A_74 = vector.shape_cast %get3A_73 : vector<1x16xf32> to vector<16xf32>
        %add3A_75 = arith.addf %get3A_70, %get3A_74 : vector<16xf32>
        %swap3A_76 = arith.index_cast %scan3A_54 : i32 to index
        %swap3A_77 = arith.constant 16 : index
        %swap3A_78 = tpu.vector_load %arg8[%swap3A_76, %swap3A_77] {strides = array<i32>} : memref<128x384xf32, #tpu.memory_space<vmem>>, vector<1x16xf32>,
        %swap3A_79 = vector.shape_cast %swap3A_78 : vector<1x16xf32> to vector<16xf32>
        %swap3A_80 = vector.shape_cast %add3A_75 : vector<16xf32> to vector<1x16xf32>
        tpu.vector_store %arg8[%swap3A_76, %swap3A_77], %swap3A_80 {strides = array<i32>} : memref<128x384xf32, #tpu.memory_space<vmem>>, vector<1x16xf32>,
        %get3A_81 = arith.index_cast %scan3A_54 : i32 to index
        %get3A_82 = arith.constant 32 : index
        %get3A_83 = tpu.vector_load %arg8[%get3A_81, %get3A_82] {strides = array<i32>} : memref<128x384xf32, #tpu.memory_space<vmem>>, vector<1x16xf32>,
        %get3A_84 = vector.shape_cast %get3A_83 : vector<1x16xf32> to vector<16xf32>
        %get3A_85 = arith.index_cast %scan3A_54 : i32 to index
        %get3A_86 = arith.constant 32 : index
        %get3A_87 = tpu.vector_load %arg7[%get3A_85, %get3A_86] {strides = array<i32>} : memref<128x384xf32, #tpu.memory_space<vmem>>, vector<1x16xf32>,
        %get3A_88 = vector.shape_cast %get3A_87 : vector<1x16xf32> to vector<16xf32>
        %add3A_89 = arith.addf %get3A_84, %get3A_88 : vector<16xf32>
        %swap3A_90 = arith.index_cast %scan3A_54 : i32 to index
        %swap3A_91 = arith.constant 32 : index
        %swap3A_92 = tpu.vector_load %arg8[%swap3A_90, %swap3A_91] {strides = array<i32>} : memref<128x384xf32, #tpu.memory_space<vmem>>, vector<1x16xf32>,
        %swap3A_93 = vector.shape_cast %swap3A_92 : vector<1x16xf32> to vector<16xf32>
        %swap3A_94 = vector.shape_cast %add3A_89 : vector<16xf32> to vector<1x16xf32>
        tpu.vector_store %arg8[%swap3A_90, %swap3A_91], %swap3A_94 {strides = array<i32>} : memref<128x384xf32, #tpu.memory_space<vmem>>, vector<1x16xf32>,
        %get3A_95 = arith.index_cast %scan3A_54 : i32 to index
        %get3A_96 = arith.constant 48 : index
        %get3A_97 = tpu.vector_load %arg8[%get3A_95, %get3A_96] {strides = array<i32>} : memref<128x384xf32, #tpu.memory_space<vmem>>, vector<1x16xf32>,
        %get3A_98 = vector.shape_cast %get3A_97 : vector<1x16xf32> to vector<16xf32>
        %get3A_99 = arith.index_cast %scan3A_54 : i32 to index
        %get3A_100 = arith.constant 48 : index
        %get3A_101 = tpu.vector_load %arg7[%get3A_99, %get3A_100] {strides = array<i32>} : memref<128x384xf32, #tpu.memory_space<vmem>>, vector<1x16xf32>,
        %get3A_102 = vector.shape_cast %get3A_101 : vector<1x16xf32> to vector<16xf32>
        %add3A_103 = arith.addf %get3A_98, %get3A_102 : vector<16xf32>
        %swap3A_104 = arith.index_cast %scan3A_54 : i32 to index
        %swap3A_105 = arith.constant 48 : index
        %swap3A_106 = tpu.vector_load %arg8[%swap3A_104, %swap3A_105] {strides = array<i32>} : memref<128x384xf32, #tpu.memory_space<vmem>>, vector<1x16xf32>,
        %swap3A_107 = vector.shape_cast %swap3A_106 : vector<1x16xf32> to vector<16xf32>
        %swap3A_108 = vector.shape_cast %add3A_103 : vector<16xf32> to vector<1x16xf32>
        tpu.vector_store %arg8[%swap3A_104, %swap3A_105], %swap3A_108 {strides = array<i32>} : memref<128x384xf32, #tpu.memory_space<vmem>>, vector<1x16xf32>,
        %get3A_109 = arith.index_cast %scan3A_54 : i32 to index
        %get3A_110 = arith.constant 64 : index
        %get3A_111 = tpu.vector_load %arg8[%get3A_109, %get3A_110] {strides = array<i32>} : memref<128x384xf32, #tpu.memory_space<vmem>>, vector<1x16xf32>,
        %get3A_112 = vector.shape_cast %get3A_111 : vector<1x16xf32> to vector<16xf32>
        %get3A_113 = arith.index_cast %scan3A_54 : i32 to index
        %get3A_114 = arith.constant 64 : index
        %get3A_115 = tpu.vector_load %arg7[%get3A_113, %get3A_114] {strides = array<i32>} : memref<128x384xf32, #tpu.memory_space<vmem>>, vector<1x16xf32>,
        %get3A_116 = vector.shape_cast %get3A_115 : vector<1x16xf32> to vector<16xf32>
        %add3A_117 = arith.addf %get3A_112, %get3A_116 : vector<16xf32>
        %swap3A_118 = arith.index_cast %scan3A_54 : i32 to index
        %swap3A_119 = arith.constant 64 : index
        %swap3A_120 = tpu.vector_load %arg8[%swap3A_118, %swap3A_119] {strides = array<i32>} : memref<128x384xf32, #tpu.memory_space<vmem>>, vector<1x16xf32>,
        %swap3A_121 = vector.shape_cast %swap3A_120 : vector<1x16xf32> to vector<16xf32>
        %swap3A_122 = vector.shape_cast %add3A_117 : vector<16xf32> to vector<1x16xf32>
        tpu.vector_store %arg8[%swap3A_118, %swap3A_119], %swap3A_122 {strides = array<i32>} : memref<128x384xf32, #tpu.memory_space<vmem>>, vector<1x16xf32>,
        %get3A_123 = arith.index_cast %scan3A_54 : i32 to index
        %get3A_124 = arith.constant 80 : index
        %get3A_125 = tpu.vector_load %arg8[%get3A_123, %get3A_124] {strides = array<i32>} : memref<128x384xf32, #tpu.memory_space<vmem>>, vector<1x16xf32>,
        %get3A_126 = vector.shape_cast %get3A_125 : vector<1x16xf32> to vector<16xf32>
        %get3A_127 = arith.index_cast %scan3A_54 : i32 to index
        %get3A_128 = arith.constant 80 : index
        %get3A_129 = tpu.vector_load %arg7[%get3A_127, %get3A_128] {strides = array<i32>} : memref<128x384xf32, #tpu.memory_space<vmem>>, vector<1x16xf32>,
        %get3A_130 = vector.shape_cast %get3A_129 : vector<1x16xf32> to vector<16xf32>
        %add3A_131 = arith.addf %get3A_126, %get3A_130 : vector<16xf32>
        %swap3A_132 = arith.index_cast %scan3A_54 : i32 to index
        %swap3A_133 = arith.constant 80 : index
        %swap3A_134 = tpu.vector_load %arg8[%swap3A_132, %swap3A_133] {strides = array<i32>} : memref<128x384xf32, #tpu.memory_space<vmem>>, vector<1x16xf32>,
        %swap3A_135 = vector.shape_cast %swap3A_134 : vector<1x16xf32> to vector<16xf32>
        %swap3A_136 = vector.shape_cast %add3A_131 : vector<16xf32> to vector<1x16xf32>
        tpu.vector_store %arg8[%swap3A_132, %swap3A_133], %swap3A_136 {strides = array<i32>} : memref<128x384xf32, #tpu.memory_space<vmem>>, vector<1x16xf32>,
        %get3A_137 = arith.index_cast %scan3A_54 : i32 to index
        %get3A_138 = arith.constant 96 : index
        %get3A_139 = tpu.vector_load %arg8[%get3A_137, %get3A_138] {strides = array<i32>} : memref<128x384xf32, #tpu.memory_space<vmem>>, vector<1x16xf32>,
        %get3A_140 = vector.shape_cast %get3A_139 : vector<1x16xf32> to vector<16xf32>
        %get3A_141 = arith.index_cast %scan3A_54 : i32 to index
        %get3A_142 = arith.constant 96 : index
        %get3A_143 = tpu.vector_load %arg7[%get3A_141, %get3A_142] {strides = array<i32>} : memref<128x384xf32, #tpu.memory_space<vmem>>, vector<1x16xf32>,
        %get3A_144 = vector.shape_cast %get3A_143 : vector<1x16xf32> to vector<16xf32>
        %add3A_145 = arith.addf %get3A_140, %get3A_144 : vector<16xf32>
        %swap3A_146 = arith.index_cast %scan3A_54 : i32 to index
        %swap3A_147 = arith.constant 96 : index
        %swap3A_148 = tpu.vector_load %arg8[%swap3A_146, %swap3A_147] {strides = array<i32>} : memref<128x384xf32, #tpu.memory_space<vmem>>, vector<1x16xf32>,
        %swap3A_149 = vector.shape_cast %swap3A_148 : vector<1x16xf32> to vector<16xf32>
        %swap3A_150 = vector.shape_cast %add3A_145 : vector<16xf32> to vector<1x16xf32>
        tpu.vector_store %arg8[%swap3A_146, %swap3A_147], %swap3A_150 {strides = array<i32>} : memref<128x384xf32, #tpu.memory_space<vmem>>, vector<1x16xf32>,
        %get3A_151 = arith.index_cast %scan3A_54 : i32 to index
        %get3A_152 = arith.constant 112 : index
        %get3A_153 = tpu.vector_load %arg8[%get3A_151, %get3A_152] {strides = array<i32>} : memref<128x384xf32, #tpu.memory_space<vmem>>, vector<1x16xf32>,
        %get3A_154 = vector.shape_cast %get3A_153 : vector<1x16xf32> to vector<16xf32>
        %get3A_155 = arith.index_cast %scan3A_54 : i32 to index
        %get3A_156 = arith.constant 112 : index
        %get3A_157 = tpu.vector_load %arg7[%get3A_155, %get3A_156] {strides = array<i32>} : memref<128x384xf32, #tpu.memory_space<vmem>>, vector<1x16xf32>,
        %get3A_158 = vector.shape_cast %get3A_157 : vector<1x16xf32> to vector<16xf32>
        %add3A_159 = arith.addf %get3A_154, %get3A_158 : vector<16xf32>
        %swap3A_160 = arith.index_cast %scan3A_54 : i32 to index
        %swap3A_161 = arith.constant 112 : index
        %swap3A_162 = tpu.vector_load %arg8[%swap3A_160, %swap3A_161] {strides = array<i32>} : memref<128x384xf32, #tpu.memory_space<vmem>>, vector<1x16xf32>,
        %swap3A_163 = vector.shape_cast %swap3A_162 : vector<1x16xf32> to vector<16xf32>
        %swap3A_164 = vector.shape_cast %add3A_159 : vector<16xf32> to vector<1x16xf32>
        tpu.vector_store %arg8[%swap3A_160, %swap3A_161], %swap3A_164 {strides = array<i32>} : memref<128x384xf32, #tpu.memory_space<vmem>>, vector<1x16xf32>,
        %get3A_165 = arith.index_cast %scan3A_54 : i32 to index
        %get3A_166 = arith.constant 128 : index
        %get3A_167 = tpu.vector_load %arg8[%get3A_165, %get3A_166] {strides = array<i32>} : memref<128x384xf32, #tpu.memory_space<vmem>>, vector<1x16xf32>,
        %get3A_168 = vector.shape_cast %get3A_167 : vector<1x16xf32> to vector<16xf32>
        %get3A_169 = arith.index_cast %scan3A_54 : i32 to index
        %get3A_170 = arith.constant 128 : index
        %get3A_171 = tpu.vector_load %arg7[%get3A_169, %get3A_170] {strides = array<i32>} : memref<128x384xf32, #tpu.memory_space<vmem>>, vector<1x16xf32>,
        %get3A_172 = vector.shape_cast %get3A_171 : vector<1x16xf32> to vector<16xf32>
        %add3A_173 = arith.addf %get3A_168, %get3A_172 : vector<16xf32>
        %swap3A_174 = arith.index_cast %scan3A_54 : i32 to index
        %swap3A_175 = arith.constant 128 : index
        %swap3A_176 = tpu.vector_load %arg8[%swap3A_174, %swap3A_175] {strides = array<i32>} : memref<128x384xf32, #tpu.memory_space<vmem>>, vector<1x16xf32>,
        %swap3A_177 = vector.shape_cast %swap3A_176 : vector<1x16xf32> to vector<16xf32>
        %swap3A_178 = vector.shape_cast %add3A_173 : vector<16xf32> to vector<1x16xf32>
        tpu.vector_store %arg8[%swap3A_174, %swap3A_175], %swap3A_178 {strides = array<i32>} : memref<128x384xf32, #tpu.memory_space<vmem>>, vector<1x16xf32>,
        %get3A_179 = arith.index_cast %scan3A_54 : i32 to index
        %get3A_180 = arith.constant 144 : index
        %get3A_181 = tpu.vector_load %arg8[%get3A_179, %get3A_180] {strides = array<i32>} : memref<128x384xf32, #tpu.memory_space<vmem>>, vector<1x16xf32>,
        %get3A_182 = vector.shape_cast %get3A_181 : vector<1x16xf32> to vector<16xf32>
        %get3A_183 = arith.index_cast %scan3A_54 : i32 to index
        %get3A_184 = arith.constant 144 : index
        %get3A_185 = tpu.vector_load %arg7[%get3A_183, %get3A_184] {strides = array<i32>} : memref<128x384xf32, #tpu.memory_space<vmem>>, vector<1x16xf32>,
        %get3A_186 = vector.shape_cast %get3A_185 : vector<1x16xf32> to vector<16xf32>
        %add3A_187 = arith.addf %get3A_182, %get3A_186 : vector<16xf32>
        %swap3A_188 = arith.index_cast %scan3A_54 : i32 to index
        %swap3A_189 = arith.constant 144 : index
        %swap3A_190 = tpu.vector_load %arg8[%swap3A_188, %swap3A_189] {strides = array<i32>} : memref<128x384xf32, #tpu.memory_space<vmem>>, vector<1x16xf32>,
        %swap3A_191 = vector.shape_cast %swap3A_190 : vector<1x16xf32> to vector<16xf32>
        %swap3A_192 = vector.shape_cast %add3A_187 : vector<16xf32> to vector<1x16xf32>
        tpu.vector_store %arg8[%swap3A_188, %swap3A_189], %swap3A_192 {strides = array<i32>} : memref<128x384xf32, #tpu.memory_space<vmem>>, vector<1x16xf32>,
        %get3A_193 = arith.index_cast %scan3A_54 : i32 to index
        %get3A_194 = arith.constant 160 : index
        %get3A_195 = tpu.vector_load %arg8[%get3A_193, %get3A_194] {strides = array<i32>} : memref<128x384xf32, #tpu.memory_space<vmem>>, vector<1x16xf32>,
        %get3A_196 = vector.shape_cast %get3A_195 : vector<1x16xf32> to vector<16xf32>
        %get3A_197 = arith.index_cast %scan3A_54 : i32 to index
        %get3A_198 = arith.constant 160 : index
        %get3A_199 = tpu.vector_load %arg7[%get3A_197, %get3A_198] {strides = array<i32>} : memref<128x384xf32, #tpu.memory_space<vmem>>, vector<1x16xf32>,
        %get3A_200 = vector.shape_cast %get3A_199 : vector<1x16xf32> to vector<16xf32>
        %add3A_201 = arith.addf %get3A_196, %get3A_200 : vector<16xf32>
        %swap3A_202 = arith.index_cast %scan3A_54 : i32 to index
        %swap3A_203 = arith.constant 160 : index
        %swap3A_204 = tpu.vector_load %arg8[%swap3A_202, %swap3A_203] {strides = array<i32>} : memref<128x384xf32, #tpu.memory_space<vmem>>, vector<1x16xf32>,
        %swap3A_205 = vector.shape_cast %swap3A_204 : vector<1x16xf32> to vector<16xf32>
        %swap3A_206 = vector.shape_cast %add3A_201 : vector<16xf32> to vector<1x16xf32>
        tpu.vector_store %arg8[%swap3A_202, %swap3A_203], %swap3A_206 {strides = array<i32>} : memref<128x384xf32, #tpu.memory_space<vmem>>, vector<1x16xf32>,
        %get3A_207 = arith.index_cast %scan3A_54 : i32 to index
        %get3A_208 = arith.constant 176 : index
        %get3A_209 = tpu.vector_load %arg8[%get3A_207, %get3A_208] {strides = array<i32>} : memref<128x384xf32, #tpu.memory_space<vmem>>, vector<1x16xf32>,
        %get3A_210 = vector.shape_cast %get3A_209 : vector<1x16xf32> to vector<16xf32>
        %get3A_211 = arith.index_cast %scan3A_54 : i32 to index
        %get3A_212 = arith.constant 176 : index
        %get3A_213 = tpu.vector_load %arg7[%get3A_211, %get3A_212] {strides = array<i32>} : memref<128x384xf32, #tpu.memory_space<vmem>>, vector<1x16xf32>,
        %get3A_214 = vector.shape_cast %get3A_213 : vector<1x16xf32> to vector<16xf32>
        %add3A_215 = arith.addf %get3A_210, %get3A_214 : vector<16xf32>
        %swap3A_216 = arith.index_cast %scan3A_54 : i32 to index
        %swap3A_217 = arith.constant 176 : index
        %swap3A_218 = tpu.vector_load %arg8[%swap3A_216, %swap3A_217] {strides = array<i32>} : memref<128x384xf32, #tpu.memory_space<vmem>>, vector<1x16xf32>,
        %swap3A_219 = vector.shape_cast %swap3A_218 : vector<1x16xf32> to vector<16xf32>
        %swap3A_220 = vector.shape_cast %add3A_215 : vector<16xf32> to vector<1x16xf32>
        tpu.vector_store %arg8[%swap3A_216, %swap3A_217], %swap3A_220 {strides = array<i32>} : memref<128x384xf32, #tpu.memory_space<vmem>>, vector<1x16xf32>,
        %get3A_221 = arith.index_cast %scan3A_54 : i32 to index
        %get3A_222 = arith.constant 192 : index
        %get3A_223 = tpu.vector_load %arg8[%get3A_221, %get3A_222] {strides = array<i32>} : memref<128x384xf32, #tpu.memory_space<vmem>>, vector<1x16xf32>,
        %get3A_224 = vector.shape_cast %get3A_223 : vector<1x16xf32> to vector<16xf32>
        %get3A_225 = arith.index_cast %scan3A_54 : i32 to index
        %get3A_226 = arith.constant 192 : index
        %get3A_227 = tpu.vector_load %arg7[%get3A_225, %get3A_226] {strides = array<i32>} : memref<128x384xf32, #tpu.memory_space<vmem>>, vector<1x16xf32>,
        %get3A_228 = vector.shape_cast %get3A_227 : vector<1x16xf32> to vector<16xf32>
        %add3A_229 = arith.addf %get3A_224, %get3A_228 : vector<16xf32>
        %swap3A_230 = arith.index_cast %scan3A_54 : i32 to index
        %swap3A_231 = arith.constant 192 : index
        %swap3A_232 = tpu.vector_load %arg8[%swap3A_230, %swap3A_231] {strides = array<i32>} : memref<128x384xf32, #tpu.memory_space<vmem>>, vector<1x16xf32>,
        %swap3A_233 = vector.shape_cast %swap3A_232 : vector<1x16xf32> to vector<16xf32>
        %swap3A_234 = vector.shape_cast %add3A_229 : vector<16xf32> to vector<1x16xf32>
        tpu.vector_store %arg8[%swap3A_230, %swap3A_231], %swap3A_234 {strides = array<i32>} : memref<128x384xf32, #tpu.memory_space<vmem>>, vector<1x16xf32>,
        %get3A_235 = arith.index_cast %scan3A_54 : i32 to index
        %get3A_236 = arith.constant 208 : index
        %get3A_237 = tpu.vector_load %arg8[%get3A_235, %get3A_236] {strides = array<i32>} : memref<128x384xf32, #tpu.memory_space<vmem>>, vector<1x16xf32>,
        %get3A_238 = vector.shape_cast %get3A_237 : vector<1x16xf32> to vector<16xf32>
        %get3A_239 = arith.index_cast %scan3A_54 : i32 to index
        %get3A_240 = arith.constant 208 : index
        %get3A_241 = tpu.vector_load %arg7[%get3A_239, %get3A_240] {strides = array<i32>} : memref<128x384xf32, #tpu.memory_space<vmem>>, vector<1x16xf32>,
        %get3A_242 = vector.shape_cast %get3A_241 : vector<1x16xf32> to vector<16xf32>
        %add3A_243 = arith.addf %get3A_238, %get3A_242 : vector<16xf32>
        %swap3A_244 = arith.index_cast %scan3A_54 : i32 to index
        %swap3A_245 = arith.constant 208 : index
        %swap3A_246 = tpu.vector_load %arg8[%swap3A_244, %swap3A_245] {strides = array<i32>} : memref<128x384xf32, #tpu.memory_space<vmem>>, vector<1x16xf32>,
        %swap3A_247 = vector.shape_cast %swap3A_246 : vector<1x16xf32> to vector<16xf32>
        %swap3A_248 = vector.shape_cast %add3A_243 : vector<16xf32> to vector<1x16xf32>
        tpu.vector_store %arg8[%swap3A_244, %swap3A_245], %swap3A_248 {strides = array<i32>} : memref<128x384xf32, #tpu.memory_space<vmem>>, vector<1x16xf32>,
        %get3A_249 = arith.index_cast %scan3A_54 : i32 to index
        %get3A_250 = arith.constant 224 : index
        %get3A_251 = tpu.vector_load %arg8[%get3A_249, %get3A_250] {strides = array<i32>} : memref<128x384xf32, #tpu.memory_space<vmem>>, vector<1x16xf32>,
        %get3A_252 = vector.shape_cast %get3A_251 : vector<1x16xf32> to vector<16xf32>
        %get3A_253 = arith.index_cast %scan3A_54 : i32 to index
        %get3A_254 = arith.constant 224 : index
        %get3A_255 = tpu.vector_load %arg7[%get3A_253, %get3A_254] {strides = array<i32>} : memref<128x384xf32, #tpu.memory_space<vmem>>, vector<1x16xf32>,
        %get3A_256 = vector.shape_cast %get3A_255 : vector<1x16xf32> to vector<16xf32>
        %add3A_257 = arith.addf %get3A_252, %get3A_256 : vector<16xf32>
        %swap3A_258 = arith.index_cast %scan3A_54 : i32 to index
        %swap3A_259 = arith.constant 224 : index
        %swap3A_260 = tpu.vector_load %arg8[%swap3A_258, %swap3A_259] {strides = array<i32>} : memref<128x384xf32, #tpu.memory_space<vmem>>, vector<1x16xf32>,
        %swap3A_261 = vector.shape_cast %swap3A_260 : vector<1x16xf32> to vector<16xf32>
        %swap3A_262 = vector.shape_cast %add3A_257 : vector<16xf32> to vector<1x16xf32>
        tpu.vector_store %arg8[%swap3A_258, %swap3A_259], %swap3A_262 {strides = array<i32>} : memref<128x384xf32, #tpu.memory_space<vmem>>, vector<1x16xf32>,
        %get3A_263 = arith.index_cast %scan3A_54 : i32 to index
        %get3A_264 = arith.constant 240 : index
        %get3A_265 = tpu.vector_load %arg8[%get3A_263, %get3A_264] {strides = array<i32>} : memref<128x384xf32, #tpu.memory_space<vmem>>, vector<1x16xf32>,
        %get3A_266 = vector.shape_cast %get3A_265 : vector<1x16xf32> to vector<16xf32>
        %get3A_267 = arith.index_cast %scan3A_54 : i32 to index
        %get3A_268 = arith.constant 240 : index
        %get3A_269 = tpu.vector_load %arg7[%get3A_267, %get3A_268] {strides = array<i32>} : memref<128x384xf32, #tpu.memory_space<vmem>>, vector<1x16xf32>,
        %get3A_270 = vector.shape_cast %get3A_269 : vector<1x16xf32> to vector<16xf32>
        %add3A_271 = arith.addf %get3A_266, %get3A_270 : vector<16xf32>
        %swap3A_272 = arith.index_cast %scan3A_54 : i32 to index
        %swap3A_273 = arith.constant 240 : index
        %swap3A_274 = tpu.vector_load %arg8[%swap3A_272, %swap3A_273] {strides = array<i32>} : memref<128x384xf32, #tpu.memory_space<vmem>>, vector<1x16xf32>,
        %swap3A_275 = vector.shape_cast %swap3A_274 : vector<1x16xf32> to vector<16xf32>
        %swap3A_276 = vector.shape_cast %add3A_271 : vector<16xf32> to vector<1x16xf32>
        tpu.vector_store %arg8[%swap3A_272, %swap3A_273], %swap3A_276 {strides = array<i32>} : memref<128x384xf32, #tpu.memory_space<vmem>>, vector<1x16xf32>,
        %get3A_277 = arith.index_cast %scan3A_54 : i32 to index
        %get3A_278 = arith.constant 256 : index
        %get3A_279 = tpu.vector_load %arg7[%get3A_277, %get3A_278] {strides = array<i32>} : memref<128x384xf32, #tpu.memory_space<vmem>>, vector<1x16xf32>,
        %get3A_280 = vector.shape_cast %get3A_279 : vector<1x16xf32> to vector<16xf32>
        %swap3A_281 = arith.index_cast %scan3A_54 : i32 to index
        %swap3A_282 = arith.constant 0 : index
        %swap3A_283 = tpu.vector_load %arg9[%swap3A_281, %swap3A_282] {strides = array<i32>} : memref<128x16xf32, #tpu.memory_space<vmem>>, vector<1x16xf32>,
        %swap3A_284 = vector.shape_cast %swap3A_283 : vector<1x16xf32> to vector<16xf32>
        %swap3A_285 = vector.shape_cast %get3A_280 : vector<16xf32> to vector<1x16xf32>
        tpu.vector_store %arg9[%swap3A_281, %swap3A_282], %swap3A_285 {strides = array<i32>} : memref<128x16xf32, #tpu.memory_space<vmem>>, vector<1x16xf32>,
      }
      %scan3A_52 = arith.constant 128 : i32
      %run_scoped3A_53 = arith.constant 2 : i32
      "tpu.region"() ({
        %run_scoped3A_54 = tpu.sem_alloc : memref<!tpu.dma_semaphore, #tpu.memory_space<semaphore_mem>>
        %dma_start3A_55 = arith.constant 0 : i32
        %dma_start3A_56 = tpu.memref_slice %arg5[%run_scoped3A_53, %add3A_11, %dma_start3A_55] : memref<3x200704x16xf32, #tpu.memory_space<hbm>> -> memref<1x128x16xf32, #tpu.memory_space<hbm>>
        %dma_start3A_57 = tpu.memref_squeeze %dma_start3A_56 : memref<1x128x16xf32, #tpu.memory_space<hbm>> -> memref<128x16xf32, #tpu.memory_space<hbm>>
        %dma_start3A_58 = arith.constant 0 : i32
        %dma_start3A_59 = tpu.memref_slice %arg5[%run_scoped3A_53, %add3A_11, %dma_start3A_58] : memref<3x200704x16xf32, #tpu.memory_space<hbm>> -> memref<1x128x16xf32, #tpu.memory_space<hbm>>
        %dma_start3A_60 = tpu.memref_squeeze %dma_start3A_59 : memref<1x128x16xf32, #tpu.memory_space<hbm>> -> memref<128x16xf32, #tpu.memory_space<hbm>>
        tpu.enqueue_dma source(%arg9 : memref<128x16xf32, #tpu.memory_space<vmem>>) target(%dma_start3A_60 : memref<128x16xf32, #tpu.memory_space<hbm>>) target_semaphore(%run_scoped3A_54 : memref<!tpu.dma_semaphore, #tpu.memory_space<semaphore_mem>>)
        %dma_wait3A_61 = arith.constant 0 : i32
        %dma_wait3A_62 = tpu.memref_slice %arg5[%run_scoped3A_53, %add3A_11, %dma_wait3A_61] : memref<3x200704x16xf32, #tpu.memory_space<hbm>> -> memref<1x128x16xf32, #tpu.memory_space<hbm>>
        %dma_wait3A_63 = tpu.memref_squeeze %dma_wait3A_62 : memref<1x128x16xf32, #tpu.memory_space<hbm>> -> memref<128x16xf32, #tpu.memory_space<hbm>>
        %dma_wait3A_64 = arith.constant 0 : i32
        %dma_wait3A_65 = tpu.memref_slice %arg5[%run_scoped3A_53, %add3A_11, %dma_wait3A_64] : memref<3x200704x16xf32, #tpu.memory_space<hbm>> -> memref<1x128x16xf32, #tpu.memory_space<hbm>>
        %dma_wait3A_66 = tpu.memref_squeeze %dma_wait3A_65 : memref<1x128x16xf32, #tpu.memory_space<hbm>> -> memref<128x16xf32, #tpu.memory_space<hbm>>
        tpu.wait_dma2 semaphore(%run_scoped3A_54 : memref<!tpu.dma_semaphore, #tpu.memory_space<semaphore_mem>>) src(%arg9 : memref<128x16xf32, #tpu.memory_space<vmem>>) dst(%dma_wait3A_66 : memref<128x16xf32, #tpu.memory_space<hbm>>)
        tpu.yield
      }) : () -> ()
      "tpu.region"() ({
        %run_scoped3A_54 = tpu.sem_alloc : memref<!tpu.dma_semaphore, #tpu.memory_space<semaphore_mem>>
        %dma_start3A_55 = arith.constant 0 : i32
        %dma_start3A_56 = tpu.memref_slice %arg4[%add3A_11, %dma_start3A_55] : memref<200704x384xf32, #tpu.memory_space<hbm>> -> memref<128x384xf32, #tpu.memory_space<hbm>>
        %dma_start3A_57 = arith.constant 0 : i32
        %dma_start3A_58 = tpu.memref_slice %arg4[%add3A_11, %dma_start3A_57] : memref<200704x384xf32, #tpu.memory_space<hbm>> -> memref<128x384xf32, #tpu.memory_space<hbm>>
        tpu.enqueue_dma source(%arg8 : memref<128x384xf32, #tpu.memory_space<vmem>>) target(%dma_start3A_58 : memref<128x384xf32, #tpu.memory_space<hbm>>) target_semaphore(%run_scoped3A_54 : memref<!tpu.dma_semaphore, #tpu.memory_space<semaphore_mem>>)
        %dma_wait3A_59 = arith.constant 0 : i32
        %dma_wait3A_60 = tpu.memref_slice %arg4[%add3A_11, %dma_wait3A_59] : memref<200704x384xf32, #tpu.memory_space<hbm>> -> memref<128x384xf32, #tpu.memory_space<hbm>>
        %dma_wait3A_61 = arith.constant 0 : i32
        %dma_wait3A_62 = tpu.memref_slice %arg4[%add3A_11, %dma_wait3A_61] : memref<200704x384xf32, #tpu.memory_space<hbm>> -> memref<128x384xf32, #tpu.memory_space<hbm>>
        tpu.wait_dma2 semaphore(%run_scoped3A_54 : memref<!tpu.dma_semaphore, #tpu.memory_space<semaphore_mem>>) src(%arg8 : memref<128x384xf32, #tpu.memory_space<vmem>>) dst(%dma_wait3A_62 : memref<128x384xf32, #tpu.memory_space<hbm>>)
        tpu.yield
      }) : () -> ()
    }
    %scan3A_5 = arith.constant 49 : i32
    return
  }
}

#map = affine_map<(d0, d1) -> (0)>
module attributes {stable_mosaic.version = 14 : i64} {
  func.func @k(%arg0: i32, %arg1: i32, %arg2: memref<2408448xf32, #tpu.memory_space<hbm>>, %arg3: memref<602112xi32, #tpu.memory_space<hbm>>, %arg4: memref<917504xf32, #tpu.memory_space<hbm>>, %arg5: memref<2048xi32, #tpu.memory_space<vmem>>, %arg6: memref<8192xf32, #tpu.memory_space<vmem>>, %arg7: memref<28672xf32, #tpu.memory_space<vmem>>) attributes {dimension_semantics = [#tpu.dimension_semantics<core_parallel>, #tpu.dimension_semantics<subcore_parallel>], iteration_bounds = array<i64: 2, 16>, scalar_prefetch = 0 : i64, scratch_operands = 3 : i64, tpu.core_type = #tpu.core_type<sc_vector_subcore>, window_params = [{transform_indices = #map}, {transform_indices = #map}, {transform_indices = #map}]} {
    %mul3A = arith.constant 7168 : i32
    %mul3A_0 = arith.muli %arg1, %mul3A : i32
    %scan3A = arith.constant 0 : i32
    %scan3A_1 = arith.constant 0 : i32
    %scan3A_2 = arith.constant 1792 : i32
    %scan3A_3 = arith.addi %scan3A_1, %scan3A_2 : i32
    %scan3A_4 = arith.constant 1 : i32
    scf.for %scan3A_47 = %scan3A_1 to %scan3A_3 step %scan3A_4  : i32 {
      %broadcast_in_dim3A = arith.constant 0.000000e+00 : f32
      %broadcast_in_dim3A_48 = vector.broadcast %broadcast_in_dim3A : f32 to vector<16xf32>
      %mul3A_49 = arith.constant 16 : i32
      %mul3A_50 = arith.muli %scan3A_47, %mul3A_49 : i32
      %swap3A = arith.index_cast %mul3A_50 : i32 to index
      %swap3A_51 = tpu.vector_load %arg7[%swap3A] {strides = array<i32>} : memref<28672xf32, #tpu.memory_space<vmem>>, vector<16xf32>,
      tpu.vector_store %arg7[%swap3A], %broadcast_in_dim3A_48 {strides = array<i32>} : memref<28672xf32, #tpu.memory_space<vmem>>, vector<16xf32>,
    }
    %scan3A_5 = arith.constant 1792 : i32
    %scan3A_6 = arith.constant 0 : i32
    %scan3A_7 = arith.constant 0 : i32
    %scan3A_8 = arith.constant 147 : i32
    %scan3A_9 = arith.addi %scan3A_7, %scan3A_8 : i32
    %scan3A_10 = arith.constant 1 : i32
    scf.for %scan3A_47 = %scan3A_7 to %scan3A_9 step %scan3A_10  : i32 {
      %mul3A_48 = arith.constant 301056 : i32
      %mul3A_49 = arith.muli %arg0, %mul3A_48 : i32
      %mul3A_50 = arith.constant 2048 : i32
      %mul3A_51 = arith.muli %scan3A_47, %mul3A_50 : i32
      %add3A_52 = arith.addi %mul3A_49, %mul3A_51 : i32
      "tpu.region"() ({
        %run_scoped3A = tpu.sem_alloc : memref<!tpu.dma_semaphore, #tpu.memory_space<semaphore_mem>>
        %dma_start3A = tpu.memref_slice %arg3[%add3A_52] : memref<602112xi32, #tpu.memory_space<hbm>> -> memref<2048xi32, #tpu.memory_space<hbm>>
        %dma_start3A_67 = tpu.memref_slice %arg3[%add3A_52] : memref<602112xi32, #tpu.memory_space<hbm>> -> memref<2048xi32, #tpu.memory_space<hbm>>
        tpu.enqueue_dma source(%dma_start3A_67 : memref<2048xi32, #tpu.memory_space<hbm>>) target(%arg5 : memref<2048xi32, #tpu.memory_space<vmem>>) target_semaphore(%run_scoped3A : memref<!tpu.dma_semaphore, #tpu.memory_space<semaphore_mem>>)
        %dma_wait3A = tpu.memref_slice %arg3[%add3A_52] : memref<602112xi32, #tpu.memory_space<hbm>> -> memref<2048xi32, #tpu.memory_space<hbm>>
        %dma_wait3A_68 = tpu.memref_slice %arg3[%add3A_52] : memref<602112xi32, #tpu.memory_space<hbm>> -> memref<2048xi32, #tpu.memory_space<hbm>>
        tpu.wait_dma2 semaphore(%run_scoped3A : memref<!tpu.dma_semaphore, #tpu.memory_space<semaphore_mem>>) src(%dma_wait3A_68 : memref<2048xi32, #tpu.memory_space<hbm>>) dst(%arg5 : memref<2048xi32, #tpu.memory_space<vmem>>)
        tpu.yield
      }) : () -> ()
      %add3A_53 = arith.constant 0 : i32
      %add3A_54 = arith.addi %add3A_53, %add3A_52 : i32
      "tpu.region"() ({
        %run_scoped3A = tpu.sem_alloc : memref<!tpu.dma_semaphore, #tpu.memory_space<semaphore_mem>>
        %dma_start3A = arith.constant 0 : i32
        %dma_start3A_67 = tpu.memref_slice %arg6[%dma_start3A] : memref<8192xf32, #tpu.memory_space<vmem>> -> memref<2048xf32, #tpu.memory_space<vmem>>
        %dma_start3A_68 = tpu.memref_slice %arg2[%add3A_54] : memref<2408448xf32, #tpu.memory_space<hbm>> -> memref<2048xf32, #tpu.memory_space<hbm>>
        %dma_start3A_69 = arith.constant 0 : i32
        %dma_start3A_70 = tpu.memref_slice %arg6[%dma_start3A_69] : memref<8192xf32, #tpu.memory_space<vmem>> -> memref<2048xf32, #tpu.memory_space<vmem>>
        %dma_start3A_71 = tpu.memref_slice %arg2[%add3A_54] : memref<2408448xf32, #tpu.memory_space<hbm>> -> memref<2048xf32, #tpu.memory_space<hbm>>
        tpu.enqueue_dma source(%dma_start3A_71 : memref<2048xf32, #tpu.memory_space<hbm>>) target(%dma_start3A_70 : memref<2048xf32, #tpu.memory_space<vmem>>) target_semaphore(%run_scoped3A : memref<!tpu.dma_semaphore, #tpu.memory_space<semaphore_mem>>)
        %dma_wait3A = arith.constant 0 : i32
        %dma_wait3A_72 = tpu.memref_slice %arg6[%dma_wait3A] : memref<8192xf32, #tpu.memory_space<vmem>> -> memref<2048xf32, #tpu.memory_space<vmem>>
        %dma_wait3A_73 = tpu.memref_slice %arg2[%add3A_54] : memref<2408448xf32, #tpu.memory_space<hbm>> -> memref<2048xf32, #tpu.memory_space<hbm>>
        %dma_wait3A_74 = arith.constant 0 : i32
        %dma_wait3A_75 = tpu.memref_slice %arg6[%dma_wait3A_74] : memref<8192xf32, #tpu.memory_space<vmem>> -> memref<2048xf32, #tpu.memory_space<vmem>>
        %dma_wait3A_76 = tpu.memref_slice %arg2[%add3A_54] : memref<2408448xf32, #tpu.memory_space<hbm>> -> memref<2048xf32, #tpu.memory_space<hbm>>
        tpu.wait_dma2 semaphore(%run_scoped3A : memref<!tpu.dma_semaphore, #tpu.memory_space<semaphore_mem>>) src(%dma_wait3A_76 : memref<2048xf32, #tpu.memory_space<hbm>>) dst(%dma_wait3A_75 : memref<2048xf32, #tpu.memory_space<vmem>>)
        tpu.yield
      }) : () -> ()
      %add3A_55 = arith.constant 602112 : i32
      %add3A_56 = arith.addi %add3A_55, %add3A_52 : i32
      "tpu.region"() ({
        %run_scoped3A = tpu.sem_alloc : memref<!tpu.dma_semaphore, #tpu.memory_space<semaphore_mem>>
        %dma_start3A = arith.constant 2048 : i32
        %dma_start3A_67 = tpu.memref_slice %arg6[%dma_start3A] : memref<8192xf32, #tpu.memory_space<vmem>> -> memref<2048xf32, #tpu.memory_space<vmem>>
        %dma_start3A_68 = tpu.memref_slice %arg2[%add3A_56] : memref<2408448xf32, #tpu.memory_space<hbm>> -> memref<2048xf32, #tpu.memory_space<hbm>>
        %dma_start3A_69 = arith.constant 2048 : i32
        %dma_start3A_70 = tpu.memref_slice %arg6[%dma_start3A_69] : memref<8192xf32, #tpu.memory_space<vmem>> -> memref<2048xf32, #tpu.memory_space<vmem>>
        %dma_start3A_71 = tpu.memref_slice %arg2[%add3A_56] : memref<2408448xf32, #tpu.memory_space<hbm>> -> memref<2048xf32, #tpu.memory_space<hbm>>
        tpu.enqueue_dma source(%dma_start3A_71 : memref<2048xf32, #tpu.memory_space<hbm>>) target(%dma_start3A_70 : memref<2048xf32, #tpu.memory_space<vmem>>) target_semaphore(%run_scoped3A : memref<!tpu.dma_semaphore, #tpu.memory_space<semaphore_mem>>)
        %dma_wait3A = arith.constant 2048 : i32
        %dma_wait3A_72 = tpu.memref_slice %arg6[%dma_wait3A] : memref<8192xf32, #tpu.memory_space<vmem>> -> memref<2048xf32, #tpu.memory_space<vmem>>
        %dma_wait3A_73 = tpu.memref_slice %arg2[%add3A_56] : memref<2408448xf32, #tpu.memory_space<hbm>> -> memref<2048xf32, #tpu.memory_space<hbm>>
        %dma_wait3A_74 = arith.constant 2048 : i32
        %dma_wait3A_75 = tpu.memref_slice %arg6[%dma_wait3A_74] : memref<8192xf32, #tpu.memory_space<vmem>> -> memref<2048xf32, #tpu.memory_space<vmem>>
        %dma_wait3A_76 = tpu.memref_slice %arg2[%add3A_56] : memref<2408448xf32, #tpu.memory_space<hbm>> -> memref<2048xf32, #tpu.memory_space<hbm>>
        tpu.wait_dma2 semaphore(%run_scoped3A : memref<!tpu.dma_semaphore, #tpu.memory_space<semaphore_mem>>) src(%dma_wait3A_76 : memref<2048xf32, #tpu.memory_space<hbm>>) dst(%dma_wait3A_75 : memref<2048xf32, #tpu.memory_space<vmem>>)
        tpu.yield
      }) : () -> ()
      %add3A_57 = arith.constant 1204224 : i32
      %add3A_58 = arith.addi %add3A_57, %add3A_52 : i32
      "tpu.region"() ({
        %run_scoped3A = tpu.sem_alloc : memref<!tpu.dma_semaphore, #tpu.memory_space<semaphore_mem>>
        %dma_start3A = arith.constant 4096 : i32
        %dma_start3A_67 = tpu.memref_slice %arg6[%dma_start3A] : memref<8192xf32, #tpu.memory_space<vmem>> -> memref<2048xf32, #tpu.memory_space<vmem>>
        %dma_start3A_68 = tpu.memref_slice %arg2[%add3A_58] : memref<2408448xf32, #tpu.memory_space<hbm>> -> memref<2048xf32, #tpu.memory_space<hbm>>
        %dma_start3A_69 = arith.constant 4096 : i32
        %dma_start3A_70 = tpu.memref_slice %arg6[%dma_start3A_69] : memref<8192xf32, #tpu.memory_space<vmem>> -> memref<2048xf32, #tpu.memory_space<vmem>>
        %dma_start3A_71 = tpu.memref_slice %arg2[%add3A_58] : memref<2408448xf32, #tpu.memory_space<hbm>> -> memref<2048xf32, #tpu.memory_space<hbm>>
        tpu.enqueue_dma source(%dma_start3A_71 : memref<2048xf32, #tpu.memory_space<hbm>>) target(%dma_start3A_70 : memref<2048xf32, #tpu.memory_space<vmem>>) target_semaphore(%run_scoped3A : memref<!tpu.dma_semaphore, #tpu.memory_space<semaphore_mem>>)
        %dma_wait3A = arith.constant 4096 : i32
        %dma_wait3A_72 = tpu.memref_slice %arg6[%dma_wait3A] : memref<8192xf32, #tpu.memory_space<vmem>> -> memref<2048xf32, #tpu.memory_space<vmem>>
        %dma_wait3A_73 = tpu.memref_slice %arg2[%add3A_58] : memref<2408448xf32, #tpu.memory_space<hbm>> -> memref<2048xf32, #tpu.memory_space<hbm>>
        %dma_wait3A_74 = arith.constant 4096 : i32
        %dma_wait3A_75 = tpu.memref_slice %arg6[%dma_wait3A_74] : memref<8192xf32, #tpu.memory_space<vmem>> -> memref<2048xf32, #tpu.memory_space<vmem>>
        %dma_wait3A_76 = tpu.memref_slice %arg2[%add3A_58] : memref<2408448xf32, #tpu.memory_space<hbm>> -> memref<2048xf32, #tpu.memory_space<hbm>>
        tpu.wait_dma2 semaphore(%run_scoped3A : memref<!tpu.dma_semaphore, #tpu.memory_space<semaphore_mem>>) src(%dma_wait3A_76 : memref<2048xf32, #tpu.memory_space<hbm>>) dst(%dma_wait3A_75 : memref<2048xf32, #tpu.memory_space<vmem>>)
        tpu.yield
      }) : () -> ()
      %add3A_59 = arith.constant 1806336 : i32
      %add3A_60 = arith.addi %add3A_59, %add3A_52 : i32
      "tpu.region"() ({
        %run_scoped3A = tpu.sem_alloc : memref<!tpu.dma_semaphore, #tpu.memory_space<semaphore_mem>>
        %dma_start3A = arith.constant 6144 : i32
        %dma_start3A_67 = tpu.memref_slice %arg6[%dma_start3A] : memref<8192xf32, #tpu.memory_space<vmem>> -> memref<2048xf32, #tpu.memory_space<vmem>>
        %dma_start3A_68 = tpu.memref_slice %arg2[%add3A_60] : memref<2408448xf32, #tpu.memory_space<hbm>> -> memref<2048xf32, #tpu.memory_space<hbm>>
        %dma_start3A_69 = arith.constant 6144 : i32
        %dma_start3A_70 = tpu.memref_slice %arg6[%dma_start3A_69] : memref<8192xf32, #tpu.memory_space<vmem>> -> memref<2048xf32, #tpu.memory_space<vmem>>
        %dma_start3A_71 = tpu.memref_slice %arg2[%add3A_60] : memref<2408448xf32, #tpu.memory_space<hbm>> -> memref<2048xf32, #tpu.memory_space<hbm>>
        tpu.enqueue_dma source(%dma_start3A_71 : memref<2048xf32, #tpu.memory_space<hbm>>) target(%dma_start3A_70 : memref<2048xf32, #tpu.memory_space<vmem>>) target_semaphore(%run_scoped3A : memref<!tpu.dma_semaphore, #tpu.memory_space<semaphore_mem>>)
        %dma_wait3A = arith.constant 6144 : i32
        %dma_wait3A_72 = tpu.memref_slice %arg6[%dma_wait3A] : memref<8192xf32, #tpu.memory_space<vmem>> -> memref<2048xf32, #tpu.memory_space<vmem>>
        %dma_wait3A_73 = tpu.memref_slice %arg2[%add3A_60] : memref<2408448xf32, #tpu.memory_space<hbm>> -> memref<2048xf32, #tpu.memory_space<hbm>>
        %dma_wait3A_74 = arith.constant 6144 : i32
        %dma_wait3A_75 = tpu.memref_slice %arg6[%dma_wait3A_74] : memref<8192xf32, #tpu.memory_space<vmem>> -> memref<2048xf32, #tpu.memory_space<vmem>>
        %dma_wait3A_76 = tpu.memref_slice %arg2[%add3A_60] : memref<2408448xf32, #tpu.memory_space<hbm>> -> memref<2048xf32, #tpu.memory_space<hbm>>
        tpu.wait_dma2 semaphore(%run_scoped3A : memref<!tpu.dma_semaphore, #tpu.memory_space<semaphore_mem>>) src(%dma_wait3A_76 : memref<2048xf32, #tpu.memory_space<hbm>>) dst(%dma_wait3A_75 : memref<2048xf32, #tpu.memory_space<vmem>>)
        tpu.yield
      }) : () -> ()
      %scan3A_61 = arith.constant 0 : i32
      %scan3A_62 = arith.constant 0 : i32
      %scan3A_63 = arith.constant 128 : i32
      %scan3A_64 = arith.addi %scan3A_62, %scan3A_63 : i32
      %scan3A_65 = arith.constant 1 : i32
      scf.for %scan3A_67 = %scan3A_62 to %scan3A_64 step %scan3A_65  : i32 {
        %mul3A_68 = arith.constant 16 : i32
        %mul3A_69 = arith.muli %scan3A_67, %mul3A_68 : i32
        %get3A = arith.index_cast %mul3A_69 : i32 to index
        %get3A_70 = tpu.vector_load %arg5[%get3A] {strides = array<i32>} : memref<2048xi32, #tpu.memory_space<vmem>>, vector<16xi32>,
        %sub3A = vector.broadcast %mul3A_0 : i32 to vector<16xi32>
        %sub3A_71 = arith.subi %get3A_70, %sub3A : vector<16xi32>
        %ge3A = arith.constant 0 : i32
        %ge3A_72 = vector.broadcast %ge3A : i32 to vector<16xi32>
        %ge3A_73 = arith.cmpi sge, %sub3A_71, %ge3A_72 : vector<16xi32>
        %lt3A = arith.constant 7168 : i32
        %lt3A_74 = vector.broadcast %lt3A : i32 to vector<16xi32>
        %lt3A_75 = arith.cmpi slt, %sub3A_71, %lt3A_74 : vector<16xi32>
        %and3A = arith.andi %ge3A_73, %lt3A_75 : vector<16xi1>
        %max3A = arith.constant 0 : i32
        %max3A_76 = vector.broadcast %max3A : i32 to vector<16xi32>
        %max3A_77 = arith.maxsi %sub3A_71, %max3A_76 : vector<16xi32>
        %min3A = arith.constant 7167 : i32
        %min3A_78 = vector.broadcast %min3A : i32 to vector<16xi32>
        %min3A_79 = arith.minsi %max3A_77, %min3A_78 : vector<16xi32>
        %mul3A_80 = arith.constant 16 : i32
        %mul3A_81 = arith.muli %scan3A_67, %mul3A_80 : i32
        %add3A_82 = arith.constant 0 : i32
        %add3A_83 = arith.addi %add3A_82, %mul3A_81 : i32
        %get3A_84 = arith.index_cast %add3A_83 : i32 to index
        %get3A_85 = tpu.vector_load %arg6[%get3A_84] {strides = array<i32>} : memref<8192xf32, #tpu.memory_space<vmem>>, vector<16xf32>,
        %add3A_86 = arith.constant 0 : i32
        %add3A_87 = vector.broadcast %add3A_86 : i32 to vector<16xi32>
        %add3A_88 = arith.addi %min3A_79, %add3A_87 : vector<16xi32>
        tpu.vector_store_idx %arg7[%add3A_88], %get3A_85 masked %and3A {add = true} : memref<28672xf32, #tpu.memory_space<vmem>>[vector<16xi32>], vector<16xf32>, vector<16xi1>
        %mul3A_89 = arith.constant 16 : i32
        %mul3A_90 = arith.muli %scan3A_67, %mul3A_89 : i32
        %add3A_91 = arith.constant 2048 : i32
        %add3A_92 = arith.addi %add3A_91, %mul3A_90 : i32
        %get3A_93 = arith.index_cast %add3A_92 : i32 to index
        %get3A_94 = tpu.vector_load %arg6[%get3A_93] {strides = array<i32>} : memref<8192xf32, #tpu.memory_space<vmem>>, vector<16xf32>,
        %add3A_95 = arith.constant 7168 : i32
        %add3A_96 = vector.broadcast %add3A_95 : i32 to vector<16xi32>
        %add3A_97 = arith.addi %min3A_79, %add3A_96 : vector<16xi32>
        tpu.vector_store_idx %arg7[%add3A_97], %get3A_94 masked %and3A {add = true} : memref<28672xf32, #tpu.memory_space<vmem>>[vector<16xi32>], vector<16xf32>, vector<16xi1>
        %mul3A_98 = arith.constant 16 : i32
        %mul3A_99 = arith.muli %scan3A_67, %mul3A_98 : i32
        %add3A_100 = arith.constant 4096 : i32
        %add3A_101 = arith.addi %add3A_100, %mul3A_99 : i32
        %get3A_102 = arith.index_cast %add3A_101 : i32 to index
        %get3A_103 = tpu.vector_load %arg6[%get3A_102] {strides = array<i32>} : memref<8192xf32, #tpu.memory_space<vmem>>, vector<16xf32>,
        %add3A_104 = arith.constant 14336 : i32
        %add3A_105 = vector.broadcast %add3A_104 : i32 to vector<16xi32>
        %add3A_106 = arith.addi %min3A_79, %add3A_105 : vector<16xi32>
        tpu.vector_store_idx %arg7[%add3A_106], %get3A_103 masked %and3A {add = true} : memref<28672xf32, #tpu.memory_space<vmem>>[vector<16xi32>], vector<16xf32>, vector<16xi1>
        %mul3A_107 = arith.constant 16 : i32
        %mul3A_108 = arith.muli %scan3A_67, %mul3A_107 : i32
        %add3A_109 = arith.constant 6144 : i32
        %add3A_110 = arith.addi %add3A_109, %mul3A_108 : i32
        %get3A_111 = arith.index_cast %add3A_110 : i32 to index
        %get3A_112 = tpu.vector_load %arg6[%get3A_111] {strides = array<i32>} : memref<8192xf32, #tpu.memory_space<vmem>>, vector<16xf32>,
        %add3A_113 = arith.constant 21504 : i32
        %add3A_114 = vector.broadcast %add3A_113 : i32 to vector<16xi32>
        %add3A_115 = arith.addi %min3A_79, %add3A_114 : vector<16xi32>
        tpu.vector_store_idx %arg7[%add3A_115], %get3A_112 masked %and3A {add = true} : memref<28672xf32, #tpu.memory_space<vmem>>[vector<16xi32>], vector<16xf32>, vector<16xi1>
      }
      %scan3A_66 = arith.constant 128 : i32
    }
    %scan3A_11 = arith.constant 147 : i32
    %mul3A_12 = arith.constant 4 : i32
    %mul3A_13 = arith.muli %arg0, %mul3A_12 : i32
    %add3A = arith.constant 0 : i32
    %add3A_14 = arith.addi %mul3A_13, %add3A : i32
    %mul3A_15 = arith.constant 114688 : i32
    %mul3A_16 = arith.muli %add3A_14, %mul3A_15 : i32
    %mul3A_17 = arith.constant 7168 : i32
    %mul3A_18 = arith.muli %arg1, %mul3A_17 : i32
    %add3A_19 = arith.addi %mul3A_16, %mul3A_18 : i32
    "tpu.region"() ({
      %run_scoped3A = tpu.sem_alloc : memref<!tpu.dma_semaphore, #tpu.memory_space<semaphore_mem>>
      %dma_start3A = arith.constant 0 : i32
      %dma_start3A_47 = tpu.memref_slice %arg7[%dma_start3A] : memref<28672xf32, #tpu.memory_space<vmem>> -> memref<7168xf32, #tpu.memory_space<vmem>>
      %dma_start3A_48 = tpu.memref_slice %arg4[%add3A_19] : memref<917504xf32, #tpu.memory_space<hbm>> -> memref<7168xf32, #tpu.memory_space<hbm>>
      %dma_start3A_49 = tpu.memref_slice %arg4[%add3A_19] : memref<917504xf32, #tpu.memory_space<hbm>> -> memref<7168xf32, #tpu.memory_space<hbm>>
      %dma_start3A_50 = arith.constant 0 : i32
      %dma_start3A_51 = tpu.memref_slice %arg7[%dma_start3A_50] : memref<28672xf32, #tpu.memory_space<vmem>> -> memref<7168xf32, #tpu.memory_space<vmem>>
      tpu.enqueue_dma source(%dma_start3A_51 : memref<7168xf32, #tpu.memory_space<vmem>>) target(%dma_start3A_49 : memref<7168xf32, #tpu.memory_space<hbm>>) target_semaphore(%run_scoped3A : memref<!tpu.dma_semaphore, #tpu.memory_space<semaphore_mem>>)
      %dma_wait3A = arith.constant 0 : i32
      %dma_wait3A_52 = tpu.memref_slice %arg7[%dma_wait3A] : memref<28672xf32, #tpu.memory_space<vmem>> -> memref<7168xf32, #tpu.memory_space<vmem>>
      %dma_wait3A_53 = tpu.memref_slice %arg4[%add3A_19] : memref<917504xf32, #tpu.memory_space<hbm>> -> memref<7168xf32, #tpu.memory_space<hbm>>
      %dma_wait3A_54 = tpu.memref_slice %arg4[%add3A_19] : memref<917504xf32, #tpu.memory_space<hbm>> -> memref<7168xf32, #tpu.memory_space<hbm>>
      %dma_wait3A_55 = arith.constant 0 : i32
      %dma_wait3A_56 = tpu.memref_slice %arg7[%dma_wait3A_55] : memref<28672xf32, #tpu.memory_space<vmem>> -> memref<7168xf32, #tpu.memory_space<vmem>>
      tpu.wait_dma2 semaphore(%run_scoped3A : memref<!tpu.dma_semaphore, #tpu.memory_space<semaphore_mem>>) src(%dma_wait3A_56 : memref<7168xf32, #tpu.memory_space<vmem>>) dst(%dma_wait3A_54 : memref<7168xf32, #tpu.memory_space<hbm>>)
      tpu.yield
    }) : () -> ()
    %mul3A_20 = arith.constant 4 : i32
    %mul3A_21 = arith.muli %arg0, %mul3A_20 : i32
    %add3A_22 = arith.constant 1 : i32
    %add3A_23 = arith.addi %mul3A_21, %add3A_22 : i32
    %mul3A_24 = arith.constant 114688 : i32
    %mul3A_25 = arith.muli %add3A_23, %mul3A_24 : i32
    %mul3A_26 = arith.constant 7168 : i32
    %mul3A_27 = arith.muli %arg1, %mul3A_26 : i32
    %add3A_28 = arith.addi %mul3A_25, %mul3A_27 : i32
    "tpu.region"() ({
      %run_scoped3A = tpu.sem_alloc : memref<!tpu.dma_semaphore, #tpu.memory_space<semaphore_mem>>
      %dma_start3A = arith.constant 7168 : i32
      %dma_start3A_47 = tpu.memref_slice %arg7[%dma_start3A] : memref<28672xf32, #tpu.memory_space<vmem>> -> memref<7168xf32, #tpu.memory_space<vmem>>
      %dma_start3A_48 = tpu.memref_slice %arg4[%add3A_28] : memref<917504xf32, #tpu.memory_space<hbm>> -> memref<7168xf32, #tpu.memory_space<hbm>>
      %dma_start3A_49 = tpu.memref_slice %arg4[%add3A_28] : memref<917504xf32, #tpu.memory_space<hbm>> -> memref<7168xf32, #tpu.memory_space<hbm>>
      %dma_start3A_50 = arith.constant 7168 : i32
      %dma_start3A_51 = tpu.memref_slice %arg7[%dma_start3A_50] : memref<28672xf32, #tpu.memory_space<vmem>> -> memref<7168xf32, #tpu.memory_space<vmem>>
      tpu.enqueue_dma source(%dma_start3A_51 : memref<7168xf32, #tpu.memory_space<vmem>>) target(%dma_start3A_49 : memref<7168xf32, #tpu.memory_space<hbm>>) target_semaphore(%run_scoped3A : memref<!tpu.dma_semaphore, #tpu.memory_space<semaphore_mem>>)
      %dma_wait3A = arith.constant 7168 : i32
      %dma_wait3A_52 = tpu.memref_slice %arg7[%dma_wait3A] : memref<28672xf32, #tpu.memory_space<vmem>> -> memref<7168xf32, #tpu.memory_space<vmem>>
      %dma_wait3A_53 = tpu.memref_slice %arg4[%add3A_28] : memref<917504xf32, #tpu.memory_space<hbm>> -> memref<7168xf32, #tpu.memory_space<hbm>>
      %dma_wait3A_54 = tpu.memref_slice %arg4[%add3A_28] : memref<917504xf32, #tpu.memory_space<hbm>> -> memref<7168xf32, #tpu.memory_space<hbm>>
      %dma_wait3A_55 = arith.constant 7168 : i32
      %dma_wait3A_56 = tpu.memref_slice %arg7[%dma_wait3A_55] : memref<28672xf32, #tpu.memory_space<vmem>> -> memref<7168xf32, #tpu.memory_space<vmem>>
      tpu.wait_dma2 semaphore(%run_scoped3A : memref<!tpu.dma_semaphore, #tpu.memory_space<semaphore_mem>>) src(%dma_wait3A_56 : memref<7168xf32, #tpu.memory_space<vmem>>) dst(%dma_wait3A_54 : memref<7168xf32, #tpu.memory_space<hbm>>)
      tpu.yield
    }) : () -> ()
    %mul3A_29 = arith.constant 4 : i32
    %mul3A_30 = arith.muli %arg0, %mul3A_29 : i32
    %add3A_31 = arith.constant 2 : i32
    %add3A_32 = arith.addi %mul3A_30, %add3A_31 : i32
    %mul3A_33 = arith.constant 114688 : i32
    %mul3A_34 = arith.muli %add3A_32, %mul3A_33 : i32
    %mul3A_35 = arith.constant 7168 : i32
    %mul3A_36 = arith.muli %arg1, %mul3A_35 : i32
    %add3A_37 = arith.addi %mul3A_34, %mul3A_36 : i32
    "tpu.region"() ({
      %run_scoped3A = tpu.sem_alloc : memref<!tpu.dma_semaphore, #tpu.memory_space<semaphore_mem>>
      %dma_start3A = arith.constant 14336 : i32
      %dma_start3A_47 = tpu.memref_slice %arg7[%dma_start3A] : memref<28672xf32, #tpu.memory_space<vmem>> -> memref<7168xf32, #tpu.memory_space<vmem>>
      %dma_start3A_48 = tpu.memref_slice %arg4[%add3A_37] : memref<917504xf32, #tpu.memory_space<hbm>> -> memref<7168xf32, #tpu.memory_space<hbm>>
      %dma_start3A_49 = tpu.memref_slice %arg4[%add3A_37] : memref<917504xf32, #tpu.memory_space<hbm>> -> memref<7168xf32, #tpu.memory_space<hbm>>
      %dma_start3A_50 = arith.constant 14336 : i32
      %dma_start3A_51 = tpu.memref_slice %arg7[%dma_start3A_50] : memref<28672xf32, #tpu.memory_space<vmem>> -> memref<7168xf32, #tpu.memory_space<vmem>>
      tpu.enqueue_dma source(%dma_start3A_51 : memref<7168xf32, #tpu.memory_space<vmem>>) target(%dma_start3A_49 : memref<7168xf32, #tpu.memory_space<hbm>>) target_semaphore(%run_scoped3A : memref<!tpu.dma_semaphore, #tpu.memory_space<semaphore_mem>>)
      %dma_wait3A = arith.constant 14336 : i32
      %dma_wait3A_52 = tpu.memref_slice %arg7[%dma_wait3A] : memref<28672xf32, #tpu.memory_space<vmem>> -> memref<7168xf32, #tpu.memory_space<vmem>>
      %dma_wait3A_53 = tpu.memref_slice %arg4[%add3A_37] : memref<917504xf32, #tpu.memory_space<hbm>> -> memref<7168xf32, #tpu.memory_space<hbm>>
      %dma_wait3A_54 = tpu.memref_slice %arg4[%add3A_37] : memref<917504xf32, #tpu.memory_space<hbm>> -> memref<7168xf32, #tpu.memory_space<hbm>>
      %dma_wait3A_55 = arith.constant 14336 : i32
      %dma_wait3A_56 = tpu.memref_slice %arg7[%dma_wait3A_55] : memref<28672xf32, #tpu.memory_space<vmem>> -> memref<7168xf32, #tpu.memory_space<vmem>>
      tpu.wait_dma2 semaphore(%run_scoped3A : memref<!tpu.dma_semaphore, #tpu.memory_space<semaphore_mem>>) src(%dma_wait3A_56 : memref<7168xf32, #tpu.memory_space<vmem>>) dst(%dma_wait3A_54 : memref<7168xf32, #tpu.memory_space<hbm>>)
      tpu.yield
    }) : () -> ()
    %mul3A_38 = arith.constant 4 : i32
    %mul3A_39 = arith.muli %arg0, %mul3A_38 : i32
    %add3A_40 = arith.constant 3 : i32
    %add3A_41 = arith.addi %mul3A_39, %add3A_40 : i32
    %mul3A_42 = arith.constant 114688 : i32
    %mul3A_43 = arith.muli %add3A_41, %mul3A_42 : i32
    %mul3A_44 = arith.constant 7168 : i32
    %mul3A_45 = arith.muli %arg1, %mul3A_44 : i32
    %add3A_46 = arith.addi %mul3A_43, %mul3A_45 : i32
    "tpu.region"() ({
      %run_scoped3A = tpu.sem_alloc : memref<!tpu.dma_semaphore, #tpu.memory_space<semaphore_mem>>
      %dma_start3A = arith.constant 21504 : i32
      %dma_start3A_47 = tpu.memref_slice %arg7[%dma_start3A] : memref<28672xf32, #tpu.memory_space<vmem>> -> memref<7168xf32, #tpu.memory_space<vmem>>
      %dma_start3A_48 = tpu.memref_slice %arg4[%add3A_46] : memref<917504xf32, #tpu.memory_space<hbm>> -> memref<7168xf32, #tpu.memory_space<hbm>>
      %dma_start3A_49 = tpu.memref_slice %arg4[%add3A_46] : memref<917504xf32, #tpu.memory_space<hbm>> -> memref<7168xf32, #tpu.memory_space<hbm>>
      %dma_start3A_50 = arith.constant 21504 : i32
      %dma_start3A_51 = tpu.memref_slice %arg7[%dma_start3A_50] : memref<28672xf32, #tpu.memory_space<vmem>> -> memref<7168xf32, #tpu.memory_space<vmem>>
      tpu.enqueue_dma source(%dma_start3A_51 : memref<7168xf32, #tpu.memory_space<vmem>>) target(%dma_start3A_49 : memref<7168xf32, #tpu.memory_space<hbm>>) target_semaphore(%run_scoped3A : memref<!tpu.dma_semaphore, #tpu.memory_space<semaphore_mem>>)
      %dma_wait3A = arith.constant 21504 : i32
      %dma_wait3A_52 = tpu.memref_slice %arg7[%dma_wait3A] : memref<28672xf32, #tpu.memory_space<vmem>> -> memref<7168xf32, #tpu.memory_space<vmem>>
      %dma_wait3A_53 = tpu.memref_slice %arg4[%add3A_46] : memref<917504xf32, #tpu.memory_space<hbm>> -> memref<7168xf32, #tpu.memory_space<hbm>>
      %dma_wait3A_54 = tpu.memref_slice %arg4[%add3A_46] : memref<917504xf32, #tpu.memory_space<hbm>> -> memref<7168xf32, #tpu.memory_space<hbm>>
      %dma_wait3A_55 = arith.constant 21504 : i32
      %dma_wait3A_56 = tpu.memref_slice %arg7[%dma_wait3A_55] : memref<28672xf32, #tpu.memory_space<vmem>> -> memref<7168xf32, #tpu.memory_space<vmem>>
      tpu.wait_dma2 semaphore(%run_scoped3A : memref<!tpu.dma_semaphore, #tpu.memory_space<semaphore_mem>>) src(%dma_wait3A_56 : memref<7168xf32, #tpu.memory_space<vmem>>) dst(%dma_wait3A_54 : memref<7168xf32, #tpu.memory_space<hbm>>)
      tpu.yield
    }) : () -> ()
    return
  }
}

module attributes {stable_mosaic.version = 14 : i64} {
  func.func @_vmlp_body(%arg0: i32, %arg1: memref<1024x128xf32, #tpu.memory_space<vmem>>, %arg2: memref<1024x4xf32, #tpu.memory_space<vmem>>, %arg3: memref<128x128xf32, #tpu.memory_space<vmem>>, %arg4: memref<1x128xf32, #tpu.memory_space<vmem>>, %arg5: memref<128x128xf32, #tpu.memory_space<vmem>>, %arg6: memref<1x128xf32, #tpu.memory_space<vmem>>, %arg7: memref<128x128xf32, #tpu.memory_space<vmem>>, %arg8: memref<1x128xf32, #tpu.memory_space<vmem>>, %arg9: memref<128x256xf32, #tpu.memory_space<vmem>>, %arg10: memref<1x256xf32, #tpu.memory_space<vmem>>, %arg11: memref<1024x384xf32, #tpu.memory_space<vmem>>) attributes {dimension_semantics = [#tpu.dimension_semantics<arbitrary>], iteration_bounds = array<i64: 98>, scalar_prefetch = 0 : i64, scratch_operands = 0 : i64, tpu.core_type = #tpu.core_type<tc>, window_params = [{transform_indices = @transform_0, window_bounds = array<i64: 1024, 128>}, {transform_indices = @transform_1, window_bounds = array<i64: 1024, 4>}, {pipeline_mode = #tpu.pipeline_mode<synchronous>, transform_indices = @transform_2, window_bounds = array<i64: 128, 128>}, {pipeline_mode = #tpu.pipeline_mode<synchronous>, transform_indices = @transform_3, window_bounds = array<i64: 1, 128>}, {pipeline_mode = #tpu.pipeline_mode<synchronous>, transform_indices = @transform_4, window_bounds = array<i64: 128, 128>}, {pipeline_mode = #tpu.pipeline_mode<synchronous>, transform_indices = @transform_5, window_bounds = array<i64: 1, 128>}, {pipeline_mode = #tpu.pipeline_mode<synchronous>, transform_indices = @transform_6, window_bounds = array<i64: 128, 128>}, {pipeline_mode = #tpu.pipeline_mode<synchronous>, transform_indices = @transform_7, window_bounds = array<i64: 1, 128>}, {pipeline_mode = #tpu.pipeline_mode<synchronous>, transform_indices = @transform_8, window_bounds = array<i64: 128, 256>}, {pipeline_mode = #tpu.pipeline_mode<synchronous>, transform_indices = @transform_9, window_bounds = array<i64: 1, 256>}, {transform_indices = @transform_10, window_bounds = array<i64: 1024, 384>}]} {
    %get3A = arith.constant 0 : index
    %get3A_0 = arith.constant 0 : index
    %get3A_1 = vector.load %arg1[%get3A, %get3A_0] : memref<1024x128xf32, #tpu.memory_space<vmem>>, vector<1024x128xf32>
    %get3A_2 = arith.constant 0 : index
    %get3A_3 = arith.constant 0 : index
    %get3A_4 = vector.load %arg3[%get3A_2, %get3A_3] : memref<128x128xf32, #tpu.memory_space<vmem>>, vector<128x128xf32>
    %dot_general3A = arith.constant dense<0.000000e+00> : vector<1024x128xf32>
    %dot_general3A_5 = tpu.matmul %get3A_1, %get3A_4, %dot_general3A {dimension_numbers = #tpu.dot_dimension_numbers<[1], [0], [0], [1], [0, 0, 1, 1], [], []>, transpose_lhs_hint = false} : vector<1024x128xf32>, vector<128x128xf32>, vector<1024x128xf32> -> vector<1024x128xf32>
    %get3A_6 = arith.constant 0 : index
    %get3A_7 = arith.constant 0 : index
    %get3A_8 = vector.load %arg4[%get3A_6, %get3A_7] : memref<1x128xf32, #tpu.memory_space<vmem>>, vector<1x128xf32>
    %add3A = vector.broadcast %get3A_8 : vector<1x128xf32> to vector<1024x128xf32>
    %add3A_9 = arith.addf %dot_general3A_5, %add3A : vector<1024x128xf32>
    %max3A = arith.constant 0.000000e+00 : f32
    %max3A_10 = vector.broadcast %max3A : f32 to vector<1024x128xf32>
    %max3A_11 = arith.maximumf %add3A_9, %max3A_10 : vector<1024x128xf32>
    %get3A_12 = arith.constant 0 : index
    %get3A_13 = arith.constant 0 : index
    %get3A_14 = vector.load %arg5[%get3A_12, %get3A_13] : memref<128x128xf32, #tpu.memory_space<vmem>>, vector<128x128xf32>
    %dot_general3A_15 = arith.constant dense<0.000000e+00> : vector<1024x128xf32>
    %dot_general3A_16 = tpu.matmul %max3A_11, %get3A_14, %dot_general3A_15 {dimension_numbers = #tpu.dot_dimension_numbers<[1], [0], [0], [1], [0, 0, 1, 1], [], []>, transpose_lhs_hint = false} : vector<1024x128xf32>, vector<128x128xf32>, vector<1024x128xf32> -> vector<1024x128xf32>
    %get3A_17 = arith.constant 0 : index
    %get3A_18 = arith.constant 0 : index
    %get3A_19 = vector.load %arg6[%get3A_17, %get3A_18] : memref<1x128xf32, #tpu.memory_space<vmem>>, vector<1x128xf32>
    %add3A_20 = vector.broadcast %get3A_19 : vector<1x128xf32> to vector<1024x128xf32>
    %add3A_21 = arith.addf %dot_general3A_16, %add3A_20 : vector<1024x128xf32>
    %max3A_22 = arith.constant 0.000000e+00 : f32
    %max3A_23 = vector.broadcast %max3A_22 : f32 to vector<1024x128xf32>
    %max3A_24 = arith.maximumf %add3A_21, %max3A_23 : vector<1024x128xf32>
    %add3A_25 = arith.addf %max3A_11, %max3A_24 : vector<1024x128xf32>
    %get3A_26 = arith.constant 0 : index
    %get3A_27 = arith.constant 0 : index
    %get3A_28 = vector.load %arg7[%get3A_26, %get3A_27] : memref<128x128xf32, #tpu.memory_space<vmem>>, vector<128x128xf32>
    %dot_general3A_29 = arith.constant dense<0.000000e+00> : vector<1024x128xf32>
    %dot_general3A_30 = tpu.matmul %add3A_25, %get3A_28, %dot_general3A_29 {dimension_numbers = #tpu.dot_dimension_numbers<[1], [0], [0], [1], [0, 0, 1, 1], [], []>, transpose_lhs_hint = false} : vector<1024x128xf32>, vector<128x128xf32>, vector<1024x128xf32> -> vector<1024x128xf32>
    %get3A_31 = arith.constant 0 : index
    %get3A_32 = arith.constant 0 : index
    %get3A_33 = vector.load %arg8[%get3A_31, %get3A_32] : memref<1x128xf32, #tpu.memory_space<vmem>>, vector<1x128xf32>
    %add3A_34 = vector.broadcast %get3A_33 : vector<1x128xf32> to vector<1024x128xf32>
    %add3A_35 = arith.addf %dot_general3A_30, %add3A_34 : vector<1024x128xf32>
    %max3A_36 = arith.constant 0.000000e+00 : f32
    %max3A_37 = vector.broadcast %max3A_36 : f32 to vector<1024x128xf32>
    %max3A_38 = arith.maximumf %add3A_35, %max3A_37 : vector<1024x128xf32>
    %add3A_39 = arith.addf %add3A_25, %max3A_38 : vector<1024x128xf32>
    %get3A_40 = arith.constant 0 : index
    %get3A_41 = arith.constant 0 : index
    %get3A_42 = vector.load %arg9[%get3A_40, %get3A_41] : memref<128x256xf32, #tpu.memory_space<vmem>>, vector<128x256xf32>
    %dot_general3A_43 = arith.constant dense<0.000000e+00> : vector<1024x256xf32>
    %dot_general3A_44 = tpu.matmul %add3A_39, %get3A_42, %dot_general3A_43 {dimension_numbers = #tpu.dot_dimension_numbers<[1], [0], [0], [1], [0, 0, 1, 1], [], []>, transpose_lhs_hint = false} : vector<1024x128xf32>, vector<128x256xf32>, vector<1024x256xf32> -> vector<1024x256xf32>
    %get3A_45 = arith.constant 0 : index
    %get3A_46 = arith.constant 0 : index
    %get3A_47 = vector.load %arg10[%get3A_45, %get3A_46] : memref<1x256xf32, #tpu.memory_space<vmem>>, vector<1x256xf32>
    %add3A_48 = vector.broadcast %get3A_47 : vector<1x256xf32> to vector<1024x256xf32>
    %add3A_49 = arith.addf %dot_general3A_44, %add3A_48 : vector<1024x256xf32>
    %swap3A = arith.constant 0 : index
    %swap3A_50 = arith.constant 0 : index
    %swap3A_51 = vector.load %arg11[%swap3A, %swap3A_50] : memref<1024x384xf32, #tpu.memory_space<vmem>>, vector<1024x256xf32>
    tpu.vector_store %arg11[%swap3A, %swap3A_50], %add3A_49 {strides = array<i32>} : memref<1024x384xf32, #tpu.memory_space<vmem>>, vector<1024x256xf32>,
    %get3A_52 = arith.constant 0 : index
    %get3A_53 = arith.constant 0 : index
    %get3A_54 = vector.load %arg2[%get3A_52, %get3A_53] : memref<1024x4xf32, #tpu.memory_space<vmem>>, vector<1024x4xf32>
    %jit3A = arith.constant 0 : i32
    %convert_element_type3A = arith.sitofp %jit3A : i32 to f32
    %pad3A = vector.broadcast %convert_element_type3A : f32 to vector<1024x124xf32>
    %pad3A_55 = tpu.concatenate %get3A_54, %pad3A in 1 : vector<1024x4xf32>, vector<1024x124xf32> -> vector<1024x128xf32>
    %swap3A_56 = arith.constant 0 : index
    %swap3A_57 = arith.constant 256 : index
    %swap3A_58 = vector.load %arg11[%swap3A_56, %swap3A_57] : memref<1024x384xf32, #tpu.memory_space<vmem>>, vector<1024x128xf32>
    tpu.vector_store %arg11[%swap3A_56, %swap3A_57], %pad3A_55 {strides = array<i32>} : memref<1024x384xf32, #tpu.memory_space<vmem>>, vector<1024x128xf32>,
    return
  }
  func.func @transform_0(%arg0: i32) -> (i32, i32) {
    %c0_i32 = arith.constant 0 : i32
    %c0_i32_0 = arith.constant 0 : i32
    return %arg0, %c0_i32 : i32, i32
  }
  func.func @transform_1(%arg0: i32) -> (i32, i32) {
    %c0_i32 = arith.constant 0 : i32
    %c0_i32_0 = arith.constant 0 : i32
    return %arg0, %c0_i32 : i32, i32
  }
  func.func @transform_2(%arg0: i32) -> (i32, i32) {
    %c0_i32 = arith.constant 0 : i32
    %c0_i32_0 = arith.constant 0 : i32
    %c0_i32_1 = arith.constant 0 : i32
    return %c0_i32, %c0_i32_0 : i32, i32
  }
  func.func @transform_3(%arg0: i32) -> (i32, i32) {
    %c0_i32 = arith.constant 0 : i32
    %c0_i32_0 = arith.constant 0 : i32
    %c0_i32_1 = arith.constant 0 : i32
    return %c0_i32, %c0_i32_0 : i32, i32
  }
  func.func @transform_4(%arg0: i32) -> (i32, i32) {
    %c0_i32 = arith.constant 0 : i32
    %c0_i32_0 = arith.constant 0 : i32
    %c0_i32_1 = arith.constant 0 : i32
    return %c0_i32, %c0_i32_0 : i32, i32
  }
  func.func @transform_5(%arg0: i32) -> (i32, i32) {
    %c0_i32 = arith.constant 0 : i32
    %c0_i32_0 = arith.constant 0 : i32
    %c0_i32_1 = arith.constant 0 : i32
    return %c0_i32, %c0_i32_0 : i32, i32
  }
  func.func @transform_6(%arg0: i32) -> (i32, i32) {
    %c0_i32 = arith.constant 0 : i32
    %c0_i32_0 = arith.constant 0 : i32
    %c0_i32_1 = arith.constant 0 : i32
    return %c0_i32, %c0_i32_0 : i32, i32
  }
  func.func @transform_7(%arg0: i32) -> (i32, i32) {
    %c0_i32 = arith.constant 0 : i32
    %c0_i32_0 = arith.constant 0 : i32
    %c0_i32_1 = arith.constant 0 : i32
    return %c0_i32, %c0_i32_0 : i32, i32
  }
  func.func @transform_8(%arg0: i32) -> (i32, i32) {
    %c0_i32 = arith.constant 0 : i32
    %c0_i32_0 = arith.constant 0 : i32
    %c0_i32_1 = arith.constant 0 : i32
    return %c0_i32, %c0_i32_0 : i32, i32
  }
  func.func @transform_9(%arg0: i32) -> (i32, i32) {
    %c0_i32 = arith.constant 0 : i32
    %c0_i32_0 = arith.constant 0 : i32
    %c0_i32_1 = arith.constant 0 : i32
    return %c0_i32, %c0_i32_0 : i32, i32
  }
  func.func @transform_10(%arg0: i32) -> (i32, i32) {
    %c0_i32 = arith.constant 0 : i32
    %c0_i32_0 = arith.constant 0 : i32
    return %arg0, %c0_i32 : i32, i32
  }
}

module attributes {stable_mosaic.version = 14 : i64} {
  func.func @_tx_cm_body(%arg0: i32, %arg1: i32, %arg2: memref<1x512x16xf32, #tpu.memory_space<vmem>>, %arg3: memref<128x128xf32, #tpu.memory_space<vmem>>, %arg4: memref<1x16x512xf32, #tpu.memory_space<vmem>>) attributes {dimension_semantics = [#tpu.dimension_semantics<arbitrary>, #tpu.dimension_semantics<arbitrary>], iteration_bounds = array<i64: 3, 392>, scalar_prefetch = 0 : i64, scratch_operands = 0 : i64, tpu.core_type = #tpu.core_type<tc>, window_params = [{transform_indices = @transform_0, window_bounds = array<i64: 1, 512, 16>}, {pipeline_mode = #tpu.pipeline_mode<synchronous>, transform_indices = @transform_1, window_bounds = array<i64: 128, 128>}, {transform_indices = @transform_2, window_bounds = array<i64: 1, 16, 512>}]} {
    %get3A = arith.constant 0 : index
    %get3A_0 = arith.constant 0 : index
    %get3A_1 = arith.constant 0 : index
    %get3A_2 = vector.load %arg2[%get3A, %get3A_0, %get3A_1] : memref<1x512x16xf32, #tpu.memory_space<vmem>>, vector<1x128x16xf32>
    %get3A_3 = vector.shape_cast %get3A_2 : vector<1x128x16xf32> to vector<128x16xf32>
    %get3A_4 = arith.constant 0 : index
    %get3A_5 = arith.constant 0 : index
    %get3A_6 = vector.load %arg3[%get3A_4, %get3A_5] : memref<128x128xf32, #tpu.memory_space<vmem>>, vector<128x128xf32>
    %dot_general3A = arith.constant dense<0.000000e+00> : vector<16x128xf32>
    %dot_general3A_7 = tpu.matmul %get3A_3, %get3A_6, %dot_general3A {dimension_numbers = #tpu.dot_dimension_numbers<[0], [0], [1], [1], [0, 1, 1, 1], [], []>, precision = #tpu.contract_precision<fp32>, transpose_lhs_hint = false} : vector<128x16xf32>, vector<128x128xf32>, vector<16x128xf32> -> vector<16x128xf32>
    %swap3A = arith.constant 0 : index
    %swap3A_8 = arith.constant 0 : index
    %swap3A_9 = arith.constant 0 : index
    %swap3A_10 = vector.load %arg4[%swap3A, %swap3A_8, %swap3A_9] : memref<1x16x512xf32, #tpu.memory_space<vmem>>, vector<1x16x128xf32>
    %swap3A_11 = vector.shape_cast %swap3A_10 : vector<1x16x128xf32> to vector<16x128xf32>
    %swap3A_12 = vector.shape_cast %dot_general3A_7 : vector<16x128xf32> to vector<1x16x128xf32>
    tpu.vector_store %arg4[%swap3A, %swap3A_8, %swap3A_9], %swap3A_12 {strides = array<i32>} : memref<1x16x512xf32, #tpu.memory_space<vmem>>, vector<1x16x128xf32>,
    %get3A_13 = arith.constant 0 : index
    %get3A_14 = arith.constant 128 : index
    %get3A_15 = arith.constant 0 : index
    %get3A_16 = vector.load %arg2[%get3A_13, %get3A_14, %get3A_15] : memref<1x512x16xf32, #tpu.memory_space<vmem>>, vector<1x128x16xf32>
    %get3A_17 = vector.shape_cast %get3A_16 : vector<1x128x16xf32> to vector<128x16xf32>
    %get3A_18 = arith.constant 0 : index
    %get3A_19 = arith.constant 0 : index
    %get3A_20 = vector.load %arg3[%get3A_18, %get3A_19] : memref<128x128xf32, #tpu.memory_space<vmem>>, vector<128x128xf32>
    %dot_general3A_21 = arith.constant dense<0.000000e+00> : vector<16x128xf32>
    %dot_general3A_22 = tpu.matmul %get3A_17, %get3A_20, %dot_general3A_21 {dimension_numbers = #tpu.dot_dimension_numbers<[0], [0], [1], [1], [0, 1, 1, 1], [], []>, precision = #tpu.contract_precision<fp32>, transpose_lhs_hint = false} : vector<128x16xf32>, vector<128x128xf32>, vector<16x128xf32> -> vector<16x128xf32>
    %swap3A_23 = arith.constant 0 : index
    %swap3A_24 = arith.constant 0 : index
    %swap3A_25 = arith.constant 128 : index
    %swap3A_26 = vector.load %arg4[%swap3A_23, %swap3A_24, %swap3A_25] : memref<1x16x512xf32, #tpu.memory_space<vmem>>, vector<1x16x128xf32>
    %swap3A_27 = vector.shape_cast %swap3A_26 : vector<1x16x128xf32> to vector<16x128xf32>
    %swap3A_28 = vector.shape_cast %dot_general3A_22 : vector<16x128xf32> to vector<1x16x128xf32>
    tpu.vector_store %arg4[%swap3A_23, %swap3A_24, %swap3A_25], %swap3A_28 {strides = array<i32>} : memref<1x16x512xf32, #tpu.memory_space<vmem>>, vector<1x16x128xf32>,
    %get3A_29 = arith.constant 0 : index
    %get3A_30 = arith.constant 256 : index
    %get3A_31 = arith.constant 0 : index
    %get3A_32 = vector.load %arg2[%get3A_29, %get3A_30, %get3A_31] : memref<1x512x16xf32, #tpu.memory_space<vmem>>, vector<1x128x16xf32>
    %get3A_33 = vector.shape_cast %get3A_32 : vector<1x128x16xf32> to vector<128x16xf32>
    %get3A_34 = arith.constant 0 : index
    %get3A_35 = arith.constant 0 : index
    %get3A_36 = vector.load %arg3[%get3A_34, %get3A_35] : memref<128x128xf32, #tpu.memory_space<vmem>>, vector<128x128xf32>
    %dot_general3A_37 = arith.constant dense<0.000000e+00> : vector<16x128xf32>
    %dot_general3A_38 = tpu.matmul %get3A_33, %get3A_36, %dot_general3A_37 {dimension_numbers = #tpu.dot_dimension_numbers<[0], [0], [1], [1], [0, 1, 1, 1], [], []>, precision = #tpu.contract_precision<fp32>, transpose_lhs_hint = false} : vector<128x16xf32>, vector<128x128xf32>, vector<16x128xf32> -> vector<16x128xf32>
    %swap3A_39 = arith.constant 0 : index
    %swap3A_40 = arith.constant 0 : index
    %swap3A_41 = arith.constant 256 : index
    %swap3A_42 = vector.load %arg4[%swap3A_39, %swap3A_40, %swap3A_41] : memref<1x16x512xf32, #tpu.memory_space<vmem>>, vector<1x16x128xf32>
    %swap3A_43 = vector.shape_cast %swap3A_42 : vector<1x16x128xf32> to vector<16x128xf32>
    %swap3A_44 = vector.shape_cast %dot_general3A_38 : vector<16x128xf32> to vector<1x16x128xf32>
    tpu.vector_store %arg4[%swap3A_39, %swap3A_40, %swap3A_41], %swap3A_44 {strides = array<i32>} : memref<1x16x512xf32, #tpu.memory_space<vmem>>, vector<1x16x128xf32>,
    %get3A_45 = arith.constant 0 : index
    %get3A_46 = arith.constant 384 : index
    %get3A_47 = arith.constant 0 : index
    %get3A_48 = vector.load %arg2[%get3A_45, %get3A_46, %get3A_47] : memref<1x512x16xf32, #tpu.memory_space<vmem>>, vector<1x128x16xf32>
    %get3A_49 = vector.shape_cast %get3A_48 : vector<1x128x16xf32> to vector<128x16xf32>
    %get3A_50 = arith.constant 0 : index
    %get3A_51 = arith.constant 0 : index
    %get3A_52 = vector.load %arg3[%get3A_50, %get3A_51] : memref<128x128xf32, #tpu.memory_space<vmem>>, vector<128x128xf32>
    %dot_general3A_53 = arith.constant dense<0.000000e+00> : vector<16x128xf32>
    %dot_general3A_54 = tpu.matmul %get3A_49, %get3A_52, %dot_general3A_53 {dimension_numbers = #tpu.dot_dimension_numbers<[0], [0], [1], [1], [0, 1, 1, 1], [], []>, precision = #tpu.contract_precision<fp32>, transpose_lhs_hint = false} : vector<128x16xf32>, vector<128x128xf32>, vector<16x128xf32> -> vector<16x128xf32>
    %swap3A_55 = arith.constant 0 : index
    %swap3A_56 = arith.constant 0 : index
    %swap3A_57 = arith.constant 384 : index
    %swap3A_58 = vector.load %arg4[%swap3A_55, %swap3A_56, %swap3A_57] : memref<1x16x512xf32, #tpu.memory_space<vmem>>, vector<1x16x128xf32>
    %swap3A_59 = vector.shape_cast %swap3A_58 : vector<1x16x128xf32> to vector<16x128xf32>
    %swap3A_60 = vector.shape_cast %dot_general3A_54 : vector<16x128xf32> to vector<1x16x128xf32>
    tpu.vector_store %arg4[%swap3A_55, %swap3A_56, %swap3A_57], %swap3A_60 {strides = array<i32>} : memref<1x16x512xf32, #tpu.memory_space<vmem>>, vector<1x16x128xf32>,
    return
  }
  func.func @transform_0(%arg0: i32, %arg1: i32) -> (i32, i32, i32) {
    %c0_i32 = arith.constant 0 : i32
    %c0_i32_0 = arith.constant 0 : i32
    return %arg0, %arg1, %c0_i32 : i32, i32, i32
  }
  func.func @transform_1(%arg0: i32, %arg1: i32) -> (i32, i32) {
    %c0_i32 = arith.constant 0 : i32
    %c0_i32_0 = arith.constant 0 : i32
    %c0_i32_1 = arith.constant 0 : i32
    return %c0_i32, %c0_i32_0 : i32, i32
  }
  func.func @transform_2(%arg0: i32, %arg1: i32) -> (i32, i32, i32) {
    %c0_i32 = arith.constant 0 : i32
    %c0_i32_0 = arith.constant 0 : i32
    return %arg0, %c0_i32, %arg1 : i32, i32, i32
  }
}

module attributes {stable_mosaic.version = 14 : i64} {
  func.func @_rmlp_body(%arg0: i32, %arg1: memref<1024x384xf32, #tpu.memory_space<vmem>>, %arg2: memref<384x256xf32, #tpu.memory_space<vmem>>, %arg3: memref<1x256xf32, #tpu.memory_space<vmem>>, %arg4: memref<256x512xf32, #tpu.memory_space<vmem>>, %arg5: memref<1x512xf32, #tpu.memory_space<vmem>>, %arg6: memref<512x256xf32, #tpu.memory_space<vmem>>, %arg7: memref<1x256xf32, #tpu.memory_space<vmem>>, %arg8: memref<256x128xf32, #tpu.memory_space<vmem>>, %arg9: memref<1x128xf32, #tpu.memory_space<vmem>>, %arg10: memref<128x64xf32, #tpu.memory_space<vmem>>, %arg11: memref<1x64xf32, #tpu.memory_space<vmem>>, %arg12: memref<64x16xf32, #tpu.memory_space<vmem>>, %arg13: memref<16x1xf32, #tpu.memory_space<vmem>>, %arg14: memref<16x1024xf32, #tpu.memory_space<vmem>>) attributes {dimension_semantics = [#tpu.dimension_semantics<arbitrary>], iteration_bounds = array<i64: 196>, scalar_prefetch = 0 : i64, scratch_operands = 0 : i64, tpu.core_type = #tpu.core_type<tc>, window_params = [{transform_indices = @transform_0, window_bounds = array<i64: 1024, 384>}, {pipeline_mode = #tpu.pipeline_mode<synchronous>, transform_indices = @transform_1, window_bounds = array<i64: 384, 256>}, {pipeline_mode = #tpu.pipeline_mode<synchronous>, transform_indices = @transform_2, window_bounds = array<i64: 1, 256>}, {pipeline_mode = #tpu.pipeline_mode<synchronous>, transform_indices = @transform_3, window_bounds = array<i64: 256, 512>}, {pipeline_mode = #tpu.pipeline_mode<synchronous>, transform_indices = @transform_4, window_bounds = array<i64: 1, 512>}, {pipeline_mode = #tpu.pipeline_mode<synchronous>, transform_indices = @transform_5, window_bounds = array<i64: 512, 256>}, {pipeline_mode = #tpu.pipeline_mode<synchronous>, transform_indices = @transform_6, window_bounds = array<i64: 1, 256>}, {pipeline_mode = #tpu.pipeline_mode<synchronous>, transform_indices = @transform_7, window_bounds = array<i64: 256, 128>}, {pipeline_mode = #tpu.pipeline_mode<synchronous>, transform_indices = @transform_8, window_bounds = array<i64: 1, 128>}, {pipeline_mode = #tpu.pipeline_mode<synchronous>, transform_indices = @transform_9, window_bounds = array<i64: 128, 64>}, {pipeline_mode = #tpu.pipeline_mode<synchronous>, transform_indices = @transform_10, window_bounds = array<i64: 1, 64>}, {pipeline_mode = #tpu.pipeline_mode<synchronous>, transform_indices = @transform_11, window_bounds = array<i64: 64, 16>}, {pipeline_mode = #tpu.pipeline_mode<synchronous>, transform_indices = @transform_12, window_bounds = array<i64: 16, 1>}, {transform_indices = @transform_13, window_bounds = array<i64: 16, 1024>}]} {
    %get3A = arith.constant 0 : index
    %get3A_0 = arith.constant 0 : index
    %get3A_1 = vector.load %arg1[%get3A, %get3A_0] : memref<1024x384xf32, #tpu.memory_space<vmem>>, vector<1024x384xf32>
    %get3A_2 = arith.constant 0 : index
    %get3A_3 = arith.constant 0 : index
    %get3A_4 = vector.load %arg2[%get3A_2, %get3A_3] : memref<384x256xf32, #tpu.memory_space<vmem>>, vector<384x256xf32>
    %dot_general3A = arith.constant dense<0.000000e+00> : vector<1024x256xf32>
    %dot_general3A_5 = tpu.matmul %get3A_1, %get3A_4, %dot_general3A {dimension_numbers = #tpu.dot_dimension_numbers<[1], [0], [0], [1], [0, 0, 1, 1], [], []>, transpose_lhs_hint = false} : vector<1024x384xf32>, vector<384x256xf32>, vector<1024x256xf32> -> vector<1024x256xf32>
    %get3A_6 = arith.constant 0 : index
    %get3A_7 = arith.constant 0 : index
    %get3A_8 = vector.load %arg3[%get3A_6, %get3A_7] : memref<1x256xf32, #tpu.memory_space<vmem>>, vector<1x256xf32>
    %add3A = vector.broadcast %get3A_8 : vector<1x256xf32> to vector<1024x256xf32>
    %add3A_9 = arith.addf %dot_general3A_5, %add3A : vector<1024x256xf32>
    %max3A = arith.constant 0.000000e+00 : f32
    %max3A_10 = vector.broadcast %max3A : f32 to vector<1024x256xf32>
    %max3A_11 = arith.maximumf %add3A_9, %max3A_10 : vector<1024x256xf32>
    %get3A_12 = arith.constant 0 : index
    %get3A_13 = arith.constant 0 : index
    %get3A_14 = vector.load %arg4[%get3A_12, %get3A_13] : memref<256x512xf32, #tpu.memory_space<vmem>>, vector<256x512xf32>
    %dot_general3A_15 = arith.constant dense<0.000000e+00> : vector<1024x512xf32>
    %dot_general3A_16 = tpu.matmul %max3A_11, %get3A_14, %dot_general3A_15 {dimension_numbers = #tpu.dot_dimension_numbers<[1], [0], [0], [1], [0, 0, 1, 1], [], []>, transpose_lhs_hint = false} : vector<1024x256xf32>, vector<256x512xf32>, vector<1024x512xf32> -> vector<1024x512xf32>
    %get3A_17 = arith.constant 0 : index
    %get3A_18 = arith.constant 0 : index
    %get3A_19 = vector.load %arg5[%get3A_17, %get3A_18] : memref<1x512xf32, #tpu.memory_space<vmem>>, vector<1x512xf32>
    %add3A_20 = vector.broadcast %get3A_19 : vector<1x512xf32> to vector<1024x512xf32>
    %add3A_21 = arith.addf %dot_general3A_16, %add3A_20 : vector<1024x512xf32>
    %max3A_22 = arith.constant 0.000000e+00 : f32
    %max3A_23 = vector.broadcast %max3A_22 : f32 to vector<1024x512xf32>
    %max3A_24 = arith.maximumf %add3A_21, %max3A_23 : vector<1024x512xf32>
    %get3A_25 = arith.constant 0 : index
    %get3A_26 = arith.constant 0 : index
    %get3A_27 = vector.load %arg6[%get3A_25, %get3A_26] : memref<512x256xf32, #tpu.memory_space<vmem>>, vector<512x256xf32>
    %dot_general3A_28 = arith.constant dense<0.000000e+00> : vector<1024x256xf32>
    %dot_general3A_29 = tpu.matmul %max3A_24, %get3A_27, %dot_general3A_28 {dimension_numbers = #tpu.dot_dimension_numbers<[1], [0], [0], [1], [0, 0, 1, 1], [], []>, transpose_lhs_hint = false} : vector<1024x512xf32>, vector<512x256xf32>, vector<1024x256xf32> -> vector<1024x256xf32>
    %get3A_30 = arith.constant 0 : index
    %get3A_31 = arith.constant 0 : index
    %get3A_32 = vector.load %arg7[%get3A_30, %get3A_31] : memref<1x256xf32, #tpu.memory_space<vmem>>, vector<1x256xf32>
    %add3A_33 = vector.broadcast %get3A_32 : vector<1x256xf32> to vector<1024x256xf32>
    %add3A_34 = arith.addf %dot_general3A_29, %add3A_33 : vector<1024x256xf32>
    %max3A_35 = arith.constant 0.000000e+00 : f32
    %max3A_36 = vector.broadcast %max3A_35 : f32 to vector<1024x256xf32>
    %max3A_37 = arith.maximumf %add3A_34, %max3A_36 : vector<1024x256xf32>
    %get3A_38 = arith.constant 0 : index
    %get3A_39 = arith.constant 0 : index
    %get3A_40 = vector.load %arg8[%get3A_38, %get3A_39] : memref<256x128xf32, #tpu.memory_space<vmem>>, vector<256x128xf32>
    %dot_general3A_41 = arith.constant dense<0.000000e+00> : vector<1024x128xf32>
    %dot_general3A_42 = tpu.matmul %max3A_37, %get3A_40, %dot_general3A_41 {dimension_numbers = #tpu.dot_dimension_numbers<[1], [0], [0], [1], [0, 0, 1, 1], [], []>, transpose_lhs_hint = false} : vector<1024x256xf32>, vector<256x128xf32>, vector<1024x128xf32> -> vector<1024x128xf32>
    %get3A_43 = arith.constant 0 : index
    %get3A_44 = arith.constant 0 : index
    %get3A_45 = vector.load %arg9[%get3A_43, %get3A_44] : memref<1x128xf32, #tpu.memory_space<vmem>>, vector<1x128xf32>
    %add3A_46 = vector.broadcast %get3A_45 : vector<1x128xf32> to vector<1024x128xf32>
    %add3A_47 = arith.addf %dot_general3A_42, %add3A_46 : vector<1024x128xf32>
    %max3A_48 = arith.constant 0.000000e+00 : f32
    %max3A_49 = vector.broadcast %max3A_48 : f32 to vector<1024x128xf32>
    %max3A_50 = arith.maximumf %add3A_47, %max3A_49 : vector<1024x128xf32>
    %get3A_51 = arith.constant 0 : index
    %get3A_52 = arith.constant 0 : index
    %get3A_53 = vector.load %arg10[%get3A_51, %get3A_52] : memref<128x64xf32, #tpu.memory_space<vmem>>, vector<128x64xf32>
    %dot_general3A_54 = arith.constant dense<0.000000e+00> : vector<1024x64xf32>
    %dot_general3A_55 = tpu.matmul %max3A_50, %get3A_53, %dot_general3A_54 {dimension_numbers = #tpu.dot_dimension_numbers<[1], [0], [0], [1], [0, 0, 1, 1], [], []>, transpose_lhs_hint = false} : vector<1024x128xf32>, vector<128x64xf32>, vector<1024x64xf32> -> vector<1024x64xf32>
    %get3A_56 = arith.constant 0 : index
    %get3A_57 = arith.constant 0 : index
    %get3A_58 = vector.load %arg11[%get3A_56, %get3A_57] : memref<1x64xf32, #tpu.memory_space<vmem>>, vector<1x64xf32>
    %add3A_59 = vector.broadcast %get3A_58 : vector<1x64xf32> to vector<1024x64xf32>
    %add3A_60 = arith.addf %dot_general3A_55, %add3A_59 : vector<1024x64xf32>
    %max3A_61 = arith.constant 0.000000e+00 : f32
    %max3A_62 = vector.broadcast %max3A_61 : f32 to vector<1024x64xf32>
    %max3A_63 = arith.maximumf %add3A_60, %max3A_62 : vector<1024x64xf32>
    %get3A_64 = arith.constant 0 : index
    %get3A_65 = arith.constant 0 : index
    %get3A_66 = vector.load %arg12[%get3A_64, %get3A_65] : memref<64x16xf32, #tpu.memory_space<vmem>>, vector<64x16xf32>
    %dot_general3A_67 = arith.constant dense<0.000000e+00> : vector<16x1024xf32>
    %dot_general3A_68 = tpu.matmul %get3A_66, %max3A_63, %dot_general3A_67 {dimension_numbers = #tpu.dot_dimension_numbers<[0], [1], [1], [0], [0, 1, 1, 0], [], []>, transpose_lhs_hint = false} : vector<64x16xf32>, vector<1024x64xf32>, vector<16x1024xf32> -> vector<16x1024xf32>
    %get3A_69 = arith.constant 0 : index
    %get3A_70 = arith.constant 0 : index
    %get3A_71 = vector.load %arg13[%get3A_69, %get3A_70] : memref<16x1xf32, #tpu.memory_space<vmem>>, vector<16x1xf32>
    %add3A_72 = vector.broadcast %get3A_71 : vector<16x1xf32> to vector<16x1024xf32>
    %add3A_73 = arith.addf %dot_general3A_68, %add3A_72 : vector<16x1024xf32>
    %swap3A = arith.constant 0 : index
    %swap3A_74 = arith.constant 0 : index
    %swap3A_75 = vector.load %arg14[%swap3A, %swap3A_74] : memref<16x1024xf32, #tpu.memory_space<vmem>>, vector<16x1024xf32>
    tpu.vector_store %arg14[%swap3A, %swap3A_74], %add3A_73 {strides = array<i32>} : memref<16x1024xf32, #tpu.memory_space<vmem>>, vector<16x1024xf32>,
    return
  }
  func.func @transform_0(%arg0: i32) -> (i32, i32) {
    %c0_i32 = arith.constant 0 : i32
    %c0_i32_0 = arith.constant 0 : i32
    return %arg0, %c0_i32 : i32, i32
  }
  func.func @transform_1(%arg0: i32) -> (i32, i32) {
    %c0_i32 = arith.constant 0 : i32
    %c0_i32_0 = arith.constant 0 : i32
    %c0_i32_1 = arith.constant 0 : i32
    return %c0_i32, %c0_i32_0 : i32, i32
  }
  func.func @transform_2(%arg0: i32) -> (i32, i32) {
    %c0_i32 = arith.constant 0 : i32
    %c0_i32_0 = arith.constant 0 : i32
    %c0_i32_1 = arith.constant 0 : i32
    return %c0_i32, %c0_i32_0 : i32, i32
  }
  func.func @transform_3(%arg0: i32) -> (i32, i32) {
    %c0_i32 = arith.constant 0 : i32
    %c0_i32_0 = arith.constant 0 : i32
    %c0_i32_1 = arith.constant 0 : i32
    return %c0_i32, %c0_i32_0 : i32, i32
  }
  func.func @transform_4(%arg0: i32) -> (i32, i32) {
    %c0_i32 = arith.constant 0 : i32
    %c0_i32_0 = arith.constant 0 : i32
    %c0_i32_1 = arith.constant 0 : i32
    return %c0_i32, %c0_i32_0 : i32, i32
  }
  func.func @transform_5(%arg0: i32) -> (i32, i32) {
    %c0_i32 = arith.constant 0 : i32
    %c0_i32_0 = arith.constant 0 : i32
    %c0_i32_1 = arith.constant 0 : i32
    return %c0_i32, %c0_i32_0 : i32, i32
  }
  func.func @transform_6(%arg0: i32) -> (i32, i32) {
    %c0_i32 = arith.constant 0 : i32
    %c0_i32_0 = arith.constant 0 : i32
    %c0_i32_1 = arith.constant 0 : i32
    return %c0_i32, %c0_i32_0 : i32, i32
  }
  func.func @transform_7(%arg0: i32) -> (i32, i32) {
    %c0_i32 = arith.constant 0 : i32
    %c0_i32_0 = arith.constant 0 : i32
    %c0_i32_1 = arith.constant 0 : i32
    return %c0_i32, %c0_i32_0 : i32, i32
  }
  func.func @transform_8(%arg0: i32) -> (i32, i32) {
    %c0_i32 = arith.constant 0 : i32
    %c0_i32_0 = arith.constant 0 : i32
    %c0_i32_1 = arith.constant 0 : i32
    return %c0_i32, %c0_i32_0 : i32, i32
  }
  func.func @transform_9(%arg0: i32) -> (i32, i32) {
    %c0_i32 = arith.constant 0 : i32
    %c0_i32_0 = arith.constant 0 : i32
    %c0_i32_1 = arith.constant 0 : i32
    return %c0_i32, %c0_i32_0 : i32, i32
  }
  func.func @transform_10(%arg0: i32) -> (i32, i32) {
    %c0_i32 = arith.constant 0 : i32
    %c0_i32_0 = arith.constant 0 : i32
    %c0_i32_1 = arith.constant 0 : i32
    return %c0_i32, %c0_i32_0 : i32, i32
  }
  func.func @transform_11(%arg0: i32) -> (i32, i32) {
    %c0_i32 = arith.constant 0 : i32
    %c0_i32_0 = arith.constant 0 : i32
    %c0_i32_1 = arith.constant 0 : i32
    return %c0_i32, %c0_i32_0 : i32, i32
  }
  func.func @transform_12(%arg0: i32) -> (i32, i32) {
    %c0_i32 = arith.constant 0 : i32
    %c0_i32_0 = arith.constant 0 : i32
    %c0_i32_1 = arith.constant 0 : i32
    return %c0_i32, %c0_i32_0 : i32, i32
  }
  func.func @transform_13(%arg0: i32) -> (i32, i32) {
    %c0_i32 = arith.constant 0 : i32
    %c0_i32_0 = arith.constant 0 : i32
    return %c0_i32, %arg0 : i32, i32
  }
}

module attributes {stable_mosaic.version = 14 : i64} {
  func.func @_proc_body(%arg0: i32, %arg1: memref<16x8x128xf32, #tpu.memory_space<vmem>>, %arg2: memref<3x16x8x128xf32, #tpu.memory_space<vmem>>, %arg3: memref<16x8x128xf32, #tpu.memory_space<vmem>>, %arg4: memref<16x8x128xf32, #tpu.memory_space<vmem>>, %arg5: memref<12x8x128xf32, #tpu.memory_space<vmem>>) attributes {dimension_semantics = [#tpu.dimension_semantics<arbitrary>], iteration_bounds = array<i64: 196>, scalar_prefetch = 0 : i64, scratch_operands = 0 : i64, tpu.core_type = #tpu.core_type<tc>, window_params = [{transform_indices = @transform_0, window_bounds = array<i64: 16, 8, 128>}, {transform_indices = @transform_1, window_bounds = array<i64: 3, 16, 8, 128>}, {transform_indices = @transform_2, window_bounds = array<i64: 16, 8, 128>}, {transform_indices = @transform_3, window_bounds = array<i64: 16, 8, 128>}, {transform_indices = @transform_4, window_bounds = array<i64: 12, 8, 128>}]} {
    %get3A = arith.constant 0 : index
    %get3A_0 = arith.constant 0 : index
    %get3A_1 = arith.constant 0 : index
    %get3A_2 = vector.load %arg1[%get3A, %get3A_0, %get3A_1] : memref<16x8x128xf32, #tpu.memory_space<vmem>>, vector<1x8x128xf32>
    %get3A_3 = vector.shape_cast %get3A_2 : vector<1x8x128xf32> to vector<8x128xf32>
    %get3A_4 = arith.constant 1 : index
    %get3A_5 = arith.constant 0 : index
    %get3A_6 = arith.constant 0 : index
    %get3A_7 = vector.load %arg1[%get3A_4, %get3A_5, %get3A_6] : memref<16x8x128xf32, #tpu.memory_space<vmem>>, vector<1x8x128xf32>
    %get3A_8 = vector.shape_cast %get3A_7 : vector<1x8x128xf32> to vector<8x128xf32>
    %get3A_9 = arith.constant 2 : index
    %get3A_10 = arith.constant 0 : index
    %get3A_11 = arith.constant 0 : index
    %get3A_12 = vector.load %arg1[%get3A_9, %get3A_10, %get3A_11] : memref<16x8x128xf32, #tpu.memory_space<vmem>>, vector<1x8x128xf32>
    %get3A_13 = vector.shape_cast %get3A_12 : vector<1x8x128xf32> to vector<8x128xf32>
    %get3A_14 = arith.constant 3 : index
    %get3A_15 = arith.constant 0 : index
    %get3A_16 = arith.constant 0 : index
    %get3A_17 = vector.load %arg1[%get3A_14, %get3A_15, %get3A_16] : memref<16x8x128xf32, #tpu.memory_space<vmem>>, vector<1x8x128xf32>
    %get3A_18 = vector.shape_cast %get3A_17 : vector<1x8x128xf32> to vector<8x128xf32>
    %get3A_19 = arith.constant 4 : index
    %get3A_20 = arith.constant 0 : index
    %get3A_21 = arith.constant 0 : index
    %get3A_22 = vector.load %arg1[%get3A_19, %get3A_20, %get3A_21] : memref<16x8x128xf32, #tpu.memory_space<vmem>>, vector<1x8x128xf32>
    %get3A_23 = vector.shape_cast %get3A_22 : vector<1x8x128xf32> to vector<8x128xf32>
    %get3A_24 = arith.constant 5 : index
    %get3A_25 = arith.constant 0 : index
    %get3A_26 = arith.constant 0 : index
    %get3A_27 = vector.load %arg1[%get3A_24, %get3A_25, %get3A_26] : memref<16x8x128xf32, #tpu.memory_space<vmem>>, vector<1x8x128xf32>
    %get3A_28 = vector.shape_cast %get3A_27 : vector<1x8x128xf32> to vector<8x128xf32>
    %get3A_29 = arith.constant 6 : index
    %get3A_30 = arith.constant 0 : index
    %get3A_31 = arith.constant 0 : index
    %get3A_32 = vector.load %arg1[%get3A_29, %get3A_30, %get3A_31] : memref<16x8x128xf32, #tpu.memory_space<vmem>>, vector<1x8x128xf32>
    %get3A_33 = vector.shape_cast %get3A_32 : vector<1x8x128xf32> to vector<8x128xf32>
    %get3A_34 = arith.constant 7 : index
    %get3A_35 = arith.constant 0 : index
    %get3A_36 = arith.constant 0 : index
    %get3A_37 = vector.load %arg1[%get3A_34, %get3A_35, %get3A_36] : memref<16x8x128xf32, #tpu.memory_space<vmem>>, vector<1x8x128xf32>
    %get3A_38 = vector.shape_cast %get3A_37 : vector<1x8x128xf32> to vector<8x128xf32>
    %get3A_39 = arith.constant 8 : index
    %get3A_40 = arith.constant 0 : index
    %get3A_41 = arith.constant 0 : index
    %get3A_42 = vector.load %arg1[%get3A_39, %get3A_40, %get3A_41] : memref<16x8x128xf32, #tpu.memory_space<vmem>>, vector<1x8x128xf32>
    %get3A_43 = vector.shape_cast %get3A_42 : vector<1x8x128xf32> to vector<8x128xf32>
    %get3A_44 = arith.constant 9 : index
    %get3A_45 = arith.constant 0 : index
    %get3A_46 = arith.constant 0 : index
    %get3A_47 = vector.load %arg1[%get3A_44, %get3A_45, %get3A_46] : memref<16x8x128xf32, #tpu.memory_space<vmem>>, vector<1x8x128xf32>
    %get3A_48 = vector.shape_cast %get3A_47 : vector<1x8x128xf32> to vector<8x128xf32>
    %get3A_49 = arith.constant 10 : index
    %get3A_50 = arith.constant 0 : index
    %get3A_51 = arith.constant 0 : index
    %get3A_52 = vector.load %arg1[%get3A_49, %get3A_50, %get3A_51] : memref<16x8x128xf32, #tpu.memory_space<vmem>>, vector<1x8x128xf32>
    %get3A_53 = vector.shape_cast %get3A_52 : vector<1x8x128xf32> to vector<8x128xf32>
    %get3A_54 = arith.constant 11 : index
    %get3A_55 = arith.constant 0 : index
    %get3A_56 = arith.constant 0 : index
    %get3A_57 = vector.load %arg1[%get3A_54, %get3A_55, %get3A_56] : memref<16x8x128xf32, #tpu.memory_space<vmem>>, vector<1x8x128xf32>
    %get3A_58 = vector.shape_cast %get3A_57 : vector<1x8x128xf32> to vector<8x128xf32>
    %mul3A = arith.mulf %get3A_3, %get3A_3 : vector<8x128xf32>
    %mul3A_59 = arith.mulf %get3A_8, %get3A_8 : vector<8x128xf32>
    %add3A = arith.addf %mul3A, %mul3A_59 : vector<8x128xf32>
    %mul3A_60 = arith.mulf %get3A_13, %get3A_13 : vector<8x128xf32>
    %add3A_61 = arith.addf %add3A, %mul3A_60 : vector<8x128xf32>
    %mul3A_62 = arith.mulf %get3A_18, %get3A_18 : vector<8x128xf32>
    %add3A_63 = arith.addf %add3A_61, %mul3A_62 : vector<8x128xf32>
    %mul3A_64 = arith.mulf %get3A_23, %get3A_23 : vector<8x128xf32>
    %add3A_65 = arith.addf %add3A_63, %mul3A_64 : vector<8x128xf32>
    %mul3A_66 = arith.mulf %get3A_28, %get3A_28 : vector<8x128xf32>
    %add3A_67 = arith.addf %add3A_65, %mul3A_66 : vector<8x128xf32>
    %mul3A_68 = arith.mulf %get3A_33, %get3A_33 : vector<8x128xf32>
    %add3A_69 = arith.addf %add3A_67, %mul3A_68 : vector<8x128xf32>
    %mul3A_70 = arith.mulf %get3A_38, %get3A_38 : vector<8x128xf32>
    %add3A_71 = arith.addf %add3A_69, %mul3A_70 : vector<8x128xf32>
    %mul3A_72 = arith.mulf %get3A_43, %get3A_43 : vector<8x128xf32>
    %add3A_73 = arith.addf %add3A_71, %mul3A_72 : vector<8x128xf32>
    %mul3A_74 = arith.constant 3.000000e+00 : f32
    %mul3A_75 = vector.broadcast %mul3A_74 : f32 to vector<8x128xf32>
    %mul3A_76 = arith.mulf %mul3A_75, %add3A_73 : vector<8x128xf32>
    %sqrt3A = math.sqrt %mul3A_76 : vector<8x128xf32>
    %add3A_77 = arith.addf %get3A_3, %get3A_23 : vector<8x128xf32>
    %add3A_78 = arith.addf %add3A_77, %get3A_43 : vector<8x128xf32>
    %sub3A = arith.subf %get3A_38, %get3A_28 : vector<8x128xf32>
    %sub3A_79 = arith.subf %get3A_13, %get3A_33 : vector<8x128xf32>
    %sub3A_80 = arith.subf %get3A_18, %get3A_8 : vector<8x128xf32>
    %sub3A_81 = arith.subf %get3A_3, %get3A_23 : vector<8x128xf32>
    %sub3A_82 = arith.subf %sub3A_81, %get3A_43 : vector<8x128xf32>
    %add3A_83 = arith.addf %get3A_8, %get3A_18 : vector<8x128xf32>
    %add3A_84 = arith.addf %get3A_13, %get3A_33 : vector<8x128xf32>
    %sub3A_85 = arith.subf %get3A_23, %get3A_3 : vector<8x128xf32>
    %sub3A_86 = arith.subf %sub3A_85, %get3A_43 : vector<8x128xf32>
    %add3A_87 = arith.addf %get3A_28, %get3A_38 : vector<8x128xf32>
    %sub3A_88 = arith.subf %get3A_43, %get3A_3 : vector<8x128xf32>
    %sub3A_89 = arith.subf %sub3A_88, %get3A_23 : vector<8x128xf32>
    %mul3A_90 = arith.constant 4.000000e+00 : f32
    %mul3A_91 = vector.broadcast %mul3A_90 : f32 to vector<8x128xf32>
    %mul3A_92 = arith.mulf %mul3A_91, %sqrt3A : vector<8x128xf32>
    %max3A = arith.constant 1.000000e-30 : f32
    %max3A_93 = vector.broadcast %max3A : f32 to vector<8x128xf32>
    %max3A_94 = arith.maximumf %mul3A_92, %max3A_93 : vector<8x128xf32>
    %div3A = arith.constant 1.000000e+00 : f32
    %div3A_95 = vector.broadcast %div3A : f32 to vector<8x128xf32>
    %div3A_96 = arith.divf %div3A_95, %max3A_94 : vector<8x128xf32>
    %add3A_97 = arith.addf %add3A_78, %sqrt3A : vector<8x128xf32>
    %add3A_98 = arith.addf %sub3A_82, %sqrt3A : vector<8x128xf32>
    %add3A_99 = arith.addf %sub3A_86, %sqrt3A : vector<8x128xf32>
    %add3A_100 = arith.addf %sub3A_89, %sqrt3A : vector<8x128xf32>
    %mul3A_101 = arith.mulf %add3A_97, %div3A_96 : vector<8x128xf32>
    %mul3A_102 = arith.mulf %sub3A, %div3A_96 : vector<8x128xf32>
    %mul3A_103 = arith.mulf %sub3A_79, %div3A_96 : vector<8x128xf32>
    %mul3A_104 = arith.mulf %sub3A_80, %div3A_96 : vector<8x128xf32>
    %mul3A_105 = arith.mulf %add3A_98, %div3A_96 : vector<8x128xf32>
    %mul3A_106 = arith.mulf %add3A_83, %div3A_96 : vector<8x128xf32>
    %mul3A_107 = arith.mulf %add3A_84, %div3A_96 : vector<8x128xf32>
    %mul3A_108 = arith.mulf %add3A_99, %div3A_96 : vector<8x128xf32>
    %mul3A_109 = arith.mulf %add3A_87, %div3A_96 : vector<8x128xf32>
    %mul3A_110 = arith.mulf %add3A_100, %div3A_96 : vector<8x128xf32>
    %mul3A_111 = arith.mulf %mul3A_101, %mul3A_101 : vector<8x128xf32>
    %mul3A_112 = arith.mulf %mul3A_102, %mul3A_102 : vector<8x128xf32>
    %add3A_113 = arith.addf %mul3A_111, %mul3A_112 : vector<8x128xf32>
    %mul3A_114 = arith.mulf %mul3A_103, %mul3A_103 : vector<8x128xf32>
    %add3A_115 = arith.addf %add3A_113, %mul3A_114 : vector<8x128xf32>
    %mul3A_116 = arith.mulf %mul3A_104, %mul3A_104 : vector<8x128xf32>
    %add3A_117 = arith.addf %add3A_115, %mul3A_116 : vector<8x128xf32>
    %mul3A_118 = arith.mulf %mul3A_101, %mul3A_102 : vector<8x128xf32>
    %mul3A_119 = arith.mulf %mul3A_102, %mul3A_105 : vector<8x128xf32>
    %add3A_120 = arith.addf %mul3A_118, %mul3A_119 : vector<8x128xf32>
    %mul3A_121 = arith.mulf %mul3A_103, %mul3A_106 : vector<8x128xf32>
    %add3A_122 = arith.addf %add3A_120, %mul3A_121 : vector<8x128xf32>
    %mul3A_123 = arith.mulf %mul3A_104, %mul3A_107 : vector<8x128xf32>
    %add3A_124 = arith.addf %add3A_122, %mul3A_123 : vector<8x128xf32>
    %mul3A_125 = arith.mulf %mul3A_101, %mul3A_103 : vector<8x128xf32>
    %mul3A_126 = arith.mulf %mul3A_102, %mul3A_106 : vector<8x128xf32>
    %add3A_127 = arith.addf %mul3A_125, %mul3A_126 : vector<8x128xf32>
    %mul3A_128 = arith.mulf %mul3A_103, %mul3A_108 : vector<8x128xf32>
    %add3A_129 = arith.addf %add3A_127, %mul3A_128 : vector<8x128xf32>
    %mul3A_130 = arith.mulf %mul3A_104, %mul3A_109 : vector<8x128xf32>
    %add3A_131 = arith.addf %add3A_129, %mul3A_130 : vector<8x128xf32>
    %mul3A_132 = arith.mulf %mul3A_101, %mul3A_104 : vector<8x128xf32>
    %mul3A_133 = arith.mulf %mul3A_102, %mul3A_107 : vector<8x128xf32>
    %add3A_134 = arith.addf %mul3A_132, %mul3A_133 : vector<8x128xf32>
    %mul3A_135 = arith.mulf %mul3A_103, %mul3A_109 : vector<8x128xf32>
    %add3A_136 = arith.addf %add3A_134, %mul3A_135 : vector<8x128xf32>
    %mul3A_137 = arith.mulf %mul3A_104, %mul3A_110 : vector<8x128xf32>
    %add3A_138 = arith.addf %add3A_136, %mul3A_137 : vector<8x128xf32>
    %mul3A_139 = arith.mulf %mul3A_102, %mul3A_102 : vector<8x128xf32>
    %mul3A_140 = arith.mulf %mul3A_105, %mul3A_105 : vector<8x128xf32>
    %add3A_141 = arith.addf %mul3A_139, %mul3A_140 : vector<8x128xf32>
    %mul3A_142 = arith.mulf %mul3A_106, %mul3A_106 : vector<8x128xf32>
    %add3A_143 = arith.addf %add3A_141, %mul3A_142 : vector<8x128xf32>
    %mul3A_144 = arith.mulf %mul3A_107, %mul3A_107 : vector<8x128xf32>
    %add3A_145 = arith.addf %add3A_143, %mul3A_144 : vector<8x128xf32>
    %mul3A_146 = arith.mulf %mul3A_102, %mul3A_103 : vector<8x128xf32>
    %mul3A_147 = arith.mulf %mul3A_105, %mul3A_106 : vector<8x128xf32>
    %add3A_148 = arith.addf %mul3A_146, %mul3A_147 : vector<8x128xf32>
    %mul3A_149 = arith.mulf %mul3A_106, %mul3A_108 : vector<8x128xf32>
    %add3A_150 = arith.addf %add3A_148, %mul3A_149 : vector<8x128xf32>
    %mul3A_151 = arith.mulf %mul3A_107, %mul3A_109 : vector<8x128xf32>
    %add3A_152 = arith.addf %add3A_150, %mul3A_151 : vector<8x128xf32>
    %mul3A_153 = arith.mulf %mul3A_102, %mul3A_104 : vector<8x128xf32>
    %mul3A_154 = arith.mulf %mul3A_105, %mul3A_107 : vector<8x128xf32>
    %add3A_155 = arith.addf %mul3A_153, %mul3A_154 : vector<8x128xf32>
    %mul3A_156 = arith.mulf %mul3A_106, %mul3A_109 : vector<8x128xf32>
    %add3A_157 = arith.addf %add3A_155, %mul3A_156 : vector<8x128xf32>
    %mul3A_158 = arith.mulf %mul3A_107, %mul3A_110 : vector<8x128xf32>
    %add3A_159 = arith.addf %add3A_157, %mul3A_158 : vector<8x128xf32>
    %mul3A_160 = arith.mulf %mul3A_103, %mul3A_103 : vector<8x128xf32>
    %mul3A_161 = arith.mulf %mul3A_106, %mul3A_106 : vector<8x128xf32>
    %add3A_162 = arith.addf %mul3A_160, %mul3A_161 : vector<8x128xf32>
    %mul3A_163 = arith.mulf %mul3A_108, %mul3A_108 : vector<8x128xf32>
    %add3A_164 = arith.addf %add3A_162, %mul3A_163 : vector<8x128xf32>
    %mul3A_165 = arith.mulf %mul3A_109, %mul3A_109 : vector<8x128xf32>
    %add3A_166 = arith.addf %add3A_164, %mul3A_165 : vector<8x128xf32>
    %mul3A_167 = arith.mulf %mul3A_103, %mul3A_104 : vector<8x128xf32>
    %mul3A_168 = arith.mulf %mul3A_106, %mul3A_107 : vector<8x128xf32>
    %add3A_169 = arith.addf %mul3A_167, %mul3A_168 : vector<8x128xf32>
    %mul3A_170 = arith.mulf %mul3A_108, %mul3A_109 : vector<8x128xf32>
    %add3A_171 = arith.addf %add3A_169, %mul3A_170 : vector<8x128xf32>
    %mul3A_172 = arith.mulf %mul3A_109, %mul3A_110 : vector<8x128xf32>
    %add3A_173 = arith.addf %add3A_171, %mul3A_172 : vector<8x128xf32>
    %mul3A_174 = arith.mulf %mul3A_104, %mul3A_104 : vector<8x128xf32>
    %mul3A_175 = arith.mulf %mul3A_107, %mul3A_107 : vector<8x128xf32>
    %add3A_176 = arith.addf %mul3A_174, %mul3A_175 : vector<8x128xf32>
    %mul3A_177 = arith.mulf %mul3A_109, %mul3A_109 : vector<8x128xf32>
    %add3A_178 = arith.addf %add3A_176, %mul3A_177 : vector<8x128xf32>
    %mul3A_179 = arith.mulf %mul3A_110, %mul3A_110 : vector<8x128xf32>
    %add3A_180 = arith.addf %add3A_178, %mul3A_179 : vector<8x128xf32>
    %add3A_181 = arith.addf %add3A_117, %add3A_145 : vector<8x128xf32>
    %add3A_182 = arith.addf %add3A_181, %add3A_166 : vector<8x128xf32>
    %add3A_183 = arith.addf %add3A_182, %add3A_180 : vector<8x128xf32>
    %max3A_184 = arith.constant 1.000000e-30 : f32
    %max3A_185 = vector.broadcast %max3A_184 : f32 to vector<8x128xf32>
    %max3A_186 = arith.maximumf %add3A_183, %max3A_185 : vector<8x128xf32>
    %div3A_187 = arith.constant 1.000000e+00 : f32
    %div3A_188 = vector.broadcast %div3A_187 : f32 to vector<8x128xf32>
    %div3A_189 = arith.divf %div3A_188, %max3A_186 : vector<8x128xf32>
    %mul3A_190 = arith.mulf %add3A_117, %div3A_189 : vector<8x128xf32>
    %mul3A_191 = arith.mulf %add3A_124, %div3A_189 : vector<8x128xf32>
    %mul3A_192 = arith.mulf %add3A_131, %div3A_189 : vector<8x128xf32>
    %mul3A_193 = arith.mulf %add3A_138, %div3A_189 : vector<8x128xf32>
    %mul3A_194 = arith.mulf %add3A_145, %div3A_189 : vector<8x128xf32>
    %mul3A_195 = arith.mulf %add3A_152, %div3A_189 : vector<8x128xf32>
    %mul3A_196 = arith.mulf %add3A_159, %div3A_189 : vector<8x128xf32>
    %mul3A_197 = arith.mulf %add3A_166, %div3A_189 : vector<8x128xf32>
    %mul3A_198 = arith.mulf %add3A_173, %div3A_189 : vector<8x128xf32>
    %mul3A_199 = arith.mulf %add3A_180, %div3A_189 : vector<8x128xf32>
    %mul3A_200 = arith.mulf %mul3A_190, %mul3A_190 : vector<8x128xf32>
    %mul3A_201 = arith.mulf %mul3A_191, %mul3A_191 : vector<8x128xf32>
    %add3A_202 = arith.addf %mul3A_200, %mul3A_201 : vector<8x128xf32>
    %mul3A_203 = arith.mulf %mul3A_192, %mul3A_192 : vector<8x128xf32>
    %add3A_204 = arith.addf %add3A_202, %mul3A_203 : vector<8x128xf32>
    %mul3A_205 = arith.mulf %mul3A_193, %mul3A_193 : vector<8x128xf32>
    %add3A_206 = arith.addf %add3A_204, %mul3A_205 : vector<8x128xf32>
    %mul3A_207 = arith.mulf %mul3A_190, %mul3A_191 : vector<8x128xf32>
    %mul3A_208 = arith.mulf %mul3A_191, %mul3A_194 : vector<8x128xf32>
    %add3A_209 = arith.addf %mul3A_207, %mul3A_208 : vector<8x128xf32>
    %mul3A_210 = arith.mulf %mul3A_192, %mul3A_195 : vector<8x128xf32>
    %add3A_211 = arith.addf %add3A_209, %mul3A_210 : vector<8x128xf32>
    %mul3A_212 = arith.mulf %mul3A_193, %mul3A_196 : vector<8x128xf32>
    %add3A_213 = arith.addf %add3A_211, %mul3A_212 : vector<8x128xf32>
    %mul3A_214 = arith.mulf %mul3A_190, %mul3A_192 : vector<8x128xf32>
    %mul3A_215 = arith.mulf %mul3A_191, %mul3A_195 : vector<8x128xf32>
    %add3A_216 = arith.addf %mul3A_214, %mul3A_215 : vector<8x128xf32>
    %mul3A_217 = arith.mulf %mul3A_192, %mul3A_197 : vector<8x128xf32>
    %add3A_218 = arith.addf %add3A_216, %mul3A_217 : vector<8x128xf32>
    %mul3A_219 = arith.mulf %mul3A_193, %mul3A_198 : vector<8x128xf32>
    %add3A_220 = arith.addf %add3A_218, %mul3A_219 : vector<8x128xf32>
    %mul3A_221 = arith.mulf %mul3A_190, %mul3A_193 : vector<8x128xf32>
    %mul3A_222 = arith.mulf %mul3A_191, %mul3A_196 : vector<8x128xf32>
    %add3A_223 = arith.addf %mul3A_221, %mul3A_222 : vector<8x128xf32>
    %mul3A_224 = arith.mulf %mul3A_192, %mul3A_198 : vector<8x128xf32>
    %add3A_225 = arith.addf %add3A_223, %mul3A_224 : vector<8x128xf32>
    %mul3A_226 = arith.mulf %mul3A_193, %mul3A_199 : vector<8x128xf32>
    %add3A_227 = arith.addf %add3A_225, %mul3A_226 : vector<8x128xf32>
    %mul3A_228 = arith.mulf %mul3A_191, %mul3A_191 : vector<8x128xf32>
    %mul3A_229 = arith.mulf %mul3A_194, %mul3A_194 : vector<8x128xf32>
    %add3A_230 = arith.addf %mul3A_228, %mul3A_229 : vector<8x128xf32>
    %mul3A_231 = arith.mulf %mul3A_195, %mul3A_195 : vector<8x128xf32>
    %add3A_232 = arith.addf %add3A_230, %mul3A_231 : vector<8x128xf32>
    %mul3A_233 = arith.mulf %mul3A_196, %mul3A_196 : vector<8x128xf32>
    %add3A_234 = arith.addf %add3A_232, %mul3A_233 : vector<8x128xf32>
    %mul3A_235 = arith.mulf %mul3A_191, %mul3A_192 : vector<8x128xf32>
    %mul3A_236 = arith.mulf %mul3A_194, %mul3A_195 : vector<8x128xf32>
    %add3A_237 = arith.addf %mul3A_235, %mul3A_236 : vector<8x128xf32>
    %mul3A_238 = arith.mulf %mul3A_195, %mul3A_197 : vector<8x128xf32>
    %add3A_239 = arith.addf %add3A_237, %mul3A_238 : vector<8x128xf32>
    %mul3A_240 = arith.mulf %mul3A_196, %mul3A_198 : vector<8x128xf32>
    %add3A_241 = arith.addf %add3A_239, %mul3A_240 : vector<8x128xf32>
    %mul3A_242 = arith.mulf %mul3A_191, %mul3A_193 : vector<8x128xf32>
    %mul3A_243 = arith.mulf %mul3A_194, %mul3A_196 : vector<8x128xf32>
    %add3A_244 = arith.addf %mul3A_242, %mul3A_243 : vector<8x128xf32>
    %mul3A_245 = arith.mulf %mul3A_195, %mul3A_198 : vector<8x128xf32>
    %add3A_246 = arith.addf %add3A_244, %mul3A_245 : vector<8x128xf32>
    %mul3A_247 = arith.mulf %mul3A_196, %mul3A_199 : vector<8x128xf32>
    %add3A_248 = arith.addf %add3A_246, %mul3A_247 : vector<8x128xf32>
    %mul3A_249 = arith.mulf %mul3A_192, %mul3A_192 : vector<8x128xf32>
    %mul3A_250 = arith.mulf %mul3A_195, %mul3A_195 : vector<8x128xf32>
    %add3A_251 = arith.addf %mul3A_249, %mul3A_250 : vector<8x128xf32>
    %mul3A_252 = arith.mulf %mul3A_197, %mul3A_197 : vector<8x128xf32>
    %add3A_253 = arith.addf %add3A_251, %mul3A_252 : vector<8x128xf32>
    %mul3A_254 = arith.mulf %mul3A_198, %mul3A_198 : vector<8x128xf32>
    %add3A_255 = arith.addf %add3A_253, %mul3A_254 : vector<8x128xf32>
    %mul3A_256 = arith.mulf %mul3A_192, %mul3A_193 : vector<8x128xf32>
    %mul3A_257 = arith.mulf %mul3A_195, %mul3A_196 : vector<8x128xf32>
    %add3A_258 = arith.addf %mul3A_256, %mul3A_257 : vector<8x128xf32>
    %mul3A_259 = arith.mulf %mul3A_197, %mul3A_198 : vector<8x128xf32>
    %add3A_260 = arith.addf %add3A_258, %mul3A_259 : vector<8x128xf32>
    %mul3A_261 = arith.mulf %mul3A_198, %mul3A_199 : vector<8x128xf32>
    %add3A_262 = arith.addf %add3A_260, %mul3A_261 : vector<8x128xf32>
    %mul3A_263 = arith.mulf %mul3A_193, %mul3A_193 : vector<8x128xf32>
    %mul3A_264 = arith.mulf %mul3A_196, %mul3A_196 : vector<8x128xf32>
    %add3A_265 = arith.addf %mul3A_263, %mul3A_264 : vector<8x128xf32>
    %mul3A_266 = arith.mulf %mul3A_198, %mul3A_198 : vector<8x128xf32>
    %add3A_267 = arith.addf %add3A_265, %mul3A_266 : vector<8x128xf32>
    %mul3A_268 = arith.mulf %mul3A_199, %mul3A_199 : vector<8x128xf32>
    %add3A_269 = arith.addf %add3A_267, %mul3A_268 : vector<8x128xf32>
    %add3A_270 = arith.addf %add3A_206, %add3A_234 : vector<8x128xf32>
    %add3A_271 = arith.addf %add3A_270, %add3A_255 : vector<8x128xf32>
    %add3A_272 = arith.addf %add3A_271, %add3A_269 : vector<8x128xf32>
    %max3A_273 = arith.constant 1.000000e-30 : f32
    %max3A_274 = vector.broadcast %max3A_273 : f32 to vector<8x128xf32>
    %max3A_275 = arith.maximumf %add3A_272, %max3A_274 : vector<8x128xf32>
    %div3A_276 = arith.constant 1.000000e+00 : f32
    %div3A_277 = vector.broadcast %div3A_276 : f32 to vector<8x128xf32>
    %div3A_278 = arith.divf %div3A_277, %max3A_275 : vector<8x128xf32>
    %mul3A_279 = arith.mulf %add3A_206, %div3A_278 : vector<8x128xf32>
    %mul3A_280 = arith.mulf %add3A_213, %div3A_278 : vector<8x128xf32>
    %mul3A_281 = arith.mulf %add3A_220, %div3A_278 : vector<8x128xf32>
    %mul3A_282 = arith.mulf %add3A_227, %div3A_278 : vector<8x128xf32>
    %mul3A_283 = arith.mulf %add3A_234, %div3A_278 : vector<8x128xf32>
    %mul3A_284 = arith.mulf %add3A_241, %div3A_278 : vector<8x128xf32>
    %mul3A_285 = arith.mulf %add3A_248, %div3A_278 : vector<8x128xf32>
    %mul3A_286 = arith.mulf %add3A_255, %div3A_278 : vector<8x128xf32>
    %mul3A_287 = arith.mulf %add3A_262, %div3A_278 : vector<8x128xf32>
    %mul3A_288 = arith.mulf %add3A_269, %div3A_278 : vector<8x128xf32>
    %mul3A_289 = arith.mulf %mul3A_279, %mul3A_279 : vector<8x128xf32>
    %mul3A_290 = arith.mulf %mul3A_280, %mul3A_280 : vector<8x128xf32>
    %add3A_291 = arith.addf %mul3A_289, %mul3A_290 : vector<8x128xf32>
    %mul3A_292 = arith.mulf %mul3A_281, %mul3A_281 : vector<8x128xf32>
    %add3A_293 = arith.addf %add3A_291, %mul3A_292 : vector<8x128xf32>
    %mul3A_294 = arith.mulf %mul3A_282, %mul3A_282 : vector<8x128xf32>
    %add3A_295 = arith.addf %add3A_293, %mul3A_294 : vector<8x128xf32>
    %mul3A_296 = arith.mulf %mul3A_279, %mul3A_280 : vector<8x128xf32>
    %mul3A_297 = arith.mulf %mul3A_280, %mul3A_283 : vector<8x128xf32>
    %add3A_298 = arith.addf %mul3A_296, %mul3A_297 : vector<8x128xf32>
    %mul3A_299 = arith.mulf %mul3A_281, %mul3A_284 : vector<8x128xf32>
    %add3A_300 = arith.addf %add3A_298, %mul3A_299 : vector<8x128xf32>
    %mul3A_301 = arith.mulf %mul3A_282, %mul3A_285 : vector<8x128xf32>
    %add3A_302 = arith.addf %add3A_300, %mul3A_301 : vector<8x128xf32>
    %mul3A_303 = arith.mulf %mul3A_279, %mul3A_281 : vector<8x128xf32>
    %mul3A_304 = arith.mulf %mul3A_280, %mul3A_284 : vector<8x128xf32>
    %add3A_305 = arith.addf %mul3A_303, %mul3A_304 : vector<8x128xf32>
    %mul3A_306 = arith.mulf %mul3A_281, %mul3A_286 : vector<8x128xf32>
    %add3A_307 = arith.addf %add3A_305, %mul3A_306 : vector<8x128xf32>
    %mul3A_308 = arith.mulf %mul3A_282, %mul3A_287 : vector<8x128xf32>
    %add3A_309 = arith.addf %add3A_307, %mul3A_308 : vector<8x128xf32>
    %mul3A_310 = arith.mulf %mul3A_279, %mul3A_282 : vector<8x128xf32>
    %mul3A_311 = arith.mulf %mul3A_280, %mul3A_285 : vector<8x128xf32>
    %add3A_312 = arith.addf %mul3A_310, %mul3A_311 : vector<8x128xf32>
    %mul3A_313 = arith.mulf %mul3A_281, %mul3A_287 : vector<8x128xf32>
    %add3A_314 = arith.addf %add3A_312, %mul3A_313 : vector<8x128xf32>
    %mul3A_315 = arith.mulf %mul3A_282, %mul3A_288 : vector<8x128xf32>
    %add3A_316 = arith.addf %add3A_314, %mul3A_315 : vector<8x128xf32>
    %mul3A_317 = arith.mulf %mul3A_280, %mul3A_280 : vector<8x128xf32>
    %mul3A_318 = arith.mulf %mul3A_283, %mul3A_283 : vector<8x128xf32>
    %add3A_319 = arith.addf %mul3A_317, %mul3A_318 : vector<8x128xf32>
    %mul3A_320 = arith.mulf %mul3A_284, %mul3A_284 : vector<8x128xf32>
    %add3A_321 = arith.addf %add3A_319, %mul3A_320 : vector<8x128xf32>
    %mul3A_322 = arith.mulf %mul3A_285, %mul3A_285 : vector<8x128xf32>
    %add3A_323 = arith.addf %add3A_321, %mul3A_322 : vector<8x128xf32>
    %mul3A_324 = arith.mulf %mul3A_280, %mul3A_281 : vector<8x128xf32>
    %mul3A_325 = arith.mulf %mul3A_283, %mul3A_284 : vector<8x128xf32>
    %add3A_326 = arith.addf %mul3A_324, %mul3A_325 : vector<8x128xf32>
    %mul3A_327 = arith.mulf %mul3A_284, %mul3A_286 : vector<8x128xf32>
    %add3A_328 = arith.addf %add3A_326, %mul3A_327 : vector<8x128xf32>
    %mul3A_329 = arith.mulf %mul3A_285, %mul3A_287 : vector<8x128xf32>
    %add3A_330 = arith.addf %add3A_328, %mul3A_329 : vector<8x128xf32>
    %mul3A_331 = arith.mulf %mul3A_280, %mul3A_282 : vector<8x128xf32>
    %mul3A_332 = arith.mulf %mul3A_283, %mul3A_285 : vector<8x128xf32>
    %add3A_333 = arith.addf %mul3A_331, %mul3A_332 : vector<8x128xf32>
    %mul3A_334 = arith.mulf %mul3A_284, %mul3A_287 : vector<8x128xf32>
    %add3A_335 = arith.addf %add3A_333, %mul3A_334 : vector<8x128xf32>
    %mul3A_336 = arith.mulf %mul3A_285, %mul3A_288 : vector<8x128xf32>
    %add3A_337 = arith.addf %add3A_335, %mul3A_336 : vector<8x128xf32>
    %mul3A_338 = arith.mulf %mul3A_281, %mul3A_281 : vector<8x128xf32>
    %mul3A_339 = arith.mulf %mul3A_284, %mul3A_284 : vector<8x128xf32>
    %add3A_340 = arith.addf %mul3A_338, %mul3A_339 : vector<8x128xf32>
    %mul3A_341 = arith.mulf %mul3A_286, %mul3A_286 : vector<8x128xf32>
    %add3A_342 = arith.addf %add3A_340, %mul3A_341 : vector<8x128xf32>
    %mul3A_343 = arith.mulf %mul3A_287, %mul3A_287 : vector<8x128xf32>
    %add3A_344 = arith.addf %add3A_342, %mul3A_343 : vector<8x128xf32>
    %mul3A_345 = arith.mulf %mul3A_281, %mul3A_282 : vector<8x128xf32>
    %mul3A_346 = arith.mulf %mul3A_284, %mul3A_285 : vector<8x128xf32>
    %add3A_347 = arith.addf %mul3A_345, %mul3A_346 : vector<8x128xf32>
    %mul3A_348 = arith.mulf %mul3A_286, %mul3A_287 : vector<8x128xf32>
    %add3A_349 = arith.addf %add3A_347, %mul3A_348 : vector<8x128xf32>
    %mul3A_350 = arith.mulf %mul3A_287, %mul3A_288 : vector<8x128xf32>
    %add3A_351 = arith.addf %add3A_349, %mul3A_350 : vector<8x128xf32>
    %mul3A_352 = arith.mulf %mul3A_282, %mul3A_282 : vector<8x128xf32>
    %mul3A_353 = arith.mulf %mul3A_285, %mul3A_285 : vector<8x128xf32>
    %add3A_354 = arith.addf %mul3A_352, %mul3A_353 : vector<8x128xf32>
    %mul3A_355 = arith.mulf %mul3A_287, %mul3A_287 : vector<8x128xf32>
    %add3A_356 = arith.addf %add3A_354, %mul3A_355 : vector<8x128xf32>
    %mul3A_357 = arith.mulf %mul3A_288, %mul3A_288 : vector<8x128xf32>
    %add3A_358 = arith.addf %add3A_356, %mul3A_357 : vector<8x128xf32>
    %add3A_359 = arith.addf %add3A_295, %add3A_323 : vector<8x128xf32>
    %add3A_360 = arith.addf %add3A_359, %add3A_344 : vector<8x128xf32>
    %add3A_361 = arith.addf %add3A_360, %add3A_358 : vector<8x128xf32>
    %max3A_362 = arith.constant 1.000000e-30 : f32
    %max3A_363 = vector.broadcast %max3A_362 : f32 to vector<8x128xf32>
    %max3A_364 = arith.maximumf %add3A_361, %max3A_363 : vector<8x128xf32>
    %div3A_365 = arith.constant 1.000000e+00 : f32
    %div3A_366 = vector.broadcast %div3A_365 : f32 to vector<8x128xf32>
    %div3A_367 = arith.divf %div3A_366, %max3A_364 : vector<8x128xf32>
    %mul3A_368 = arith.mulf %add3A_295, %div3A_367 : vector<8x128xf32>
    %mul3A_369 = arith.mulf %add3A_302, %div3A_367 : vector<8x128xf32>
    %mul3A_370 = arith.mulf %add3A_309, %div3A_367 : vector<8x128xf32>
    %mul3A_371 = arith.mulf %add3A_316, %div3A_367 : vector<8x128xf32>
    %mul3A_372 = arith.mulf %add3A_323, %div3A_367 : vector<8x128xf32>
    %mul3A_373 = arith.mulf %add3A_330, %div3A_367 : vector<8x128xf32>
    %mul3A_374 = arith.mulf %add3A_337, %div3A_367 : vector<8x128xf32>
    %mul3A_375 = arith.mulf %add3A_344, %div3A_367 : vector<8x128xf32>
    %mul3A_376 = arith.mulf %add3A_351, %div3A_367 : vector<8x128xf32>
    %mul3A_377 = arith.mulf %add3A_358, %div3A_367 : vector<8x128xf32>
    %mul3A_378 = arith.mulf %mul3A_368, %mul3A_368 : vector<8x128xf32>
    %mul3A_379 = arith.mulf %mul3A_369, %mul3A_369 : vector<8x128xf32>
    %add3A_380 = arith.addf %mul3A_378, %mul3A_379 : vector<8x128xf32>
    %mul3A_381 = arith.mulf %mul3A_370, %mul3A_370 : vector<8x128xf32>
    %add3A_382 = arith.addf %add3A_380, %mul3A_381 : vector<8x128xf32>
    %mul3A_383 = arith.mulf %mul3A_371, %mul3A_371 : vector<8x128xf32>
    %add3A_384 = arith.addf %add3A_382, %mul3A_383 : vector<8x128xf32>
    %mul3A_385 = arith.mulf %mul3A_368, %mul3A_369 : vector<8x128xf32>
    %mul3A_386 = arith.mulf %mul3A_369, %mul3A_372 : vector<8x128xf32>
    %add3A_387 = arith.addf %mul3A_385, %mul3A_386 : vector<8x128xf32>
    %mul3A_388 = arith.mulf %mul3A_370, %mul3A_373 : vector<8x128xf32>
    %add3A_389 = arith.addf %add3A_387, %mul3A_388 : vector<8x128xf32>
    %mul3A_390 = arith.mulf %mul3A_371, %mul3A_374 : vector<8x128xf32>
    %add3A_391 = arith.addf %add3A_389, %mul3A_390 : vector<8x128xf32>
    %mul3A_392 = arith.mulf %mul3A_368, %mul3A_370 : vector<8x128xf32>
    %mul3A_393 = arith.mulf %mul3A_369, %mul3A_373 : vector<8x128xf32>
    %add3A_394 = arith.addf %mul3A_392, %mul3A_393 : vector<8x128xf32>
    %mul3A_395 = arith.mulf %mul3A_370, %mul3A_375 : vector<8x128xf32>
    %add3A_396 = arith.addf %add3A_394, %mul3A_395 : vector<8x128xf32>
    %mul3A_397 = arith.mulf %mul3A_371, %mul3A_376 : vector<8x128xf32>
    %add3A_398 = arith.addf %add3A_396, %mul3A_397 : vector<8x128xf32>
    %mul3A_399 = arith.mulf %mul3A_368, %mul3A_371 : vector<8x128xf32>
    %mul3A_400 = arith.mulf %mul3A_369, %mul3A_374 : vector<8x128xf32>
    %add3A_401 = arith.addf %mul3A_399, %mul3A_400 : vector<8x128xf32>
    %mul3A_402 = arith.mulf %mul3A_370, %mul3A_376 : vector<8x128xf32>
    %add3A_403 = arith.addf %add3A_401, %mul3A_402 : vector<8x128xf32>
    %mul3A_404 = arith.mulf %mul3A_371, %mul3A_377 : vector<8x128xf32>
    %add3A_405 = arith.addf %add3A_403, %mul3A_404 : vector<8x128xf32>
    %mul3A_406 = arith.mulf %mul3A_369, %mul3A_369 : vector<8x128xf32>
    %mul3A_407 = arith.mulf %mul3A_372, %mul3A_372 : vector<8x128xf32>
    %add3A_408 = arith.addf %mul3A_406, %mul3A_407 : vector<8x128xf32>
    %mul3A_409 = arith.mulf %mul3A_373, %mul3A_373 : vector<8x128xf32>
    %add3A_410 = arith.addf %add3A_408, %mul3A_409 : vector<8x128xf32>
    %mul3A_411 = arith.mulf %mul3A_374, %mul3A_374 : vector<8x128xf32>
    %add3A_412 = arith.addf %add3A_410, %mul3A_411 : vector<8x128xf32>
    %mul3A_413 = arith.mulf %mul3A_369, %mul3A_370 : vector<8x128xf32>
    %mul3A_414 = arith.mulf %mul3A_372, %mul3A_373 : vector<8x128xf32>
    %add3A_415 = arith.addf %mul3A_413, %mul3A_414 : vector<8x128xf32>
    %mul3A_416 = arith.mulf %mul3A_373, %mul3A_375 : vector<8x128xf32>
    %add3A_417 = arith.addf %add3A_415, %mul3A_416 : vector<8x128xf32>
    %mul3A_418 = arith.mulf %mul3A_374, %mul3A_376 : vector<8x128xf32>
    %add3A_419 = arith.addf %add3A_417, %mul3A_418 : vector<8x128xf32>
    %mul3A_420 = arith.mulf %mul3A_369, %mul3A_371 : vector<8x128xf32>
    %mul3A_421 = arith.mulf %mul3A_372, %mul3A_374 : vector<8x128xf32>
    %add3A_422 = arith.addf %mul3A_420, %mul3A_421 : vector<8x128xf32>
    %mul3A_423 = arith.mulf %mul3A_373, %mul3A_376 : vector<8x128xf32>
    %add3A_424 = arith.addf %add3A_422, %mul3A_423 : vector<8x128xf32>
    %mul3A_425 = arith.mulf %mul3A_374, %mul3A_377 : vector<8x128xf32>
    %add3A_426 = arith.addf %add3A_424, %mul3A_425 : vector<8x128xf32>
    %mul3A_427 = arith.mulf %mul3A_370, %mul3A_370 : vector<8x128xf32>
    %mul3A_428 = arith.mulf %mul3A_373, %mul3A_373 : vector<8x128xf32>
    %add3A_429 = arith.addf %mul3A_427, %mul3A_428 : vector<8x128xf32>
    %mul3A_430 = arith.mulf %mul3A_375, %mul3A_375 : vector<8x128xf32>
    %add3A_431 = arith.addf %add3A_429, %mul3A_430 : vector<8x128xf32>
    %mul3A_432 = arith.mulf %mul3A_376, %mul3A_376 : vector<8x128xf32>
    %add3A_433 = arith.addf %add3A_431, %mul3A_432 : vector<8x128xf32>
    %mul3A_434 = arith.mulf %mul3A_370, %mul3A_371 : vector<8x128xf32>
    %mul3A_435 = arith.mulf %mul3A_373, %mul3A_374 : vector<8x128xf32>
    %add3A_436 = arith.addf %mul3A_434, %mul3A_435 : vector<8x128xf32>
    %mul3A_437 = arith.mulf %mul3A_375, %mul3A_376 : vector<8x128xf32>
    %add3A_438 = arith.addf %add3A_436, %mul3A_437 : vector<8x128xf32>
    %mul3A_439 = arith.mulf %mul3A_376, %mul3A_377 : vector<8x128xf32>
    %add3A_440 = arith.addf %add3A_438, %mul3A_439 : vector<8x128xf32>
    %mul3A_441 = arith.mulf %mul3A_371, %mul3A_371 : vector<8x128xf32>
    %mul3A_442 = arith.mulf %mul3A_374, %mul3A_374 : vector<8x128xf32>
    %add3A_443 = arith.addf %mul3A_441, %mul3A_442 : vector<8x128xf32>
    %mul3A_444 = arith.mulf %mul3A_376, %mul3A_376 : vector<8x128xf32>
    %add3A_445 = arith.addf %add3A_443, %mul3A_444 : vector<8x128xf32>
    %mul3A_446 = arith.mulf %mul3A_377, %mul3A_377 : vector<8x128xf32>
    %add3A_447 = arith.addf %add3A_445, %mul3A_446 : vector<8x128xf32>
    %add3A_448 = arith.addf %add3A_384, %add3A_412 : vector<8x128xf32>
    %add3A_449 = arith.addf %add3A_448, %add3A_433 : vector<8x128xf32>
    %add3A_450 = arith.addf %add3A_449, %add3A_447 : vector<8x128xf32>
    %max3A_451 = arith.constant 1.000000e-30 : f32
    %max3A_452 = vector.broadcast %max3A_451 : f32 to vector<8x128xf32>
    %max3A_453 = arith.maximumf %add3A_450, %max3A_452 : vector<8x128xf32>
    %div3A_454 = arith.constant 1.000000e+00 : f32
    %div3A_455 = vector.broadcast %div3A_454 : f32 to vector<8x128xf32>
    %div3A_456 = arith.divf %div3A_455, %max3A_453 : vector<8x128xf32>
    %mul3A_457 = arith.mulf %add3A_384, %div3A_456 : vector<8x128xf32>
    %mul3A_458 = arith.mulf %add3A_391, %div3A_456 : vector<8x128xf32>
    %mul3A_459 = arith.mulf %add3A_398, %div3A_456 : vector<8x128xf32>
    %mul3A_460 = arith.mulf %add3A_405, %div3A_456 : vector<8x128xf32>
    %mul3A_461 = arith.mulf %add3A_412, %div3A_456 : vector<8x128xf32>
    %mul3A_462 = arith.mulf %add3A_419, %div3A_456 : vector<8x128xf32>
    %mul3A_463 = arith.mulf %add3A_426, %div3A_456 : vector<8x128xf32>
    %mul3A_464 = arith.mulf %add3A_433, %div3A_456 : vector<8x128xf32>
    %mul3A_465 = arith.mulf %add3A_440, %div3A_456 : vector<8x128xf32>
    %mul3A_466 = arith.mulf %add3A_447, %div3A_456 : vector<8x128xf32>
    %mul3A_467 = arith.mulf %mul3A_457, %mul3A_457 : vector<8x128xf32>
    %mul3A_468 = arith.mulf %mul3A_458, %mul3A_458 : vector<8x128xf32>
    %add3A_469 = arith.addf %mul3A_467, %mul3A_468 : vector<8x128xf32>
    %mul3A_470 = arith.mulf %mul3A_459, %mul3A_459 : vector<8x128xf32>
    %add3A_471 = arith.addf %add3A_469, %mul3A_470 : vector<8x128xf32>
    %mul3A_472 = arith.mulf %mul3A_460, %mul3A_460 : vector<8x128xf32>
    %add3A_473 = arith.addf %add3A_471, %mul3A_472 : vector<8x128xf32>
    %mul3A_474 = arith.mulf %mul3A_457, %mul3A_458 : vector<8x128xf32>
    %mul3A_475 = arith.mulf %mul3A_458, %mul3A_461 : vector<8x128xf32>
    %add3A_476 = arith.addf %mul3A_474, %mul3A_475 : vector<8x128xf32>
    %mul3A_477 = arith.mulf %mul3A_459, %mul3A_462 : vector<8x128xf32>
    %add3A_478 = arith.addf %add3A_476, %mul3A_477 : vector<8x128xf32>
    %mul3A_479 = arith.mulf %mul3A_460, %mul3A_463 : vector<8x128xf32>
    %add3A_480 = arith.addf %add3A_478, %mul3A_479 : vector<8x128xf32>
    %mul3A_481 = arith.mulf %mul3A_457, %mul3A_459 : vector<8x128xf32>
    %mul3A_482 = arith.mulf %mul3A_458, %mul3A_462 : vector<8x128xf32>
    %add3A_483 = arith.addf %mul3A_481, %mul3A_482 : vector<8x128xf32>
    %mul3A_484 = arith.mulf %mul3A_459, %mul3A_464 : vector<8x128xf32>
    %add3A_485 = arith.addf %add3A_483, %mul3A_484 : vector<8x128xf32>
    %mul3A_486 = arith.mulf %mul3A_460, %mul3A_465 : vector<8x128xf32>
    %add3A_487 = arith.addf %add3A_485, %mul3A_486 : vector<8x128xf32>
    %mul3A_488 = arith.mulf %mul3A_457, %mul3A_460 : vector<8x128xf32>
    %mul3A_489 = arith.mulf %mul3A_458, %mul3A_463 : vector<8x128xf32>
    %add3A_490 = arith.addf %mul3A_488, %mul3A_489 : vector<8x128xf32>
    %mul3A_491 = arith.mulf %mul3A_459, %mul3A_465 : vector<8x128xf32>
    %add3A_492 = arith.addf %add3A_490, %mul3A_491 : vector<8x128xf32>
    %mul3A_493 = arith.mulf %mul3A_460, %mul3A_466 : vector<8x128xf32>
    %add3A_494 = arith.addf %add3A_492, %mul3A_493 : vector<8x128xf32>
    %mul3A_495 = arith.mulf %mul3A_458, %mul3A_458 : vector<8x128xf32>
    %mul3A_496 = arith.mulf %mul3A_461, %mul3A_461 : vector<8x128xf32>
    %add3A_497 = arith.addf %mul3A_495, %mul3A_496 : vector<8x128xf32>
    %mul3A_498 = arith.mulf %mul3A_462, %mul3A_462 : vector<8x128xf32>
    %add3A_499 = arith.addf %add3A_497, %mul3A_498 : vector<8x128xf32>
    %mul3A_500 = arith.mulf %mul3A_463, %mul3A_463 : vector<8x128xf32>
    %add3A_501 = arith.addf %add3A_499, %mul3A_500 : vector<8x128xf32>
    %mul3A_502 = arith.mulf %mul3A_458, %mul3A_459 : vector<8x128xf32>
    %mul3A_503 = arith.mulf %mul3A_461, %mul3A_462 : vector<8x128xf32>
    %add3A_504 = arith.addf %mul3A_502, %mul3A_503 : vector<8x128xf32>
    %mul3A_505 = arith.mulf %mul3A_462, %mul3A_464 : vector<8x128xf32>
    %add3A_506 = arith.addf %add3A_504, %mul3A_505 : vector<8x128xf32>
    %mul3A_507 = arith.mulf %mul3A_463, %mul3A_465 : vector<8x128xf32>
    %add3A_508 = arith.addf %add3A_506, %mul3A_507 : vector<8x128xf32>
    %mul3A_509 = arith.mulf %mul3A_458, %mul3A_460 : vector<8x128xf32>
    %mul3A_510 = arith.mulf %mul3A_461, %mul3A_463 : vector<8x128xf32>
    %add3A_511 = arith.addf %mul3A_509, %mul3A_510 : vector<8x128xf32>
    %mul3A_512 = arith.mulf %mul3A_462, %mul3A_465 : vector<8x128xf32>
    %add3A_513 = arith.addf %add3A_511, %mul3A_512 : vector<8x128xf32>
    %mul3A_514 = arith.mulf %mul3A_463, %mul3A_466 : vector<8x128xf32>
    %add3A_515 = arith.addf %add3A_513, %mul3A_514 : vector<8x128xf32>
    %mul3A_516 = arith.mulf %mul3A_459, %mul3A_459 : vector<8x128xf32>
    %mul3A_517 = arith.mulf %mul3A_462, %mul3A_462 : vector<8x128xf32>
    %add3A_518 = arith.addf %mul3A_516, %mul3A_517 : vector<8x128xf32>
    %mul3A_519 = arith.mulf %mul3A_464, %mul3A_464 : vector<8x128xf32>
    %add3A_520 = arith.addf %add3A_518, %mul3A_519 : vector<8x128xf32>
    %mul3A_521 = arith.mulf %mul3A_465, %mul3A_465 : vector<8x128xf32>
    %add3A_522 = arith.addf %add3A_520, %mul3A_521 : vector<8x128xf32>
    %mul3A_523 = arith.mulf %mul3A_459, %mul3A_460 : vector<8x128xf32>
    %mul3A_524 = arith.mulf %mul3A_462, %mul3A_463 : vector<8x128xf32>
    %add3A_525 = arith.addf %mul3A_523, %mul3A_524 : vector<8x128xf32>
    %mul3A_526 = arith.mulf %mul3A_464, %mul3A_465 : vector<8x128xf32>
    %add3A_527 = arith.addf %add3A_525, %mul3A_526 : vector<8x128xf32>
    %mul3A_528 = arith.mulf %mul3A_465, %mul3A_466 : vector<8x128xf32>
    %add3A_529 = arith.addf %add3A_527, %mul3A_528 : vector<8x128xf32>
    %mul3A_530 = arith.mulf %mul3A_460, %mul3A_460 : vector<8x128xf32>
    %mul3A_531 = arith.mulf %mul3A_463, %mul3A_463 : vector<8x128xf32>
    %add3A_532 = arith.addf %mul3A_530, %mul3A_531 : vector<8x128xf32>
    %mul3A_533 = arith.mulf %mul3A_465, %mul3A_465 : vector<8x128xf32>
    %add3A_534 = arith.addf %add3A_532, %mul3A_533 : vector<8x128xf32>
    %mul3A_535 = arith.mulf %mul3A_466, %mul3A_466 : vector<8x128xf32>
    %add3A_536 = arith.addf %add3A_534, %mul3A_535 : vector<8x128xf32>
    %add3A_537 = arith.addf %add3A_473, %add3A_501 : vector<8x128xf32>
    %add3A_538 = arith.addf %add3A_537, %add3A_522 : vector<8x128xf32>
    %add3A_539 = arith.addf %add3A_538, %add3A_536 : vector<8x128xf32>
    %max3A_540 = arith.constant 1.000000e-30 : f32
    %max3A_541 = vector.broadcast %max3A_540 : f32 to vector<8x128xf32>
    %max3A_542 = arith.maximumf %add3A_539, %max3A_541 : vector<8x128xf32>
    %div3A_543 = arith.constant 1.000000e+00 : f32
    %div3A_544 = vector.broadcast %div3A_543 : f32 to vector<8x128xf32>
    %div3A_545 = arith.divf %div3A_544, %max3A_542 : vector<8x128xf32>
    %mul3A_546 = arith.mulf %add3A_473, %div3A_545 : vector<8x128xf32>
    %mul3A_547 = arith.mulf %add3A_480, %div3A_545 : vector<8x128xf32>
    %mul3A_548 = arith.mulf %add3A_487, %div3A_545 : vector<8x128xf32>
    %mul3A_549 = arith.mulf %add3A_494, %div3A_545 : vector<8x128xf32>
    %mul3A_550 = arith.mulf %add3A_501, %div3A_545 : vector<8x128xf32>
    %mul3A_551 = arith.mulf %add3A_508, %div3A_545 : vector<8x128xf32>
    %mul3A_552 = arith.mulf %add3A_515, %div3A_545 : vector<8x128xf32>
    %mul3A_553 = arith.mulf %add3A_522, %div3A_545 : vector<8x128xf32>
    %mul3A_554 = arith.mulf %add3A_529, %div3A_545 : vector<8x128xf32>
    %mul3A_555 = arith.mulf %add3A_536, %div3A_545 : vector<8x128xf32>
    %mul3A_556 = arith.mulf %mul3A_546, %mul3A_546 : vector<8x128xf32>
    %mul3A_557 = arith.mulf %mul3A_547, %mul3A_547 : vector<8x128xf32>
    %add3A_558 = arith.addf %mul3A_556, %mul3A_557 : vector<8x128xf32>
    %mul3A_559 = arith.mulf %mul3A_548, %mul3A_548 : vector<8x128xf32>
    %add3A_560 = arith.addf %add3A_558, %mul3A_559 : vector<8x128xf32>
    %mul3A_561 = arith.mulf %mul3A_549, %mul3A_549 : vector<8x128xf32>
    %add3A_562 = arith.addf %add3A_560, %mul3A_561 : vector<8x128xf32>
    %mul3A_563 = arith.mulf %mul3A_546, %mul3A_547 : vector<8x128xf32>
    %mul3A_564 = arith.mulf %mul3A_547, %mul3A_550 : vector<8x128xf32>
    %add3A_565 = arith.addf %mul3A_563, %mul3A_564 : vector<8x128xf32>
    %mul3A_566 = arith.mulf %mul3A_548, %mul3A_551 : vector<8x128xf32>
    %add3A_567 = arith.addf %add3A_565, %mul3A_566 : vector<8x128xf32>
    %mul3A_568 = arith.mulf %mul3A_549, %mul3A_552 : vector<8x128xf32>
    %add3A_569 = arith.addf %add3A_567, %mul3A_568 : vector<8x128xf32>
    %mul3A_570 = arith.mulf %mul3A_546, %mul3A_548 : vector<8x128xf32>
    %mul3A_571 = arith.mulf %mul3A_547, %mul3A_551 : vector<8x128xf32>
    %add3A_572 = arith.addf %mul3A_570, %mul3A_571 : vector<8x128xf32>
    %mul3A_573 = arith.mulf %mul3A_548, %mul3A_553 : vector<8x128xf32>
    %add3A_574 = arith.addf %add3A_572, %mul3A_573 : vector<8x128xf32>
    %mul3A_575 = arith.mulf %mul3A_549, %mul3A_554 : vector<8x128xf32>
    %add3A_576 = arith.addf %add3A_574, %mul3A_575 : vector<8x128xf32>
    %mul3A_577 = arith.mulf %mul3A_546, %mul3A_549 : vector<8x128xf32>
    %mul3A_578 = arith.mulf %mul3A_547, %mul3A_552 : vector<8x128xf32>
    %add3A_579 = arith.addf %mul3A_577, %mul3A_578 : vector<8x128xf32>
    %mul3A_580 = arith.mulf %mul3A_548, %mul3A_554 : vector<8x128xf32>
    %add3A_581 = arith.addf %add3A_579, %mul3A_580 : vector<8x128xf32>
    %mul3A_582 = arith.mulf %mul3A_549, %mul3A_555 : vector<8x128xf32>
    %add3A_583 = arith.addf %add3A_581, %mul3A_582 : vector<8x128xf32>
    %mul3A_584 = arith.mulf %mul3A_547, %mul3A_547 : vector<8x128xf32>
    %mul3A_585 = arith.mulf %mul3A_550, %mul3A_550 : vector<8x128xf32>
    %add3A_586 = arith.addf %mul3A_584, %mul3A_585 : vector<8x128xf32>
    %mul3A_587 = arith.mulf %mul3A_551, %mul3A_551 : vector<8x128xf32>
    %add3A_588 = arith.addf %add3A_586, %mul3A_587 : vector<8x128xf32>
    %mul3A_589 = arith.mulf %mul3A_552, %mul3A_552 : vector<8x128xf32>
    %add3A_590 = arith.addf %add3A_588, %mul3A_589 : vector<8x128xf32>
    %mul3A_591 = arith.mulf %mul3A_547, %mul3A_548 : vector<8x128xf32>
    %mul3A_592 = arith.mulf %mul3A_550, %mul3A_551 : vector<8x128xf32>
    %add3A_593 = arith.addf %mul3A_591, %mul3A_592 : vector<8x128xf32>
    %mul3A_594 = arith.mulf %mul3A_551, %mul3A_553 : vector<8x128xf32>
    %add3A_595 = arith.addf %add3A_593, %mul3A_594 : vector<8x128xf32>
    %mul3A_596 = arith.mulf %mul3A_552, %mul3A_554 : vector<8x128xf32>
    %add3A_597 = arith.addf %add3A_595, %mul3A_596 : vector<8x128xf32>
    %mul3A_598 = arith.mulf %mul3A_547, %mul3A_549 : vector<8x128xf32>
    %mul3A_599 = arith.mulf %mul3A_550, %mul3A_552 : vector<8x128xf32>
    %add3A_600 = arith.addf %mul3A_598, %mul3A_599 : vector<8x128xf32>
    %mul3A_601 = arith.mulf %mul3A_551, %mul3A_554 : vector<8x128xf32>
    %add3A_602 = arith.addf %add3A_600, %mul3A_601 : vector<8x128xf32>
    %mul3A_603 = arith.mulf %mul3A_552, %mul3A_555 : vector<8x128xf32>
    %add3A_604 = arith.addf %add3A_602, %mul3A_603 : vector<8x128xf32>
    %mul3A_605 = arith.mulf %mul3A_548, %mul3A_548 : vector<8x128xf32>
    %mul3A_606 = arith.mulf %mul3A_551, %mul3A_551 : vector<8x128xf32>
    %add3A_607 = arith.addf %mul3A_605, %mul3A_606 : vector<8x128xf32>
    %mul3A_608 = arith.mulf %mul3A_553, %mul3A_553 : vector<8x128xf32>
    %add3A_609 = arith.addf %add3A_607, %mul3A_608 : vector<8x128xf32>
    %mul3A_610 = arith.mulf %mul3A_554, %mul3A_554 : vector<8x128xf32>
    %add3A_611 = arith.addf %add3A_609, %mul3A_610 : vector<8x128xf32>
    %mul3A_612 = arith.mulf %mul3A_548, %mul3A_549 : vector<8x128xf32>
    %mul3A_613 = arith.mulf %mul3A_551, %mul3A_552 : vector<8x128xf32>
    %add3A_614 = arith.addf %mul3A_612, %mul3A_613 : vector<8x128xf32>
    %mul3A_615 = arith.mulf %mul3A_553, %mul3A_554 : vector<8x128xf32>
    %add3A_616 = arith.addf %add3A_614, %mul3A_615 : vector<8x128xf32>
    %mul3A_617 = arith.mulf %mul3A_554, %mul3A_555 : vector<8x128xf32>
    %add3A_618 = arith.addf %add3A_616, %mul3A_617 : vector<8x128xf32>
    %mul3A_619 = arith.mulf %mul3A_549, %mul3A_549 : vector<8x128xf32>
    %mul3A_620 = arith.mulf %mul3A_552, %mul3A_552 : vector<8x128xf32>
    %add3A_621 = arith.addf %mul3A_619, %mul3A_620 : vector<8x128xf32>
    %mul3A_622 = arith.mulf %mul3A_554, %mul3A_554 : vector<8x128xf32>
    %add3A_623 = arith.addf %add3A_621, %mul3A_622 : vector<8x128xf32>
    %mul3A_624 = arith.mulf %mul3A_555, %mul3A_555 : vector<8x128xf32>
    %add3A_625 = arith.addf %add3A_623, %mul3A_624 : vector<8x128xf32>
    %add3A_626 = arith.addf %add3A_562, %add3A_590 : vector<8x128xf32>
    %add3A_627 = arith.addf %add3A_626, %add3A_611 : vector<8x128xf32>
    %add3A_628 = arith.addf %add3A_627, %add3A_625 : vector<8x128xf32>
    %max3A_629 = arith.constant 1.000000e-30 : f32
    %max3A_630 = vector.broadcast %max3A_629 : f32 to vector<8x128xf32>
    %max3A_631 = arith.maximumf %add3A_628, %max3A_630 : vector<8x128xf32>
    %div3A_632 = arith.constant 1.000000e+00 : f32
    %div3A_633 = vector.broadcast %div3A_632 : f32 to vector<8x128xf32>
    %div3A_634 = arith.divf %div3A_633, %max3A_631 : vector<8x128xf32>
    %mul3A_635 = arith.mulf %add3A_562, %div3A_634 : vector<8x128xf32>
    %mul3A_636 = arith.mulf %add3A_569, %div3A_634 : vector<8x128xf32>
    %mul3A_637 = arith.mulf %add3A_576, %div3A_634 : vector<8x128xf32>
    %mul3A_638 = arith.mulf %add3A_583, %div3A_634 : vector<8x128xf32>
    %mul3A_639 = arith.mulf %add3A_590, %div3A_634 : vector<8x128xf32>
    %mul3A_640 = arith.mulf %add3A_597, %div3A_634 : vector<8x128xf32>
    %mul3A_641 = arith.mulf %add3A_604, %div3A_634 : vector<8x128xf32>
    %mul3A_642 = arith.mulf %add3A_611, %div3A_634 : vector<8x128xf32>
    %mul3A_643 = arith.mulf %add3A_618, %div3A_634 : vector<8x128xf32>
    %mul3A_644 = arith.mulf %add3A_625, %div3A_634 : vector<8x128xf32>
    %mul3A_645 = arith.mulf %mul3A_635, %mul3A_635 : vector<8x128xf32>
    %mul3A_646 = arith.mulf %mul3A_636, %mul3A_636 : vector<8x128xf32>
    %add3A_647 = arith.addf %mul3A_645, %mul3A_646 : vector<8x128xf32>
    %mul3A_648 = arith.mulf %mul3A_637, %mul3A_637 : vector<8x128xf32>
    %add3A_649 = arith.addf %add3A_647, %mul3A_648 : vector<8x128xf32>
    %mul3A_650 = arith.mulf %mul3A_638, %mul3A_638 : vector<8x128xf32>
    %add3A_651 = arith.addf %add3A_649, %mul3A_650 : vector<8x128xf32>
    %mul3A_652 = arith.mulf %mul3A_635, %mul3A_636 : vector<8x128xf32>
    %mul3A_653 = arith.mulf %mul3A_636, %mul3A_639 : vector<8x128xf32>
    %add3A_654 = arith.addf %mul3A_652, %mul3A_653 : vector<8x128xf32>
    %mul3A_655 = arith.mulf %mul3A_637, %mul3A_640 : vector<8x128xf32>
    %add3A_656 = arith.addf %add3A_654, %mul3A_655 : vector<8x128xf32>
    %mul3A_657 = arith.mulf %mul3A_638, %mul3A_641 : vector<8x128xf32>
    %add3A_658 = arith.addf %add3A_656, %mul3A_657 : vector<8x128xf32>
    %mul3A_659 = arith.mulf %mul3A_635, %mul3A_637 : vector<8x128xf32>
    %mul3A_660 = arith.mulf %mul3A_636, %mul3A_640 : vector<8x128xf32>
    %add3A_661 = arith.addf %mul3A_659, %mul3A_660 : vector<8x128xf32>
    %mul3A_662 = arith.mulf %mul3A_637, %mul3A_642 : vector<8x128xf32>
    %add3A_663 = arith.addf %add3A_661, %mul3A_662 : vector<8x128xf32>
    %mul3A_664 = arith.mulf %mul3A_638, %mul3A_643 : vector<8x128xf32>
    %add3A_665 = arith.addf %add3A_663, %mul3A_664 : vector<8x128xf32>
    %mul3A_666 = arith.mulf %mul3A_635, %mul3A_638 : vector<8x128xf32>
    %mul3A_667 = arith.mulf %mul3A_636, %mul3A_641 : vector<8x128xf32>
    %add3A_668 = arith.addf %mul3A_666, %mul3A_667 : vector<8x128xf32>
    %mul3A_669 = arith.mulf %mul3A_637, %mul3A_643 : vector<8x128xf32>
    %add3A_670 = arith.addf %add3A_668, %mul3A_669 : vector<8x128xf32>
    %mul3A_671 = arith.mulf %mul3A_638, %mul3A_644 : vector<8x128xf32>
    %add3A_672 = arith.addf %add3A_670, %mul3A_671 : vector<8x128xf32>
    %mul3A_673 = arith.mulf %mul3A_636, %mul3A_636 : vector<8x128xf32>
    %mul3A_674 = arith.mulf %mul3A_639, %mul3A_639 : vector<8x128xf32>
    %add3A_675 = arith.addf %mul3A_673, %mul3A_674 : vector<8x128xf32>
    %mul3A_676 = arith.mulf %mul3A_640, %mul3A_640 : vector<8x128xf32>
    %add3A_677 = arith.addf %add3A_675, %mul3A_676 : vector<8x128xf32>
    %mul3A_678 = arith.mulf %mul3A_641, %mul3A_641 : vector<8x128xf32>
    %add3A_679 = arith.addf %add3A_677, %mul3A_678 : vector<8x128xf32>
    %mul3A_680 = arith.mulf %mul3A_636, %mul3A_637 : vector<8x128xf32>
    %mul3A_681 = arith.mulf %mul3A_639, %mul3A_640 : vector<8x128xf32>
    %add3A_682 = arith.addf %mul3A_680, %mul3A_681 : vector<8x128xf32>
    %mul3A_683 = arith.mulf %mul3A_640, %mul3A_642 : vector<8x128xf32>
    %add3A_684 = arith.addf %add3A_682, %mul3A_683 : vector<8x128xf32>
    %mul3A_685 = arith.mulf %mul3A_641, %mul3A_643 : vector<8x128xf32>
    %add3A_686 = arith.addf %add3A_684, %mul3A_685 : vector<8x128xf32>
    %mul3A_687 = arith.mulf %mul3A_636, %mul3A_638 : vector<8x128xf32>
    %mul3A_688 = arith.mulf %mul3A_639, %mul3A_641 : vector<8x128xf32>
    %add3A_689 = arith.addf %mul3A_687, %mul3A_688 : vector<8x128xf32>
    %mul3A_690 = arith.mulf %mul3A_640, %mul3A_643 : vector<8x128xf32>
    %add3A_691 = arith.addf %add3A_689, %mul3A_690 : vector<8x128xf32>
    %mul3A_692 = arith.mulf %mul3A_641, %mul3A_644 : vector<8x128xf32>
    %add3A_693 = arith.addf %add3A_691, %mul3A_692 : vector<8x128xf32>
    %mul3A_694 = arith.mulf %mul3A_637, %mul3A_637 : vector<8x128xf32>
    %mul3A_695 = arith.mulf %mul3A_640, %mul3A_640 : vector<8x128xf32>
    %add3A_696 = arith.addf %mul3A_694, %mul3A_695 : vector<8x128xf32>
    %mul3A_697 = arith.mulf %mul3A_642, %mul3A_642 : vector<8x128xf32>
    %add3A_698 = arith.addf %add3A_696, %mul3A_697 : vector<8x128xf32>
    %mul3A_699 = arith.mulf %mul3A_643, %mul3A_643 : vector<8x128xf32>
    %add3A_700 = arith.addf %add3A_698, %mul3A_699 : vector<8x128xf32>
    %mul3A_701 = arith.mulf %mul3A_637, %mul3A_638 : vector<8x128xf32>
    %mul3A_702 = arith.mulf %mul3A_640, %mul3A_641 : vector<8x128xf32>
    %add3A_703 = arith.addf %mul3A_701, %mul3A_702 : vector<8x128xf32>
    %mul3A_704 = arith.mulf %mul3A_642, %mul3A_643 : vector<8x128xf32>
    %add3A_705 = arith.addf %add3A_703, %mul3A_704 : vector<8x128xf32>
    %mul3A_706 = arith.mulf %mul3A_643, %mul3A_644 : vector<8x128xf32>
    %add3A_707 = arith.addf %add3A_705, %mul3A_706 : vector<8x128xf32>
    %mul3A_708 = arith.mulf %mul3A_638, %mul3A_638 : vector<8x128xf32>
    %mul3A_709 = arith.mulf %mul3A_641, %mul3A_641 : vector<8x128xf32>
    %add3A_710 = arith.addf %mul3A_708, %mul3A_709 : vector<8x128xf32>
    %mul3A_711 = arith.mulf %mul3A_643, %mul3A_643 : vector<8x128xf32>
    %add3A_712 = arith.addf %add3A_710, %mul3A_711 : vector<8x128xf32>
    %mul3A_713 = arith.mulf %mul3A_644, %mul3A_644 : vector<8x128xf32>
    %add3A_714 = arith.addf %add3A_712, %mul3A_713 : vector<8x128xf32>
    %add3A_715 = arith.addf %add3A_651, %add3A_679 : vector<8x128xf32>
    %add3A_716 = arith.addf %add3A_715, %add3A_700 : vector<8x128xf32>
    %add3A_717 = arith.addf %add3A_716, %add3A_714 : vector<8x128xf32>
    %max3A_718 = arith.constant 1.000000e-30 : f32
    %max3A_719 = vector.broadcast %max3A_718 : f32 to vector<8x128xf32>
    %max3A_720 = arith.maximumf %add3A_717, %max3A_719 : vector<8x128xf32>
    %div3A_721 = arith.constant 1.000000e+00 : f32
    %div3A_722 = vector.broadcast %div3A_721 : f32 to vector<8x128xf32>
    %div3A_723 = arith.divf %div3A_722, %max3A_720 : vector<8x128xf32>
    %mul3A_724 = arith.mulf %add3A_651, %div3A_723 : vector<8x128xf32>
    %mul3A_725 = arith.mulf %add3A_658, %div3A_723 : vector<8x128xf32>
    %mul3A_726 = arith.mulf %add3A_665, %div3A_723 : vector<8x128xf32>
    %mul3A_727 = arith.mulf %add3A_672, %div3A_723 : vector<8x128xf32>
    %mul3A_728 = arith.mulf %add3A_679, %div3A_723 : vector<8x128xf32>
    %mul3A_729 = arith.mulf %add3A_686, %div3A_723 : vector<8x128xf32>
    %mul3A_730 = arith.mulf %add3A_693, %div3A_723 : vector<8x128xf32>
    %mul3A_731 = arith.mulf %add3A_700, %div3A_723 : vector<8x128xf32>
    %mul3A_732 = arith.mulf %add3A_707, %div3A_723 : vector<8x128xf32>
    %mul3A_733 = arith.mulf %add3A_714, %div3A_723 : vector<8x128xf32>
    %mul3A_734 = arith.mulf %mul3A_724, %mul3A_724 : vector<8x128xf32>
    %mul3A_735 = arith.mulf %mul3A_725, %mul3A_725 : vector<8x128xf32>
    %add3A_736 = arith.addf %mul3A_734, %mul3A_735 : vector<8x128xf32>
    %mul3A_737 = arith.mulf %mul3A_726, %mul3A_726 : vector<8x128xf32>
    %add3A_738 = arith.addf %add3A_736, %mul3A_737 : vector<8x128xf32>
    %mul3A_739 = arith.mulf %mul3A_727, %mul3A_727 : vector<8x128xf32>
    %add3A_740 = arith.addf %add3A_738, %mul3A_739 : vector<8x128xf32>
    %mul3A_741 = arith.mulf %mul3A_724, %mul3A_725 : vector<8x128xf32>
    %mul3A_742 = arith.mulf %mul3A_725, %mul3A_728 : vector<8x128xf32>
    %add3A_743 = arith.addf %mul3A_741, %mul3A_742 : vector<8x128xf32>
    %mul3A_744 = arith.mulf %mul3A_726, %mul3A_729 : vector<8x128xf32>
    %add3A_745 = arith.addf %add3A_743, %mul3A_744 : vector<8x128xf32>
    %mul3A_746 = arith.mulf %mul3A_727, %mul3A_730 : vector<8x128xf32>
    %add3A_747 = arith.addf %add3A_745, %mul3A_746 : vector<8x128xf32>
    %mul3A_748 = arith.mulf %mul3A_724, %mul3A_726 : vector<8x128xf32>
    %mul3A_749 = arith.mulf %mul3A_725, %mul3A_729 : vector<8x128xf32>
    %add3A_750 = arith.addf %mul3A_748, %mul3A_749 : vector<8x128xf32>
    %mul3A_751 = arith.mulf %mul3A_726, %mul3A_731 : vector<8x128xf32>
    %add3A_752 = arith.addf %add3A_750, %mul3A_751 : vector<8x128xf32>
    %mul3A_753 = arith.mulf %mul3A_727, %mul3A_732 : vector<8x128xf32>
    %add3A_754 = arith.addf %add3A_752, %mul3A_753 : vector<8x128xf32>
    %mul3A_755 = arith.mulf %mul3A_724, %mul3A_727 : vector<8x128xf32>
    %mul3A_756 = arith.mulf %mul3A_725, %mul3A_730 : vector<8x128xf32>
    %add3A_757 = arith.addf %mul3A_755, %mul3A_756 : vector<8x128xf32>
    %mul3A_758 = arith.mulf %mul3A_726, %mul3A_732 : vector<8x128xf32>
    %add3A_759 = arith.addf %add3A_757, %mul3A_758 : vector<8x128xf32>
    %mul3A_760 = arith.mulf %mul3A_727, %mul3A_733 : vector<8x128xf32>
    %add3A_761 = arith.addf %add3A_759, %mul3A_760 : vector<8x128xf32>
    %mul3A_762 = arith.mulf %mul3A_725, %mul3A_725 : vector<8x128xf32>
    %mul3A_763 = arith.mulf %mul3A_728, %mul3A_728 : vector<8x128xf32>
    %add3A_764 = arith.addf %mul3A_762, %mul3A_763 : vector<8x128xf32>
    %mul3A_765 = arith.mulf %mul3A_729, %mul3A_729 : vector<8x128xf32>
    %add3A_766 = arith.addf %add3A_764, %mul3A_765 : vector<8x128xf32>
    %mul3A_767 = arith.mulf %mul3A_730, %mul3A_730 : vector<8x128xf32>
    %add3A_768 = arith.addf %add3A_766, %mul3A_767 : vector<8x128xf32>
    %mul3A_769 = arith.mulf %mul3A_725, %mul3A_726 : vector<8x128xf32>
    %mul3A_770 = arith.mulf %mul3A_728, %mul3A_729 : vector<8x128xf32>
    %add3A_771 = arith.addf %mul3A_769, %mul3A_770 : vector<8x128xf32>
    %mul3A_772 = arith.mulf %mul3A_729, %mul3A_731 : vector<8x128xf32>
    %add3A_773 = arith.addf %add3A_771, %mul3A_772 : vector<8x128xf32>
    %mul3A_774 = arith.mulf %mul3A_730, %mul3A_732 : vector<8x128xf32>
    %add3A_775 = arith.addf %add3A_773, %mul3A_774 : vector<8x128xf32>
    %mul3A_776 = arith.mulf %mul3A_725, %mul3A_727 : vector<8x128xf32>
    %mul3A_777 = arith.mulf %mul3A_728, %mul3A_730 : vector<8x128xf32>
    %add3A_778 = arith.addf %mul3A_776, %mul3A_777 : vector<8x128xf32>
    %mul3A_779 = arith.mulf %mul3A_729, %mul3A_732 : vector<8x128xf32>
    %add3A_780 = arith.addf %add3A_778, %mul3A_779 : vector<8x128xf32>
    %mul3A_781 = arith.mulf %mul3A_730, %mul3A_733 : vector<8x128xf32>
    %add3A_782 = arith.addf %add3A_780, %mul3A_781 : vector<8x128xf32>
    %mul3A_783 = arith.mulf %mul3A_726, %mul3A_726 : vector<8x128xf32>
    %mul3A_784 = arith.mulf %mul3A_729, %mul3A_729 : vector<8x128xf32>
    %add3A_785 = arith.addf %mul3A_783, %mul3A_784 : vector<8x128xf32>
    %mul3A_786 = arith.mulf %mul3A_731, %mul3A_731 : vector<8x128xf32>
    %add3A_787 = arith.addf %add3A_785, %mul3A_786 : vector<8x128xf32>
    %mul3A_788 = arith.mulf %mul3A_732, %mul3A_732 : vector<8x128xf32>
    %add3A_789 = arith.addf %add3A_787, %mul3A_788 : vector<8x128xf32>
    %mul3A_790 = arith.mulf %mul3A_726, %mul3A_727 : vector<8x128xf32>
    %mul3A_791 = arith.mulf %mul3A_729, %mul3A_730 : vector<8x128xf32>
    %add3A_792 = arith.addf %mul3A_790, %mul3A_791 : vector<8x128xf32>
    %mul3A_793 = arith.mulf %mul3A_731, %mul3A_732 : vector<8x128xf32>
    %add3A_794 = arith.addf %add3A_792, %mul3A_793 : vector<8x128xf32>
    %mul3A_795 = arith.mulf %mul3A_732, %mul3A_733 : vector<8x128xf32>
    %add3A_796 = arith.addf %add3A_794, %mul3A_795 : vector<8x128xf32>
    %mul3A_797 = arith.mulf %mul3A_727, %mul3A_727 : vector<8x128xf32>
    %mul3A_798 = arith.mulf %mul3A_730, %mul3A_730 : vector<8x128xf32>
    %add3A_799 = arith.addf %mul3A_797, %mul3A_798 : vector<8x128xf32>
    %mul3A_800 = arith.mulf %mul3A_732, %mul3A_732 : vector<8x128xf32>
    %add3A_801 = arith.addf %add3A_799, %mul3A_800 : vector<8x128xf32>
    %mul3A_802 = arith.mulf %mul3A_733, %mul3A_733 : vector<8x128xf32>
    %add3A_803 = arith.addf %add3A_801, %mul3A_802 : vector<8x128xf32>
    %add3A_804 = arith.addf %add3A_740, %add3A_768 : vector<8x128xf32>
    %add3A_805 = arith.addf %add3A_804, %add3A_789 : vector<8x128xf32>
    %add3A_806 = arith.addf %add3A_805, %add3A_803 : vector<8x128xf32>
    %max3A_807 = arith.constant 1.000000e-30 : f32
    %max3A_808 = vector.broadcast %max3A_807 : f32 to vector<8x128xf32>
    %max3A_809 = arith.maximumf %add3A_806, %max3A_808 : vector<8x128xf32>
    %div3A_810 = arith.constant 1.000000e+00 : f32
    %div3A_811 = vector.broadcast %div3A_810 : f32 to vector<8x128xf32>
    %div3A_812 = arith.divf %div3A_811, %max3A_809 : vector<8x128xf32>
    %mul3A_813 = arith.mulf %add3A_740, %div3A_812 : vector<8x128xf32>
    %mul3A_814 = arith.mulf %add3A_747, %div3A_812 : vector<8x128xf32>
    %mul3A_815 = arith.mulf %add3A_754, %div3A_812 : vector<8x128xf32>
    %mul3A_816 = arith.mulf %add3A_761, %div3A_812 : vector<8x128xf32>
    %mul3A_817 = arith.mulf %add3A_768, %div3A_812 : vector<8x128xf32>
    %mul3A_818 = arith.mulf %add3A_775, %div3A_812 : vector<8x128xf32>
    %mul3A_819 = arith.mulf %add3A_782, %div3A_812 : vector<8x128xf32>
    %mul3A_820 = arith.mulf %add3A_789, %div3A_812 : vector<8x128xf32>
    %mul3A_821 = arith.mulf %add3A_796, %div3A_812 : vector<8x128xf32>
    %mul3A_822 = arith.mulf %add3A_803, %div3A_812 : vector<8x128xf32>
    %mul3A_823 = arith.mulf %mul3A_813, %mul3A_813 : vector<8x128xf32>
    %mul3A_824 = arith.mulf %mul3A_814, %mul3A_814 : vector<8x128xf32>
    %add3A_825 = arith.addf %mul3A_823, %mul3A_824 : vector<8x128xf32>
    %mul3A_826 = arith.mulf %mul3A_815, %mul3A_815 : vector<8x128xf32>
    %add3A_827 = arith.addf %add3A_825, %mul3A_826 : vector<8x128xf32>
    %mul3A_828 = arith.mulf %mul3A_816, %mul3A_816 : vector<8x128xf32>
    %add3A_829 = arith.addf %add3A_827, %mul3A_828 : vector<8x128xf32>
    %mul3A_830 = arith.mulf %mul3A_813, %mul3A_814 : vector<8x128xf32>
    %mul3A_831 = arith.mulf %mul3A_814, %mul3A_817 : vector<8x128xf32>
    %add3A_832 = arith.addf %mul3A_830, %mul3A_831 : vector<8x128xf32>
    %mul3A_833 = arith.mulf %mul3A_815, %mul3A_818 : vector<8x128xf32>
    %add3A_834 = arith.addf %add3A_832, %mul3A_833 : vector<8x128xf32>
    %mul3A_835 = arith.mulf %mul3A_816, %mul3A_819 : vector<8x128xf32>
    %add3A_836 = arith.addf %add3A_834, %mul3A_835 : vector<8x128xf32>
    %mul3A_837 = arith.mulf %mul3A_813, %mul3A_815 : vector<8x128xf32>
    %mul3A_838 = arith.mulf %mul3A_814, %mul3A_818 : vector<8x128xf32>
    %add3A_839 = arith.addf %mul3A_837, %mul3A_838 : vector<8x128xf32>
    %mul3A_840 = arith.mulf %mul3A_815, %mul3A_820 : vector<8x128xf32>
    %add3A_841 = arith.addf %add3A_839, %mul3A_840 : vector<8x128xf32>
    %mul3A_842 = arith.mulf %mul3A_816, %mul3A_821 : vector<8x128xf32>
    %add3A_843 = arith.addf %add3A_841, %mul3A_842 : vector<8x128xf32>
    %mul3A_844 = arith.mulf %mul3A_813, %mul3A_816 : vector<8x128xf32>
    %mul3A_845 = arith.mulf %mul3A_814, %mul3A_819 : vector<8x128xf32>
    %add3A_846 = arith.addf %mul3A_844, %mul3A_845 : vector<8x128xf32>
    %mul3A_847 = arith.mulf %mul3A_815, %mul3A_821 : vector<8x128xf32>
    %add3A_848 = arith.addf %add3A_846, %mul3A_847 : vector<8x128xf32>
    %mul3A_849 = arith.mulf %mul3A_816, %mul3A_822 : vector<8x128xf32>
    %add3A_850 = arith.addf %add3A_848, %mul3A_849 : vector<8x128xf32>
    %mul3A_851 = arith.mulf %mul3A_814, %mul3A_814 : vector<8x128xf32>
    %mul3A_852 = arith.mulf %mul3A_817, %mul3A_817 : vector<8x128xf32>
    %add3A_853 = arith.addf %mul3A_851, %mul3A_852 : vector<8x128xf32>
    %mul3A_854 = arith.mulf %mul3A_818, %mul3A_818 : vector<8x128xf32>
    %add3A_855 = arith.addf %add3A_853, %mul3A_854 : vector<8x128xf32>
    %mul3A_856 = arith.mulf %mul3A_819, %mul3A_819 : vector<8x128xf32>
    %add3A_857 = arith.addf %add3A_855, %mul3A_856 : vector<8x128xf32>
    %mul3A_858 = arith.mulf %mul3A_814, %mul3A_815 : vector<8x128xf32>
    %mul3A_859 = arith.mulf %mul3A_817, %mul3A_818 : vector<8x128xf32>
    %add3A_860 = arith.addf %mul3A_858, %mul3A_859 : vector<8x128xf32>
    %mul3A_861 = arith.mulf %mul3A_818, %mul3A_820 : vector<8x128xf32>
    %add3A_862 = arith.addf %add3A_860, %mul3A_861 : vector<8x128xf32>
    %mul3A_863 = arith.mulf %mul3A_819, %mul3A_821 : vector<8x128xf32>
    %add3A_864 = arith.addf %add3A_862, %mul3A_863 : vector<8x128xf32>
    %mul3A_865 = arith.mulf %mul3A_814, %mul3A_816 : vector<8x128xf32>
    %mul3A_866 = arith.mulf %mul3A_817, %mul3A_819 : vector<8x128xf32>
    %add3A_867 = arith.addf %mul3A_865, %mul3A_866 : vector<8x128xf32>
    %mul3A_868 = arith.mulf %mul3A_818, %mul3A_821 : vector<8x128xf32>
    %add3A_869 = arith.addf %add3A_867, %mul3A_868 : vector<8x128xf32>
    %mul3A_870 = arith.mulf %mul3A_819, %mul3A_822 : vector<8x128xf32>
    %add3A_871 = arith.addf %add3A_869, %mul3A_870 : vector<8x128xf32>
    %mul3A_872 = arith.mulf %mul3A_815, %mul3A_815 : vector<8x128xf32>
    %mul3A_873 = arith.mulf %mul3A_818, %mul3A_818 : vector<8x128xf32>
    %add3A_874 = arith.addf %mul3A_872, %mul3A_873 : vector<8x128xf32>
    %mul3A_875 = arith.mulf %mul3A_820, %mul3A_820 : vector<8x128xf32>
    %add3A_876 = arith.addf %add3A_874, %mul3A_875 : vector<8x128xf32>
    %mul3A_877 = arith.mulf %mul3A_821, %mul3A_821 : vector<8x128xf32>
    %add3A_878 = arith.addf %add3A_876, %mul3A_877 : vector<8x128xf32>
    %mul3A_879 = arith.mulf %mul3A_815, %mul3A_816 : vector<8x128xf32>
    %mul3A_880 = arith.mulf %mul3A_818, %mul3A_819 : vector<8x128xf32>
    %add3A_881 = arith.addf %mul3A_879, %mul3A_880 : vector<8x128xf32>
    %mul3A_882 = arith.mulf %mul3A_820, %mul3A_821 : vector<8x128xf32>
    %add3A_883 = arith.addf %add3A_881, %mul3A_882 : vector<8x128xf32>
    %mul3A_884 = arith.mulf %mul3A_821, %mul3A_822 : vector<8x128xf32>
    %add3A_885 = arith.addf %add3A_883, %mul3A_884 : vector<8x128xf32>
    %mul3A_886 = arith.mulf %mul3A_816, %mul3A_816 : vector<8x128xf32>
    %mul3A_887 = arith.mulf %mul3A_819, %mul3A_819 : vector<8x128xf32>
    %add3A_888 = arith.addf %mul3A_886, %mul3A_887 : vector<8x128xf32>
    %mul3A_889 = arith.mulf %mul3A_821, %mul3A_821 : vector<8x128xf32>
    %add3A_890 = arith.addf %add3A_888, %mul3A_889 : vector<8x128xf32>
    %mul3A_891 = arith.mulf %mul3A_822, %mul3A_822 : vector<8x128xf32>
    %add3A_892 = arith.addf %add3A_890, %mul3A_891 : vector<8x128xf32>
    %add3A_893 = arith.addf %add3A_829, %add3A_857 : vector<8x128xf32>
    %add3A_894 = arith.addf %add3A_893, %add3A_878 : vector<8x128xf32>
    %add3A_895 = arith.addf %add3A_894, %add3A_892 : vector<8x128xf32>
    %max3A_896 = arith.constant 1.000000e-30 : f32
    %max3A_897 = vector.broadcast %max3A_896 : f32 to vector<8x128xf32>
    %max3A_898 = arith.maximumf %add3A_895, %max3A_897 : vector<8x128xf32>
    %div3A_899 = arith.constant 1.000000e+00 : f32
    %div3A_900 = vector.broadcast %div3A_899 : f32 to vector<8x128xf32>
    %div3A_901 = arith.divf %div3A_900, %max3A_898 : vector<8x128xf32>
    %mul3A_902 = arith.mulf %add3A_829, %div3A_901 : vector<8x128xf32>
    %mul3A_903 = arith.mulf %add3A_836, %div3A_901 : vector<8x128xf32>
    %mul3A_904 = arith.mulf %add3A_843, %div3A_901 : vector<8x128xf32>
    %mul3A_905 = arith.mulf %add3A_850, %div3A_901 : vector<8x128xf32>
    %mul3A_906 = arith.mulf %add3A_857, %div3A_901 : vector<8x128xf32>
    %mul3A_907 = arith.mulf %add3A_864, %div3A_901 : vector<8x128xf32>
    %mul3A_908 = arith.mulf %add3A_871, %div3A_901 : vector<8x128xf32>
    %mul3A_909 = arith.mulf %add3A_878, %div3A_901 : vector<8x128xf32>
    %mul3A_910 = arith.mulf %add3A_885, %div3A_901 : vector<8x128xf32>
    %mul3A_911 = arith.mulf %add3A_892, %div3A_901 : vector<8x128xf32>
    %mul3A_912 = arith.mulf %mul3A_902, %mul3A_902 : vector<8x128xf32>
    %mul3A_913 = arith.mulf %mul3A_903, %mul3A_903 : vector<8x128xf32>
    %add3A_914 = arith.addf %mul3A_912, %mul3A_913 : vector<8x128xf32>
    %mul3A_915 = arith.mulf %mul3A_904, %mul3A_904 : vector<8x128xf32>
    %add3A_916 = arith.addf %add3A_914, %mul3A_915 : vector<8x128xf32>
    %mul3A_917 = arith.mulf %mul3A_905, %mul3A_905 : vector<8x128xf32>
    %add3A_918 = arith.addf %add3A_916, %mul3A_917 : vector<8x128xf32>
    %mul3A_919 = arith.mulf %mul3A_902, %mul3A_903 : vector<8x128xf32>
    %mul3A_920 = arith.mulf %mul3A_903, %mul3A_906 : vector<8x128xf32>
    %add3A_921 = arith.addf %mul3A_919, %mul3A_920 : vector<8x128xf32>
    %mul3A_922 = arith.mulf %mul3A_904, %mul3A_907 : vector<8x128xf32>
    %add3A_923 = arith.addf %add3A_921, %mul3A_922 : vector<8x128xf32>
    %mul3A_924 = arith.mulf %mul3A_905, %mul3A_908 : vector<8x128xf32>
    %add3A_925 = arith.addf %add3A_923, %mul3A_924 : vector<8x128xf32>
    %mul3A_926 = arith.mulf %mul3A_902, %mul3A_904 : vector<8x128xf32>
    %mul3A_927 = arith.mulf %mul3A_903, %mul3A_907 : vector<8x128xf32>
    %add3A_928 = arith.addf %mul3A_926, %mul3A_927 : vector<8x128xf32>
    %mul3A_929 = arith.mulf %mul3A_904, %mul3A_909 : vector<8x128xf32>
    %add3A_930 = arith.addf %add3A_928, %mul3A_929 : vector<8x128xf32>
    %mul3A_931 = arith.mulf %mul3A_905, %mul3A_910 : vector<8x128xf32>
    %add3A_932 = arith.addf %add3A_930, %mul3A_931 : vector<8x128xf32>
    %mul3A_933 = arith.mulf %mul3A_902, %mul3A_905 : vector<8x128xf32>
    %mul3A_934 = arith.mulf %mul3A_903, %mul3A_908 : vector<8x128xf32>
    %add3A_935 = arith.addf %mul3A_933, %mul3A_934 : vector<8x128xf32>
    %mul3A_936 = arith.mulf %mul3A_904, %mul3A_910 : vector<8x128xf32>
    %add3A_937 = arith.addf %add3A_935, %mul3A_936 : vector<8x128xf32>
    %mul3A_938 = arith.mulf %mul3A_905, %mul3A_911 : vector<8x128xf32>
    %add3A_939 = arith.addf %add3A_937, %mul3A_938 : vector<8x128xf32>
    %mul3A_940 = arith.mulf %mul3A_903, %mul3A_903 : vector<8x128xf32>
    %mul3A_941 = arith.mulf %mul3A_906, %mul3A_906 : vector<8x128xf32>
    %add3A_942 = arith.addf %mul3A_940, %mul3A_941 : vector<8x128xf32>
    %mul3A_943 = arith.mulf %mul3A_907, %mul3A_907 : vector<8x128xf32>
    %add3A_944 = arith.addf %add3A_942, %mul3A_943 : vector<8x128xf32>
    %mul3A_945 = arith.mulf %mul3A_908, %mul3A_908 : vector<8x128xf32>
    %add3A_946 = arith.addf %add3A_944, %mul3A_945 : vector<8x128xf32>
    %mul3A_947 = arith.mulf %mul3A_903, %mul3A_904 : vector<8x128xf32>
    %mul3A_948 = arith.mulf %mul3A_906, %mul3A_907 : vector<8x128xf32>
    %add3A_949 = arith.addf %mul3A_947, %mul3A_948 : vector<8x128xf32>
    %mul3A_950 = arith.mulf %mul3A_907, %mul3A_909 : vector<8x128xf32>
    %add3A_951 = arith.addf %add3A_949, %mul3A_950 : vector<8x128xf32>
    %mul3A_952 = arith.mulf %mul3A_908, %mul3A_910 : vector<8x128xf32>
    %add3A_953 = arith.addf %add3A_951, %mul3A_952 : vector<8x128xf32>
    %mul3A_954 = arith.mulf %mul3A_903, %mul3A_905 : vector<8x128xf32>
    %mul3A_955 = arith.mulf %mul3A_906, %mul3A_908 : vector<8x128xf32>
    %add3A_956 = arith.addf %mul3A_954, %mul3A_955 : vector<8x128xf32>
    %mul3A_957 = arith.mulf %mul3A_907, %mul3A_910 : vector<8x128xf32>
    %add3A_958 = arith.addf %add3A_956, %mul3A_957 : vector<8x128xf32>
    %mul3A_959 = arith.mulf %mul3A_908, %mul3A_911 : vector<8x128xf32>
    %add3A_960 = arith.addf %add3A_958, %mul3A_959 : vector<8x128xf32>
    %mul3A_961 = arith.mulf %mul3A_904, %mul3A_904 : vector<8x128xf32>
    %mul3A_962 = arith.mulf %mul3A_907, %mul3A_907 : vector<8x128xf32>
    %add3A_963 = arith.addf %mul3A_961, %mul3A_962 : vector<8x128xf32>
    %mul3A_964 = arith.mulf %mul3A_909, %mul3A_909 : vector<8x128xf32>
    %add3A_965 = arith.addf %add3A_963, %mul3A_964 : vector<8x128xf32>
    %mul3A_966 = arith.mulf %mul3A_910, %mul3A_910 : vector<8x128xf32>
    %add3A_967 = arith.addf %add3A_965, %mul3A_966 : vector<8x128xf32>
    %mul3A_968 = arith.mulf %mul3A_904, %mul3A_905 : vector<8x128xf32>
    %mul3A_969 = arith.mulf %mul3A_907, %mul3A_908 : vector<8x128xf32>
    %add3A_970 = arith.addf %mul3A_968, %mul3A_969 : vector<8x128xf32>
    %mul3A_971 = arith.mulf %mul3A_909, %mul3A_910 : vector<8x128xf32>
    %add3A_972 = arith.addf %add3A_970, %mul3A_971 : vector<8x128xf32>
    %mul3A_973 = arith.mulf %mul3A_910, %mul3A_911 : vector<8x128xf32>
    %add3A_974 = arith.addf %add3A_972, %mul3A_973 : vector<8x128xf32>
    %mul3A_975 = arith.mulf %mul3A_905, %mul3A_905 : vector<8x128xf32>
    %mul3A_976 = arith.mulf %mul3A_908, %mul3A_908 : vector<8x128xf32>
    %add3A_977 = arith.addf %mul3A_975, %mul3A_976 : vector<8x128xf32>
    %mul3A_978 = arith.mulf %mul3A_910, %mul3A_910 : vector<8x128xf32>
    %add3A_979 = arith.addf %add3A_977, %mul3A_978 : vector<8x128xf32>
    %mul3A_980 = arith.mulf %mul3A_911, %mul3A_911 : vector<8x128xf32>
    %add3A_981 = arith.addf %add3A_979, %mul3A_980 : vector<8x128xf32>
    %add3A_982 = arith.addf %add3A_918, %add3A_946 : vector<8x128xf32>
    %add3A_983 = arith.addf %add3A_982, %add3A_967 : vector<8x128xf32>
    %add3A_984 = arith.addf %add3A_983, %add3A_981 : vector<8x128xf32>
    %max3A_985 = arith.constant 1.000000e-30 : f32
    %max3A_986 = vector.broadcast %max3A_985 : f32 to vector<8x128xf32>
    %max3A_987 = arith.maximumf %add3A_984, %max3A_986 : vector<8x128xf32>
    %div3A_988 = arith.constant 1.000000e+00 : f32
    %div3A_989 = vector.broadcast %div3A_988 : f32 to vector<8x128xf32>
    %div3A_990 = arith.divf %div3A_989, %max3A_987 : vector<8x128xf32>
    %mul3A_991 = arith.mulf %add3A_918, %div3A_990 : vector<8x128xf32>
    %mul3A_992 = arith.mulf %add3A_925, %div3A_990 : vector<8x128xf32>
    %mul3A_993 = arith.mulf %add3A_932, %div3A_990 : vector<8x128xf32>
    %mul3A_994 = arith.mulf %add3A_939, %div3A_990 : vector<8x128xf32>
    %mul3A_995 = arith.mulf %add3A_946, %div3A_990 : vector<8x128xf32>
    %mul3A_996 = arith.mulf %add3A_953, %div3A_990 : vector<8x128xf32>
    %mul3A_997 = arith.mulf %add3A_960, %div3A_990 : vector<8x128xf32>
    %mul3A_998 = arith.mulf %add3A_967, %div3A_990 : vector<8x128xf32>
    %mul3A_999 = arith.mulf %add3A_974, %div3A_990 : vector<8x128xf32>
    %mul3A_1000 = arith.mulf %add3A_981, %div3A_990 : vector<8x128xf32>
    %mul3A_1001 = arith.mulf %mul3A_991, %mul3A_991 : vector<8x128xf32>
    %mul3A_1002 = arith.mulf %mul3A_992, %mul3A_992 : vector<8x128xf32>
    %add3A_1003 = arith.addf %mul3A_1001, %mul3A_1002 : vector<8x128xf32>
    %mul3A_1004 = arith.mulf %mul3A_993, %mul3A_993 : vector<8x128xf32>
    %add3A_1005 = arith.addf %add3A_1003, %mul3A_1004 : vector<8x128xf32>
    %mul3A_1006 = arith.mulf %mul3A_994, %mul3A_994 : vector<8x128xf32>
    %add3A_1007 = arith.addf %add3A_1005, %mul3A_1006 : vector<8x128xf32>
    %mul3A_1008 = arith.mulf %mul3A_991, %mul3A_992 : vector<8x128xf32>
    %mul3A_1009 = arith.mulf %mul3A_992, %mul3A_995 : vector<8x128xf32>
    %add3A_1010 = arith.addf %mul3A_1008, %mul3A_1009 : vector<8x128xf32>
    %mul3A_1011 = arith.mulf %mul3A_993, %mul3A_996 : vector<8x128xf32>
    %add3A_1012 = arith.addf %add3A_1010, %mul3A_1011 : vector<8x128xf32>
    %mul3A_1013 = arith.mulf %mul3A_994, %mul3A_997 : vector<8x128xf32>
    %add3A_1014 = arith.addf %add3A_1012, %mul3A_1013 : vector<8x128xf32>
    %mul3A_1015 = arith.mulf %mul3A_991, %mul3A_993 : vector<8x128xf32>
    %mul3A_1016 = arith.mulf %mul3A_992, %mul3A_996 : vector<8x128xf32>
    %add3A_1017 = arith.addf %mul3A_1015, %mul3A_1016 : vector<8x128xf32>
    %mul3A_1018 = arith.mulf %mul3A_993, %mul3A_998 : vector<8x128xf32>
    %add3A_1019 = arith.addf %add3A_1017, %mul3A_1018 : vector<8x128xf32>
    %mul3A_1020 = arith.mulf %mul3A_994, %mul3A_999 : vector<8x128xf32>
    %add3A_1021 = arith.addf %add3A_1019, %mul3A_1020 : vector<8x128xf32>
    %mul3A_1022 = arith.mulf %mul3A_991, %mul3A_994 : vector<8x128xf32>
    %mul3A_1023 = arith.mulf %mul3A_992, %mul3A_997 : vector<8x128xf32>
    %add3A_1024 = arith.addf %mul3A_1022, %mul3A_1023 : vector<8x128xf32>
    %mul3A_1025 = arith.mulf %mul3A_993, %mul3A_999 : vector<8x128xf32>
    %add3A_1026 = arith.addf %add3A_1024, %mul3A_1025 : vector<8x128xf32>
    %mul3A_1027 = arith.mulf %mul3A_994, %mul3A_1000 : vector<8x128xf32>
    %add3A_1028 = arith.addf %add3A_1026, %mul3A_1027 : vector<8x128xf32>
    %mul3A_1029 = arith.mulf %mul3A_992, %mul3A_992 : vector<8x128xf32>
    %mul3A_1030 = arith.mulf %mul3A_995, %mul3A_995 : vector<8x128xf32>
    %add3A_1031 = arith.addf %mul3A_1029, %mul3A_1030 : vector<8x128xf32>
    %mul3A_1032 = arith.mulf %mul3A_996, %mul3A_996 : vector<8x128xf32>
    %add3A_1033 = arith.addf %add3A_1031, %mul3A_1032 : vector<8x128xf32>
    %mul3A_1034 = arith.mulf %mul3A_997, %mul3A_997 : vector<8x128xf32>
    %add3A_1035 = arith.addf %add3A_1033, %mul3A_1034 : vector<8x128xf32>
    %mul3A_1036 = arith.mulf %mul3A_992, %mul3A_993 : vector<8x128xf32>
    %mul3A_1037 = arith.mulf %mul3A_995, %mul3A_996 : vector<8x128xf32>
    %add3A_1038 = arith.addf %mul3A_1036, %mul3A_1037 : vector<8x128xf32>
    %mul3A_1039 = arith.mulf %mul3A_996, %mul3A_998 : vector<8x128xf32>
    %add3A_1040 = arith.addf %add3A_1038, %mul3A_1039 : vector<8x128xf32>
    %mul3A_1041 = arith.mulf %mul3A_997, %mul3A_999 : vector<8x128xf32>
    %add3A_1042 = arith.addf %add3A_1040, %mul3A_1041 : vector<8x128xf32>
    %mul3A_1043 = arith.mulf %mul3A_992, %mul3A_994 : vector<8x128xf32>
    %mul3A_1044 = arith.mulf %mul3A_995, %mul3A_997 : vector<8x128xf32>
    %add3A_1045 = arith.addf %mul3A_1043, %mul3A_1044 : vector<8x128xf32>
    %mul3A_1046 = arith.mulf %mul3A_996, %mul3A_999 : vector<8x128xf32>
    %add3A_1047 = arith.addf %add3A_1045, %mul3A_1046 : vector<8x128xf32>
    %mul3A_1048 = arith.mulf %mul3A_997, %mul3A_1000 : vector<8x128xf32>
    %add3A_1049 = arith.addf %add3A_1047, %mul3A_1048 : vector<8x128xf32>
    %mul3A_1050 = arith.mulf %mul3A_993, %mul3A_993 : vector<8x128xf32>
    %mul3A_1051 = arith.mulf %mul3A_996, %mul3A_996 : vector<8x128xf32>
    %add3A_1052 = arith.addf %mul3A_1050, %mul3A_1051 : vector<8x128xf32>
    %mul3A_1053 = arith.mulf %mul3A_998, %mul3A_998 : vector<8x128xf32>
    %add3A_1054 = arith.addf %add3A_1052, %mul3A_1053 : vector<8x128xf32>
    %mul3A_1055 = arith.mulf %mul3A_999, %mul3A_999 : vector<8x128xf32>
    %add3A_1056 = arith.addf %add3A_1054, %mul3A_1055 : vector<8x128xf32>
    %mul3A_1057 = arith.mulf %mul3A_993, %mul3A_994 : vector<8x128xf32>
    %mul3A_1058 = arith.mulf %mul3A_996, %mul3A_997 : vector<8x128xf32>
    %add3A_1059 = arith.addf %mul3A_1057, %mul3A_1058 : vector<8x128xf32>
    %mul3A_1060 = arith.mulf %mul3A_998, %mul3A_999 : vector<8x128xf32>
    %add3A_1061 = arith.addf %add3A_1059, %mul3A_1060 : vector<8x128xf32>
    %mul3A_1062 = arith.mulf %mul3A_999, %mul3A_1000 : vector<8x128xf32>
    %add3A_1063 = arith.addf %add3A_1061, %mul3A_1062 : vector<8x128xf32>
    %mul3A_1064 = arith.mulf %mul3A_994, %mul3A_994 : vector<8x128xf32>
    %mul3A_1065 = arith.mulf %mul3A_997, %mul3A_997 : vector<8x128xf32>
    %add3A_1066 = arith.addf %mul3A_1064, %mul3A_1065 : vector<8x128xf32>
    %mul3A_1067 = arith.mulf %mul3A_999, %mul3A_999 : vector<8x128xf32>
    %add3A_1068 = arith.addf %add3A_1066, %mul3A_1067 : vector<8x128xf32>
    %mul3A_1069 = arith.mulf %mul3A_1000, %mul3A_1000 : vector<8x128xf32>
    %add3A_1070 = arith.addf %add3A_1068, %mul3A_1069 : vector<8x128xf32>
    %add3A_1071 = arith.addf %add3A_1007, %add3A_1035 : vector<8x128xf32>
    %add3A_1072 = arith.addf %add3A_1071, %add3A_1056 : vector<8x128xf32>
    %add3A_1073 = arith.addf %add3A_1072, %add3A_1070 : vector<8x128xf32>
    %max3A_1074 = arith.constant 1.000000e-30 : f32
    %max3A_1075 = vector.broadcast %max3A_1074 : f32 to vector<8x128xf32>
    %max3A_1076 = arith.maximumf %add3A_1073, %max3A_1075 : vector<8x128xf32>
    %div3A_1077 = arith.constant 1.000000e+00 : f32
    %div3A_1078 = vector.broadcast %div3A_1077 : f32 to vector<8x128xf32>
    %div3A_1079 = arith.divf %div3A_1078, %max3A_1076 : vector<8x128xf32>
    %mul3A_1080 = arith.mulf %add3A_1007, %div3A_1079 : vector<8x128xf32>
    %mul3A_1081 = arith.mulf %add3A_1014, %div3A_1079 : vector<8x128xf32>
    %mul3A_1082 = arith.mulf %add3A_1021, %div3A_1079 : vector<8x128xf32>
    %mul3A_1083 = arith.mulf %add3A_1028, %div3A_1079 : vector<8x128xf32>
    %mul3A_1084 = arith.mulf %add3A_1035, %div3A_1079 : vector<8x128xf32>
    %mul3A_1085 = arith.mulf %add3A_1042, %div3A_1079 : vector<8x128xf32>
    %mul3A_1086 = arith.mulf %add3A_1049, %div3A_1079 : vector<8x128xf32>
    %mul3A_1087 = arith.mulf %add3A_1056, %div3A_1079 : vector<8x128xf32>
    %mul3A_1088 = arith.mulf %add3A_1063, %div3A_1079 : vector<8x128xf32>
    %mul3A_1089 = arith.mulf %add3A_1070, %div3A_1079 : vector<8x128xf32>
    %mul3A_1090 = arith.mulf %mul3A_1080, %mul3A_1080 : vector<8x128xf32>
    %mul3A_1091 = arith.mulf %mul3A_1081, %mul3A_1081 : vector<8x128xf32>
    %add3A_1092 = arith.addf %mul3A_1090, %mul3A_1091 : vector<8x128xf32>
    %mul3A_1093 = arith.mulf %mul3A_1082, %mul3A_1082 : vector<8x128xf32>
    %add3A_1094 = arith.addf %add3A_1092, %mul3A_1093 : vector<8x128xf32>
    %mul3A_1095 = arith.mulf %mul3A_1083, %mul3A_1083 : vector<8x128xf32>
    %add3A_1096 = arith.addf %add3A_1094, %mul3A_1095 : vector<8x128xf32>
    %mul3A_1097 = arith.mulf %mul3A_1080, %mul3A_1081 : vector<8x128xf32>
    %mul3A_1098 = arith.mulf %mul3A_1081, %mul3A_1084 : vector<8x128xf32>
    %add3A_1099 = arith.addf %mul3A_1097, %mul3A_1098 : vector<8x128xf32>
    %mul3A_1100 = arith.mulf %mul3A_1082, %mul3A_1085 : vector<8x128xf32>
    %add3A_1101 = arith.addf %add3A_1099, %mul3A_1100 : vector<8x128xf32>
    %mul3A_1102 = arith.mulf %mul3A_1083, %mul3A_1086 : vector<8x128xf32>
    %add3A_1103 = arith.addf %add3A_1101, %mul3A_1102 : vector<8x128xf32>
    %mul3A_1104 = arith.mulf %mul3A_1080, %mul3A_1082 : vector<8x128xf32>
    %mul3A_1105 = arith.mulf %mul3A_1081, %mul3A_1085 : vector<8x128xf32>
    %add3A_1106 = arith.addf %mul3A_1104, %mul3A_1105 : vector<8x128xf32>
    %mul3A_1107 = arith.mulf %mul3A_1082, %mul3A_1087 : vector<8x128xf32>
    %add3A_1108 = arith.addf %add3A_1106, %mul3A_1107 : vector<8x128xf32>
    %mul3A_1109 = arith.mulf %mul3A_1083, %mul3A_1088 : vector<8x128xf32>
    %add3A_1110 = arith.addf %add3A_1108, %mul3A_1109 : vector<8x128xf32>
    %mul3A_1111 = arith.mulf %mul3A_1080, %mul3A_1083 : vector<8x128xf32>
    %mul3A_1112 = arith.mulf %mul3A_1081, %mul3A_1086 : vector<8x128xf32>
    %add3A_1113 = arith.addf %mul3A_1111, %mul3A_1112 : vector<8x128xf32>
    %mul3A_1114 = arith.mulf %mul3A_1082, %mul3A_1088 : vector<8x128xf32>
    %add3A_1115 = arith.addf %add3A_1113, %mul3A_1114 : vector<8x128xf32>
    %mul3A_1116 = arith.mulf %mul3A_1083, %mul3A_1089 : vector<8x128xf32>
    %add3A_1117 = arith.addf %add3A_1115, %mul3A_1116 : vector<8x128xf32>
    %mul3A_1118 = arith.mulf %mul3A_1081, %mul3A_1081 : vector<8x128xf32>
    %mul3A_1119 = arith.mulf %mul3A_1084, %mul3A_1084 : vector<8x128xf32>
    %add3A_1120 = arith.addf %mul3A_1118, %mul3A_1119 : vector<8x128xf32>
    %mul3A_1121 = arith.mulf %mul3A_1085, %mul3A_1085 : vector<8x128xf32>
    %add3A_1122 = arith.addf %add3A_1120, %mul3A_1121 : vector<8x128xf32>
    %mul3A_1123 = arith.mulf %mul3A_1086, %mul3A_1086 : vector<8x128xf32>
    %add3A_1124 = arith.addf %add3A_1122, %mul3A_1123 : vector<8x128xf32>
    %mul3A_1125 = arith.mulf %mul3A_1081, %mul3A_1082 : vector<8x128xf32>
    %mul3A_1126 = arith.mulf %mul3A_1084, %mul3A_1085 : vector<8x128xf32>
    %add3A_1127 = arith.addf %mul3A_1125, %mul3A_1126 : vector<8x128xf32>
    %mul3A_1128 = arith.mulf %mul3A_1085, %mul3A_1087 : vector<8x128xf32>
    %add3A_1129 = arith.addf %add3A_1127, %mul3A_1128 : vector<8x128xf32>
    %mul3A_1130 = arith.mulf %mul3A_1086, %mul3A_1088 : vector<8x128xf32>
    %add3A_1131 = arith.addf %add3A_1129, %mul3A_1130 : vector<8x128xf32>
    %mul3A_1132 = arith.mulf %mul3A_1081, %mul3A_1083 : vector<8x128xf32>
    %mul3A_1133 = arith.mulf %mul3A_1084, %mul3A_1086 : vector<8x128xf32>
    %add3A_1134 = arith.addf %mul3A_1132, %mul3A_1133 : vector<8x128xf32>
    %mul3A_1135 = arith.mulf %mul3A_1085, %mul3A_1088 : vector<8x128xf32>
    %add3A_1136 = arith.addf %add3A_1134, %mul3A_1135 : vector<8x128xf32>
    %mul3A_1137 = arith.mulf %mul3A_1086, %mul3A_1089 : vector<8x128xf32>
    %add3A_1138 = arith.addf %add3A_1136, %mul3A_1137 : vector<8x128xf32>
    %mul3A_1139 = arith.mulf %mul3A_1082, %mul3A_1082 : vector<8x128xf32>
    %mul3A_1140 = arith.mulf %mul3A_1085, %mul3A_1085 : vector<8x128xf32>
    %add3A_1141 = arith.addf %mul3A_1139, %mul3A_1140 : vector<8x128xf32>
    %mul3A_1142 = arith.mulf %mul3A_1087, %mul3A_1087 : vector<8x128xf32>
    %add3A_1143 = arith.addf %add3A_1141, %mul3A_1142 : vector<8x128xf32>
    %mul3A_1144 = arith.mulf %mul3A_1088, %mul3A_1088 : vector<8x128xf32>
    %add3A_1145 = arith.addf %add3A_1143, %mul3A_1144 : vector<8x128xf32>
    %mul3A_1146 = arith.mulf %mul3A_1082, %mul3A_1083 : vector<8x128xf32>
    %mul3A_1147 = arith.mulf %mul3A_1085, %mul3A_1086 : vector<8x128xf32>
    %add3A_1148 = arith.addf %mul3A_1146, %mul3A_1147 : vector<8x128xf32>
    %mul3A_1149 = arith.mulf %mul3A_1087, %mul3A_1088 : vector<8x128xf32>
    %add3A_1150 = arith.addf %add3A_1148, %mul3A_1149 : vector<8x128xf32>
    %mul3A_1151 = arith.mulf %mul3A_1088, %mul3A_1089 : vector<8x128xf32>
    %add3A_1152 = arith.addf %add3A_1150, %mul3A_1151 : vector<8x128xf32>
    %mul3A_1153 = arith.mulf %mul3A_1083, %mul3A_1083 : vector<8x128xf32>
    %mul3A_1154 = arith.mulf %mul3A_1086, %mul3A_1086 : vector<8x128xf32>
    %add3A_1155 = arith.addf %mul3A_1153, %mul3A_1154 : vector<8x128xf32>
    %mul3A_1156 = arith.mulf %mul3A_1088, %mul3A_1088 : vector<8x128xf32>
    %add3A_1157 = arith.addf %add3A_1155, %mul3A_1156 : vector<8x128xf32>
    %mul3A_1158 = arith.mulf %mul3A_1089, %mul3A_1089 : vector<8x128xf32>
    %add3A_1159 = arith.addf %add3A_1157, %mul3A_1158 : vector<8x128xf32>
    %add3A_1160 = arith.addf %add3A_1096, %add3A_1124 : vector<8x128xf32>
    %add3A_1161 = arith.addf %add3A_1160, %add3A_1145 : vector<8x128xf32>
    %add3A_1162 = arith.addf %add3A_1161, %add3A_1159 : vector<8x128xf32>
    %max3A_1163 = arith.constant 1.000000e-30 : f32
    %max3A_1164 = vector.broadcast %max3A_1163 : f32 to vector<8x128xf32>
    %max3A_1165 = arith.maximumf %add3A_1162, %max3A_1164 : vector<8x128xf32>
    %div3A_1166 = arith.constant 1.000000e+00 : f32
    %div3A_1167 = vector.broadcast %div3A_1166 : f32 to vector<8x128xf32>
    %div3A_1168 = arith.divf %div3A_1167, %max3A_1165 : vector<8x128xf32>
    %mul3A_1169 = arith.mulf %add3A_1096, %div3A_1168 : vector<8x128xf32>
    %mul3A_1170 = arith.mulf %add3A_1103, %div3A_1168 : vector<8x128xf32>
    %mul3A_1171 = arith.mulf %add3A_1110, %div3A_1168 : vector<8x128xf32>
    %mul3A_1172 = arith.mulf %add3A_1117, %div3A_1168 : vector<8x128xf32>
    %mul3A_1173 = arith.mulf %add3A_1124, %div3A_1168 : vector<8x128xf32>
    %mul3A_1174 = arith.mulf %add3A_1131, %div3A_1168 : vector<8x128xf32>
    %mul3A_1175 = arith.mulf %add3A_1138, %div3A_1168 : vector<8x128xf32>
    %mul3A_1176 = arith.mulf %add3A_1145, %div3A_1168 : vector<8x128xf32>
    %mul3A_1177 = arith.mulf %add3A_1152, %div3A_1168 : vector<8x128xf32>
    %mul3A_1178 = arith.mulf %add3A_1159, %div3A_1168 : vector<8x128xf32>
    %ge3A = arith.cmpf oge, %mul3A_1169, %mul3A_1173 : vector<8x128xf32>
    %select_n3A = arith.select %ge3A, %mul3A_1169, %mul3A_1170 : vector<8x128xi1>, vector<8x128xf32>
    %select_n3A_1179 = arith.select %ge3A, %mul3A_1170, %mul3A_1173 : vector<8x128xi1>, vector<8x128xf32>
    %select_n3A_1180 = arith.select %ge3A, %mul3A_1171, %mul3A_1174 : vector<8x128xi1>, vector<8x128xf32>
    %select_n3A_1181 = arith.select %ge3A, %mul3A_1172, %mul3A_1175 : vector<8x128xi1>, vector<8x128xf32>
    %select_n3A_1182 = arith.select %ge3A, %mul3A_1169, %mul3A_1173 : vector<8x128xi1>, vector<8x128xf32>
    %ge3A_1183 = arith.cmpf oge, %mul3A_1176, %mul3A_1178 : vector<8x128xf32>
    %select_n3A_1184 = arith.select %ge3A_1183, %mul3A_1171, %mul3A_1172 : vector<8x128xi1>, vector<8x128xf32>
    %select_n3A_1185 = arith.select %ge3A_1183, %mul3A_1174, %mul3A_1175 : vector<8x128xi1>, vector<8x128xf32>
    %select_n3A_1186 = arith.select %ge3A_1183, %mul3A_1176, %mul3A_1177 : vector<8x128xi1>, vector<8x128xf32>
    %select_n3A_1187 = arith.select %ge3A_1183, %mul3A_1177, %mul3A_1178 : vector<8x128xi1>, vector<8x128xf32>
    %select_n3A_1188 = arith.select %ge3A_1183, %mul3A_1176, %mul3A_1178 : vector<8x128xi1>, vector<8x128xf32>
    %ge3A_1189 = arith.cmpf oge, %select_n3A_1182, %select_n3A_1188 : vector<8x128xf32>
    %select_n3A_1190 = arith.select %ge3A_1189, %select_n3A, %select_n3A_1184 : vector<8x128xi1>, vector<8x128xf32>
    %select_n3A_1191 = arith.select %ge3A_1189, %select_n3A_1179, %select_n3A_1185 : vector<8x128xi1>, vector<8x128xf32>
    %select_n3A_1192 = arith.select %ge3A_1189, %select_n3A_1180, %select_n3A_1186 : vector<8x128xi1>, vector<8x128xf32>
    %select_n3A_1193 = arith.select %ge3A_1189, %select_n3A_1181, %select_n3A_1187 : vector<8x128xi1>, vector<8x128xf32>
    %mul3A_1194 = arith.mulf %select_n3A_1190, %select_n3A_1190 : vector<8x128xf32>
    %mul3A_1195 = arith.mulf %select_n3A_1191, %select_n3A_1191 : vector<8x128xf32>
    %add3A_1196 = arith.addf %mul3A_1194, %mul3A_1195 : vector<8x128xf32>
    %mul3A_1197 = arith.mulf %select_n3A_1192, %select_n3A_1192 : vector<8x128xf32>
    %add3A_1198 = arith.addf %add3A_1196, %mul3A_1197 : vector<8x128xf32>
    %mul3A_1199 = arith.mulf %select_n3A_1193, %select_n3A_1193 : vector<8x128xf32>
    %add3A_1200 = arith.addf %add3A_1198, %mul3A_1199 : vector<8x128xf32>
    %max3A_1201 = arith.constant 1.000000e-30 : f32
    %max3A_1202 = vector.broadcast %max3A_1201 : f32 to vector<8x128xf32>
    %max3A_1203 = arith.maximumf %add3A_1200, %max3A_1202 : vector<8x128xf32>
    %rsqrt3A = math.rsqrt %max3A_1203 : vector<8x128xf32>
    %mul3A_1204 = arith.mulf %select_n3A_1190, %rsqrt3A : vector<8x128xf32>
    %mul3A_1205 = arith.mulf %select_n3A_1191, %rsqrt3A : vector<8x128xf32>
    %mul3A_1206 = arith.mulf %select_n3A_1192, %rsqrt3A : vector<8x128xf32>
    %mul3A_1207 = arith.mulf %select_n3A_1193, %rsqrt3A : vector<8x128xf32>
    %mul3A_1208 = arith.mulf %mul3A_1206, %mul3A_1206 : vector<8x128xf32>
    %mul3A_1209 = arith.mulf %mul3A_1207, %mul3A_1207 : vector<8x128xf32>
    %add3A_1210 = arith.addf %mul3A_1208, %mul3A_1209 : vector<8x128xf32>
    %mul3A_1211 = arith.constant 2.000000e+00 : f32
    %mul3A_1212 = vector.broadcast %mul3A_1211 : f32 to vector<8x128xf32>
    %mul3A_1213 = arith.mulf %mul3A_1212, %add3A_1210 : vector<8x128xf32>
    %sub3A_1214 = arith.constant 1.000000e+00 : f32
    %sub3A_1215 = vector.broadcast %sub3A_1214 : f32 to vector<8x128xf32>
    %sub3A_1216 = arith.subf %sub3A_1215, %mul3A_1213 : vector<8x128xf32>
    %mul3A_1217 = arith.mulf %mul3A_1205, %mul3A_1206 : vector<8x128xf32>
    %mul3A_1218 = arith.mulf %mul3A_1204, %mul3A_1207 : vector<8x128xf32>
    %sub3A_1219 = arith.subf %mul3A_1217, %mul3A_1218 : vector<8x128xf32>
    %mul3A_1220 = arith.constant 2.000000e+00 : f32
    %mul3A_1221 = vector.broadcast %mul3A_1220 : f32 to vector<8x128xf32>
    %mul3A_1222 = arith.mulf %mul3A_1221, %sub3A_1219 : vector<8x128xf32>
    %mul3A_1223 = arith.mulf %mul3A_1205, %mul3A_1207 : vector<8x128xf32>
    %mul3A_1224 = arith.mulf %mul3A_1204, %mul3A_1206 : vector<8x128xf32>
    %add3A_1225 = arith.addf %mul3A_1223, %mul3A_1224 : vector<8x128xf32>
    %mul3A_1226 = arith.constant 2.000000e+00 : f32
    %mul3A_1227 = vector.broadcast %mul3A_1226 : f32 to vector<8x128xf32>
    %mul3A_1228 = arith.mulf %mul3A_1227, %add3A_1225 : vector<8x128xf32>
    %mul3A_1229 = arith.mulf %mul3A_1205, %mul3A_1206 : vector<8x128xf32>
    %mul3A_1230 = arith.mulf %mul3A_1204, %mul3A_1207 : vector<8x128xf32>
    %add3A_1231 = arith.addf %mul3A_1229, %mul3A_1230 : vector<8x128xf32>
    %mul3A_1232 = arith.constant 2.000000e+00 : f32
    %mul3A_1233 = vector.broadcast %mul3A_1232 : f32 to vector<8x128xf32>
    %mul3A_1234 = arith.mulf %mul3A_1233, %add3A_1231 : vector<8x128xf32>
    %mul3A_1235 = arith.mulf %mul3A_1205, %mul3A_1205 : vector<8x128xf32>
    %mul3A_1236 = arith.mulf %mul3A_1207, %mul3A_1207 : vector<8x128xf32>
    %add3A_1237 = arith.addf %mul3A_1235, %mul3A_1236 : vector<8x128xf32>
    %mul3A_1238 = arith.constant 2.000000e+00 : f32
    %mul3A_1239 = vector.broadcast %mul3A_1238 : f32 to vector<8x128xf32>
    %mul3A_1240 = arith.mulf %mul3A_1239, %add3A_1237 : vector<8x128xf32>
    %sub3A_1241 = arith.constant 1.000000e+00 : f32
    %sub3A_1242 = vector.broadcast %sub3A_1241 : f32 to vector<8x128xf32>
    %sub3A_1243 = arith.subf %sub3A_1242, %mul3A_1240 : vector<8x128xf32>
    %mul3A_1244 = arith.mulf %mul3A_1206, %mul3A_1207 : vector<8x128xf32>
    %mul3A_1245 = arith.mulf %mul3A_1204, %mul3A_1205 : vector<8x128xf32>
    %sub3A_1246 = arith.subf %mul3A_1244, %mul3A_1245 : vector<8x128xf32>
    %mul3A_1247 = arith.constant 2.000000e+00 : f32
    %mul3A_1248 = vector.broadcast %mul3A_1247 : f32 to vector<8x128xf32>
    %mul3A_1249 = arith.mulf %mul3A_1248, %sub3A_1246 : vector<8x128xf32>
    %mul3A_1250 = arith.mulf %mul3A_1205, %mul3A_1207 : vector<8x128xf32>
    %mul3A_1251 = arith.mulf %mul3A_1204, %mul3A_1206 : vector<8x128xf32>
    %sub3A_1252 = arith.subf %mul3A_1250, %mul3A_1251 : vector<8x128xf32>
    %mul3A_1253 = arith.constant 2.000000e+00 : f32
    %mul3A_1254 = vector.broadcast %mul3A_1253 : f32 to vector<8x128xf32>
    %mul3A_1255 = arith.mulf %mul3A_1254, %sub3A_1252 : vector<8x128xf32>
    %mul3A_1256 = arith.mulf %mul3A_1206, %mul3A_1207 : vector<8x128xf32>
    %mul3A_1257 = arith.mulf %mul3A_1204, %mul3A_1205 : vector<8x128xf32>
    %add3A_1258 = arith.addf %mul3A_1256, %mul3A_1257 : vector<8x128xf32>
    %mul3A_1259 = arith.constant 2.000000e+00 : f32
    %mul3A_1260 = vector.broadcast %mul3A_1259 : f32 to vector<8x128xf32>
    %mul3A_1261 = arith.mulf %mul3A_1260, %add3A_1258 : vector<8x128xf32>
    %mul3A_1262 = arith.mulf %mul3A_1205, %mul3A_1205 : vector<8x128xf32>
    %mul3A_1263 = arith.mulf %mul3A_1206, %mul3A_1206 : vector<8x128xf32>
    %add3A_1264 = arith.addf %mul3A_1262, %mul3A_1263 : vector<8x128xf32>
    %mul3A_1265 = arith.constant 2.000000e+00 : f32
    %mul3A_1266 = vector.broadcast %mul3A_1265 : f32 to vector<8x128xf32>
    %mul3A_1267 = arith.mulf %mul3A_1266, %add3A_1264 : vector<8x128xf32>
    %sub3A_1268 = arith.constant 1.000000e+00 : f32
    %sub3A_1269 = vector.broadcast %sub3A_1268 : f32 to vector<8x128xf32>
    %sub3A_1270 = arith.subf %sub3A_1269, %mul3A_1267 : vector<8x128xf32>
    %swap3A = arith.constant 0 : index
    %swap3A_1271 = arith.constant 0 : index
    %swap3A_1272 = arith.constant 0 : index
    %swap3A_1273 = vector.load %arg3[%swap3A, %swap3A_1271, %swap3A_1272] : memref<16x8x128xf32, #tpu.memory_space<vmem>>, vector<1x8x128xf32>
    %swap3A_1274 = vector.shape_cast %swap3A_1273 : vector<1x8x128xf32> to vector<8x128xf32>
    %swap3A_1275 = vector.shape_cast %sub3A_1216 : vector<8x128xf32> to vector<1x8x128xf32>
    tpu.vector_store %arg3[%swap3A, %swap3A_1271, %swap3A_1272], %swap3A_1275 {strides = array<i32>} : memref<16x8x128xf32, #tpu.memory_space<vmem>>, vector<1x8x128xf32>,
    %swap3A_1276 = arith.constant 1 : index
    %swap3A_1277 = arith.constant 0 : index
    %swap3A_1278 = arith.constant 0 : index
    %swap3A_1279 = vector.load %arg3[%swap3A_1276, %swap3A_1277, %swap3A_1278] : memref<16x8x128xf32, #tpu.memory_space<vmem>>, vector<1x8x128xf32>
    %swap3A_1280 = vector.shape_cast %swap3A_1279 : vector<1x8x128xf32> to vector<8x128xf32>
    %swap3A_1281 = vector.shape_cast %mul3A_1222 : vector<8x128xf32> to vector<1x8x128xf32>
    tpu.vector_store %arg3[%swap3A_1276, %swap3A_1277, %swap3A_1278], %swap3A_1281 {strides = array<i32>} : memref<16x8x128xf32, #tpu.memory_space<vmem>>, vector<1x8x128xf32>,
    %swap3A_1282 = arith.constant 2 : index
    %swap3A_1283 = arith.constant 0 : index
    %swap3A_1284 = arith.constant 0 : index
    %swap3A_1285 = vector.load %arg3[%swap3A_1282, %swap3A_1283, %swap3A_1284] : memref<16x8x128xf32, #tpu.memory_space<vmem>>, vector<1x8x128xf32>
    %swap3A_1286 = vector.shape_cast %swap3A_1285 : vector<1x8x128xf32> to vector<8x128xf32>
    %swap3A_1287 = vector.shape_cast %mul3A_1228 : vector<8x128xf32> to vector<1x8x128xf32>
    tpu.vector_store %arg3[%swap3A_1282, %swap3A_1283, %swap3A_1284], %swap3A_1287 {strides = array<i32>} : memref<16x8x128xf32, #tpu.memory_space<vmem>>, vector<1x8x128xf32>,
    %swap3A_1288 = arith.constant 3 : index
    %swap3A_1289 = arith.constant 0 : index
    %swap3A_1290 = arith.constant 0 : index
    %swap3A_1291 = vector.load %arg3[%swap3A_1288, %swap3A_1289, %swap3A_1290] : memref<16x8x128xf32, #tpu.memory_space<vmem>>, vector<1x8x128xf32>
    %swap3A_1292 = vector.shape_cast %swap3A_1291 : vector<1x8x128xf32> to vector<8x128xf32>
    %swap3A_1293 = vector.shape_cast %mul3A_1234 : vector<8x128xf32> to vector<1x8x128xf32>
    tpu.vector_store %arg3[%swap3A_1288, %swap3A_1289, %swap3A_1290], %swap3A_1293 {strides = array<i32>} : memref<16x8x128xf32, #tpu.memory_space<vmem>>, vector<1x8x128xf32>,
    %swap3A_1294 = arith.constant 4 : index
    %swap3A_1295 = arith.constant 0 : index
    %swap3A_1296 = arith.constant 0 : index
    %swap3A_1297 = vector.load %arg3[%swap3A_1294, %swap3A_1295, %swap3A_1296] : memref<16x8x128xf32, #tpu.memory_space<vmem>>, vector<1x8x128xf32>
    %swap3A_1298 = vector.shape_cast %swap3A_1297 : vector<1x8x128xf32> to vector<8x128xf32>
    %swap3A_1299 = vector.shape_cast %sub3A_1243 : vector<8x128xf32> to vector<1x8x128xf32>
    tpu.vector_store %arg3[%swap3A_1294, %swap3A_1295, %swap3A_1296], %swap3A_1299 {strides = array<i32>} : memref<16x8x128xf32, #tpu.memory_space<vmem>>, vector<1x8x128xf32>,
    %swap3A_1300 = arith.constant 5 : index
    %swap3A_1301 = arith.constant 0 : index
    %swap3A_1302 = arith.constant 0 : index
    %swap3A_1303 = vector.load %arg3[%swap3A_1300, %swap3A_1301, %swap3A_1302] : memref<16x8x128xf32, #tpu.memory_space<vmem>>, vector<1x8x128xf32>
    %swap3A_1304 = vector.shape_cast %swap3A_1303 : vector<1x8x128xf32> to vector<8x128xf32>
    %swap3A_1305 = vector.shape_cast %mul3A_1249 : vector<8x128xf32> to vector<1x8x128xf32>
    tpu.vector_store %arg3[%swap3A_1300, %swap3A_1301, %swap3A_1302], %swap3A_1305 {strides = array<i32>} : memref<16x8x128xf32, #tpu.memory_space<vmem>>, vector<1x8x128xf32>,
    %swap3A_1306 = arith.constant 6 : index
    %swap3A_1307 = arith.constant 0 : index
    %swap3A_1308 = arith.constant 0 : index
    %swap3A_1309 = vector.load %arg3[%swap3A_1306, %swap3A_1307, %swap3A_1308] : memref<16x8x128xf32, #tpu.memory_space<vmem>>, vector<1x8x128xf32>
    %swap3A_1310 = vector.shape_cast %swap3A_1309 : vector<1x8x128xf32> to vector<8x128xf32>
    %swap3A_1311 = vector.shape_cast %mul3A_1255 : vector<8x128xf32> to vector<1x8x128xf32>
    tpu.vector_store %arg3[%swap3A_1306, %swap3A_1307, %swap3A_1308], %swap3A_1311 {strides = array<i32>} : memref<16x8x128xf32, #tpu.memory_space<vmem>>, vector<1x8x128xf32>,
    %swap3A_1312 = arith.constant 7 : index
    %swap3A_1313 = arith.constant 0 : index
    %swap3A_1314 = arith.constant 0 : index
    %swap3A_1315 = vector.load %arg3[%swap3A_1312, %swap3A_1313, %swap3A_1314] : memref<16x8x128xf32, #tpu.memory_space<vmem>>, vector<1x8x128xf32>
    %swap3A_1316 = vector.shape_cast %swap3A_1315 : vector<1x8x128xf32> to vector<8x128xf32>
    %swap3A_1317 = vector.shape_cast %mul3A_1261 : vector<8x128xf32> to vector<1x8x128xf32>
    tpu.vector_store %arg3[%swap3A_1312, %swap3A_1313, %swap3A_1314], %swap3A_1317 {strides = array<i32>} : memref<16x8x128xf32, #tpu.memory_space<vmem>>, vector<1x8x128xf32>,
    %swap3A_1318 = arith.constant 8 : index
    %swap3A_1319 = arith.constant 0 : index
    %swap3A_1320 = arith.constant 0 : index
    %swap3A_1321 = vector.load %arg3[%swap3A_1318, %swap3A_1319, %swap3A_1320] : memref<16x8x128xf32, #tpu.memory_space<vmem>>, vector<1x8x128xf32>
    %swap3A_1322 = vector.shape_cast %swap3A_1321 : vector<1x8x128xf32> to vector<8x128xf32>
    %swap3A_1323 = vector.shape_cast %sub3A_1270 : vector<8x128xf32> to vector<1x8x128xf32>
    tpu.vector_store %arg3[%swap3A_1318, %swap3A_1319, %swap3A_1320], %swap3A_1323 {strides = array<i32>} : memref<16x8x128xf32, #tpu.memory_space<vmem>>, vector<1x8x128xf32>,
    %broadcast_in_dim3A = arith.constant 0.000000e+00 : f32
    %broadcast_in_dim3A_1324 = vector.broadcast %broadcast_in_dim3A : f32 to vector<8x128xf32>
    %swap3A_1325 = arith.constant 9 : index
    %swap3A_1326 = arith.constant 0 : index
    %swap3A_1327 = arith.constant 0 : index
    %swap3A_1328 = vector.load %arg3[%swap3A_1325, %swap3A_1326, %swap3A_1327] : memref<16x8x128xf32, #tpu.memory_space<vmem>>, vector<1x8x128xf32>
    %swap3A_1329 = vector.shape_cast %swap3A_1328 : vector<1x8x128xf32> to vector<8x128xf32>
    %swap3A_1330 = vector.shape_cast %broadcast_in_dim3A_1324 : vector<8x128xf32> to vector<1x8x128xf32>
    tpu.vector_store %arg3[%swap3A_1325, %swap3A_1326, %swap3A_1327], %swap3A_1330 {strides = array<i32>} : memref<16x8x128xf32, #tpu.memory_space<vmem>>, vector<1x8x128xf32>,
    %broadcast_in_dim3A_1331 = arith.constant 0.000000e+00 : f32
    %broadcast_in_dim3A_1332 = vector.broadcast %broadcast_in_dim3A_1331 : f32 to vector<8x128xf32>
    %swap3A_1333 = arith.constant 10 : index
    %swap3A_1334 = arith.constant 0 : index
    %swap3A_1335 = arith.constant 0 : index
    %swap3A_1336 = vector.load %arg3[%swap3A_1333, %swap3A_1334, %swap3A_1335] : memref<16x8x128xf32, #tpu.memory_space<vmem>>, vector<1x8x128xf32>
    %swap3A_1337 = vector.shape_cast %swap3A_1336 : vector<1x8x128xf32> to vector<8x128xf32>
    %swap3A_1338 = vector.shape_cast %broadcast_in_dim3A_1332 : vector<8x128xf32> to vector<1x8x128xf32>
    tpu.vector_store %arg3[%swap3A_1333, %swap3A_1334, %swap3A_1335], %swap3A_1338 {strides = array<i32>} : memref<16x8x128xf32, #tpu.memory_space<vmem>>, vector<1x8x128xf32>,
    %broadcast_in_dim3A_1339 = arith.constant 0.000000e+00 : f32
    %broadcast_in_dim3A_1340 = vector.broadcast %broadcast_in_dim3A_1339 : f32 to vector<8x128xf32>
    %swap3A_1341 = arith.constant 11 : index
    %swap3A_1342 = arith.constant 0 : index
    %swap3A_1343 = arith.constant 0 : index
    %swap3A_1344 = vector.load %arg3[%swap3A_1341, %swap3A_1342, %swap3A_1343] : memref<16x8x128xf32, #tpu.memory_space<vmem>>, vector<1x8x128xf32>
    %swap3A_1345 = vector.shape_cast %swap3A_1344 : vector<1x8x128xf32> to vector<8x128xf32>
    %swap3A_1346 = vector.shape_cast %broadcast_in_dim3A_1340 : vector<8x128xf32> to vector<1x8x128xf32>
    tpu.vector_store %arg3[%swap3A_1341, %swap3A_1342, %swap3A_1343], %swap3A_1346 {strides = array<i32>} : memref<16x8x128xf32, #tpu.memory_space<vmem>>, vector<1x8x128xf32>,
    %broadcast_in_dim3A_1347 = arith.constant 0.000000e+00 : f32
    %broadcast_in_dim3A_1348 = vector.broadcast %broadcast_in_dim3A_1347 : f32 to vector<8x128xf32>
    %swap3A_1349 = arith.constant 12 : index
    %swap3A_1350 = arith.constant 0 : index
    %swap3A_1351 = arith.constant 0 : index
    %swap3A_1352 = vector.load %arg3[%swap3A_1349, %swap3A_1350, %swap3A_1351] : memref<16x8x128xf32, #tpu.memory_space<vmem>>, vector<1x8x128xf32>
    %swap3A_1353 = vector.shape_cast %swap3A_1352 : vector<1x8x128xf32> to vector<8x128xf32>
    %swap3A_1354 = vector.shape_cast %broadcast_in_dim3A_1348 : vector<8x128xf32> to vector<1x8x128xf32>
    tpu.vector_store %arg3[%swap3A_1349, %swap3A_1350, %swap3A_1351], %swap3A_1354 {strides = array<i32>} : memref<16x8x128xf32, #tpu.memory_space<vmem>>, vector<1x8x128xf32>,
    %broadcast_in_dim3A_1355 = arith.constant 0.000000e+00 : f32
    %broadcast_in_dim3A_1356 = vector.broadcast %broadcast_in_dim3A_1355 : f32 to vector<8x128xf32>
    %swap3A_1357 = arith.constant 13 : index
    %swap3A_1358 = arith.constant 0 : index
    %swap3A_1359 = arith.constant 0 : index
    %swap3A_1360 = vector.load %arg3[%swap3A_1357, %swap3A_1358, %swap3A_1359] : memref<16x8x128xf32, #tpu.memory_space<vmem>>, vector<1x8x128xf32>
    %swap3A_1361 = vector.shape_cast %swap3A_1360 : vector<1x8x128xf32> to vector<8x128xf32>
    %swap3A_1362 = vector.shape_cast %broadcast_in_dim3A_1356 : vector<8x128xf32> to vector<1x8x128xf32>
    tpu.vector_store %arg3[%swap3A_1357, %swap3A_1358, %swap3A_1359], %swap3A_1362 {strides = array<i32>} : memref<16x8x128xf32, #tpu.memory_space<vmem>>, vector<1x8x128xf32>,
    %broadcast_in_dim3A_1363 = arith.constant 0.000000e+00 : f32
    %broadcast_in_dim3A_1364 = vector.broadcast %broadcast_in_dim3A_1363 : f32 to vector<8x128xf32>
    %swap3A_1365 = arith.constant 14 : index
    %swap3A_1366 = arith.constant 0 : index
    %swap3A_1367 = arith.constant 0 : index
    %swap3A_1368 = vector.load %arg3[%swap3A_1365, %swap3A_1366, %swap3A_1367] : memref<16x8x128xf32, #tpu.memory_space<vmem>>, vector<1x8x128xf32>
    %swap3A_1369 = vector.shape_cast %swap3A_1368 : vector<1x8x128xf32> to vector<8x128xf32>
    %swap3A_1370 = vector.shape_cast %broadcast_in_dim3A_1364 : vector<8x128xf32> to vector<1x8x128xf32>
    tpu.vector_store %arg3[%swap3A_1365, %swap3A_1366, %swap3A_1367], %swap3A_1370 {strides = array<i32>} : memref<16x8x128xf32, #tpu.memory_space<vmem>>, vector<1x8x128xf32>,
    %broadcast_in_dim3A_1371 = arith.constant 0.000000e+00 : f32
    %broadcast_in_dim3A_1372 = vector.broadcast %broadcast_in_dim3A_1371 : f32 to vector<8x128xf32>
    %swap3A_1373 = arith.constant 15 : index
    %swap3A_1374 = arith.constant 0 : index
    %swap3A_1375 = arith.constant 0 : index
    %swap3A_1376 = vector.load %arg3[%swap3A_1373, %swap3A_1374, %swap3A_1375] : memref<16x8x128xf32, #tpu.memory_space<vmem>>, vector<1x8x128xf32>
    %swap3A_1377 = vector.shape_cast %swap3A_1376 : vector<1x8x128xf32> to vector<8x128xf32>
    %swap3A_1378 = vector.shape_cast %broadcast_in_dim3A_1372 : vector<8x128xf32> to vector<1x8x128xf32>
    tpu.vector_store %arg3[%swap3A_1373, %swap3A_1374, %swap3A_1375], %swap3A_1378 {strides = array<i32>} : memref<16x8x128xf32, #tpu.memory_space<vmem>>, vector<1x8x128xf32>,
    %iota3A = tpu.iota {dimensions = array<i32: 0>} : vector<8x128xi32>
    %iota3A_1379 = tpu.iota {dimensions = array<i32: 1>} : vector<8x128xi32>
    %mul3A_1380 = arith.constant 1024 : i32
    %mul3A_1381 = arith.muli %arg0, %mul3A_1380 : i32
    %mul3A_1382 = arith.constant 128 : i32
    %mul3A_1383 = vector.broadcast %mul3A_1382 : i32 to vector<8x128xi32>
    %mul3A_1384 = arith.muli %iota3A, %mul3A_1383 : vector<8x128xi32>
    %add3A_1385 = vector.broadcast %mul3A_1381 : i32 to vector<8x128xi32>
    %add3A_1386 = arith.addi %add3A_1385, %mul3A_1384 : vector<8x128xi32>
    %add3A_1387 = arith.addi %add3A_1386, %iota3A_1379 : vector<8x128xi32>
    %lt3A = arith.constant 200000 : i32
    %lt3A_1388 = vector.broadcast %lt3A : i32 to vector<8x128xi32>
    %lt3A_1389 = arith.cmpi slt, %add3A_1387, %lt3A_1388 : vector<8x128xi32>
    %convert_element_type3A = arith.extui %lt3A_1389 : vector<8x128xi1> to vector<8x128xi32>
    %convert_element_type3A_1390 = arith.sitofp %convert_element_type3A : vector<8x128xi32> to vector<8x128xf32>
    %get3A_1391 = arith.constant 0 : index
    %get3A_1392 = arith.constant 0 : index
    %get3A_1393 = arith.constant 0 : index
    %get3A_1394 = arith.constant 0 : index
    %get3A_1395 = vector.load %arg2[%get3A_1391, %get3A_1392, %get3A_1393, %get3A_1394] : memref<3x16x8x128xf32, #tpu.memory_space<vmem>>, vector<1x1x8x128xf32>
    %get3A_1396 = vector.shape_cast %get3A_1395 : vector<1x1x8x128xf32> to vector<8x128xf32>
    %get3A_1397 = arith.constant 0 : index
    %get3A_1398 = arith.constant 1 : index
    %get3A_1399 = arith.constant 0 : index
    %get3A_1400 = arith.constant 0 : index
    %get3A_1401 = vector.load %arg2[%get3A_1397, %get3A_1398, %get3A_1399, %get3A_1400] : memref<3x16x8x128xf32, #tpu.memory_space<vmem>>, vector<1x1x8x128xf32>
    %get3A_1402 = vector.shape_cast %get3A_1401 : vector<1x1x8x128xf32> to vector<8x128xf32>
    %get3A_1403 = arith.constant 0 : index
    %get3A_1404 = arith.constant 2 : index
    %get3A_1405 = arith.constant 0 : index
    %get3A_1406 = arith.constant 0 : index
    %get3A_1407 = vector.load %arg2[%get3A_1403, %get3A_1404, %get3A_1405, %get3A_1406] : memref<3x16x8x128xf32, #tpu.memory_space<vmem>>, vector<1x1x8x128xf32>
    %get3A_1408 = vector.shape_cast %get3A_1407 : vector<1x1x8x128xf32> to vector<8x128xf32>
    %mul3A_1409 = arith.mulf %get3A_1396, %sub3A_1216 : vector<8x128xf32>
    %mul3A_1410 = arith.mulf %get3A_1402, %mul3A_1234 : vector<8x128xf32>
    %add3A_1411 = arith.addf %mul3A_1409, %mul3A_1410 : vector<8x128xf32>
    %mul3A_1412 = arith.mulf %get3A_1408, %mul3A_1255 : vector<8x128xf32>
    %add3A_1413 = arith.addf %add3A_1411, %mul3A_1412 : vector<8x128xf32>
    %add3A_1414 = arith.addf %add3A_1413, %get3A_48 : vector<8x128xf32>
    %mul3A_1415 = arith.mulf %get3A_1396, %mul3A_1222 : vector<8x128xf32>
    %mul3A_1416 = arith.mulf %get3A_1402, %sub3A_1243 : vector<8x128xf32>
    %add3A_1417 = arith.addf %mul3A_1415, %mul3A_1416 : vector<8x128xf32>
    %mul3A_1418 = arith.mulf %get3A_1408, %mul3A_1261 : vector<8x128xf32>
    %add3A_1419 = arith.addf %add3A_1417, %mul3A_1418 : vector<8x128xf32>
    %add3A_1420 = arith.addf %add3A_1419, %get3A_53 : vector<8x128xf32>
    %mul3A_1421 = arith.mulf %get3A_1396, %mul3A_1228 : vector<8x128xf32>
    %mul3A_1422 = arith.mulf %get3A_1402, %mul3A_1249 : vector<8x128xf32>
    %add3A_1423 = arith.addf %mul3A_1421, %mul3A_1422 : vector<8x128xf32>
    %mul3A_1424 = arith.mulf %get3A_1408, %sub3A_1270 : vector<8x128xf32>
    %add3A_1425 = arith.addf %add3A_1423, %mul3A_1424 : vector<8x128xf32>
    %add3A_1426 = arith.addf %add3A_1425, %get3A_58 : vector<8x128xf32>
    %get3A_1427 = arith.constant 1 : index
    %get3A_1428 = arith.constant 0 : index
    %get3A_1429 = arith.constant 0 : index
    %get3A_1430 = arith.constant 0 : index
    %get3A_1431 = vector.load %arg2[%get3A_1427, %get3A_1428, %get3A_1429, %get3A_1430] : memref<3x16x8x128xf32, #tpu.memory_space<vmem>>, vector<1x1x8x128xf32>
    %get3A_1432 = vector.shape_cast %get3A_1431 : vector<1x1x8x128xf32> to vector<8x128xf32>
    %get3A_1433 = arith.constant 1 : index
    %get3A_1434 = arith.constant 1 : index
    %get3A_1435 = arith.constant 0 : index
    %get3A_1436 = arith.constant 0 : index
    %get3A_1437 = vector.load %arg2[%get3A_1433, %get3A_1434, %get3A_1435, %get3A_1436] : memref<3x16x8x128xf32, #tpu.memory_space<vmem>>, vector<1x1x8x128xf32>
    %get3A_1438 = vector.shape_cast %get3A_1437 : vector<1x1x8x128xf32> to vector<8x128xf32>
    %get3A_1439 = arith.constant 1 : index
    %get3A_1440 = arith.constant 2 : index
    %get3A_1441 = arith.constant 0 : index
    %get3A_1442 = arith.constant 0 : index
    %get3A_1443 = vector.load %arg2[%get3A_1439, %get3A_1440, %get3A_1441, %get3A_1442] : memref<3x16x8x128xf32, #tpu.memory_space<vmem>>, vector<1x1x8x128xf32>
    %get3A_1444 = vector.shape_cast %get3A_1443 : vector<1x1x8x128xf32> to vector<8x128xf32>
    %mul3A_1445 = arith.mulf %get3A_1432, %sub3A_1216 : vector<8x128xf32>
    %mul3A_1446 = arith.mulf %get3A_1438, %mul3A_1234 : vector<8x128xf32>
    %add3A_1447 = arith.addf %mul3A_1445, %mul3A_1446 : vector<8x128xf32>
    %mul3A_1448 = arith.mulf %get3A_1444, %mul3A_1255 : vector<8x128xf32>
    %add3A_1449 = arith.addf %add3A_1447, %mul3A_1448 : vector<8x128xf32>
    %add3A_1450 = arith.addf %add3A_1449, %get3A_48 : vector<8x128xf32>
    %mul3A_1451 = arith.mulf %get3A_1432, %mul3A_1222 : vector<8x128xf32>
    %mul3A_1452 = arith.mulf %get3A_1438, %sub3A_1243 : vector<8x128xf32>
    %add3A_1453 = arith.addf %mul3A_1451, %mul3A_1452 : vector<8x128xf32>
    %mul3A_1454 = arith.mulf %get3A_1444, %mul3A_1261 : vector<8x128xf32>
    %add3A_1455 = arith.addf %add3A_1453, %mul3A_1454 : vector<8x128xf32>
    %add3A_1456 = arith.addf %add3A_1455, %get3A_53 : vector<8x128xf32>
    %mul3A_1457 = arith.mulf %get3A_1432, %mul3A_1228 : vector<8x128xf32>
    %mul3A_1458 = arith.mulf %get3A_1438, %mul3A_1249 : vector<8x128xf32>
    %add3A_1459 = arith.addf %mul3A_1457, %mul3A_1458 : vector<8x128xf32>
    %mul3A_1460 = arith.mulf %get3A_1444, %sub3A_1270 : vector<8x128xf32>
    %add3A_1461 = arith.addf %add3A_1459, %mul3A_1460 : vector<8x128xf32>
    %add3A_1462 = arith.addf %add3A_1461, %get3A_58 : vector<8x128xf32>
    %get3A_1463 = arith.constant 2 : index
    %get3A_1464 = arith.constant 0 : index
    %get3A_1465 = arith.constant 0 : index
    %get3A_1466 = arith.constant 0 : index
    %get3A_1467 = vector.load %arg2[%get3A_1463, %get3A_1464, %get3A_1465, %get3A_1466] : memref<3x16x8x128xf32, #tpu.memory_space<vmem>>, vector<1x1x8x128xf32>
    %get3A_1468 = vector.shape_cast %get3A_1467 : vector<1x1x8x128xf32> to vector<8x128xf32>
    %get3A_1469 = arith.constant 2 : index
    %get3A_1470 = arith.constant 1 : index
    %get3A_1471 = arith.constant 0 : index
    %get3A_1472 = arith.constant 0 : index
    %get3A_1473 = vector.load %arg2[%get3A_1469, %get3A_1470, %get3A_1471, %get3A_1472] : memref<3x16x8x128xf32, #tpu.memory_space<vmem>>, vector<1x1x8x128xf32>
    %get3A_1474 = vector.shape_cast %get3A_1473 : vector<1x1x8x128xf32> to vector<8x128xf32>
    %get3A_1475 = arith.constant 2 : index
    %get3A_1476 = arith.constant 2 : index
    %get3A_1477 = arith.constant 0 : index
    %get3A_1478 = arith.constant 0 : index
    %get3A_1479 = vector.load %arg2[%get3A_1475, %get3A_1476, %get3A_1477, %get3A_1478] : memref<3x16x8x128xf32, #tpu.memory_space<vmem>>, vector<1x1x8x128xf32>
    %get3A_1480 = vector.shape_cast %get3A_1479 : vector<1x1x8x128xf32> to vector<8x128xf32>
    %mul3A_1481 = arith.mulf %get3A_1468, %sub3A_1216 : vector<8x128xf32>
    %mul3A_1482 = arith.mulf %get3A_1474, %mul3A_1234 : vector<8x128xf32>
    %add3A_1483 = arith.addf %mul3A_1481, %mul3A_1482 : vector<8x128xf32>
    %mul3A_1484 = arith.mulf %get3A_1480, %mul3A_1255 : vector<8x128xf32>
    %add3A_1485 = arith.addf %add3A_1483, %mul3A_1484 : vector<8x128xf32>
    %add3A_1486 = arith.addf %add3A_1485, %get3A_48 : vector<8x128xf32>
    %mul3A_1487 = arith.mulf %get3A_1468, %mul3A_1222 : vector<8x128xf32>
    %mul3A_1488 = arith.mulf %get3A_1474, %sub3A_1243 : vector<8x128xf32>
    %add3A_1489 = arith.addf %mul3A_1487, %mul3A_1488 : vector<8x128xf32>
    %mul3A_1490 = arith.mulf %get3A_1480, %mul3A_1261 : vector<8x128xf32>
    %add3A_1491 = arith.addf %add3A_1489, %mul3A_1490 : vector<8x128xf32>
    %add3A_1492 = arith.addf %add3A_1491, %get3A_53 : vector<8x128xf32>
    %mul3A_1493 = arith.mulf %get3A_1468, %mul3A_1228 : vector<8x128xf32>
    %mul3A_1494 = arith.mulf %get3A_1474, %mul3A_1249 : vector<8x128xf32>
    %add3A_1495 = arith.addf %mul3A_1493, %mul3A_1494 : vector<8x128xf32>
    %mul3A_1496 = arith.mulf %get3A_1480, %sub3A_1270 : vector<8x128xf32>
    %add3A_1497 = arith.addf %add3A_1495, %mul3A_1496 : vector<8x128xf32>
    %add3A_1498 = arith.addf %add3A_1497, %get3A_58 : vector<8x128xf32>
    %swap3A_1499 = arith.constant 0 : index
    %swap3A_1500 = arith.constant 0 : index
    %swap3A_1501 = arith.constant 0 : index
    %swap3A_1502 = vector.load %arg4[%swap3A_1499, %swap3A_1500, %swap3A_1501] : memref<16x8x128xf32, #tpu.memory_space<vmem>>, vector<1x8x128xf32>
    %swap3A_1503 = vector.shape_cast %swap3A_1502 : vector<1x8x128xf32> to vector<8x128xf32>
    %swap3A_1504 = vector.shape_cast %add3A_1414 : vector<8x128xf32> to vector<1x8x128xf32>
    tpu.vector_store %arg4[%swap3A_1499, %swap3A_1500, %swap3A_1501], %swap3A_1504 {strides = array<i32>} : memref<16x8x128xf32, #tpu.memory_space<vmem>>, vector<1x8x128xf32>,
    %swap3A_1505 = arith.constant 1 : index
    %swap3A_1506 = arith.constant 0 : index
    %swap3A_1507 = arith.constant 0 : index
    %swap3A_1508 = vector.load %arg4[%swap3A_1505, %swap3A_1506, %swap3A_1507] : memref<16x8x128xf32, #tpu.memory_space<vmem>>, vector<1x8x128xf32>
    %swap3A_1509 = vector.shape_cast %swap3A_1508 : vector<1x8x128xf32> to vector<8x128xf32>
    %swap3A_1510 = vector.shape_cast %add3A_1420 : vector<8x128xf32> to vector<1x8x128xf32>
    tpu.vector_store %arg4[%swap3A_1505, %swap3A_1506, %swap3A_1507], %swap3A_1510 {strides = array<i32>} : memref<16x8x128xf32, #tpu.memory_space<vmem>>, vector<1x8x128xf32>,
    %swap3A_1511 = arith.constant 2 : index
    %swap3A_1512 = arith.constant 0 : index
    %swap3A_1513 = arith.constant 0 : index
    %swap3A_1514 = vector.load %arg4[%swap3A_1511, %swap3A_1512, %swap3A_1513] : memref<16x8x128xf32, #tpu.memory_space<vmem>>, vector<1x8x128xf32>
    %swap3A_1515 = vector.shape_cast %swap3A_1514 : vector<1x8x128xf32> to vector<8x128xf32>
    %swap3A_1516 = vector.shape_cast %add3A_1426 : vector<8x128xf32> to vector<1x8x128xf32>
    tpu.vector_store %arg4[%swap3A_1511, %swap3A_1512, %swap3A_1513], %swap3A_1516 {strides = array<i32>} : memref<16x8x128xf32, #tpu.memory_space<vmem>>, vector<1x8x128xf32>,
    %swap3A_1517 = arith.constant 3 : index
    %swap3A_1518 = arith.constant 0 : index
    %swap3A_1519 = arith.constant 0 : index
    %swap3A_1520 = vector.load %arg4[%swap3A_1517, %swap3A_1518, %swap3A_1519] : memref<16x8x128xf32, #tpu.memory_space<vmem>>, vector<1x8x128xf32>
    %swap3A_1521 = vector.shape_cast %swap3A_1520 : vector<1x8x128xf32> to vector<8x128xf32>
    %swap3A_1522 = vector.shape_cast %add3A_1450 : vector<8x128xf32> to vector<1x8x128xf32>
    tpu.vector_store %arg4[%swap3A_1517, %swap3A_1518, %swap3A_1519], %swap3A_1522 {strides = array<i32>} : memref<16x8x128xf32, #tpu.memory_space<vmem>>, vector<1x8x128xf32>,
    %swap3A_1523 = arith.constant 4 : index
    %swap3A_1524 = arith.constant 0 : index
    %swap3A_1525 = arith.constant 0 : index
    %swap3A_1526 = vector.load %arg4[%swap3A_1523, %swap3A_1524, %swap3A_1525] : memref<16x8x128xf32, #tpu.memory_space<vmem>>, vector<1x8x128xf32>
    %swap3A_1527 = vector.shape_cast %swap3A_1526 : vector<1x8x128xf32> to vector<8x128xf32>
    %swap3A_1528 = vector.shape_cast %add3A_1456 : vector<8x128xf32> to vector<1x8x128xf32>
    tpu.vector_store %arg4[%swap3A_1523, %swap3A_1524, %swap3A_1525], %swap3A_1528 {strides = array<i32>} : memref<16x8x128xf32, #tpu.memory_space<vmem>>, vector<1x8x128xf32>,
    %swap3A_1529 = arith.constant 5 : index
    %swap3A_1530 = arith.constant 0 : index
    %swap3A_1531 = arith.constant 0 : index
    %swap3A_1532 = vector.load %arg4[%swap3A_1529, %swap3A_1530, %swap3A_1531] : memref<16x8x128xf32, #tpu.memory_space<vmem>>, vector<1x8x128xf32>
    %swap3A_1533 = vector.shape_cast %swap3A_1532 : vector<1x8x128xf32> to vector<8x128xf32>
    %swap3A_1534 = vector.shape_cast %add3A_1462 : vector<8x128xf32> to vector<1x8x128xf32>
    tpu.vector_store %arg4[%swap3A_1529, %swap3A_1530, %swap3A_1531], %swap3A_1534 {strides = array<i32>} : memref<16x8x128xf32, #tpu.memory_space<vmem>>, vector<1x8x128xf32>,
    %swap3A_1535 = arith.constant 6 : index
    %swap3A_1536 = arith.constant 0 : index
    %swap3A_1537 = arith.constant 0 : index
    %swap3A_1538 = vector.load %arg4[%swap3A_1535, %swap3A_1536, %swap3A_1537] : memref<16x8x128xf32, #tpu.memory_space<vmem>>, vector<1x8x128xf32>
    %swap3A_1539 = vector.shape_cast %swap3A_1538 : vector<1x8x128xf32> to vector<8x128xf32>
    %swap3A_1540 = vector.shape_cast %add3A_1486 : vector<8x128xf32> to vector<1x8x128xf32>
    tpu.vector_store %arg4[%swap3A_1535, %swap3A_1536, %swap3A_1537], %swap3A_1540 {strides = array<i32>} : memref<16x8x128xf32, #tpu.memory_space<vmem>>, vector<1x8x128xf32>,
    %swap3A_1541 = arith.constant 7 : index
    %swap3A_1542 = arith.constant 0 : index
    %swap3A_1543 = arith.constant 0 : index
    %swap3A_1544 = vector.load %arg4[%swap3A_1541, %swap3A_1542, %swap3A_1543] : memref<16x8x128xf32, #tpu.memory_space<vmem>>, vector<1x8x128xf32>
    %swap3A_1545 = vector.shape_cast %swap3A_1544 : vector<1x8x128xf32> to vector<8x128xf32>
    %swap3A_1546 = vector.shape_cast %add3A_1492 : vector<8x128xf32> to vector<1x8x128xf32>
    tpu.vector_store %arg4[%swap3A_1541, %swap3A_1542, %swap3A_1543], %swap3A_1546 {strides = array<i32>} : memref<16x8x128xf32, #tpu.memory_space<vmem>>, vector<1x8x128xf32>,
    %swap3A_1547 = arith.constant 8 : index
    %swap3A_1548 = arith.constant 0 : index
    %swap3A_1549 = arith.constant 0 : index
    %swap3A_1550 = vector.load %arg4[%swap3A_1547, %swap3A_1548, %swap3A_1549] : memref<16x8x128xf32, #tpu.memory_space<vmem>>, vector<1x8x128xf32>
    %swap3A_1551 = vector.shape_cast %swap3A_1550 : vector<1x8x128xf32> to vector<8x128xf32>
    %swap3A_1552 = vector.shape_cast %add3A_1498 : vector<8x128xf32> to vector<1x8x128xf32>
    tpu.vector_store %arg4[%swap3A_1547, %swap3A_1548, %swap3A_1549], %swap3A_1552 {strides = array<i32>} : memref<16x8x128xf32, #tpu.memory_space<vmem>>, vector<1x8x128xf32>,
    %broadcast_in_dim3A_1553 = arith.constant 0.000000e+00 : f32
    %broadcast_in_dim3A_1554 = vector.broadcast %broadcast_in_dim3A_1553 : f32 to vector<8x128xf32>
    %swap3A_1555 = arith.constant 9 : index
    %swap3A_1556 = arith.constant 0 : index
    %swap3A_1557 = arith.constant 0 : index
    %swap3A_1558 = vector.load %arg4[%swap3A_1555, %swap3A_1556, %swap3A_1557] : memref<16x8x128xf32, #tpu.memory_space<vmem>>, vector<1x8x128xf32>
    %swap3A_1559 = vector.shape_cast %swap3A_1558 : vector<1x8x128xf32> to vector<8x128xf32>
    %swap3A_1560 = vector.shape_cast %broadcast_in_dim3A_1554 : vector<8x128xf32> to vector<1x8x128xf32>
    tpu.vector_store %arg4[%swap3A_1555, %swap3A_1556, %swap3A_1557], %swap3A_1560 {strides = array<i32>} : memref<16x8x128xf32, #tpu.memory_space<vmem>>, vector<1x8x128xf32>,
    %broadcast_in_dim3A_1561 = arith.constant 0.000000e+00 : f32
    %broadcast_in_dim3A_1562 = vector.broadcast %broadcast_in_dim3A_1561 : f32 to vector<8x128xf32>
    %swap3A_1563 = arith.constant 10 : index
    %swap3A_1564 = arith.constant 0 : index
    %swap3A_1565 = arith.constant 0 : index
    %swap3A_1566 = vector.load %arg4[%swap3A_1563, %swap3A_1564, %swap3A_1565] : memref<16x8x128xf32, #tpu.memory_space<vmem>>, vector<1x8x128xf32>
    %swap3A_1567 = vector.shape_cast %swap3A_1566 : vector<1x8x128xf32> to vector<8x128xf32>
    %swap3A_1568 = vector.shape_cast %broadcast_in_dim3A_1562 : vector<8x128xf32> to vector<1x8x128xf32>
    tpu.vector_store %arg4[%swap3A_1563, %swap3A_1564, %swap3A_1565], %swap3A_1568 {strides = array<i32>} : memref<16x8x128xf32, #tpu.memory_space<vmem>>, vector<1x8x128xf32>,
    %broadcast_in_dim3A_1569 = arith.constant 0.000000e+00 : f32
    %broadcast_in_dim3A_1570 = vector.broadcast %broadcast_in_dim3A_1569 : f32 to vector<8x128xf32>
    %swap3A_1571 = arith.constant 11 : index
    %swap3A_1572 = arith.constant 0 : index
    %swap3A_1573 = arith.constant 0 : index
    %swap3A_1574 = vector.load %arg4[%swap3A_1571, %swap3A_1572, %swap3A_1573] : memref<16x8x128xf32, #tpu.memory_space<vmem>>, vector<1x8x128xf32>
    %swap3A_1575 = vector.shape_cast %swap3A_1574 : vector<1x8x128xf32> to vector<8x128xf32>
    %swap3A_1576 = vector.shape_cast %broadcast_in_dim3A_1570 : vector<8x128xf32> to vector<1x8x128xf32>
    tpu.vector_store %arg4[%swap3A_1571, %swap3A_1572, %swap3A_1573], %swap3A_1576 {strides = array<i32>} : memref<16x8x128xf32, #tpu.memory_space<vmem>>, vector<1x8x128xf32>,
    %broadcast_in_dim3A_1577 = arith.constant 0.000000e+00 : f32
    %broadcast_in_dim3A_1578 = vector.broadcast %broadcast_in_dim3A_1577 : f32 to vector<8x128xf32>
    %swap3A_1579 = arith.constant 12 : index
    %swap3A_1580 = arith.constant 0 : index
    %swap3A_1581 = arith.constant 0 : index
    %swap3A_1582 = vector.load %arg4[%swap3A_1579, %swap3A_1580, %swap3A_1581] : memref<16x8x128xf32, #tpu.memory_space<vmem>>, vector<1x8x128xf32>
    %swap3A_1583 = vector.shape_cast %swap3A_1582 : vector<1x8x128xf32> to vector<8x128xf32>
    %swap3A_1584 = vector.shape_cast %broadcast_in_dim3A_1578 : vector<8x128xf32> to vector<1x8x128xf32>
    tpu.vector_store %arg4[%swap3A_1579, %swap3A_1580, %swap3A_1581], %swap3A_1584 {strides = array<i32>} : memref<16x8x128xf32, #tpu.memory_space<vmem>>, vector<1x8x128xf32>,
    %broadcast_in_dim3A_1585 = arith.constant 0.000000e+00 : f32
    %broadcast_in_dim3A_1586 = vector.broadcast %broadcast_in_dim3A_1585 : f32 to vector<8x128xf32>
    %swap3A_1587 = arith.constant 13 : index
    %swap3A_1588 = arith.constant 0 : index
    %swap3A_1589 = arith.constant 0 : index
    %swap3A_1590 = vector.load %arg4[%swap3A_1587, %swap3A_1588, %swap3A_1589] : memref<16x8x128xf32, #tpu.memory_space<vmem>>, vector<1x8x128xf32>
    %swap3A_1591 = vector.shape_cast %swap3A_1590 : vector<1x8x128xf32> to vector<8x128xf32>
    %swap3A_1592 = vector.shape_cast %broadcast_in_dim3A_1586 : vector<8x128xf32> to vector<1x8x128xf32>
    tpu.vector_store %arg4[%swap3A_1587, %swap3A_1588, %swap3A_1589], %swap3A_1592 {strides = array<i32>} : memref<16x8x128xf32, #tpu.memory_space<vmem>>, vector<1x8x128xf32>,
    %broadcast_in_dim3A_1593 = arith.constant 0.000000e+00 : f32
    %broadcast_in_dim3A_1594 = vector.broadcast %broadcast_in_dim3A_1593 : f32 to vector<8x128xf32>
    %swap3A_1595 = arith.constant 14 : index
    %swap3A_1596 = arith.constant 0 : index
    %swap3A_1597 = arith.constant 0 : index
    %swap3A_1598 = vector.load %arg4[%swap3A_1595, %swap3A_1596, %swap3A_1597] : memref<16x8x128xf32, #tpu.memory_space<vmem>>, vector<1x8x128xf32>
    %swap3A_1599 = vector.shape_cast %swap3A_1598 : vector<1x8x128xf32> to vector<8x128xf32>
    %swap3A_1600 = vector.shape_cast %broadcast_in_dim3A_1594 : vector<8x128xf32> to vector<1x8x128xf32>
    tpu.vector_store %arg4[%swap3A_1595, %swap3A_1596, %swap3A_1597], %swap3A_1600 {strides = array<i32>} : memref<16x8x128xf32, #tpu.memory_space<vmem>>, vector<1x8x128xf32>,
    %broadcast_in_dim3A_1601 = arith.constant 0.000000e+00 : f32
    %broadcast_in_dim3A_1602 = vector.broadcast %broadcast_in_dim3A_1601 : f32 to vector<8x128xf32>
    %swap3A_1603 = arith.constant 15 : index
    %swap3A_1604 = arith.constant 0 : index
    %swap3A_1605 = arith.constant 0 : index
    %swap3A_1606 = vector.load %arg4[%swap3A_1603, %swap3A_1604, %swap3A_1605] : memref<16x8x128xf32, #tpu.memory_space<vmem>>, vector<1x8x128xf32>
    %swap3A_1607 = vector.shape_cast %swap3A_1606 : vector<1x8x128xf32> to vector<8x128xf32>
    %swap3A_1608 = vector.shape_cast %broadcast_in_dim3A_1602 : vector<8x128xf32> to vector<1x8x128xf32>
    tpu.vector_store %arg4[%swap3A_1603, %swap3A_1604, %swap3A_1605], %swap3A_1608 {strides = array<i32>} : memref<16x8x128xf32, #tpu.memory_space<vmem>>, vector<1x8x128xf32>,
    %mul3A_1609 = arith.mulf %add3A_1414, %convert_element_type3A_1390 : vector<8x128xf32>
    %swap3A_1610 = arith.constant 0 : index
    %swap3A_1611 = arith.constant 0 : index
    %swap3A_1612 = arith.constant 0 : index
    %swap3A_1613 = vector.load %arg5[%swap3A_1610, %swap3A_1611, %swap3A_1612] : memref<12x8x128xf32, #tpu.memory_space<vmem>>, vector<1x8x128xf32>
    %swap3A_1614 = vector.shape_cast %swap3A_1613 : vector<1x8x128xf32> to vector<8x128xf32>
    %swap3A_1615 = vector.shape_cast %mul3A_1609 : vector<8x128xf32> to vector<1x8x128xf32>
    tpu.vector_store %arg5[%swap3A_1610, %swap3A_1611, %swap3A_1612], %swap3A_1615 {strides = array<i32>} : memref<12x8x128xf32, #tpu.memory_space<vmem>>, vector<1x8x128xf32>,
    %mul3A_1616 = arith.mulf %add3A_1450, %convert_element_type3A_1390 : vector<8x128xf32>
    %swap3A_1617 = arith.constant 1 : index
    %swap3A_1618 = arith.constant 0 : index
    %swap3A_1619 = arith.constant 0 : index
    %swap3A_1620 = vector.load %arg5[%swap3A_1617, %swap3A_1618, %swap3A_1619] : memref<12x8x128xf32, #tpu.memory_space<vmem>>, vector<1x8x128xf32>
    %swap3A_1621 = vector.shape_cast %swap3A_1620 : vector<1x8x128xf32> to vector<8x128xf32>
    %swap3A_1622 = vector.shape_cast %mul3A_1616 : vector<8x128xf32> to vector<1x8x128xf32>
    tpu.vector_store %arg5[%swap3A_1617, %swap3A_1618, %swap3A_1619], %swap3A_1622 {strides = array<i32>} : memref<12x8x128xf32, #tpu.memory_space<vmem>>, vector<1x8x128xf32>,
    %mul3A_1623 = arith.mulf %add3A_1486, %convert_element_type3A_1390 : vector<8x128xf32>
    %swap3A_1624 = arith.constant 2 : index
    %swap3A_1625 = arith.constant 0 : index
    %swap3A_1626 = arith.constant 0 : index
    %swap3A_1627 = vector.load %arg5[%swap3A_1624, %swap3A_1625, %swap3A_1626] : memref<12x8x128xf32, #tpu.memory_space<vmem>>, vector<1x8x128xf32>
    %swap3A_1628 = vector.shape_cast %swap3A_1627 : vector<1x8x128xf32> to vector<8x128xf32>
    %swap3A_1629 = vector.shape_cast %mul3A_1623 : vector<8x128xf32> to vector<1x8x128xf32>
    tpu.vector_store %arg5[%swap3A_1624, %swap3A_1625, %swap3A_1626], %swap3A_1629 {strides = array<i32>} : memref<12x8x128xf32, #tpu.memory_space<vmem>>, vector<1x8x128xf32>,
    %mul3A_1630 = arith.mulf %add3A_1420, %convert_element_type3A_1390 : vector<8x128xf32>
    %swap3A_1631 = arith.constant 3 : index
    %swap3A_1632 = arith.constant 0 : index
    %swap3A_1633 = arith.constant 0 : index
    %swap3A_1634 = vector.load %arg5[%swap3A_1631, %swap3A_1632, %swap3A_1633] : memref<12x8x128xf32, #tpu.memory_space<vmem>>, vector<1x8x128xf32>
    %swap3A_1635 = vector.shape_cast %swap3A_1634 : vector<1x8x128xf32> to vector<8x128xf32>
    %swap3A_1636 = vector.shape_cast %mul3A_1630 : vector<8x128xf32> to vector<1x8x128xf32>
    tpu.vector_store %arg5[%swap3A_1631, %swap3A_1632, %swap3A_1633], %swap3A_1636 {strides = array<i32>} : memref<12x8x128xf32, #tpu.memory_space<vmem>>, vector<1x8x128xf32>,
    %mul3A_1637 = arith.mulf %add3A_1456, %convert_element_type3A_1390 : vector<8x128xf32>
    %swap3A_1638 = arith.constant 4 : index
    %swap3A_1639 = arith.constant 0 : index
    %swap3A_1640 = arith.constant 0 : index
    %swap3A_1641 = vector.load %arg5[%swap3A_1638, %swap3A_1639, %swap3A_1640] : memref<12x8x128xf32, #tpu.memory_space<vmem>>, vector<1x8x128xf32>
    %swap3A_1642 = vector.shape_cast %swap3A_1641 : vector<1x8x128xf32> to vector<8x128xf32>
    %swap3A_1643 = vector.shape_cast %mul3A_1637 : vector<8x128xf32> to vector<1x8x128xf32>
    tpu.vector_store %arg5[%swap3A_1638, %swap3A_1639, %swap3A_1640], %swap3A_1643 {strides = array<i32>} : memref<12x8x128xf32, #tpu.memory_space<vmem>>, vector<1x8x128xf32>,
    %mul3A_1644 = arith.mulf %add3A_1492, %convert_element_type3A_1390 : vector<8x128xf32>
    %swap3A_1645 = arith.constant 5 : index
    %swap3A_1646 = arith.constant 0 : index
    %swap3A_1647 = arith.constant 0 : index
    %swap3A_1648 = vector.load %arg5[%swap3A_1645, %swap3A_1646, %swap3A_1647] : memref<12x8x128xf32, #tpu.memory_space<vmem>>, vector<1x8x128xf32>
    %swap3A_1649 = vector.shape_cast %swap3A_1648 : vector<1x8x128xf32> to vector<8x128xf32>
    %swap3A_1650 = vector.shape_cast %mul3A_1644 : vector<8x128xf32> to vector<1x8x128xf32>
    tpu.vector_store %arg5[%swap3A_1645, %swap3A_1646, %swap3A_1647], %swap3A_1650 {strides = array<i32>} : memref<12x8x128xf32, #tpu.memory_space<vmem>>, vector<1x8x128xf32>,
    %mul3A_1651 = arith.mulf %add3A_1426, %convert_element_type3A_1390 : vector<8x128xf32>
    %swap3A_1652 = arith.constant 6 : index
    %swap3A_1653 = arith.constant 0 : index
    %swap3A_1654 = arith.constant 0 : index
    %swap3A_1655 = vector.load %arg5[%swap3A_1652, %swap3A_1653, %swap3A_1654] : memref<12x8x128xf32, #tpu.memory_space<vmem>>, vector<1x8x128xf32>
    %swap3A_1656 = vector.shape_cast %swap3A_1655 : vector<1x8x128xf32> to vector<8x128xf32>
    %swap3A_1657 = vector.shape_cast %mul3A_1651 : vector<8x128xf32> to vector<1x8x128xf32>
    tpu.vector_store %arg5[%swap3A_1652, %swap3A_1653, %swap3A_1654], %swap3A_1657 {strides = array<i32>} : memref<12x8x128xf32, #tpu.memory_space<vmem>>, vector<1x8x128xf32>,
    %mul3A_1658 = arith.mulf %add3A_1462, %convert_element_type3A_1390 : vector<8x128xf32>
    %swap3A_1659 = arith.constant 7 : index
    %swap3A_1660 = arith.constant 0 : index
    %swap3A_1661 = arith.constant 0 : index
    %swap3A_1662 = vector.load %arg5[%swap3A_1659, %swap3A_1660, %swap3A_1661] : memref<12x8x128xf32, #tpu.memory_space<vmem>>, vector<1x8x128xf32>
    %swap3A_1663 = vector.shape_cast %swap3A_1662 : vector<1x8x128xf32> to vector<8x128xf32>
    %swap3A_1664 = vector.shape_cast %mul3A_1658 : vector<8x128xf32> to vector<1x8x128xf32>
    tpu.vector_store %arg5[%swap3A_1659, %swap3A_1660, %swap3A_1661], %swap3A_1664 {strides = array<i32>} : memref<12x8x128xf32, #tpu.memory_space<vmem>>, vector<1x8x128xf32>,
    %mul3A_1665 = arith.mulf %add3A_1498, %convert_element_type3A_1390 : vector<8x128xf32>
    %swap3A_1666 = arith.constant 8 : index
    %swap3A_1667 = arith.constant 0 : index
    %swap3A_1668 = arith.constant 0 : index
    %swap3A_1669 = vector.load %arg5[%swap3A_1666, %swap3A_1667, %swap3A_1668] : memref<12x8x128xf32, #tpu.memory_space<vmem>>, vector<1x8x128xf32>
    %swap3A_1670 = vector.shape_cast %swap3A_1669 : vector<1x8x128xf32> to vector<8x128xf32>
    %swap3A_1671 = vector.shape_cast %mul3A_1665 : vector<8x128xf32> to vector<1x8x128xf32>
    tpu.vector_store %arg5[%swap3A_1666, %swap3A_1667, %swap3A_1668], %swap3A_1671 {strides = array<i32>} : memref<12x8x128xf32, #tpu.memory_space<vmem>>, vector<1x8x128xf32>,
    %swap3A_1672 = arith.constant 9 : index
    %swap3A_1673 = arith.constant 0 : index
    %swap3A_1674 = arith.constant 0 : index
    %swap3A_1675 = vector.load %arg5[%swap3A_1672, %swap3A_1673, %swap3A_1674] : memref<12x8x128xf32, #tpu.memory_space<vmem>>, vector<1x8x128xf32>
    %swap3A_1676 = vector.shape_cast %swap3A_1675 : vector<1x8x128xf32> to vector<8x128xf32>
    %swap3A_1677 = vector.shape_cast %convert_element_type3A_1390 : vector<8x128xf32> to vector<1x8x128xf32>
    tpu.vector_store %arg5[%swap3A_1672, %swap3A_1673, %swap3A_1674], %swap3A_1677 {strides = array<i32>} : memref<12x8x128xf32, #tpu.memory_space<vmem>>, vector<1x8x128xf32>,
    %swap3A_1678 = arith.constant 10 : index
    %swap3A_1679 = arith.constant 0 : index
    %swap3A_1680 = arith.constant 0 : index
    %swap3A_1681 = vector.load %arg5[%swap3A_1678, %swap3A_1679, %swap3A_1680] : memref<12x8x128xf32, #tpu.memory_space<vmem>>, vector<1x8x128xf32>
    %swap3A_1682 = vector.shape_cast %swap3A_1681 : vector<1x8x128xf32> to vector<8x128xf32>
    %swap3A_1683 = vector.shape_cast %convert_element_type3A_1390 : vector<8x128xf32> to vector<1x8x128xf32>
    tpu.vector_store %arg5[%swap3A_1678, %swap3A_1679, %swap3A_1680], %swap3A_1683 {strides = array<i32>} : memref<12x8x128xf32, #tpu.memory_space<vmem>>, vector<1x8x128xf32>,
    %swap3A_1684 = arith.constant 11 : index
    %swap3A_1685 = arith.constant 0 : index
    %swap3A_1686 = arith.constant 0 : index
    %swap3A_1687 = vector.load %arg5[%swap3A_1684, %swap3A_1685, %swap3A_1686] : memref<12x8x128xf32, #tpu.memory_space<vmem>>, vector<1x8x128xf32>
    %swap3A_1688 = vector.shape_cast %swap3A_1687 : vector<1x8x128xf32> to vector<8x128xf32>
    %swap3A_1689 = vector.shape_cast %convert_element_type3A_1390 : vector<8x128xf32> to vector<1x8x128xf32>
    tpu.vector_store %arg5[%swap3A_1684, %swap3A_1685, %swap3A_1686], %swap3A_1689 {strides = array<i32>} : memref<12x8x128xf32, #tpu.memory_space<vmem>>, vector<1x8x128xf32>,
    return
  }
  func.func @transform_0(%arg0: i32) -> (i32, i32, i32) {
    %c0_i32 = arith.constant 0 : i32
    %c0_i32_0 = arith.constant 0 : i32
    %c0_i32_1 = arith.constant 0 : i32
    return %c0_i32, %arg0, %c0_i32_0 : i32, i32, i32
  }
  func.func @transform_1(%arg0: i32) -> (i32, i32, i32, i32) {
    %c0_i32 = arith.constant 0 : i32
    %c0_i32_0 = arith.constant 0 : i32
    %c0_i32_1 = arith.constant 0 : i32
    %c0_i32_2 = arith.constant 0 : i32
    return %c0_i32, %c0_i32_0, %arg0, %c0_i32_1 : i32, i32, i32, i32
  }
  func.func @transform_2(%arg0: i32) -> (i32, i32, i32) {
    %c0_i32 = arith.constant 0 : i32
    %c0_i32_0 = arith.constant 0 : i32
    %c0_i32_1 = arith.constant 0 : i32
    return %c0_i32, %arg0, %c0_i32_0 : i32, i32, i32
  }
  func.func @transform_3(%arg0: i32) -> (i32, i32, i32) {
    %c0_i32 = arith.constant 0 : i32
    %c0_i32_0 = arith.constant 0 : i32
    %c0_i32_1 = arith.constant 0 : i32
    return %c0_i32, %arg0, %c0_i32_0 : i32, i32, i32
  }
  func.func @transform_4(%arg0: i32) -> (i32, i32, i32) {
    %c0_i32 = arith.constant 0 : i32
    %c0_i32_0 = arith.constant 0 : i32
    %c0_i32_1 = arith.constant 0 : i32
    return %c0_i32, %arg0, %c0_i32_0 : i32, i32, i32
  }
}

module attributes {stable_mosaic.version = 14 : i64} {
  func.func @_tx_rm_body(%arg0: i32, %arg1: memref<16x512xf32, #tpu.memory_space<vmem>>, %arg2: memref<16x512xf32, #tpu.memory_space<vmem>>, %arg3: memref<16x16xf32, #tpu.memory_space<vmem>>, %arg4: memref<512x16xf32, #tpu.memory_space<vmem>>, %arg5: memref<512x16xf32, #tpu.memory_space<vmem>>) attributes {dimension_semantics = [#tpu.dimension_semantics<arbitrary>], iteration_bounds = array<i64: 392>, scalar_prefetch = 0 : i64, scratch_operands = 0 : i64, tpu.core_type = #tpu.core_type<tc>, window_params = [{transform_indices = @transform_0, window_bounds = array<i64: 16, 512>}, {transform_indices = @transform_1, window_bounds = array<i64: 16, 512>}, {pipeline_mode = #tpu.pipeline_mode<synchronous>, transform_indices = @transform_2, window_bounds = array<i64: 16, 16>}, {transform_indices = @transform_3, window_bounds = array<i64: 512, 16>}, {transform_indices = @transform_4, window_bounds = array<i64: 512, 16>}]} {
    %get3A = arith.constant 0 : index
    %get3A_0 = arith.constant 0 : index
    %get3A_1 = vector.load %arg1[%get3A, %get3A_0] : memref<16x512xf32, #tpu.memory_space<vmem>>, vector<16x128xf32>
    %get3A_2 = arith.constant 0 : index
    %get3A_3 = arith.constant 0 : index
    %get3A_4 = vector.load %arg3[%get3A_2, %get3A_3] : memref<16x16xf32, #tpu.memory_space<vmem>>, vector<16x16xf32>
    %dot_general3A = arith.constant dense<0.000000e+00> : vector<128x16xf32>
    %dot_general3A_5 = tpu.matmul %get3A_1, %get3A_4, %dot_general3A {dimension_numbers = #tpu.dot_dimension_numbers<[0], [0], [1], [1], [0, 1, 1, 1], [], []>, precision = #tpu.contract_precision<fp32>, transpose_lhs_hint = false} : vector<16x128xf32>, vector<16x16xf32>, vector<128x16xf32> -> vector<128x16xf32>
    %swap3A = arith.constant 0 : index
    %swap3A_6 = arith.constant 0 : index
    %swap3A_7 = vector.load %arg4[%swap3A, %swap3A_6] : memref<512x16xf32, #tpu.memory_space<vmem>>, vector<128x16xf32>
    tpu.vector_store %arg4[%swap3A, %swap3A_6], %dot_general3A_5 {strides = array<i32>} : memref<512x16xf32, #tpu.memory_space<vmem>>, vector<128x16xf32>,
    %get3A_8 = arith.constant 0 : index
    %get3A_9 = arith.constant 0 : index
    %get3A_10 = vector.load %arg2[%get3A_8, %get3A_9] : memref<16x512xf32, #tpu.memory_space<vmem>>, vector<16x128xf32>
    %get3A_11 = arith.constant 0 : index
    %get3A_12 = arith.constant 0 : index
    %get3A_13 = vector.load %arg3[%get3A_11, %get3A_12] : memref<16x16xf32, #tpu.memory_space<vmem>>, vector<16x16xf32>
    %dot_general3A_14 = arith.constant dense<0.000000e+00> : vector<128x16xf32>
    %dot_general3A_15 = tpu.matmul %get3A_10, %get3A_13, %dot_general3A_14 {dimension_numbers = #tpu.dot_dimension_numbers<[0], [0], [1], [1], [0, 1, 1, 1], [], []>, precision = #tpu.contract_precision<fp32>, transpose_lhs_hint = false} : vector<16x128xf32>, vector<16x16xf32>, vector<128x16xf32> -> vector<128x16xf32>
    %swap3A_16 = arith.constant 0 : index
    %swap3A_17 = arith.constant 0 : index
    %swap3A_18 = vector.load %arg5[%swap3A_16, %swap3A_17] : memref<512x16xf32, #tpu.memory_space<vmem>>, vector<128x16xf32>
    tpu.vector_store %arg5[%swap3A_16, %swap3A_17], %dot_general3A_15 {strides = array<i32>} : memref<512x16xf32, #tpu.memory_space<vmem>>, vector<128x16xf32>,
    %get3A_19 = arith.constant 0 : index
    %get3A_20 = arith.constant 128 : index
    %get3A_21 = vector.load %arg1[%get3A_19, %get3A_20] : memref<16x512xf32, #tpu.memory_space<vmem>>, vector<16x128xf32>
    %get3A_22 = arith.constant 0 : index
    %get3A_23 = arith.constant 0 : index
    %get3A_24 = vector.load %arg3[%get3A_22, %get3A_23] : memref<16x16xf32, #tpu.memory_space<vmem>>, vector<16x16xf32>
    %dot_general3A_25 = arith.constant dense<0.000000e+00> : vector<128x16xf32>
    %dot_general3A_26 = tpu.matmul %get3A_21, %get3A_24, %dot_general3A_25 {dimension_numbers = #tpu.dot_dimension_numbers<[0], [0], [1], [1], [0, 1, 1, 1], [], []>, precision = #tpu.contract_precision<fp32>, transpose_lhs_hint = false} : vector<16x128xf32>, vector<16x16xf32>, vector<128x16xf32> -> vector<128x16xf32>
    %swap3A_27 = arith.constant 128 : index
    %swap3A_28 = arith.constant 0 : index
    %swap3A_29 = vector.load %arg4[%swap3A_27, %swap3A_28] : memref<512x16xf32, #tpu.memory_space<vmem>>, vector<128x16xf32>
    tpu.vector_store %arg4[%swap3A_27, %swap3A_28], %dot_general3A_26 {strides = array<i32>} : memref<512x16xf32, #tpu.memory_space<vmem>>, vector<128x16xf32>,
    %get3A_30 = arith.constant 0 : index
    %get3A_31 = arith.constant 128 : index
    %get3A_32 = vector.load %arg2[%get3A_30, %get3A_31] : memref<16x512xf32, #tpu.memory_space<vmem>>, vector<16x128xf32>
    %get3A_33 = arith.constant 0 : index
    %get3A_34 = arith.constant 0 : index
    %get3A_35 = vector.load %arg3[%get3A_33, %get3A_34] : memref<16x16xf32, #tpu.memory_space<vmem>>, vector<16x16xf32>
    %dot_general3A_36 = arith.constant dense<0.000000e+00> : vector<128x16xf32>
    %dot_general3A_37 = tpu.matmul %get3A_32, %get3A_35, %dot_general3A_36 {dimension_numbers = #tpu.dot_dimension_numbers<[0], [0], [1], [1], [0, 1, 1, 1], [], []>, precision = #tpu.contract_precision<fp32>, transpose_lhs_hint = false} : vector<16x128xf32>, vector<16x16xf32>, vector<128x16xf32> -> vector<128x16xf32>
    %swap3A_38 = arith.constant 128 : index
    %swap3A_39 = arith.constant 0 : index
    %swap3A_40 = vector.load %arg5[%swap3A_38, %swap3A_39] : memref<512x16xf32, #tpu.memory_space<vmem>>, vector<128x16xf32>
    tpu.vector_store %arg5[%swap3A_38, %swap3A_39], %dot_general3A_37 {strides = array<i32>} : memref<512x16xf32, #tpu.memory_space<vmem>>, vector<128x16xf32>,
    %get3A_41 = arith.constant 0 : index
    %get3A_42 = arith.constant 256 : index
    %get3A_43 = vector.load %arg1[%get3A_41, %get3A_42] : memref<16x512xf32, #tpu.memory_space<vmem>>, vector<16x128xf32>
    %get3A_44 = arith.constant 0 : index
    %get3A_45 = arith.constant 0 : index
    %get3A_46 = vector.load %arg3[%get3A_44, %get3A_45] : memref<16x16xf32, #tpu.memory_space<vmem>>, vector<16x16xf32>
    %dot_general3A_47 = arith.constant dense<0.000000e+00> : vector<128x16xf32>
    %dot_general3A_48 = tpu.matmul %get3A_43, %get3A_46, %dot_general3A_47 {dimension_numbers = #tpu.dot_dimension_numbers<[0], [0], [1], [1], [0, 1, 1, 1], [], []>, precision = #tpu.contract_precision<fp32>, transpose_lhs_hint = false} : vector<16x128xf32>, vector<16x16xf32>, vector<128x16xf32> -> vector<128x16xf32>
    %swap3A_49 = arith.constant 256 : index
    %swap3A_50 = arith.constant 0 : index
    %swap3A_51 = vector.load %arg4[%swap3A_49, %swap3A_50] : memref<512x16xf32, #tpu.memory_space<vmem>>, vector<128x16xf32>
    tpu.vector_store %arg4[%swap3A_49, %swap3A_50], %dot_general3A_48 {strides = array<i32>} : memref<512x16xf32, #tpu.memory_space<vmem>>, vector<128x16xf32>,
    %get3A_52 = arith.constant 0 : index
    %get3A_53 = arith.constant 256 : index
    %get3A_54 = vector.load %arg2[%get3A_52, %get3A_53] : memref<16x512xf32, #tpu.memory_space<vmem>>, vector<16x128xf32>
    %get3A_55 = arith.constant 0 : index
    %get3A_56 = arith.constant 0 : index
    %get3A_57 = vector.load %arg3[%get3A_55, %get3A_56] : memref<16x16xf32, #tpu.memory_space<vmem>>, vector<16x16xf32>
    %dot_general3A_58 = arith.constant dense<0.000000e+00> : vector<128x16xf32>
    %dot_general3A_59 = tpu.matmul %get3A_54, %get3A_57, %dot_general3A_58 {dimension_numbers = #tpu.dot_dimension_numbers<[0], [0], [1], [1], [0, 1, 1, 1], [], []>, precision = #tpu.contract_precision<fp32>, transpose_lhs_hint = false} : vector<16x128xf32>, vector<16x16xf32>, vector<128x16xf32> -> vector<128x16xf32>
    %swap3A_60 = arith.constant 256 : index
    %swap3A_61 = arith.constant 0 : index
    %swap3A_62 = vector.load %arg5[%swap3A_60, %swap3A_61] : memref<512x16xf32, #tpu.memory_space<vmem>>, vector<128x16xf32>
    tpu.vector_store %arg5[%swap3A_60, %swap3A_61], %dot_general3A_59 {strides = array<i32>} : memref<512x16xf32, #tpu.memory_space<vmem>>, vector<128x16xf32>,
    %get3A_63 = arith.constant 0 : index
    %get3A_64 = arith.constant 384 : index
    %get3A_65 = vector.load %arg1[%get3A_63, %get3A_64] : memref<16x512xf32, #tpu.memory_space<vmem>>, vector<16x128xf32>
    %get3A_66 = arith.constant 0 : index
    %get3A_67 = arith.constant 0 : index
    %get3A_68 = vector.load %arg3[%get3A_66, %get3A_67] : memref<16x16xf32, #tpu.memory_space<vmem>>, vector<16x16xf32>
    %dot_general3A_69 = arith.constant dense<0.000000e+00> : vector<128x16xf32>
    %dot_general3A_70 = tpu.matmul %get3A_65, %get3A_68, %dot_general3A_69 {dimension_numbers = #tpu.dot_dimension_numbers<[0], [0], [1], [1], [0, 1, 1, 1], [], []>, precision = #tpu.contract_precision<fp32>, transpose_lhs_hint = false} : vector<16x128xf32>, vector<16x16xf32>, vector<128x16xf32> -> vector<128x16xf32>
    %swap3A_71 = arith.constant 384 : index
    %swap3A_72 = arith.constant 0 : index
    %swap3A_73 = vector.load %arg4[%swap3A_71, %swap3A_72] : memref<512x16xf32, #tpu.memory_space<vmem>>, vector<128x16xf32>
    tpu.vector_store %arg4[%swap3A_71, %swap3A_72], %dot_general3A_70 {strides = array<i32>} : memref<512x16xf32, #tpu.memory_space<vmem>>, vector<128x16xf32>,
    %get3A_74 = arith.constant 0 : index
    %get3A_75 = arith.constant 384 : index
    %get3A_76 = vector.load %arg2[%get3A_74, %get3A_75] : memref<16x512xf32, #tpu.memory_space<vmem>>, vector<16x128xf32>
    %get3A_77 = arith.constant 0 : index
    %get3A_78 = arith.constant 0 : index
    %get3A_79 = vector.load %arg3[%get3A_77, %get3A_78] : memref<16x16xf32, #tpu.memory_space<vmem>>, vector<16x16xf32>
    %dot_general3A_80 = arith.constant dense<0.000000e+00> : vector<128x16xf32>
    %dot_general3A_81 = tpu.matmul %get3A_76, %get3A_79, %dot_general3A_80 {dimension_numbers = #tpu.dot_dimension_numbers<[0], [0], [1], [1], [0, 1, 1, 1], [], []>, precision = #tpu.contract_precision<fp32>, transpose_lhs_hint = false} : vector<16x128xf32>, vector<16x16xf32>, vector<128x16xf32> -> vector<128x16xf32>
    %swap3A_82 = arith.constant 384 : index
    %swap3A_83 = arith.constant 0 : index
    %swap3A_84 = vector.load %arg5[%swap3A_82, %swap3A_83] : memref<512x16xf32, #tpu.memory_space<vmem>>, vector<128x16xf32>
    tpu.vector_store %arg5[%swap3A_82, %swap3A_83], %dot_general3A_81 {strides = array<i32>} : memref<512x16xf32, #tpu.memory_space<vmem>>, vector<128x16xf32>,
    return
  }
  func.func @transform_0(%arg0: i32) -> (i32, i32) {
    %c0_i32 = arith.constant 0 : i32
    %c0_i32_0 = arith.constant 0 : i32
    return %c0_i32, %arg0 : i32, i32
  }
  func.func @transform_1(%arg0: i32) -> (i32, i32) {
    %c0_i32 = arith.constant 0 : i32
    %c0_i32_0 = arith.constant 0 : i32
    return %c0_i32, %arg0 : i32, i32
  }
  func.func @transform_2(%arg0: i32) -> (i32, i32) {
    %c0_i32 = arith.constant 0 : i32
    %c0_i32_0 = arith.constant 0 : i32
    %c0_i32_1 = arith.constant 0 : i32
    return %c0_i32, %c0_i32_0 : i32, i32
  }
  func.func @transform_3(%arg0: i32) -> (i32, i32) {
    %c0_i32 = arith.constant 0 : i32
    %c0_i32_0 = arith.constant 0 : i32
    return %arg0, %c0_i32 : i32, i32
  }
  func.func @transform_4(%arg0: i32) -> (i32, i32) {
    %c0_i32 = arith.constant 0 : i32
    %c0_i32_0 = arith.constant 0 : i32
    return %arg0, %c0_i32 : i32, i32
  }
}

module attributes {stable_mosaic.version = 14 : i64} {
  func.func @_comb_body(%arg0: i32, %arg1: memref<2x4x2048xf32, #tpu.memory_space<vmem>>, %arg2: memref<3x2048xf32, #tpu.memory_space<vmem>>) attributes {dimension_semantics = [#tpu.dimension_semantics<arbitrary>], iteration_bounds = array<i64: 56>, scalar_prefetch = 0 : i64, scratch_operands = 0 : i64, tpu.core_type = #tpu.core_type<tc>, window_params = [{transform_indices = @transform_0, window_bounds = array<i64: 2, 4, 2048>}, {transform_indices = @transform_1, window_bounds = array<i64: 3, 2048>}]} {
    %get3A = arith.constant 0 : index
    %get3A_0 = arith.constant 3 : index
    %get3A_1 = arith.constant 0 : index
    %get3A_2 = vector.load %arg1[%get3A, %get3A_0, %get3A_1] : memref<2x4x2048xf32, #tpu.memory_space<vmem>>, vector<1x1x2048xf32>
    %get3A_3 = vector.shape_cast %get3A_2 : vector<1x1x2048xf32> to vector<2048xf32>
    %get3A_4 = arith.constant 1 : index
    %get3A_5 = arith.constant 3 : index
    %get3A_6 = arith.constant 0 : index
    %get3A_7 = vector.load %arg1[%get3A_4, %get3A_5, %get3A_6] : memref<2x4x2048xf32, #tpu.memory_space<vmem>>, vector<1x1x2048xf32>
    %get3A_8 = vector.shape_cast %get3A_7 : vector<1x1x2048xf32> to vector<2048xf32>
    %add3A = arith.addf %get3A_3, %get3A_8 : vector<2048xf32>
    %max3A = arith.constant 1.000000e+00 : f32
    %max3A_9 = vector.broadcast %max3A : f32 to vector<2048xf32>
    %max3A_10 = arith.maximumf %add3A, %max3A_9 : vector<2048xf32>
    %get3A_11 = arith.constant 0 : index
    %get3A_12 = arith.constant 0 : index
    %get3A_13 = arith.constant 0 : index
    %get3A_14 = vector.load %arg1[%get3A_11, %get3A_12, %get3A_13] : memref<2x4x2048xf32, #tpu.memory_space<vmem>>, vector<1x1x2048xf32>
    %get3A_15 = vector.shape_cast %get3A_14 : vector<1x1x2048xf32> to vector<2048xf32>
    %get3A_16 = arith.constant 1 : index
    %get3A_17 = arith.constant 0 : index
    %get3A_18 = arith.constant 0 : index
    %get3A_19 = vector.load %arg1[%get3A_16, %get3A_17, %get3A_18] : memref<2x4x2048xf32, #tpu.memory_space<vmem>>, vector<1x1x2048xf32>
    %get3A_20 = vector.shape_cast %get3A_19 : vector<1x1x2048xf32> to vector<2048xf32>
    %add3A_21 = arith.addf %get3A_15, %get3A_20 : vector<2048xf32>
    %div3A = arith.divf %add3A_21, %max3A_10 : vector<2048xf32>
    %swap3A = arith.constant 0 : index
    %swap3A_22 = arith.constant 0 : index
    %swap3A_23 = vector.load %arg2[%swap3A, %swap3A_22] : memref<3x2048xf32, #tpu.memory_space<vmem>>, vector<1x2048xf32>
    %swap3A_24 = vector.shape_cast %swap3A_23 : vector<1x2048xf32> to vector<2048xf32>
    %swap3A_25 = vector.shape_cast %div3A : vector<2048xf32> to vector<1x2048xf32>
    tpu.vector_store %arg2[%swap3A, %swap3A_22], %swap3A_25 {strides = array<i32>} : memref<3x2048xf32, #tpu.memory_space<vmem>>, vector<1x2048xf32>,
    %get3A_26 = arith.constant 0 : index
    %get3A_27 = arith.constant 1 : index
    %get3A_28 = arith.constant 0 : index
    %get3A_29 = vector.load %arg1[%get3A_26, %get3A_27, %get3A_28] : memref<2x4x2048xf32, #tpu.memory_space<vmem>>, vector<1x1x2048xf32>
    %get3A_30 = vector.shape_cast %get3A_29 : vector<1x1x2048xf32> to vector<2048xf32>
    %get3A_31 = arith.constant 1 : index
    %get3A_32 = arith.constant 1 : index
    %get3A_33 = arith.constant 0 : index
    %get3A_34 = vector.load %arg1[%get3A_31, %get3A_32, %get3A_33] : memref<2x4x2048xf32, #tpu.memory_space<vmem>>, vector<1x1x2048xf32>
    %get3A_35 = vector.shape_cast %get3A_34 : vector<1x1x2048xf32> to vector<2048xf32>
    %add3A_36 = arith.addf %get3A_30, %get3A_35 : vector<2048xf32>
    %div3A_37 = arith.divf %add3A_36, %max3A_10 : vector<2048xf32>
    %swap3A_38 = arith.constant 1 : index
    %swap3A_39 = arith.constant 0 : index
    %swap3A_40 = vector.load %arg2[%swap3A_38, %swap3A_39] : memref<3x2048xf32, #tpu.memory_space<vmem>>, vector<1x2048xf32>
    %swap3A_41 = vector.shape_cast %swap3A_40 : vector<1x2048xf32> to vector<2048xf32>
    %swap3A_42 = vector.shape_cast %div3A_37 : vector<2048xf32> to vector<1x2048xf32>
    tpu.vector_store %arg2[%swap3A_38, %swap3A_39], %swap3A_42 {strides = array<i32>} : memref<3x2048xf32, #tpu.memory_space<vmem>>, vector<1x2048xf32>,
    %get3A_43 = arith.constant 0 : index
    %get3A_44 = arith.constant 2 : index
    %get3A_45 = arith.constant 0 : index
    %get3A_46 = vector.load %arg1[%get3A_43, %get3A_44, %get3A_45] : memref<2x4x2048xf32, #tpu.memory_space<vmem>>, vector<1x1x2048xf32>
    %get3A_47 = vector.shape_cast %get3A_46 : vector<1x1x2048xf32> to vector<2048xf32>
    %get3A_48 = arith.constant 1 : index
    %get3A_49 = arith.constant 2 : index
    %get3A_50 = arith.constant 0 : index
    %get3A_51 = vector.load %arg1[%get3A_48, %get3A_49, %get3A_50] : memref<2x4x2048xf32, #tpu.memory_space<vmem>>, vector<1x1x2048xf32>
    %get3A_52 = vector.shape_cast %get3A_51 : vector<1x1x2048xf32> to vector<2048xf32>
    %add3A_53 = arith.addf %get3A_47, %get3A_52 : vector<2048xf32>
    %div3A_54 = arith.divf %add3A_53, %max3A_10 : vector<2048xf32>
    %swap3A_55 = arith.constant 2 : index
    %swap3A_56 = arith.constant 0 : index
    %swap3A_57 = vector.load %arg2[%swap3A_55, %swap3A_56] : memref<3x2048xf32, #tpu.memory_space<vmem>>, vector<1x2048xf32>
    %swap3A_58 = vector.shape_cast %swap3A_57 : vector<1x2048xf32> to vector<2048xf32>
    %swap3A_59 = vector.shape_cast %div3A_54 : vector<2048xf32> to vector<1x2048xf32>
    tpu.vector_store %arg2[%swap3A_55, %swap3A_56], %swap3A_59 {strides = array<i32>} : memref<3x2048xf32, #tpu.memory_space<vmem>>, vector<1x2048xf32>,
    return
  }
  func.func @transform_0(%arg0: i32) -> (i32, i32, i32) {
    %c0_i32 = arith.constant 0 : i32
    %c0_i32_0 = arith.constant 0 : i32
    %c0_i32_1 = arith.constant 0 : i32
    return %c0_i32, %c0_i32_0, %arg0 : i32, i32, i32
  }
  func.func @transform_1(%arg0: i32) -> (i32, i32) {
    %c0_i32 = arith.constant 0 : i32
    %c0_i32_0 = arith.constant 0 : i32
    return %c0_i32, %arg0 : i32, i32
  }
}

</mosaic_0001>

<sc_bundles>
// kernel: kernel.10.cloned.1.call-start
scs
__scs_entry_jumppad:
0x0: {  	(pc) =	sbr.rel $0x88, $3  }
0x1: {  	(tag) =	ssettag $0x0;
	lr =	simm.s32 $0x1  }
0x2: {  	[smem:$0x3F8A] =	sst lr;
	_ =	strace $0xD0000000  }
0x3: {  	_ = 	snop  }
0x4: {  	_ = 	snop  }
0x5: {  	_ = 	snop  }
0x6: {  	_ = 	snop  }
0x7: {  	_ = 	snop  }
__scs_overlays_trampoline_lowered:
0x8: {  	[smem:$0x3F99] =	sst s0  }
0x9: {  	[smem:$0x3F9A] =	sst s1  }
0xa: {  	[smem:$0x3F9B] =	sst s2  }
0xb: {  	[smem:$0x3F9C] =	sst s3  }
0xc: {  	[smem:$0x3F9D] =	sst s4  }
0xd: {  	[smem:$0x3F9E] =	sst s5  }
0xe: {  	[smem:$0x3F9F] =	sst s6  }
0xf: {  	[smem:$0x3FA0] =	sst s7  }
0x10: {  	[smem:$0x3FA1] =	sst s8  }
0x11: {  	[smem:$0x3FA2] =	sst s9;
	s0 =	simm.s32 @!p0 $0x0  }
0x12: {  	s1 =	sld [smem:$0x3F88];
	s0 =	simm.s32 @p0 $0x1  }
0x13: {  	[smem:$0x3FA3] =	sst s0;
	s0 =	simm.s32 @!p1 $0x0  }
0x14: {  	s2 =	sld [smem:$0x3F87];
	s0 =	simm.s32 @p1 $0x1  }
0x15: {  	[smem:$0x3FA4] =	sst s0;
	s0 =	simm.s32 @!p2 $0x0  }
0x16: {  	s3 =	sld [smem:$0x3FDB];
	s0 =	simm.s32 @p2 $0x1  }
0x17: {  	s4 =	simm.s32 $0x1BF5;
	[smem:$0x3FA6] =	sst s0  }
0x18: {  	s0 =	sld [smem:$0x3F89];
	_ =	swait.ge [sflag:s4], $0x0  }
0x19: {  	s7 =	sld [smem:$0x3F8A]  }
0x1a: {  	s8 =	sadd.s32 $0xFFFFE003, lr  }
0x1b: {  	s9 =	sadd.s32 $0xFFFFFEF7, lr;
	s5 =	simm.s32 $0xFFFFFFFF;
	p2 =	slt.u32 s8, $0xFFFFF086  }
0x1c: {  	p1 =	slt.u32 s9, $0xF7A;
	s5 =	simm.s32 @!p2 $0x0  }
0x1d: {  	s5 =	simm.s32 @p1 $0x1;
	p0 =	seq.s32 s7, s2  }
0x1e: {  	s7 =	smul.u32 @!p0 $0xF7A, s2;
	p2 =	seq.s32 @!p0 s5, $0x0  }
0x1f: {  	s9 =	smul.u32 $0xF7A, s1;
	s8 =	simm.s32 @!p0 $0x1BF5;
	p2 =	por !p2, p0  }
0x20: {  	[sflag:s8] =	ssyncset.s32 @!p0 $0xFFFFF086;
	s6 =	sadd.s32 @!p0 s3, s7;
	s7 =	simm.s32 @!p0 $0x108  }
0x21: {  	s3 =	sadd.s32 s3, s9;
	s6 =	sadd.s32 @!p0 $0x88, s6;
	s7 =	simm.s32 @p2 $0x1082  }
0x22: {  	[simem:s7], [sflag:s8] =	dma.local @!p0 [hbm:s6], $0xF7A  }
0x23: {  	s9 =	sor.u32 $0xD0000000, s2;
	s6 =	simm.s32 $0x108;
	_ =	swait.ge @!p0 [sflag:s8], $0x0  }
0x24: {  	s3 =	sadd.s32 $0x88, s3;
	s6 =	simm.s32 @!p1 $0x1082;
	[sflag:s4] =	ssyncset.s32 $0xFFFFF086  }
0x25: {  	[simem:s6], [sflag:s4] =	dma.local [hbm:s3], $0xF7A  }
0x26: {  	[smem:$0x3F8A] =	sst s1;
	(tag) =	ssettag s2;
	_ =	strace s9  }
0x27: {  	s1 =	sld [smem:$0x3F9A]  }
0x28: {  	s2 =	sld [smem:$0x3F9B]  }
0x29: {  	s4 =	sld [smem:$0x3F9D]  }
0x2a: {  	p0 =	seq.s32 s5, $0x0;
	s5 =	sld [smem:$0x3F9E]  }
0x2b: {  	s6 =	sld [smem:$0x3F9F]  }
0x2c: {  	s7 =	sld [smem:$0x3FA0]  }
0x2d: {  	s3 =	simm.s32 $0x108;
	s8 =	sld [smem:$0x3FA1]  }
0x2e: {  	s3 =	simm.s32 @!p0 $0x1082;
	s9 =	sld [smem:$0x3FA2]  }
0x2f: {  	lr =	sadd.s32 s0, s3;
	s0 =	sld [smem:$0x3F99]  }
0x30: {  	s3 =	sld [smem:$0x3F9C]  }
0x31: {  	[smem:$0x3FA5] =	sst s10  }
0x32: {  	s10 =	sld [smem:$0x3FA3];
	_ =	sdelay $0x3  }
0x33: {  	p0 =	seq.s32 s10, $0x1;
	s10 =	sld [smem:$0x3FA5];
	_ =	sdelay $0x3  }
0x34: {  	[smem:$0x3FA5] =	sst s10  }
0x35: {  	s10 =	sld [smem:$0x3FA4];
	_ =	sdelay $0x3  }
0x36: {  	p1 =	seq.s32 s10, $0x1;
	s10 =	sld [smem:$0x3FA5];
	_ =	sdelay $0x3  }
0x37: {  	[smem:$0x3FA5] =	sst s10  }
0x38: {  	s10 =	sld [smem:$0x3FA6]  }
0x39: {  	_ = 	snop;
	(pc) =	sbr.ind lr, $3  }
0x3a: {  	_ = 	snop  }
0x3b: {  	_ = 	snop  }
0x3c: {  	p2 =	seq.s32 s10, $0x1;
	s10 =	sld [smem:$0x3FA5]  }
0x3d: {  	_ =	shalt  }
0x3e: {  	_ =	shalt  }
0x3f: {  	_ =	shalt  }
0x40: {  	_ =	shalt  }
0x41: {  	_ =	shalt  }
0x42: {  	_ =	shalt  }
0x43: {  	_ =	shalt  }
0x44: {  	_ =	shalt  }
0x45: {  	_ =	shalt  }
0x46: {  	_ =	shalt  }
0x47: {  	_ =	shalt  }
0x48: {  	_ =	shalt  }
0x49: {  	_ =	shalt  }
0x4a: {  	_ =	shalt  }
0x4b: {  	_ =	shalt  }
0x4c: {  	_ =	shalt  }
0x4d: {  	_ =	shalt  }
0x4e: {  	_ =	shalt  }
0x4f: {  	_ =	shalt  }
0x50: {  	_ =	shalt  }
0x51: {  	_ =	shalt  }
0x52: {  	_ =	shalt  }
0x53: {  	_ =	shalt  }
0x54: {  	_ =	shalt  }
0x55: {  	_ =	shalt  }
0x56: {  	_ =	shalt  }
0x57: {  	_ =	shalt  }
0x58: {  	_ =	shalt  }
0x59: {  	_ =	shalt  }
0x5a: {  	_ =	shalt  }
0x5b: {  	_ =	shalt  }
0x5c: {  	_ =	shalt  }
0x5d: {  	_ =	shalt  }
0x5e: {  	_ =	shalt  }
0x5f: {  	_ =	shalt  }
0x60: {  	_ =	shalt  }
0x61: {  	_ =	shalt  }
0x62: {  	_ =	shalt  }
0x63: {  	_ =	shalt  }
0x64: {  	_ =	shalt  }
0x65: {  	_ =	shalt  }
0x66: {  	_ =	shalt  }
0x67: {  	_ =	shalt  }
0x68: {  	_ =	shalt  }
0x69: {  	_ =	shalt  }
0x6a: {  	_ =	shalt  }
0x6b: {  	_ =	shalt  }
0x6c: {  	_ =	shalt  }
0x6d: {  	_ =	shalt  }
0x6e: {  	_ =	shalt  }
0x6f: {  	_ =	shalt  }
0x70: {  	_ =	shalt  }
0x71: {  	_ =	shalt  }
0x72: {  	_ =	shalt  }
0x73: {  	_ =	shalt  }
0x74: {  	_ =	shalt  }
0x75: {  	_ =	shalt  }
0x76: {  	_ =	shalt  }
0x77: {  	_ =	shalt  }
0x78: {  	_ =	shalt  }
0x79: {  	_ =	shalt  }
0x7a: {  	_ =	shalt  }
0x7b: {  	_ =	shalt  }
0x7c: {  	_ =	shalt  }
0x7d: {  	_ =	shalt  }
0x7e: {  	_ =	shalt  }
0x7f: {  	_ =	shalt  }
0x80: {  	_ =	shalt  }
0x81: {  	_ =	shalt  }
0x82: {  	_ =	shalt  }
0x83: {  	_ =	shalt  }
0x84: {  	_ =	shalt  }
0x85: {  	_ =	shalt  }
0x86: {  	_ =	shalt  }
0x87: {  	_ =	shalt  }
.Lfunc_end0:
.L_simem_size_0:
called_computation.1_lowered:
.L_overlay_start_0:
0x88: {  	s2 =	sld [smem:$0x3FD9]  }
0x89: {  	s3 =	sld [smem:$0x3FFE];
	_ =	sdelay $0x1  }
0x8a: {  	s1 =	srdreg.scid  }
0x8b: {  	s0 =	sand.u32 $0x1, s1  }
0x8c: {  	s16 =	sshll.u32 s0, $0xA;
	s2 =	sadd.s32 s3, s2  }
0x8d: {  	s2 =	sadd.s32 s2, s16  }
0x8e: {  	[smem:$0x3FB1] =	sst s2  }
0x8f: {  	_ = 	snop  }
0x90: {  	(tm) =	ssettm $0x1  }
0x91: {  	s17 =	sld [smem:$0x3FFB];
	_ =	sdelay $0x3  }
0x92: {  	_ =	strace s17  }
0x93: {  	s2 =	sld [smem:$0x3FFC];
	_ =	sdelay $0x3  }
0x94: {  	_ =	strace s2  }
0x95: {  	s2 =	sld [smem:$0x3FFD];
	_ =	sdelay $0x3  }
0x96: {  	_ =	strace s2  }
0x97: {  	_ =	strace $0x8FFFFFFF  }
0x98: {  	s18 =	sld [smem:$0x3FDB];
	_ =	sdelay $0x1  }
0x99: {  	s19 =	simm.s32 $_scs_section_size  }
0x9a: {  	s4 =	simm.s32 $_size__tile_overlayer_lowered;
	s5 =	simm.s32 $_tile_overlayer_lowered  }
0x9b: {  	s22 =	simm.s32 $0x1BFF;
	s21 =	sshll.u32 s5, $0x1;
	s2 =	sadd.s32 s19, s18  }
0x9c: {  	s6 =	simm.s32 $0x0;
	s20 =	sshll.u32 s4, $0x1;
	s4 =	sadd.s32 s21, s2  }
0x9d: {  	[timem:s6], [sflag:s22] =	dma.local [hbm:s4], s20  }
0x9e: {  	_ =	swait.ge [sflag:s22], s20  }
0x9f: {  	s3 =	ssub.s32 $0x0, s20;
	[sflag:s22] =	ssyncset.done $0x0  }
0xa0: {  	[sflag:s22] =	ssyncadd.s32 s3;
	_ =	sdelay $0x1  }
0xa1: {  	s23 =	simm.s32 $0x1B8B  }
0xa2: {  	_ =	swait.ge [sflag:s23], $0x1  }
0xa3: {  	[sflag:s23] =	ssyncset.done $0x0  }
0xa4: {  	s25 =	simm.s32 $0x1B8E;
	s24 =	sld [smem:$0x3FFE];
	[sflag:s23] =	ssyncadd.s32 $0xFFFFFFFF  }
0xa5: {  	s26 =	simm.s32 $execute0_lowered;
	[smem:$0x3FD2] =	sst s25  }
0xa6: {  	s4 =	sshll.u32 s26, $0x1;
	_ =	strace $0x80000046;
	[dreg:$0x1] =	wrdreg $0xFFFFFFFF  }
0xa7: {  	s28 =	simm.s32 $_size_execute0_lowered;
	s2 =	sadd.s32 s2, s4;
	[dreg:$0x0] =	wrdreg $0x0  }
0xa8: {  	s4 =	sshll.u32 s28, $0x1;
	[dreg:$0x2] =	wrdreg s2  }
0xa9: {  	[dreg:$0x3] =	wrdreg s4  }
0xaa: {  	[dreg:$0x4] =	wrdreg $0xC0  }
0xab: {  	_ =	task [dreg:s6], $0x5FFFF  }
0xac: {  	[dreg:$0x1] =	wrdreg $0xFFFFFFFF  }
0xad: {  	[dreg:$0x0] =	wrdreg $0x60  }
0xae: {  	[dreg:$0x2] =	wrdreg s24  }
0xaf: {  	[dreg:$0x3] =	wrdreg $0x9  }
0xb0: {  	_ =	task.clear_ibuf [dreg:s6], $0x4FFFF;
	_ =	strace $0x90000046  }
0xb1: {  	s29 =	simm.s32 $0x9;
	_ =	strace $0x80000048  }
0xb2: {  	_ =	swait.ge [sflag:s29], $0x1  }
0xb3: {  	[sflag:s29] =	ssyncadd.s32 $0xFFFFFFFF  }
0xb4: {  	_ =	strace $0x90000048  }
0xb5: {  	_ =	sfence  }
0xb6: {  	s30 =	sld [smem:$0x0];
	_ =	sdelay $0x2  }
0xb7: {  	s31 =	sshll.u32 s1, $0xD;
	s1 =	sshrl.u32 s1, $0x2  }
0xb8: {  	s3 =	sand.u32 $0x4000, s31;
	s1 =	sadd.s32 s1, s30  }
0xb9: {  	s0 =	sor.u32 s3, s0;
	s1 =	sshll.u32 s1, $0x11  }
0xba: {  	s0 =	sor.u32 s1, s0  }
0xbb: {  	s0 =	sadd.s32 $0x8F2B, s0  }
0xbc: {  	[sflag:s0] =	ssyncadd.remote.s32 $0x1  }
0xbd: {  	_ =	sfence.sel $0xFFFF  }
0xbe: {  	[dreg:$0x0] =	wrdreg $0xFFFFFFFF;
	(pc) =	sbr.abs _section_cstart, $3  }
0xbf: {  	[dreg:$0x1] =	wrdreg $0xFFFFFFFF  }
0xc0: {  	_ =	task.clear_ibuf [dreg:s6], $0x2FFFF;
	_ =	strace $0x9FFFFFFF  }
0xc1: {  	(tm) =	ssettm $0x7FFFFFFF  }
tec
execute0_lowered:
.L_overlay_start_1:
0x0: {  	(tag) =	ssettag $0x1  }
0x1: {  	s0 =	rddreg [dreg:$0x0]  }
0x2: {  	s1 =	simm.s32 $0x0;
	s26 =	srdreg.scid;
	s4 =	stileid.u32  }
0x3: {  	s10 =	simm.s32 $0x2;
	s9 =	simm.s32 $0xC080;
	s21 =	simm.s32 $0x1  }
0x4: {  	s16 =	simm.s32 $0x6080;
	s17 =	simm.s32 $0x6880;
	s18 =	simm.s32 $0x6C80  }
0x5: {  	s19 =	simm.s32 $0x7480;
	s20 =	simm.s32 $0x7880;
	s7 =	simm.s32 $0x9080  }
0x6: {  	s11 =	simm.s32 $0x9880;
	s22 =	simm.s32 $0x9C80;
	s23 =	simm.s32 $0xA480  }
0x7: {  	s24 =	simm.s32 $0xA880;
	s25 =	simm.s32 $0xB080;
	s28 =	simm.s32 $0xBC80  }
0x8: {  	[smem:$0x7FF] =	sst s1;
	s3 =	sadd.s32 $0x4AD200, s0;
	s2 =	sadd.s32 $0x4200, s0  }
0x9: {  	s1 =	sand.u32 $0x1, s26;
	s29 =	sadd.s32 $0x1275200, s0;
	s6 =	sadd.s32 $0x945200, s0  }
0xa: {  	s4 =	sshll.u32 s4, $0x1;
	s8 =	sadd.s32 $0x4AD300, s0;
	s26 =	simm.s32 $0xB480  }
0xb: {  	_ =	strace $0x80000047;
	s30 =	ssub.s32 $0x2, s1;
	s1 =	sor.u32 s1, s4  }
0xc: {  	[dreg:$0x2] =	wrdreg s2;
	s5 =	sshrl.u32 s30, $0x1;
	s1 =	smul.u32 $0x1880, s1  }
0xd: {  	v2 =	vlaneseq.u32;
	[dreg:$0x3] =	wrdreg s29;
	s4 =	simm.s32 $0x8480;
	s2 =	ssub.s32 s30, s5  }
0xe: {  	vm0 =	vmmov $0xffff;
	vm1 =	vmmov $0xff;
	v1 =	vshrl.u32 v2, $0x3;
	s5 =	simm.s32 $0x8C80;
	[dreg:$0x4] =	wrdreg s1;
	s31 =	smax.u32 s2, $0x1  }
0xf: {  	v0 =	vand.u32 $0x7, v2;
	v2 =	vor.u32 $0x8, v2;
	v1 =	vmul.u32 $0x8, v1;
	s1 =	simm.s32 $0x8080;
	s2 =	simm.s32 $0x0;
	[dreg:$0x5] =	wrdreg s31  }
.LBB2_1:
0x10: {  	[dreg:$0x6] =	wrdreg s2;
	s29 =	simm.s32 $0x0  }
.LBB2_2:
0x11: {  	s0 =	sshll.u32 s29, $0x7;
	s2 =	rddreg [dreg:$0x4]  }
0x12: {  	s0 =	sadd.s32 s2, s0  }
0x13: {  	s14 =	rddreg [dreg:$0x2];
	s30 =	sshrl.u32 s0, $0x3  }
0x14: {  	s2 =	simm.s32 $0x0;
	s31 =	sadd.s32 s14, s30  }
0x15: {  	[tilespmem:s2], [sflag:$0x2] =	stream.linear.gather [hbm4b:s31+s2], $0x80, $0x38;
	[tilespmem:$0x1C080] =	vst v63  }
0x16: {  	_ =	swait.ge [sflag:s10], $0x80  }
0x17: {  	[sflag:s10] =	ssyncset.done $0x0  }
0x18: {  	[sflag:s10] =	ssyncadd.s32 $0xFFFFFF80  }
0x19: {  	v3 =	vld [tilespmem:$0x0];
	_ =	sdelay $0x4  }
0x1a: {  	v4 =	vshrl.u32 v3, $0x3  }
0x1b: {  	v4 =	vmul.u32 $0x18, v4  }
0x1c: {  	v3 =	vand.u32 $0x7, v3  }
0x1d: {  	v3 =	vor.u32 v3, v4  }
0x1e: {  	v4 =	vperm.xlane v3, v0;
	_ =	sdelay $0x1  }
0x1f: {  	v4 =	vadd.s32 v1, v4;
	_ =	sdelay $0x1  }
0x20: {  	v3 =	vperm.xlane v3, v2;
	_ =	sdelay $0x1  }
0x21: {  	v3 =	vadd.s32 v1, v3  }
0x22: {  	[tilespmem:s9], [sflag:$0x1] =	stream.indirect_vreg.gather [hbm4b:s3+s2], $0x80, v4, vm0, $0xb8;
	[tilespmem:$0x1C080] =	vst v63  }
0x23: {  	s15 =	simm.s32 $0xC880  }
0x24: {  	[tilespmem:s15], [sflag:$0x1] =	stream.indirect_vreg.gather [hbm4b:s8+s2], $0x80, v4, vm1, $0xb8;
	[tilespmem:$0x1C080] =	vst v63  }
0x25: {  	s12 =	simm.s32 $0xCC80  }
0x26: {  	[tilespmem:s12], [sflag:$0x1] =	stream.indirect_vreg.gather [hbm4b:s3+s2], $0x80, v3, vm0, $0xb8;
	[tilespmem:$0x1C080] =	vst v63  }
0x27: {  	s13 =	simm.s32 $0xD480  }
0x28: {  	[tilespmem:s13], [sflag:$0x1] =	stream.indirect_vreg.gather [hbm4b:s8+s2], $0x80, v3, vm1, $0xb8;
	[tilespmem:$0x1C080] =	vst v63  }
0x29: {  	v3 =	vld [tilespmem:$0x10];
	_ =	sdelay $0x4  }
0x2a: {  	v4 =	vshrl.u32 v3, $0x3  }
0x2b: {  	v4 =	vmul.u32 $0x18, v4  }
0x2c: {  	v3 =	vand.u32 $0x7, v3  }
0x2d: {  	v3 =	vor.u32 v3, v4  }
0x2e: {  	v4 =	vperm.xlane v3, v0;
	_ =	sdelay $0x1  }
0x2f: {  	v4 =	vadd.s32 v1, v4;
	_ =	sdelay $0x1  }
0x30: {  	v3 =	vperm.xlane v3, v2;
	_ =	sdelay $0x1  }
0x31: {  	s14 =	simm.s32 $0xD880;
	v3 =	vadd.s32 v1, v3  }
0x32: {  	[tilespmem:s14], [sflag:$0x1] =	stream.indirect_vreg.gather [hbm4b:s3+s2], $0x80, v4, vm0, $0xb8;
	[tilespmem:$0x1C080] =	vst v63  }
0x33: {  	s15 =	simm.s32 $0xE080  }
0x34: {  	[tilespmem:s15], [sflag:$0x1] =	stream.indirect_vreg.gather [hbm4b:s8+s2], $0x80, v4, vm1, $0xb8;
	[tilespmem:$0x1C080] =	vst v63  }
0x35: {  	s12 =	simm.s32 $0xE480  }
0x36: {  	[tilespmem:s12], [sflag:$0x1] =	stream.indirect_vreg.gather [hbm4b:s3+s2], $0x80, v3, vm0, $0xb8;
	[tilespmem:$0x1C080] =	vst v63  }
0x37: {  	s13 =	simm.s32 $0xEC80  }
0x38: {  	[tilespmem:s13], [sflag:$0x1] =	stream.indirect_vreg.gather [hbm4b:s8+s2], $0x80, v3, vm1, $0xb8;
	[tilespmem:$0x1C080] =	vst v63  }
0x39: {  	v3 =	vld [tilespmem:$0x20];
	_ =	sdelay $0x4  }
0x3a: {  	v4 =	vshrl.u32 v3, $0x3  }
0x3b: {  	v4 =	vmul.u32 $0x18, v4  }
0x3c: {  	v3 =	vand.u32 $0x7, v3  }
0x3d: {  	v3 =	vor.u32 v3, v4  }
0x3e: {  	v4 =	vperm.xlane v3, v0;
	_ =	sdelay $0x1  }
0x3f: {  	v4 =	vadd.s32 v1, v4;
	_ =	sdelay $0x1  }
0x40: {  	v3 =	vperm.xlane v3, v2;
	_ =	sdelay $0x1  }
0x41: {  	s14 =	simm.s32 $0xF080;
	v3 =	vadd.s32 v1, v3  }
0x42: {  	[tilespmem:s14], [sflag:$0x1] =	stream.indirect_vreg.gather [hbm4b:s3+s2], $0x80, v4, vm0, $0xb8;
	[tilespmem:$0x1C080] =	vst v63  }
0x43: {  	s15 =	simm.s32 $0xF880  }
0x44: {  	[tilespmem:s15], [sflag:$0x1] =	stream.indirect_vreg.gather [hbm4b:s8+s2], $0x80, v4, vm1, $0xb8;
	[tilespmem:$0x1C080] =	vst v63  }
0x45: {  	s12 =	simm.s32 $0xFC80  }
0x46: {  	[tilespmem:s12], [sflag:$0x1] =	stream.indirect_vreg.gather [hbm4b:s3+s2], $0x80, v3, vm0, $0xb8;
	[tilespmem:$0x1C080] =	vst v63  }
0x47: {  	s13 =	simm.s32 $0x10480  }
0x48: {  	[tilespmem:s13], [sflag:$0x1] =	stream.indirect_vreg.gather [hbm4b:s8+s2], $0x80, v3, vm1, $0xb8;
	[tilespmem:$0x1C080] =	vst v63  }
0x49: {  	v3 =	vld [tilespmem:$0x30];
	_ =	sdelay $0x4  }
0x4a: {  	v4 =	vshrl.u32 v3, $0x3  }
0x4b: {  	v4 =	vmul.u32 $0x18, v4  }
0x4c: {  	v3 =	vand.u32 $0x7, v3  }
0x4d: {  	v3 =	vor.u32 v3, v4  }
0x4e: {  	v4 =	vperm.xlane v3, v0;
	_ =	sdelay $0x1  }
0x4f: {  	v4 =	vadd.s32 v1, v4;
	_ =	sdelay $0x1  }
0x50: {  	v3 =	vperm.xlane v3, v2;
	_ =	sdelay $0x1  }
0x51: {  	s14 =	simm.s32 $0x10880;
	v3 =	vadd.s32 v1, v3  }
0x52: {  	[tilespmem:s14], [sflag:$0x1] =	stream.indirect_vreg.gather [hbm4b:s3+s2], $0x80, v4, vm0, $0xb8;
	[tilespmem:$0x1C080] =	vst v63  }
0x53: {  	s15 =	simm.s32 $0x11080  }
0x54: {  	[tilespmem:s15], [sflag:$0x1] =	stream.indirect_vreg.gather [hbm4b:s8+s2], $0x80, v4, vm1, $0xb8;
	[tilespmem:$0x1C080] =	vst v63  }
0x55: {  	s12 =	simm.s32 $0x11480  }
0x56: {  	[tilespmem:s12], [sflag:$0x1] =	stream.indirect_vreg.gather [hbm4b:s3+s2], $0x80, v3, vm0, $0xb8;
	[tilespmem:$0x1C080] =	vst v63  }
0x57: {  	s13 =	simm.s32 $0x11C80  }
0x58: {  	[tilespmem:s13], [sflag:$0x1] =	stream.indirect_vreg.gather [hbm4b:s8+s2], $0x80, v3, vm1, $0xb8;
	[tilespmem:$0x1C080] =	vst v63  }
0x59: {  	v3 =	vld [tilespmem:$0x40];
	_ =	sdelay $0x4  }
0x5a: {  	v4 =	vshrl.u32 v3, $0x3  }
0x5b: {  	v4 =	vmul.u32 $0x18, v4  }
0x5c: {  	v3 =	vand.u32 $0x7, v3  }
0x5d: {  	v3 =	vor.u32 v3, v4  }
0x5e: {  	v4 =	vperm.xlane v3, v0;
	_ =	sdelay $0x1  }
0x5f: {  	v4 =	vadd.s32 v1, v4;
	_ =	sdelay $0x1  }
0x60: {  	v3 =	vperm.xlane v3, v2;
	_ =	sdelay $0x1  }
0x61: {  	s14 =	simm.s32 $0x12080;
	v3 =	vadd.s32 v1, v3  }
0x62: {  	[tilespmem:s14], [sflag:$0x1] =	stream.indirect_vreg.gather [hbm4b:s3+s2], $0x80, v4, vm0, $0xb8;
	[tilespmem:$0x1C080] =	vst v63  }
0x63: {  	s15 =	simm.s32 $0x12880  }
0x64: {  	[tilespmem:s15], [sflag:$0x1] =	stream.indirect_vreg.gather [hbm4b:s8+s2], $0x80, v4, vm1, $0xb8;
	[tilespmem:$0x1C080] =	vst v63  }
0x65: {  	s12 =	simm.s32 $0x12C80  }
0x66: {  	[tilespmem:s12], [sflag:$0x1] =	stream.indirect_vreg.gather [hbm4b:s3+s2], $0x80, v3, vm0, $0xb8;
	[tilespmem:$0x1C080] =	vst v63  }
0x67: {  	s13 =	simm.s32 $0x13480  }
0x68: {  	[tilespmem:s13], [sflag:$0x1] =	stream.indirect_vreg.gather [hbm4b:s8+s2], $0x80, v3, vm1, $0xb8;
	[tilespmem:$0x1C080] =	vst v63  }
0x69: {  	v3 =	vld [tilespmem:$0x50];
	_ =	sdelay $0x4  }
0x6a: {  	v4 =	vshrl.u32 v3, $0x3  }
0x6b: {  	v4 =	vmul.u32 $0x18, v4  }
0x6c: {  	v3 =	vand.u32 $0x7, v3  }
0x6d: {  	v3 =	vor.u32 v3, v4  }
0x6e: {  	v4 =	vperm.xlane v3, v0;
	_ =	sdelay $0x1  }
0x6f: {  	v4 =	vadd.s32 v1, v4;
	_ =	sdelay $0x1  }
0x70: {  	v3 =	vperm.xlane v3, v2;
	_ =	sdelay $0x1  }
0x71: {  	s14 =	simm.s32 $0x13880;
	v3 =	vadd.s32 v1, v3  }
0x72: {  	[tilespmem:s14], [sflag:$0x1] =	stream.indirect_vreg.gather [hbm4b:s3+s2], $0x80, v4, vm0, $0xb8;
	[tilespmem:$0x1C080] =	vst v63  }
0x73: {  	s15 =	simm.s32 $0x14080  }
0x74: {  	[tilespmem:s15], [sflag:$0x1] =	stream.indirect_vreg.gather [hbm4b:s8+s2], $0x80, v4, vm1, $0xb8;
	[tilespmem:$0x1C080] =	vst v63  }
0x75: {  	s12 =	simm.s32 $0x14480  }
0x76: {  	[tilespmem:s12], [sflag:$0x1] =	stream.indirect_vreg.gather [hbm4b:s3+s2], $0x80, v3, vm0, $0xb8;
	[tilespmem:$0x1C080] =	vst v63  }
0x77: {  	s13 =	simm.s32 $0x14C80  }
0x78: {  	[tilespmem:s13], [sflag:$0x1] =	stream.indirect_vreg.gather [hbm4b:s8+s2], $0x80, v3, vm1, $0xb8;
	[tilespmem:$0x1C080] =	vst v63  }
0x79: {  	v3 =	vld [tilespmem:$0x60];
	_ =	sdelay $0x4  }
0x7a: {  	v4 =	vshrl.u32 v3, $0x3  }
0x7b: {  	v4 =	vmul.u32 $0x18, v4  }
0x7c: {  	v3 =	vand.u32 $0x7, v3  }
0x7d: {  	v3 =	vor.u32 v3, v4  }
0x7e: {  	v4 =	vperm.xlane v3, v0;
	_ =	sdelay $0x1  }
0x7f: {  	v4 =	vadd.s32 v1, v4;
	_ =	sdelay $0x1  }
0x80: {  	v3 =	vperm.xlane v3, v2;
	_ =	sdelay $0x1  }
0x81: {  	s14 =	simm.s32 $0x15080;
	v3 =	vadd.s32 v1, v3  }
0x82: {  	[tilespmem:s14], [sflag:$0x1] =	stream.indirect_vreg.gather [hbm4b:s3+s2], $0x80, v4, vm0, $0xb8;
	[tilespmem:$0x1C080] =	vst v63  }
0x83: {  	s15 =	simm.s32 $0x15880  }
0x84: {  	[tilespmem:s15], [sflag:$0x1] =	stream.indirect_vreg.gather [hbm4b:s8+s2], $0x80, v4, vm1, $0xb8;
	[tilespmem:$0x1C080] =	vst v63  }
0x85: {  	s12 =	simm.s32 $0x15C80  }
0x86: {  	[tilespmem:s12], [sflag:$0x1] =	stream.indirect_vreg.gather [hbm4b:s3+s2], $0x80, v3, vm0, $0xb8;
	[tilespmem:$0x1C080] =	vst v63  }
0x87: {  	s13 =	simm.s32 $0x16480  }
0x88: {  	[tilespmem:s13], [sflag:$0x1] =	stream.indirect_vreg.gather [hbm4b:s8+s2], $0x80, v3, vm1, $0xb8;
	[tilespmem:$0x1C080] =	vst v63  }
0x89: {  	v3 =	vld [tilespmem:$0x70];
	_ =	sdelay $0x4  }
0x8a: {  	v4 =	vshrl.u32 v3, $0x3  }
0x8b: {  	v4 =	vmul.u32 $0x18, v4  }
0x8c: {  	v3 =	vand.u32 $0x7, v3  }
0x8d: {  	v3 =	vor.u32 v3, v4  }
0x8e: {  	v4 =	vperm.xlane v3, v0;
	_ =	sdelay $0x1  }
0x8f: {  	v4 =	vadd.s32 v1, v4;
	_ =	sdelay $0x1  }
0x90: {  	v3 =	vperm.xlane v3, v2;
	_ =	sdelay $0x1  }
0x91: {  	s14 =	simm.s32 $0x16880;
	v3 =	vadd.s32 v1, v3  }
0x92: {  	[tilespmem:s14], [sflag:$0x1] =	stream.indirect_vreg.gather [hbm4b:s3+s2], $0x80, v4, vm0, $0xb8;
	[tilespmem:$0x1C080] =	vst v63  }
0x93: {  	s15 =	simm.s32 $0x17080  }
0x94: {  	[tilespmem:s15], [sflag:$0x1] =	stream.indirect_vreg.gather [hbm4b:s8+s2], $0x80, v4, vm1, $0xb8;
	[tilespmem:$0x1C080] =	vst v63  }
0x95: {  	s12 =	simm.s32 $0x17480;
	s14 =	simm.s32 $0x0  }
0x96: {  	[tilespmem:s12], [sflag:$0x1] =	stream.indirect_vreg.gather [hbm4b:s3+s2], $0x80, v3, vm0, $0xb8;
	[tilespmem:$0x1C080] =	vst v63  }
0x97: {  	s13 =	simm.s32 $0x17C80;
	s9 =	smul.u32 $0x3000, s14  }
0x98: {  	[tilespmem:s13], [sflag:$0x1] =	stream.indirect_vreg.gather [hbm4b:s8+s2], $0x80, v3, vm1, $0xb8;
	[tilespmem:$0x1C080] =	vst v63  }
0x99: {  	_ =	swait.ge [sflag:s21], $0xC000  }
0x9a: {  	s9 =	sshra.s32 s9, $0x2;
	s2 =	sand.u32 $0x380, s2;
	[sflag:s21] =	ssyncset.done $0x0  }
0x9b: {  	s2 =	sor.u32 s2, s9;
	[sflag:s21] =	ssyncadd.s32 $0xFFFF4000  }
0x9c: {  	v3 =	vld [tilespmem:s2+$0xC880]  }
0x9d: {  	s15 =	simm.s32 $0x0  }
0x9e: {  	s12 =	smul.u32 $0x3000, s15  }
0x9f: {  	s9 =	simm.s32 $0x80  }
0xa0: {  	s12 =	sshra.s32 s12, $0x2;
	s13 =	sand.u32 $0x380, s9;
	s2 =	simm.s32 $0x18080  }
0xa1: {  	s12 =	sor.u32 s13, s12;
	[tilespmem:s2+$0x0] =	vst v3  }
0xa2: {  	v3 =	vld [tilespmem:s12+$0xC880];
	s12 =	simm.s32 $0x2  }
.LBB2_3:
0xa3: {  	s13 =	sshrl.u32 s12, $0x3  }
0xa4: {  	p0 =	sne.s32 s12, $0x7F;
	s12 =	sadd.s32 $0x1, s12;
	s13 =	smul.u32 $0x3000, s13  }
.Ltmp0:
0xa5: {  	(pc) =	sbr.rel @p0 .LBB2_3-.Ltmp0, $4  }
0xa6: {  	s9 =	sadd.s32 $0x80, s9  }
0xa7: {  	s2 =	sadd.s32 $0x80, s2;
	s14 =	sand.u32 $0x380, s9;
	s13 =	sshra.s32 s13, $0x2  }
0xa8: {  	s13 =	sor.u32 s14, s13;
	[tilespmem:s2+$0x0] =	vst v3  }
0xa9: {  	v3 =	vld [tilespmem:s13+$0xC880]  }
0xaa: {  	_ =	sdelay $0x2  }
0xab: {  	s2 =	sadd.s32 $0x80, s2;
	s9 =	sshll.u32 s0, $0x4  }
0xac: {  	s12 =	sadd.s32 s6, s9;
	s9 =	simm.s32 $0x0;
	[tilespmem:s2+$0x0] =	vst v3;
	s2 =	simm.s32 $0x18080  }
0xad: {  	[hbm4b:s12+s9] =	stream.linear.scatter [tilespmem:s2], [sflag:$0x2], $0x4000, $0x38;
	[tilespmem:$0x1C080] =	vst v63  }
0xae: {  	_ =	swait.ge [sflag:s10], $0x4000  }
0xaf: {  	[sflag:s10] =	ssyncset.done $0x0  }
0xb0: {  	s14 =	sadd.s32 $0x6200, s31;
	[sflag:s10] =	ssyncadd.s32 $0xFFFFC000  }
0xb1: {  	[tilespmem:s9], [sflag:$0x2] =	stream.linear.gather [hbm4b:s14+s9], $0x80, $0x38;
	[tilespmem:$0x1C080] =	vst v63  }
0xb2: {  	_ =	swait.ge [sflag:s10], $0x80  }
0xb3: {  	[sflag:s10] =	ssyncset.done $0x0  }
0xb4: {  	[sflag:s10] =	ssyncadd.s32 $0xFFFFFF80  }
0xb5: {  	v3 =	vld [tilespmem:$0x0];
	_ =	sdelay $0x4  }
0xb6: {  	v4 =	vshrl.u32 v3, $0x3  }
0xb7: {  	v4 =	vmul.u32 $0x18, v4  }
0xb8: {  	v3 =	vand.u32 $0x7, v3  }
0xb9: {  	v3 =	vor.u32 v3, v4  }
0xba: {  	v4 =	vperm.xlane v3, v0;
	_ =	sdelay $0x1  }
0xbb: {  	v4 =	vadd.s32 v1, v4;
	_ =	sdelay $0x1  }
0xbc: {  	v3 =	vperm.xlane v3, v2;
	_ =	sdelay $0x1  }
0xbd: {  	s15 =	simm.s32 $0x80;
	v3 =	vadd.s32 v1, v3  }
0xbe: {  	[tilespmem:s15], [sflag:$0x1] =	stream.indirect_vreg.gather [hbm4b:s3+s9], $0x80, v4, vm0, $0xb8;
	[tilespmem:$0x1C080] =	vst v63  }
0xbf: {  	s13 =	simm.s32 $0x880  }
0xc0: {  	[tilespmem:s13], [sflag:$0x1] =	stream.indirect_vreg.gather [hbm4b:s8+s9], $0x80, v4, vm1, $0xb8;
	[tilespmem:$0x1C080] =	vst v63  }
0xc1: {  	s14 =	simm.s32 $0xC80  }
0xc2: {  	[tilespmem:s14], [sflag:$0x1] =	stream.indirect_vreg.gather [hbm4b:s3+s9], $0x80, v3, vm0, $0xb8;
	[tilespmem:$0x1C080] =	vst v63  }
0xc3: {  	s15 =	simm.s32 $0x1480  }
0xc4: {  	[tilespmem:s15], [sflag:$0x1] =	stream.indirect_vreg.gather [hbm4b:s8+s9], $0x80, v3, vm1, $0xb8;
	[tilespmem:$0x1C080] =	vst v63  }
0xc5: {  	v3 =	vld [tilespmem:$0x10];
	_ =	sdelay $0x4  }
0xc6: {  	v4 =	vshrl.u32 v3, $0x3  }
0xc7: {  	v4 =	vmul.u32 $0x18, v4  }
0xc8: {  	v3 =	vand.u32 $0x7, v3  }
0xc9: {  	v3 =	vor.u32 v3, v4  }
0xca: {  	v4 =	vperm.xlane v3, v0;
	_ =	sdelay $0x1  }
0xcb: {  	v4 =	vadd.s32 v1, v4;
	_ =	sdelay $0x1  }
0xcc: {  	v3 =	vperm.xlane v3, v2;
	_ =	sdelay $0x1  }
0xcd: {  	s13 =	simm.s32 $0x1880;
	v3 =	vadd.s32 v1, v3  }
0xce: {  	[tilespmem:s13], [sflag:$0x1] =	stream.indirect_vreg.gather [hbm4b:s3+s9], $0x80, v4, vm0, $0xb8;
	[tilespmem:$0x1C080] =	vst v63  }
0xcf: {  	s14 =	simm.s32 $0x2080  }
0xd0: {  	[tilespmem:s14], [sflag:$0x1] =	stream.indirect_vreg.gather [hbm4b:s8+s9], $0x80, v4, vm1, $0xb8;
	[tilespmem:$0x1C080] =	vst v63  }
0xd1: {  	s15 =	simm.s32 $0x2480  }
0xd2: {  	[tilespmem:s15], [sflag:$0x1] =	stream.indirect_vreg.gather [hbm4b:s3+s9], $0x80, v3, vm0, $0xb8;
	[tilespmem:$0x1C080] =	vst v63  }
0xd3: {  	s13 =	simm.s32 $0x2C80  }
0xd4: {  	[tilespmem:s13], [sflag:$0x1] =	stream.indirect_vreg.gather [hbm4b:s8+s9], $0x80, v3, vm1, $0xb8;
	[tilespmem:$0x1C080] =	vst v63  }
0xd5: {  	v3 =	vld [tilespmem:$0x20];
	_ =	sdelay $0x4  }
0xd6: {  	v4 =	vshrl.u32 v3, $0x3  }
0xd7: {  	v4 =	vmul.u32 $0x18, v4  }
0xd8: {  	v3 =	vand.u32 $0x7, v3  }
0xd9: {  	v3 =	vor.u32 v3, v4  }
0xda: {  	v4 =	vperm.xlane v3, v0;
	_ =	sdelay $0x1  }
0xdb: {  	v4 =	vadd.s32 v1, v4;
	_ =	sdelay $0x1  }
0xdc: {  	v3 =	vperm.xlane v3, v2;
	_ =	sdelay $0x1  }
0xdd: {  	s14 =	simm.s32 $0x3080;
	v3 =	vadd.s32 v1, v3  }
0xde: {  	[tilespmem:s14], [sflag:$0x1] =	stream.indirect_vreg.gather [hbm4b:s3+s9], $0x80, v4, vm0, $0xb8;
	[tilespmem:$0x1C080] =	vst v63  }
0xdf: {  	s15 =	simm.s32 $0x3880  }
0xe0: {  	[tilespmem:s15], [sflag:$0x1] =	stream.indirect_vreg.gather [hbm4b:s8+s9], $0x80, v4, vm1, $0xb8;
	[tilespmem:$0x1C080] =	vst v63  }
0xe1: {  	s13 =	simm.s32 $0x3C80  }
0xe2: {  	[tilespmem:s13], [sflag:$0x1] =	stream.indirect_vreg.gather [hbm4b:s3+s9], $0x80, v3, vm0, $0xb8;
	[tilespmem:$0x1C080] =	vst v63  }
0xe3: {  	s14 =	simm.s32 $0x4480  }
0xe4: {  	[tilespmem:s14], [sflag:$0x1] =	stream.indirect_vreg.gather [hbm4b:s8+s9], $0x80, v3, vm1, $0xb8;
	[tilespmem:$0x1C080] =	vst v63  }
0xe5: {  	v3 =	vld [tilespmem:$0x30];
	_ =	sdelay $0x4  }
0xe6: {  	v4 =	vshrl.u32 v3, $0x3  }
0xe7: {  	v4 =	vmul.u32 $0x18, v4  }
0xe8: {  	v3 =	vand.u32 $0x7, v3  }
0xe9: {  	v3 =	vor.u32 v3, v4  }
0xea: {  	v4 =	vperm.xlane v3, v0;
	_ =	sdelay $0x1  }
0xeb: {  	v4 =	vadd.s32 v1, v4;
	_ =	sdelay $0x1  }
0xec: {  	v3 =	vperm.xlane v3, v2;
	_ =	sdelay $0x1  }
0xed: {  	s15 =	simm.s32 $0x4880;
	v3 =	vadd.s32 v1, v3  }
0xee: {  	[tilespmem:s15], [sflag:$0x1] =	stream.indirect_vreg.gather [hbm4b:s3+s9], $0x80, v4, vm0, $0xb8;
	[tilespmem:$0x1C080] =	vst v63  }
0xef: {  	s13 =	simm.s32 $0x5080  }
0xf0: {  	[tilespmem:s13], [sflag:$0x1] =	stream.indirect_vreg.gather [hbm4b:s8+s9], $0x80, v4, vm1, $0xb8;
	[tilespmem:$0x1C080] =	vst v63  }
0xf1: {  	s14 =	simm.s32 $0x5480  }
0xf2: {  	[tilespmem:s14], [sflag:$0x1] =	stream.indirect_vreg.gather [hbm4b:s3+s9], $0x80, v3, vm0, $0xb8;
	[tilespmem:$0x1C080] =	vst v63  }
0xf3: {  	s15 =	simm.s32 $0x5C80  }
0xf4: {  	[tilespmem:s15], [sflag:$0x1] =	stream.indirect_vreg.gather [hbm4b:s8+s9], $0x80, v3, vm1, $0xb8;
	[tilespmem:$0x1C080] =	vst v63  }
0xf5: {  	v3 =	vld [tilespmem:$0x40];
	_ =	sdelay $0x4  }
0xf6: {  	v4 =	vshrl.u32 v3, $0x3  }
0xf7: {  	v4 =	vmul.u32 $0x18, v4  }
0xf8: {  	v3 =	vand.u32 $0x7, v3  }
0xf9: {  	v3 =	vor.u32 v3, v4  }
0xfa: {  	v4 =	vperm.xlane v3, v0;
	_ =	sdelay $0x1  }
0xfb: {  	v4 =	vadd.s32 v1, v4;
	_ =	sdelay $0x1  }
0xfc: {  	v3 =	vperm.xlane v3, v2;
	_ =	sdelay $0x1  }
0xfd: {  	v3 =	vadd.s32 v1, v3  }
0xfe: {  	[tilespmem:s16], [sflag:$0x1] =	stream.indirect_vreg.gather [hbm4b:s3+s9], $0x80, v4, vm0, $0xb8;
	[tilespmem:$0x1C080] =	vst v63  }
0xff: {  	_ = 	snop  }
0x100: {  	[tilespmem:s17], [sflag:$0x1] =	stream.indirect_vreg.gather [hbm4b:s8+s9], $0x80, v4, vm1, $0xb8;
	[tilespmem:$0x1C080] =	vst v63  }
0x101: {  	_ = 	snop  }
0x102: {  	[tilespmem:s18], [sflag:$0x1] =	stream.indirect_vreg.gather [hbm4b:s3+s9], $0x80, v3, vm0, $0xb8;
	[tilespmem:$0x1C080] =	vst v63  }
0x103: {  	_ = 	snop  }
0x104: {  	[tilespmem:s19], [sflag:$0x1] =	stream.indirect_vreg.gather [hbm4b:s8+s9], $0x80, v3, vm1, $0xb8;
	[tilespmem:$0x1C080] =	vst v63  }
0x105: {  	v3 =	vld [tilespmem:$0x50];
	_ =	sdelay $0x4  }
0x106: {  	v4 =	vshrl.u32 v3, $0x3  }
0x107: {  	v4 =	vmul.u32 $0x18, v4  }
0x108: {  	v3 =	vand.u32 $0x7, v3  }
0x109: {  	v3 =	vor.u32 v3, v4  }
0x10a: {  	v4 =	vperm.xlane v3, v0;
	_ =	sdelay $0x1  }
0x10b: {  	v4 =	vadd.s32 v1, v4;
	_ =	sdelay $0x1  }
0x10c: {  	v3 =	vperm.xlane v3, v2;
	_ =	sdelay $0x1  }
0x10d: {  	v3 =	vadd.s32 v1, v3  }
0x10e: {  	[tilespmem:s20], [sflag:$0x1] =	stream.indirect_vreg.gather [hbm4b:s3+s9], $0x80, v4, vm0, $0xb8;
	[tilespmem:$0x1C080] =	vst v63  }
0x10f: {  	_ = 	snop  }
0x110: {  	[tilespmem:s1], [sflag:$0x1] =	stream.indirect_vreg.gather [hbm4b:s8+s9], $0x80, v4, vm1, $0xb8;
	[tilespmem:$0x1C080] =	vst v63  }
0x111: {  	_ = 	snop  }
0x112: {  	[tilespmem:s4], [sflag:$0x1] =	stream.indirect_vreg.gather [hbm4b:s3+s9], $0x80, v3, vm0, $0xb8;
	[tilespmem:$0x1C080] =	vst v63  }
0x113: {  	_ = 	snop  }
0x114: {  	[tilespmem:s5], [sflag:$0x1] =	stream.indirect_vreg.gather [hbm4b:s8+s9], $0x80, v3, vm1, $0xb8;
	[tilespmem:$0x1C080] =	vst v63  }
0x115: {  	v3 =	vld [tilespmem:$0x60];
	_ =	sdelay $0x4  }
0x116: {  	v4 =	vshrl.u32 v3, $0x3  }
0x117: {  	v4 =	vmul.u32 $0x18, v4  }
0x118: {  	v3 =	vand.u32 $0x7, v3  }
0x119: {  	v3 =	vor.u32 v3, v4  }
0x11a: {  	v4 =	vperm.xlane v3, v0;
	_ =	sdelay $0x1  }
0x11b: {  	v4 =	vadd.s32 v1, v4;
	_ =	sdelay $0x1  }
0x11c: {  	v3 =	vperm.xlane v3, v2;
	_ =	sdelay $0x1  }
0x11d: {  	v3 =	vadd.s32 v1, v3  }
0x11e: {  	[tilespmem:s7], [sflag:$0x1] =	stream.indirect_vreg.gather [hbm4b:s3+s9], $0x80, v4, vm0, $0xb8;
	[tilespmem:$0x1C080] =	vst v63  }
0x11f: {  	_ = 	snop  }
0x120: {  	[tilespmem:s11], [sflag:$0x1] =	stream.indirect_vreg.gather [hbm4b:s8+s9], $0x80, v4, vm1, $0xb8;
	[tilespmem:$0x1C080] =	vst v63  }
0x121: {  	_ = 	snop  }
0x122: {  	[tilespmem:s22], [sflag:$0x1] =	stream.indirect_vreg.gather [hbm4b:s3+s9], $0x80, v3, vm0, $0xb8;
	[tilespmem:$0x1C080] =	vst v63  }
0x123: {  	_ = 	snop  }
0x124: {  	[tilespmem:s23], [sflag:$0x1] =	stream.indirect_vreg.gather [hbm4b:s8+s9], $0x80, v3, vm1, $0xb8;
	[tilespmem:$0x1C080] =	vst v63  }
0x125: {  	v3 =	vld [tilespmem:$0x70];
	_ =	sdelay $0x4  }
0x126: {  	v4 =	vshrl.u32 v3, $0x3  }
0x127: {  	v4 =	vmul.u32 $0x18, v4  }
0x128: {  	v3 =	vand.u32 $0x7, v3  }
0x129: {  	v3 =	vor.u32 v3, v4  }
0x12a: {  	v4 =	vperm.xlane v3, v0;
	_ =	sdelay $0x1  }
0x12b: {  	v4 =	vadd.s32 v1, v4;
	_ =	sdelay $0x1  }
0x12c: {  	v3 =	vperm.xlane v3, v2;
	_ =	sdelay $0x1  }
0x12d: {  	v3 =	vadd.s32 v1, v3  }
0x12e: {  	[tilespmem:s24], [sflag:$0x1] =	stream.indirect_vreg.gather [hbm4b:s3+s9], $0x80, v4, vm0, $0xb8;
	[tilespmem:$0x1C080] =	vst v63  }
0x12f: {  	_ = 	snop  }
0x130: {  	[tilespmem:s25], [sflag:$0x1] =	stream.indirect_vreg.gather [hbm4b:s8+s9], $0x80, v4, vm1, $0xb8;
	[tilespmem:$0x1C080] =	vst v63  }
0x131: {  	_ = 	snop  }
0x132: {  	[tilespmem:s26], [sflag:$0x1] =	stream.indirect_vreg.gather [hbm4b:s3+s9], $0x80, v3, vm0, $0xb8;
	[tilespmem:$0x1C080] =	vst v63  }
0x133: {  	s13 =	simm.s32 $0x0  }
0x134: {  	[tilespmem:s28], [sflag:$0x1] =	stream.indirect_vreg.gather [hbm4b:s8+s9], $0x80, v3, vm1, $0xb8;
	[tilespmem:$0x1C080] =	vst v63  }
0x135: {  	s12 =	smul.u32 $0xC00, s13;
	_ =	swait.ge [sflag:s21], $0xC000  }
0x136: {  	s9 =	sand.u32 $0x380, s9;
	[sflag:s21] =	ssyncset.done $0x0  }
0x137: {  	s9 =	sor.u32 s9, s12;
	[sflag:s21] =	ssyncadd.s32 $0xFFFF4000  }
0x138: {  	v3 =	vld [tilespmem:s9+$0x80]  }
0x139: {  	v4 =	vld [tilespmem:s9+$0xC080]  }
0x13a: {  	v5 =	vld [tilespmem:s9+$0xC090]  }
0x13b: {  	v6 =	vld [tilespmem:s9+$0x90]  }
0x13c: {  	v7 =	vld [tilespmem:s9+$0xC0A0]  }
0x13d: {  	v8 =	vld [tilespmem:s9+$0xA0]  }
0x13e: {  	v9 =	vld [tilespmem:s9+$0xC0B0]  }
0x13f: {  	v10 =	vld [tilespmem:s9+$0xB0]  }
0x140: {  	v11 =	vld [tilespmem:s9+$0xC0C0]  }
0x141: {  	v12 =	vld [tilespmem:s9+$0xC0]  }
0x142: {  	v13 =	vld [tilespmem:s9+$0xC0D0]  }
0x143: {  	v14 =	vld [tilespmem:s9+$0xD0]  }
0x144: {  	v15 =	vld [tilespmem:s9+$0xC0E0]  }
0x145: {  	v16 =	vld [tilespmem:s9+$0xE0]  }
0x146: {  	v17 =	vld [tilespmem:s9+$0xC0F0]  }
0x147: {  	v18 =	vld [tilespmem:s9+$0xF0]  }
0x148: {  	v19 =	vld [tilespmem:s9+$0xC480]  }
0x149: {  	v20 =	vld [tilespmem:s9+$0x480]  }
0x14a: {  	v21 =	vld [tilespmem:s9+$0xC490]  }
0x14b: {  	v22 =	vld [tilespmem:s9+$0x490]  }
0x14c: {  	v23 =	vld [tilespmem:s9+$0xC4A0]  }
0x14d: {  	v3 =	vadd.f32 v3, v4;
	v4 =	vld [tilespmem:s9+$0x4A0]  }
0x14e: {  	v5 =	vadd.f32 v6, v5;
	v6 =	vld [tilespmem:s9+$0xC4B0]  }
0x14f: {  	[tilespmem:s9+$0xC080] =	vst v3;
	v3 =	vadd.f32 v8, v7;
	v7 =	vld [tilespmem:s9+$0x4B0]  }
0x150: {  	[tilespmem:s9+$0xC090] =	vst v5;
	v5 =	vadd.f32 v10, v9;
	v8 =	vld [tilespmem:s9+$0xC4C0]  }
0x151: {  	v9 =	vld [tilespmem:s9+$0x4C0];
	[tilespmem:s9+$0xC0A0] =	vst v3;
	v3 =	vadd.f32 v12, v11  }
0x152: {  	v10 =	vld [tilespmem:s9+$0xC4D0];
	[tilespmem:s9+$0xC0B0] =	vst v5;
	v5 =	vadd.f32 v14, v13  }
0x153: {  	v11 =	vld [tilespmem:s9+$0x4D0];
	[tilespmem:s9+$0xC0C0] =	vst v3;
	v3 =	vadd.f32 v16, v15  }
0x154: {  	v12 =	vld [tilespmem:s9+$0xC4E0];
	[tilespmem:s9+$0xC0D0] =	vst v5;
	v5 =	vadd.f32 v18, v17  }
0x155: {  	v13 =	vld [tilespmem:s9+$0x4E0];
	[tilespmem:s9+$0xC0E0] =	vst v3;
	v3 =	vadd.f32 v20, v19  }
0x156: {  	v14 =	vld [tilespmem:s9+$0xC4F0];
	[tilespmem:s9+$0xC0F0] =	vst v5;
	v5 =	vadd.f32 v22, v21  }
0x157: {  	[tilespmem:s9+$0xC480] =	vst v3;
	v3 =	vadd.f32 v4, v23;
	v4 =	vld [tilespmem:s9+$0x4F0]  }
0x158: {  	[tilespmem:s9+$0xC490] =	vst v5;
	v5 =	vadd.f32 v7, v6  }
0x159: {  	[tilespmem:s9+$0xC4A0] =	vst v3;
	v3 =	vadd.f32 v9, v8  }
0x15a: {  	v6 =	vld [tilespmem:s9+$0x880];
	[tilespmem:s9+$0xC4B0] =	vst v5;
	v5 =	vadd.f32 v11, v10  }
0x15b: {  	[tilespmem:s9+$0xC4C0] =	vst v3;
	v3 =	vadd.f32 v13, v12  }
0x15c: {  	s14 =	simm.s32 $0x0;
	[tilespmem:s9+$0xC4D0] =	vst v5;
	v4 =	vadd.f32 v4, v14  }
0x15d: {  	s13 =	smul.u32 $0xC00, s14;
	s12 =	simm.s32 $0x80;
	[tilespmem:s9+$0xC4E0] =	vst v3  }
0x15e: {  	s15 =	sand.u32 $0x380, s12;
	[tilespmem:s9+$0xC4F0] =	vst v4  }
0x15f: {  	s9 =	sor.u32 s15, s13;
	[tilespmem:s2+$0x0] =	vst v6  }
0x160: {  	v6 =	vld [tilespmem:s9+$0x80]  }
0x161: {  	v9 =	vld [tilespmem:s9+$0xC080]  }
0x162: {  	v10 =	vld [tilespmem:s9+$0xC090]  }
0x163: {  	v11 =	vld [tilespmem:s9+$0x90]  }
0x164: {  	v12 =	vld [tilespmem:s9+$0xC0A0]  }
0x165: {  	v13 =	vld [tilespmem:s9+$0xA0]  }
0x166: {  	v14 =	vld [tilespmem:s9+$0xC0B0]  }
0x167: {  	v15 =	vld [tilespmem:s9+$0xB0]  }
0x168: {  	v16 =	vld [tilespmem:s9+$0xC0]  }
0x169: {  	v17 =	vld [tilespmem:s9+$0xD0]  }
0x16a: {  	v18 =	vld [tilespmem:s9+$0xE0]  }
0x16b: {  	v19 =	vld [tilespmem:s9+$0xF0]  }
0x16c: {  	v5 =	vld [tilespmem:s9+$0xC480]  }
0x16d: {  	v8 =	vld [tilespmem:s9+$0x480]  }
0x16e: {  	v3 =	vld [tilespmem:s9+$0xC490]  }
0x16f: {  	v7 =	vld [tilespmem:s9+$0x490]  }
0x170: {  	v4 =	vld [tilespmem:s9+$0xC4A0]  }
0x171: {  	v61 =	vld [tilespmem:s9+$0xC0C0]  }
0x172: {  	v62 =	vld [tilespmem:s9+$0xC0D0]  }
0x173: {  	v63 =	vld [tilespmem:s9+$0xC0E0]  }
0x174: {  	v60 =	vadd.f32 v6, v9;
	v9 =	vld [tilespmem:s9+$0x4A0]  }
0x175: {  	v6 =	vld [tilespmem:s9+$0xC4B0]  }
0x176: {  	v11 =	vadd.f32 v11, v10;
	v10 =	vld [tilespmem:s9+$0x4B0]  }
0x177: {  	v12 =	vadd.f32 v13, v12;
	v13 =	vadd.f32 v15, v14;
	v15 =	vld [tilespmem:s9+$0xC0F0];
	[tilespmem:s9+$0xC080] =	vst v60  }
0x178: {  	[tilespmem:s9+$0xC090] =	vst v11;
	v11 =	vld [tilespmem:s9+$0xC4C0]  }
0x179: {  	v14 =	vadd.f32 v16, v61;
	[tilespmem:s9+$0xC0A0] =	vst v12;
	v12 =	vld [tilespmem:s9+$0x4C0]  }
0x17a: {  	v16 =	vadd.f32 v17, v62;
	[tilespmem:s9+$0xC0B0] =	vst v13;
	v13 =	vld [tilespmem:s9+$0xC4D0]  }
0x17b: {  	v17 =	vadd.f32 v18, v63;
	[tilespmem:s9+$0xC0C0] =	vst v14;
	v14 =	vld [tilespmem:s9+$0x4D0]  }
0x17c: {  	s13 =	simm.s32 $0x2;
	[tilespmem:s9+$0xC0D0] =	vst v16;
	v16 =	vadd.f32 v19, v15;
	v15 =	vld [tilespmem:s9+$0xC4E0]  }
.LBB2_5:
0x17d: {  	p0 =	sne.s32 s13, $0x7F;
	[tilespmem:s9+$0xC0E0] =	vst v17;
	v5 =	vadd.f32 v8, v5;
	v8 =	vld [tilespmem:s9+$0x4E0]  }
0x17e: {  	v3 =	vadd.f32 v7, v3;
	[tilespmem:s9+$0xC0F0] =	vst v16;
	v7 =	vld [tilespmem:s9+$0xC4F0]  }
0x17f: {  	v4 =	vadd.f32 v9, v4;
	[tilespmem:s9+$0xC480] =	vst v5;
	v5 =	vld [tilespmem:s9+$0x4F0]  }
0x180: {  	[tilespmem:s9+$0xC490] =	vst v3;
	v3 =	vadd.f32 v10, v6  }
0x181: {  	[tilespmem:s9+$0xC4A0] =	vst v4;
	v4 =	vadd.f32 v12, v11  }
0x182: {  	[tilespmem:s9+$0xC4B0] =	vst v3;
	v3 =	vadd.f32 v14, v13;
	v6 =	vld [tilespmem:s9+$0x880]  }
0x183: {  	[tilespmem:s9+$0xC4C0] =	vst v4;
	v4 =	vadd.f32 v8, v15  }
0x184: {  	s14 =	sshrl.u32 s13, $0x3;
	[tilespmem:s9+$0xC4D0] =	vst v3;
	v3 =	vadd.f32 v5, v7  }
0x185: {  	s12 =	sadd.s32 $0x80, s12;
	s14 =	smul.u32 $0xC00, s14;
	[tilespmem:s9+$0xC4E0] =	vst v4  }
0x186: {  	s2 =	sadd.s32 $0x80, s2;
	s15 =	sand.u32 $0x380, s12;
	[tilespmem:s9+$0xC4F0] =	vst v3  }
0x187: {  	s9 =	sor.u32 s15, s14;
	[tilespmem:s2+$0x0] =	vst v6  }
0x188: {  	v6 =	vld [tilespmem:s9+$0x80]  }
0x189: {  	v9 =	vld [tilespmem:s9+$0xC080]  }
0x18a: {  	v10 =	vld [tilespmem:s9+$0xC090]  }
0x18b: {  	v11 =	vld [tilespmem:s9+$0x90]  }
0x18c: {  	v12 =	vld [tilespmem:s9+$0xC0A0]  }
0x18d: {  	v13 =	vld [tilespmem:s9+$0xA0]  }
0x18e: {  	v14 =	vld [tilespmem:s9+$0xC0B0]  }
0x18f: {  	v15 =	vld [tilespmem:s9+$0xB0]  }
0x190: {  	v16 =	vld [tilespmem:s9+$0xC0C0]  }
0x191: {  	v17 =	vld [tilespmem:s9+$0xC0]  }
0x192: {  	v18 =	vld [tilespmem:s9+$0xC0D0]  }
0x193: {  	v19 =	vld [tilespmem:s9+$0xD0]  }
0x194: {  	v20 =	vld [tilespmem:s9+$0xC0E0]  }
0x195: {  	v21 =	vld [tilespmem:s9+$0xE0]  }
0x196: {  	v22 =	vld [tilespmem:s9+$0xC0F0]  }
0x197: {  	v23 =	vld [tilespmem:s9+$0xF0]  }
0x198: {  	v5 =	vld [tilespmem:s9+$0xC480]  }
0x199: {  	v8 =	vld [tilespmem:s9+$0x480]  }
0x19a: {  	v3 =	vld [tilespmem:s9+$0xC490]  }
0x19b: {  	v7 =	vld [tilespmem:s9+$0x490]  }
0x19c: {  	v4 =	vld [tilespmem:s9+$0xC4A0]  }
0x19d: {  	v24 =	vadd.f32 v6, v9;
	v9 =	vld [tilespmem:s9+$0x4A0]  }
0x19e: {  	v11 =	vadd.f32 v11, v10;
	v6 =	vld [tilespmem:s9+$0xC4B0]  }
0x19f: {  	v12 =	vadd.f32 v13, v12;
	[tilespmem:s9+$0xC080] =	vst v24;
	v10 =	vld [tilespmem:s9+$0x4B0]  }
.Ltmp1:
0x1a0: {  	v13 =	vadd.f32 v15, v14;
	[tilespmem:s9+$0xC090] =	vst v11;
	v11 =	vld [tilespmem:s9+$0xC4C0];
	(pc) =	sbr.rel @p0 .LBB2_5-.Ltmp1, $4  }
0x1a1: {  	v14 =	vadd.f32 v17, v16;
	[tilespmem:s9+$0xC0A0] =	vst v12;
	v12 =	vld [tilespmem:s9+$0x4C0]  }
0x1a2: {  	v15 =	vadd.f32 v19, v18;
	[tilespmem:s9+$0xC0B0] =	vst v13;
	v13 =	vld [tilespmem:s9+$0xC4D0]  }
0x1a3: {  	v17 =	vadd.f32 v21, v20;
	[tilespmem:s9+$0xC0C0] =	vst v14;
	v14 =	vld [tilespmem:s9+$0x4D0]  }
0x1a4: {  	s13 =	sadd.s32 $0x1, s13;
	v16 =	vadd.f32 v23, v22;
	[tilespmem:s9+$0xC0D0] =	vst v15;
	v15 =	vld [tilespmem:s9+$0xC4E0]  }
0x1a5: {  	[tilespmem:s9+$0xC0E0] =	vst v17;
	v5 =	vadd.f32 v8, v5;
	v8 =	vld [tilespmem:s9+$0x4E0]  }
0x1a6: {  	v3 =	vadd.f32 v7, v3;
	v7 =	vld [tilespmem:s9+$0xC4F0];
	[tilespmem:s9+$0xC0F0] =	vst v16  }
0x1a7: {  	v4 =	vadd.f32 v9, v4;
	[tilespmem:s9+$0xC480] =	vst v5;
	v5 =	vld [tilespmem:s9+$0x4F0]  }
0x1a8: {  	[tilespmem:s9+$0xC490] =	vst v3;
	v3 =	vadd.f32 v10, v6  }
0x1a9: {  	[tilespmem:s9+$0xC4A0] =	vst v4;
	v4 =	vadd.f32 v12, v11  }
0x1aa: {  	v6 =	vld [tilespmem:s9+$0x880];
	[tilespmem:s9+$0xC4B0] =	vst v3;
	v3 =	vadd.f32 v14, v13  }
0x1ab: {  	[tilespmem:s9+$0xC4C0] =	vst v4;
	v4 =	vadd.f32 v8, v15  }
0x1ac: {  	s0 =	sshll.u32 s0, $0x7;
	[tilespmem:s9+$0xC4D0] =	vst v3;
	v3 =	vadd.f32 v5, v7  }
0x1ad: {  	s0 =	sshrl.u32 s0, $0x3;
	[tilespmem:s9+$0xC4E0] =	vst v4  }
0x1ae: {  	s2 =	sadd.s32 $0x80, s2;
	s0 =	sadd.s32 s6, s0;
	[tilespmem:s9+$0xC4F0] =	vst v3  }
0x1af: {  	s12 =	sadd.s32 $0x310000, s0;
	s9 =	simm.s32 $0x0;
	[tilespmem:s2+$0x0] =	vst v6;
	s2 =	simm.s32 $0x18080  }
0x1b0: {  	[hbm4b:s12+s9] =	stream.linear.scatter [tilespmem:s2], [sflag:$0x2], $0x4000, $0x38;
	[tilespmem:$0x1C080] =	vst v63  }
0x1b1: {  	_ =	swait.ge [sflag:s10], $0x4000  }
0x1b2: {  	[sflag:s10] =	ssyncset.done $0x0  }
0x1b3: {  	s13 =	sadd.s32 $0xC400, s31;
	[sflag:s10] =	ssyncadd.s32 $0xFFFFC000  }
0x1b4: {  	[tilespmem:s9], [sflag:$0x2] =	stream.linear.gather [hbm4b:s13+s9], $0x80, $0x38;
	[tilespmem:$0x1C080] =	vst v63  }
0x1b5: {  	_ =	swait.ge [sflag:s10], $0x80  }
0x1b6: {  	[sflag:s10] =	ssyncset.done $0x0  }
0x1b7: {  	[sflag:s10] =	ssyncadd.s32 $0xFFFFFF80  }
0x1b8: {  	v3 =	vld [tilespmem:$0x0];
	_ =	sdelay $0x4  }
0x1b9: {  	v4 =	vshrl.u32 v3, $0x3  }
0x1ba: {  	v4 =	vmul.u32 $0x18, v4  }
0x1bb: {  	v3 =	vand.u32 $0x7, v3  }
0x1bc: {  	v3 =	vor.u32 v3, v4  }
0x1bd: {  	v4 =	vperm.xlane v3, v0;
	_ =	sdelay $0x1  }
0x1be: {  	v4 =	vadd.s32 v1, v4;
	_ =	sdelay $0x1  }
0x1bf: {  	v3 =	vperm.xlane v3, v2;
	_ =	sdelay $0x1  }
0x1c0: {  	s14 =	simm.s32 $0x80;
	v3 =	vadd.s32 v1, v3  }
0x1c1: {  	[tilespmem:s14], [sflag:$0x1] =	stream.indirect_vreg.gather [hbm4b:s3+s9], $0x80, v4, vm0, $0xb8;
	[tilespmem:$0x1C080] =	vst v63  }
0x1c2: {  	s15 =	simm.s32 $0x880  }
0x1c3: {  	[tilespmem:s15], [sflag:$0x1] =	stream.indirect_vreg.gather [hbm4b:s8+s9], $0x80, v4, vm1, $0xb8;
	[tilespmem:$0x1C080] =	vst v63  }
0x1c4: {  	s31 =	simm.s32 $0xC80  }
0x1c5: {  	[tilespmem:s31], [sflag:$0x1] =	stream.indirect_vreg.gather [hbm4b:s3+s9], $0x80, v3, vm0, $0xb8;
	[tilespmem:$0x1C080] =	vst v63  }
0x1c6: {  	s13 =	simm.s32 $0x1480  }
0x1c7: {  	[tilespmem:s13], [sflag:$0x1] =	stream.indirect_vreg.gather [hbm4b:s8+s9], $0x80, v3, vm1, $0xb8;
	[tilespmem:$0x1C080] =	vst v63  }
0x1c8: {  	v3 =	vld [tilespmem:$0x10];
	_ =	sdelay $0x4  }
0x1c9: {  	v4 =	vshrl.u32 v3, $0x3  }
0x1ca: {  	v4 =	vmul.u32 $0x18, v4  }
0x1cb: {  	v3 =	vand.u32 $0x7, v3  }
0x1cc: {  	v3 =	vor.u32 v3, v4  }
0x1cd: {  	v4 =	vperm.xlane v3, v0;
	_ =	sdelay $0x1  }
0x1ce: {  	v4 =	vadd.s32 v1, v4;
	_ =	sdelay $0x1  }
0x1cf: {  	v3 =	vperm.xlane v3, v2;
	_ =	sdelay $0x1  }
0x1d0: {  	s14 =	simm.s32 $0x1880;
	v3 =	vadd.s32 v1, v3  }
0x1d1: {  	[tilespmem:s14], [sflag:$0x1] =	stream.indirect_vreg.gather [hbm4b:s3+s9], $0x80, v4, vm0, $0xb8;
	[tilespmem:$0x1C080] =	vst v63  }
0x1d2: {  	s15 =	simm.s32 $0x2080  }
0x1d3: {  	[tilespmem:s15], [sflag:$0x1] =	stream.indirect_vreg.gather [hbm4b:s8+s9], $0x80, v4, vm1, $0xb8;
	[tilespmem:$0x1C080] =	vst v63  }
0x1d4: {  	s31 =	simm.s32 $0x2480  }
0x1d5: {  	[tilespmem:s31], [sflag:$0x1] =	stream.indirect_vreg.gather [hbm4b:s3+s9], $0x80, v3, vm0, $0xb8;
	[tilespmem:$0x1C080] =	vst v63  }
0x1d6: {  	s13 =	simm.s32 $0x2C80  }
0x1d7: {  	[tilespmem:s13], [sflag:$0x1] =	stream.indirect_vreg.gather [hbm4b:s8+s9], $0x80, v3, vm1, $0xb8;
	[tilespmem:$0x1C080] =	vst v63  }
0x1d8: {  	v3 =	vld [tilespmem:$0x20];
	_ =	sdelay $0x4  }
0x1d9: {  	v4 =	vshrl.u32 v3, $0x3  }
0x1da: {  	v4 =	vmul.u32 $0x18, v4  }
0x1db: {  	v3 =	vand.u32 $0x7, v3  }
0x1dc: {  	v3 =	vor.u32 v3, v4  }
0x1dd: {  	v4 =	vperm.xlane v3, v0;
	_ =	sdelay $0x1  }
0x1de: {  	v4 =	vadd.s32 v1, v4;
	_ =	sdelay $0x1  }
0x1df: {  	v3 =	vperm.xlane v3, v2;
	_ =	sdelay $0x1  }
0x1e0: {  	s14 =	simm.s32 $0x3080;
	v3 =	vadd.s32 v1, v3  }
0x1e1: {  	[tilespmem:s14], [sflag:$0x1] =	stream.indirect_vreg.gather [hbm4b:s3+s9], $0x80, v4, vm0, $0xb8;
	[tilespmem:$0x1C080] =	vst v63  }
0x1e2: {  	s15 =	simm.s32 $0x3880  }
0x1e3: {  	[tilespmem:s15], [sflag:$0x1] =	stream.indirect_vreg.gather [hbm4b:s8+s9], $0x80, v4, vm1, $0xb8;
	[tilespmem:$0x1C080] =	vst v63  }
0x1e4: {  	s31 =	simm.s32 $0x3C80  }
0x1e5: {  	[tilespmem:s31], [sflag:$0x1] =	stream.indirect_vreg.gather [hbm4b:s3+s9], $0x80, v3, vm0, $0xb8;
	[tilespmem:$0x1C080] =	vst v63  }
0x1e6: {  	s13 =	simm.s32 $0x4480  }
0x1e7: {  	[tilespmem:s13], [sflag:$0x1] =	stream.indirect_vreg.gather [hbm4b:s8+s9], $0x80, v3, vm1, $0xb8;
	[tilespmem:$0x1C080] =	vst v63  }
0x1e8: {  	v3 =	vld [tilespmem:$0x30];
	_ =	sdelay $0x4  }
0x1e9: {  	v4 =	vshrl.u32 v3, $0x3  }
0x1ea: {  	v4 =	vmul.u32 $0x18, v4  }
0x1eb: {  	v3 =	vand.u32 $0x7, v3  }
0x1ec: {  	v3 =	vor.u32 v3, v4  }
0x1ed: {  	v4 =	vperm.xlane v3, v0;
	_ =	sdelay $0x1  }
0x1ee: {  	v4 =	vadd.s32 v1, v4;
	_ =	sdelay $0x1  }
0x1ef: {  	v3 =	vperm.xlane v3, v2;
	_ =	sdelay $0x1  }
0x1f0: {  	s14 =	simm.s32 $0x4880;
	v3 =	vadd.s32 v1, v3  }
0x1f1: {  	[tilespmem:s14], [sflag:$0x1] =	stream.indirect_vreg.gather [hbm4b:s3+s9], $0x80, v4, vm0, $0xb8;
	[tilespmem:$0x1C080] =	vst v63  }
0x1f2: {  	s15 =	simm.s32 $0x5080  }
0x1f3: {  	[tilespmem:s15], [sflag:$0x1] =	stream.indirect_vreg.gather [hbm4b:s8+s9], $0x80, v4, vm1, $0xb8;
	[tilespmem:$0x1C080] =	vst v63  }
0x1f4: {  	s31 =	simm.s32 $0x5480  }
0x1f5: {  	[tilespmem:s31], [sflag:$0x1] =	stream.indirect_vreg.gather [hbm4b:s3+s9], $0x80, v3, vm0, $0xb8;
	[tilespmem:$0x1C080] =	vst v63  }
0x1f6: {  	s13 =	simm.s32 $0x5C80  }
0x1f7: {  	[tilespmem:s13], [sflag:$0x1] =	stream.indirect_vreg.gather [hbm4b:s8+s9], $0x80, v3, vm1, $0xb8;
	[tilespmem:$0x1C080] =	vst v63  }
0x1f8: {  	v3 =	vld [tilespmem:$0x40];
	_ =	sdelay $0x4  }
0x1f9: {  	v4 =	vshrl.u32 v3, $0x3  }
0x1fa: {  	v4 =	vmul.u32 $0x18, v4  }
0x1fb: {  	v3 =	vand.u32 $0x7, v3  }
0x1fc: {  	v3 =	vor.u32 v3, v4  }
0x1fd: {  	v4 =	vperm.xlane v3, v0;
	_ =	sdelay $0x1  }
0x1fe: {  	v4 =	vadd.s32 v1, v4;
	_ =	sdelay $0x1  }
0x1ff: {  	v3 =	vperm.xlane v3, v2;
	_ =	sdelay $0x1  }
0x200: {  	v3 =	vadd.s32 v1, v3  }
0x201: {  	[tilespmem:s16], [sflag:$0x1] =	stream.indirect_vreg.gather [hbm4b:s3+s9], $0x80, v4, vm0, $0xb8;
	[tilespmem:$0x1C080] =	vst v63  }
0x202: {  	_ = 	snop  }
0x203: {  	[tilespmem:s17], [sflag:$0x1] =	stream.indirect_vreg.gather [hbm4b:s8+s9], $0x80, v4, vm1, $0xb8;
	[tilespmem:$0x1C080] =	vst v63  }
0x204: {  	_ = 	snop  }
0x205: {  	[tilespmem:s18], [sflag:$0x1] =	stream.indirect_vreg.gather [hbm4b:s3+s9], $0x80, v3, vm0, $0xb8;
	[tilespmem:$0x1C080] =	vst v63  }
0x206: {  	_ = 	snop  }
0x207: {  	[tilespmem:s19], [sflag:$0x1] =	stream.indirect_vreg.gather [hbm4b:s8+s9], $0x80, v3, vm1, $0xb8;
	[tilespmem:$0x1C080] =	vst v63  }
0x208: {  	v3 =	vld [tilespmem:$0x50];
	_ =	sdelay $0x4  }
0x209: {  	v4 =	vshrl.u32 v3, $0x3  }
0x20a: {  	v4 =	vmul.u32 $0x18, v4  }
0x20b: {  	v3 =	vand.u32 $0x7, v3  }
0x20c: {  	v3 =	vor.u32 v3, v4  }
0x20d: {  	v4 =	vperm.xlane v3, v0;
	_ =	sdelay $0x1  }
0x20e: {  	v4 =	vadd.s32 v1, v4;
	_ =	sdelay $0x1  }
0x20f: {  	v3 =	vperm.xlane v3, v2;
	_ =	sdelay $0x1  }
0x210: {  	v3 =	vadd.s32 v1, v3  }
0x211: {  	[tilespmem:s20], [sflag:$0x1] =	stream.indirect_vreg.gather [hbm4b:s3+s9], $0x80, v4, vm0, $0xb8;
	[tilespmem:$0x1C080] =	vst v63  }
0x212: {  	_ = 	snop  }
0x213: {  	[tilespmem:s1], [sflag:$0x1] =	stream.indirect_vreg.gather [hbm4b:s8+s9], $0x80, v4, vm1, $0xb8;
	[tilespmem:$0x1C080] =	vst v63  }
0x214: {  	_ = 	snop  }
0x215: {  	[tilespmem:s4], [sflag:$0x1] =	stream.indirect_vreg.gather [hbm4b:s3+s9], $0x80, v3, vm0, $0xb8;
	[tilespmem:$0x1C080] =	vst v63  }
0x216: {  	_ = 	snop  }
0x217: {  	[tilespmem:s5], [sflag:$0x1] =	stream.indirect_vreg.gather [hbm4b:s8+s9], $0x80, v3, vm1, $0xb8;
	[tilespmem:$0x1C080] =	vst v63  }
0x218: {  	v3 =	vld [tilespmem:$0x60];
	_ =	sdelay $0x4  }
0x219: {  	v4 =	vshrl.u32 v3, $0x3  }
0x21a: {  	v4 =	vmul.u32 $0x18, v4  }
0x21b: {  	v3 =	vand.u32 $0x7, v3  }
0x21c: {  	v3 =	vor.u32 v3, v4  }
0x21d: {  	v4 =	vperm.xlane v3, v0;
	_ =	sdelay $0x1  }
0x21e: {  	v4 =	vadd.s32 v1, v4;
	_ =	sdelay $0x1  }
0x21f: {  	v3 =	vperm.xlane v3, v2;
	_ =	sdelay $0x1  }
0x220: {  	v3 =	vadd.s32 v1, v3  }
0x221: {  	[tilespmem:s7], [sflag:$0x1] =	stream.indirect_vreg.gather [hbm4b:s3+s9], $0x80, v4, vm0, $0xb8;
	[tilespmem:$0x1C080] =	vst v63  }
0x222: {  	_ = 	snop  }
0x223: {  	[tilespmem:s11], [sflag:$0x1] =	stream.indirect_vreg.gather [hbm4b:s8+s9], $0x80, v4, vm1, $0xb8;
	[tilespmem:$0x1C080] =	vst v63  }
0x224: {  	_ = 	snop  }
0x225: {  	[tilespmem:s22], [sflag:$0x1] =	stream.indirect_vreg.gather [hbm4b:s3+s9], $0x80, v3, vm0, $0xb8;
	[tilespmem:$0x1C080] =	vst v63  }
0x226: {  	_ = 	snop  }
0x227: {  	[tilespmem:s23], [sflag:$0x1] =	stream.indirect_vreg.gather [hbm4b:s8+s9], $0x80, v3, vm1, $0xb8;
	[tilespmem:$0x1C080] =	vst v63  }
0x228: {  	v3 =	vld [tilespmem:$0x70];
	_ =	sdelay $0x4  }
0x229: {  	v4 =	vshrl.u32 v3, $0x3  }
0x22a: {  	v4 =	vmul.u32 $0x18, v4  }
0x22b: {  	v3 =	vand.u32 $0x7, v3  }
0x22c: {  	v3 =	vor.u32 v3, v4  }
0x22d: {  	v4 =	vperm.xlane v3, v0;
	_ =	sdelay $0x1  }
0x22e: {  	v4 =	vadd.s32 v1, v4;
	_ =	sdelay $0x1  }
0x22f: {  	v3 =	vperm.xlane v3, v2;
	_ =	sdelay $0x1  }
0x230: {  	v3 =	vadd.s32 v1, v3  }
0x231: {  	[tilespmem:s24], [sflag:$0x1] =	stream.indirect_vreg.gather [hbm4b:s3+s9], $0x80, v4, vm0, $0xb8;
	[tilespmem:$0x1C080] =	vst v63  }
0x232: {  	_ = 	snop  }
0x233: {  	[tilespmem:s25], [sflag:$0x1] =	stream.indirect_vreg.gather [hbm4b:s8+s9], $0x80, v4, vm1, $0xb8;
	[tilespmem:$0x1C080] =	vst v63  }
0x234: {  	_ = 	snop  }
0x235: {  	[tilespmem:s26], [sflag:$0x1] =	stream.indirect_vreg.gather [hbm4b:s3+s9], $0x80, v3, vm0, $0xb8;
	[tilespmem:$0x1C080] =	vst v63  }
0x236: {  	s14 =	simm.s32 $0x0  }
0x237: {  	[tilespmem:s28], [sflag:$0x1] =	stream.indirect_vreg.gather [hbm4b:s8+s9], $0x80, v3, vm1, $0xb8;
	[tilespmem:$0x1C080] =	vst v63  }
0x238: {  	s12 =	smul.u32 $0xC00, s14;
	_ =	swait.ge [sflag:s21], $0xC000  }
0x239: {  	s9 =	sand.u32 $0x380, s9;
	[sflag:s21] =	ssyncset.done $0x0  }
0x23a: {  	s9 =	sor.u32 s9, s12;
	[sflag:s21] =	ssyncadd.s32 $0xFFFF4000  }
0x23b: {  	v3 =	vld [tilespmem:s9+$0x80]  }
0x23c: {  	v4 =	vld [tilespmem:s9+$0xC080]  }
0x23d: {  	v5 =	vld [tilespmem:s9+$0xC090]  }
0x23e: {  	v6 =	vld [tilespmem:s9+$0x90]  }
0x23f: {  	v7 =	vld [tilespmem:s9+$0xC0A0]  }
0x240: {  	v8 =	vld [tilespmem:s9+$0xA0]  }
0x241: {  	v9 =	vld [tilespmem:s9+$0xC0B0]  }
0x242: {  	v10 =	vld [tilespmem:s9+$0xB0]  }
0x243: {  	v11 =	vld [tilespmem:s9+$0xC0C0]  }
0x244: {  	v12 =	vld [tilespmem:s9+$0xC0]  }
0x245: {  	v13 =	vld [tilespmem:s9+$0xC0D0]  }
0x246: {  	v14 =	vld [tilespmem:s9+$0xD0]  }
0x247: {  	v15 =	vld [tilespmem:s9+$0xC0E0]  }
0x248: {  	v16 =	vld [tilespmem:s9+$0xE0]  }
0x249: {  	v17 =	vld [tilespmem:s9+$0xC0F0]  }
0x24a: {  	v18 =	vld [tilespmem:s9+$0xF0]  }
0x24b: {  	v19 =	vld [tilespmem:s9+$0xC480]  }
0x24c: {  	v20 =	vld [tilespmem:s9+$0x480]  }
0x24d: {  	v21 =	vld [tilespmem:s9+$0xC490]  }
0x24e: {  	v22 =	vld [tilespmem:s9+$0x490]  }
0x24f: {  	v23 =	vld [tilespmem:s9+$0xC4A0]  }
0x250: {  	v3 =	vadd.f32 v3, v4;
	v4 =	vld [tilespmem:s9+$0x4A0]  }
0x251: {  	v5 =	vadd.f32 v6, v5;
	v6 =	vld [tilespmem:s9+$0xC4B0]  }
0x252: {  	[tilespmem:s9+$0xC080] =	vst v3;
	v3 =	vadd.f32 v8, v7;
	v7 =	vld [tilespmem:s9+$0x4B0]  }
0x253: {  	[tilespmem:s9+$0xC090] =	vst v5;
	v5 =	vadd.f32 v10, v9;
	v8 =	vld [tilespmem:s9+$0xC4C0]  }
0x254: {  	v9 =	vld [tilespmem:s9+$0x4C0];
	[tilespmem:s9+$0xC0A0] =	vst v3;
	v3 =	vadd.f32 v12, v11  }
0x255: {  	v10 =	vld [tilespmem:s9+$0xC4D0];
	[tilespmem:s9+$0xC0B0] =	vst v5;
	v5 =	vadd.f32 v14, v13  }
0x256: {  	v11 =	vld [tilespmem:s9+$0x4D0];
	[tilespmem:s9+$0xC0C0] =	vst v3;
	v3 =	vadd.f32 v16, v15  }
0x257: {  	v12 =	vld [tilespmem:s9+$0xC4E0];
	[tilespmem:s9+$0xC0D0] =	vst v5;
	v5 =	vadd.f32 v18, v17  }
0x258: {  	v13 =	vld [tilespmem:s9+$0x4E0];
	[tilespmem:s9+$0xC0E0] =	vst v3;
	v3 =	vadd.f32 v20, v19  }
0x259: {  	v14 =	vld [tilespmem:s9+$0xC4F0];
	[tilespmem:s9+$0xC0F0] =	vst v5;
	v5 =	vadd.f32 v22, v21  }
0x25a: {  	[tilespmem:s9+$0xC480] =	vst v3;
	v3 =	vadd.f32 v4, v23;
	v4 =	vld [tilespmem:s9+$0x4F0]  }
0x25b: {  	[tilespmem:s9+$0xC490] =	vst v5;
	v5 =	vadd.f32 v7, v6  }
0x25c: {  	[tilespmem:s9+$0xC4A0] =	vst v3;
	v3 =	vadd.f32 v9, v8  }
0x25d: {  	v6 =	vld [tilespmem:s9+$0x880];
	[tilespmem:s9+$0xC4B0] =	vst v5;
	v5 =	vadd.f32 v11, v10  }
0x25e: {  	[tilespmem:s9+$0xC4C0] =	vst v3;
	v3 =	vadd.f32 v13, v12  }
0x25f: {  	s15 =	simm.s32 $0x0;
	[tilespmem:s9+$0xC4D0] =	vst v5;
	v4 =	vadd.f32 v4, v14  }
0x260: {  	s13 =	smul.u32 $0xC00, s15;
	s12 =	simm.s32 $0x80;
	[tilespmem:s9+$0xC4E0] =	vst v3  }
0x261: {  	s31 =	sand.u32 $0x380, s12;
	[tilespmem:s9+$0xC4F0] =	vst v4  }
0x262: {  	s9 =	sor.u32 s31, s13;
	[tilespmem:s2+$0x0] =	vst v6  }
0x263: {  	v6 =	vld [tilespmem:s9+$0x80]  }
0x264: {  	v9 =	vld [tilespmem:s9+$0xC080]  }
0x265: {  	v10 =	vld [tilespmem:s9+$0xC090]  }
0x266: {  	v11 =	vld [tilespmem:s9+$0x90]  }
0x267: {  	v12 =	vld [tilespmem:s9+$0xC0A0]  }
0x268: {  	v13 =	vld [tilespmem:s9+$0xA0]  }
0x269: {  	v14 =	vld [tilespmem:s9+$0xC0B0]  }
0x26a: {  	v15 =	vld [tilespmem:s9+$0xB0]  }
0x26b: {  	v16 =	vld [tilespmem:s9+$0xC0]  }
0x26c: {  	v17 =	vld [tilespmem:s9+$0xD0]  }
0x26d: {  	v18 =	vld [tilespmem:s9+$0xE0]  }
0x26e: {  	v19 =	vld [tilespmem:s9+$0xF0]  }
0x26f: {  	v5 =	vld [tilespmem:s9+$0xC480]  }
0x270: {  	v8 =	vld [tilespmem:s9+$0x480]  }
0x271: {  	v3 =	vld [tilespmem:s9+$0xC490]  }
0x272: {  	v7 =	vld [tilespmem:s9+$0x490]  }
0x273: {  	v4 =	vld [tilespmem:s9+$0xC4A0]  }
0x274: {  	v61 =	vld [tilespmem:s9+$0xC0C0]  }
0x275: {  	v62 =	vld [tilespmem:s9+$0xC0D0]  }
0x276: {  	v63 =	vld [tilespmem:s9+$0xC0E0]  }
0x277: {  	v60 =	vadd.f32 v6, v9;
	v9 =	vld [tilespmem:s9+$0x4A0]  }
0x278: {  	v6 =	vld [tilespmem:s9+$0xC4B0]  }
0x279: {  	v11 =	vadd.f32 v11, v10;
	v10 =	vld [tilespmem:s9+$0x4B0]  }
0x27a: {  	v12 =	vadd.f32 v13, v12;
	v13 =	vadd.f32 v15, v14;
	v15 =	vld [tilespmem:s9+$0xC0F0];
	[tilespmem:s9+$0xC080] =	vst v60  }
0x27b: {  	[tilespmem:s9+$0xC090] =	vst v11;
	v11 =	vld [tilespmem:s9+$0xC4C0]  }
0x27c: {  	v14 =	vadd.f32 v16, v61;
	[tilespmem:s9+$0xC0A0] =	vst v12;
	v12 =	vld [tilespmem:s9+$0x4C0]  }
0x27d: {  	v16 =	vadd.f32 v17, v62;
	[tilespmem:s9+$0xC0B0] =	vst v13;
	v13 =	vld [tilespmem:s9+$0xC4D0]  }
0x27e: {  	v17 =	vadd.f32 v18, v63;
	[tilespmem:s9+$0xC0C0] =	vst v14;
	v14 =	vld [tilespmem:s9+$0x4D0]  }
0x27f: {  	s13 =	simm.s32 $0x2;
	[tilespmem:s9+$0xC0D0] =	vst v16;
	v16 =	vadd.f32 v19, v15;
	v15 =	vld [tilespmem:s9+$0xC4E0]  }
.LBB2_7:
0x280: {  	p0 =	sne.s32 s13, $0x7F;
	[tilespmem:s9+$0xC0E0] =	vst v17;
	v5 =	vadd.f32 v8, v5;
	v8 =	vld [tilespmem:s9+$0x4E0]  }
0x281: {  	v3 =	vadd.f32 v7, v3;
	[tilespmem:s9+$0xC0F0] =	vst v16;
	v7 =	vld [tilespmem:s9+$0xC4F0]  }
0x282: {  	v4 =	vadd.f32 v9, v4;
	[tilespmem:s9+$0xC480] =	vst v5;
	v5 =	vld [tilespmem:s9+$0x4F0]  }
0x283: {  	[tilespmem:s9+$0xC490] =	vst v3;
	v3 =	vadd.f32 v10, v6  }
0x284: {  	[tilespmem:s9+$0xC4A0] =	vst v4;
	v4 =	vadd.f32 v12, v11  }
0x285: {  	[tilespmem:s9+$0xC4B0] =	vst v3;
	v3 =	vadd.f32 v14, v13;
	v6 =	vld [tilespmem:s9+$0x880]  }
0x286: {  	[tilespmem:s9+$0xC4C0] =	vst v4;
	v4 =	vadd.f32 v8, v15  }
0x287: {  	s14 =	sshrl.u32 s13, $0x3;
	[tilespmem:s9+$0xC4D0] =	vst v3;
	v3 =	vadd.f32 v5, v7  }
0x288: {  	s12 =	sadd.s32 $0x80, s12;
	s14 =	smul.u32 $0xC00, s14;
	[tilespmem:s9+$0xC4E0] =	vst v4  }
0x289: {  	s2 =	sadd.s32 $0x80, s2;
	s15 =	sand.u32 $0x380, s12;
	[tilespmem:s9+$0xC4F0] =	vst v3  }
0x28a: {  	s9 =	sor.u32 s15, s14;
	[tilespmem:s2+$0x0] =	vst v6  }
0x28b: {  	v6 =	vld [tilespmem:s9+$0x80]  }
0x28c: {  	v9 =	vld [tilespmem:s9+$0xC080]  }
0x28d: {  	v10 =	vld [tilespmem:s9+$0xC090]  }
0x28e: {  	v11 =	vld [tilespmem:s9+$0x90]  }
0x28f: {  	v12 =	vld [tilespmem:s9+$0xC0A0]  }
0x290: {  	v13 =	vld [tilespmem:s9+$0xA0]  }
0x291: {  	v14 =	vld [tilespmem:s9+$0xC0B0]  }
0x292: {  	v15 =	vld [tilespmem:s9+$0xB0]  }
0x293: {  	v16 =	vld [tilespmem:s9+$0xC0C0]  }
0x294: {  	v17 =	vld [tilespmem:s9+$0xC0]  }
0x295: {  	v18 =	vld [tilespmem:s9+$0xC0D0]  }
0x296: {  	v19 =	vld [tilespmem:s9+$0xD0]  }
0x297: {  	v20 =	vld [tilespmem:s9+$0xC0E0]  }
0x298: {  	v21 =	vld [tilespmem:s9+$0xE0]  }
0x299: {  	v22 =	vld [tilespmem:s9+$0xC0F0]  }
0x29a: {  	v23 =	vld [tilespmem:s9+$0xF0]  }
0x29b: {  	v5 =	vld [tilespmem:s9+$0xC480]  }
0x29c: {  	v8 =	vld [tilespmem:s9+$0x480]  }
0x29d: {  	v3 =	vld [tilespmem:s9+$0xC490]  }
0x29e: {  	v7 =	vld [tilespmem:s9+$0x490]  }
0x29f: {  	v4 =	vld [tilespmem:s9+$0xC4A0]  }
0x2a0: {  	v24 =	vadd.f32 v6, v9;
	v9 =	vld [tilespmem:s9+$0x4A0]  }
0x2a1: {  	v11 =	vadd.f32 v11, v10;
	v6 =	vld [tilespmem:s9+$0xC4B0]  }
0x2a2: {  	v12 =	vadd.f32 v13, v12;
	[tilespmem:s9+$0xC080] =	vst v24;
	v10 =	vld [tilespmem:s9+$0x4B0]  }
.Ltmp2:
0x2a3: {  	v13 =	vadd.f32 v15, v14;
	[tilespmem:s9+$0xC090] =	vst v11;
	v11 =	vld [tilespmem:s9+$0xC4C0];
	(pc) =	sbr.rel @p0 .LBB2_7-.Ltmp2, $4  }
0x2a4: {  	v14 =	vadd.f32 v17, v16;
	[tilespmem:s9+$0xC0A0] =	vst v12;
	v12 =	vld [tilespmem:s9+$0x4C0]  }
0x2a5: {  	v15 =	vadd.f32 v19, v18;
	[tilespmem:s9+$0xC0B0] =	vst v13;
	v13 =	vld [tilespmem:s9+$0xC4D0]  }
0x2a6: {  	v17 =	vadd.f32 v21, v20;
	[tilespmem:s9+$0xC0C0] =	vst v14;
	v14 =	vld [tilespmem:s9+$0x4D0]  }
0x2a7: {  	s13 =	sadd.s32 $0x1, s13;
	v16 =	vadd.f32 v23, v22;
	[tilespmem:s9+$0xC0D0] =	vst v15;
	v15 =	vld [tilespmem:s9+$0xC4E0]  }
0x2a8: {  	[tilespmem:s9+$0xC0E0] =	vst v17;
	v5 =	vadd.f32 v8, v5;
	v58 =	vld [tilespmem:s9+$0x4E0]  }
0x2a9: {  	v3 =	vadd.f32 v7, v3;
	v59 =	vld [tilespmem:s9+$0x4F0];
	[tilespmem:s9+$0xC0F0] =	vst v16  }
0x2aa: {  	v4 =	vadd.f32 v9, v4;
	v60 =	vld [tilespmem:s9+$0xC4F0];
	[tilespmem:s9+$0xC480] =	vst v5  }
0x2ab: {  	[tilespmem:s9+$0xC490] =	vst v3;
	v3 =	vadd.f32 v10, v6  }
0x2ac: {  	v61 =	vadd.f32 v12, v11;
	[tilespmem:s9+$0xC4A0] =	vst v4  }
0x2ad: {  	v62 =	vld [tilespmem:s9+$0x880];
	[tilespmem:s9+$0xC4B0] =	vst v3;
	v3 =	vadd.f32 v14, v13  }
0x2ae: {  	[tilespmem:s9+$0xC4C0] =	vst v61;
	v63 =	vadd.f32 v58, v15  }
0x2af: {  	[tilespmem:s9+$0xC4D0] =	vst v3;
	v3 =	vadd.f32 v59, v60  }
0x2b0: {  	[tilespmem:s9+$0xC4E0] =	vst v63  }
0x2b1: {  	s2 =	sadd.s32 $0x80, s2;
	s0 =	sadd.s32 $0x620000, s0;
	[tilespmem:s9+$0xC4F0] =	vst v3  }
0x2b2: {  	s14 =	simm.s32 $0x0;
	s15 =	simm.s32 $0x18080;
	s29 =	sadd.s32 $0x1, s29;
	[tilespmem:s2+$0x0] =	vst v62  }
0x2b3: {  	[hbm4b:s0+s14] =	stream.linear.scatter [tilespmem:s15], [sflag:$0x2], $0x4000, $0x38;
	[tilespmem:$0x1C080] =	vst v63  }
0x2b4: {  	s30 =	smul.u32 $0x180, s30;
	p0 =	sne.s32 s29, $0x31;
	_ =	swait.ge [sflag:s10], $0x4000  }
0x2b5: {  	s9 =	simm.s32 $0xC080;
	[sflag:s10] =	ssyncset.done $0x0;
	s31 =	rddreg [dreg:$0x3]  }
.Ltmp3:
0x2b6: {  	[sflag:s10] =	ssyncadd.s32 $0xFFFFC000;
	s0 =	sadd.s32 s31, s30;
	(pc) =	sbr.rel @p0 .LBB2_2-.Ltmp3, $4  }
0x2b7: {  	[hbm4b:s0+s14] =	stream.linear.scatter [tilespmem:s9], [sflag:$0x2], $0xC000, $0x38;
	[tilespmem:$0x1C080] =	vst v63  }
0x2b8: {  	_ =	swait.ge [sflag:s10], $0xC000  }
0x2b9: {  	[sflag:s10] =	ssyncset.done $0x0  }
0x2ba: {  	[sflag:s10] =	ssyncadd.s32 $0xFFFF4000  }
0x2bb: {  	s2 =	rddreg [dreg:$0x6]  }
0x2bc: {  	s0 =	rddreg [dreg:$0x5];
	s2 =	sadd.s32 $0x1, s2  }
0x2bd: {  	p0 =	sne.s32 s2, s0  }
.Ltmp4:
0x2be: {  	_ = 	snop;
	(pc) =	sbr.rel @p0 .LBB2_1-.Ltmp4, $1  }
0x2bf: {  	_ =	sdelay $0x3  }
0x2c0: {  	_ =	sfence.sel $0x180000  }
0x2c1: {  	[bflag:$0x0] =	sbarrier.arrive $0xFFFF  }
0x2c2: {  	_ =	strace $0x90000047  }
0x2c3: {  	s0 =	stileid.u32;
	[bflag:$0x2] =	sbarrier.arrive $0xFFFF  }
0x2c4: {  	p0 =	sne.s32 s0, $0x0;
	s0 =	rddreg [dreg:$0x1]  }
0x2c5: {  	s0 =	sadd.s32 @!p0 $0x100000, s0  }
0x2c6: {  	[sflag:s0] =	ssyncadd.tile.s32 @!p0 $0x1;
	_ =	shalt  }
.Lfunc_end2:
_tile_overlayer_lowered:
.L_overlay_start_2:
0x2c7: {  	(tag) =	ssettag $0x2  }
0x2c8: {  	s0 =	rddreg [dreg:$0x0];
	s2 =	stileid.u32  }
0x2c9: {  	s1 =	rddreg [dreg:$0x1];
	p0 =	sne.s32 s2, $0x0  }
0x2ca: {  	s3 =	rddreg [dreg:$0x2];
	[bflag:$0x3] =	sbarrier.arrive $0xFFFF;
	s2 =	simm.s32 @!p0 $0x1C02  }
0x2cb: {  	[timem:s3], [sflag:s2] =	dma.local @!p0 [hbm:s0], s1  }
0x2cc: {  	s0 =	simm.s32 @!p0 $0x2  }
0x2cd: {  	_ =	swait.ge @!p0 [sflag:s0], s1  }
0x2ce: {  	s1 =	ssub.s32 @!p0 $0x0, s1;
	[sflag:s0] =	ssyncset.done @!p0 $0x0  }
0x2cf: {  	[sflag:s0] =	ssyncadd.s32 @!p0 s1  }
0x2d0: {  	[bflag:$0x3] =	sbarrier.arrive $0xFFFF  }
0x2d1: {  	_ =	shalt  }

// kernel: kernel.13.cloned.1.call-start
scs
__scs_entry_jumppad:
0x0: {  	(pc) =	sbr.rel $0x88, $3  }
0x1: {  	(tag) =	ssettag $0x0;
	lr =	simm.s32 $0x1  }
0x2: {  	[smem:$0x3F8A] =	sst lr;
	_ =	strace $0xD0000000  }
0x3: {  	_ = 	snop  }
0x4: {  	_ = 	snop  }
0x5: {  	_ = 	snop  }
0x6: {  	_ = 	snop  }
0x7: {  	_ = 	snop  }
__scs_overlays_trampoline_lowered:
0x8: {  	[smem:$0x3F99] =	sst s0  }
0x9: {  	[smem:$0x3F9A] =	sst s1  }
0xa: {  	[smem:$0x3F9B] =	sst s2  }
0xb: {  	[smem:$0x3F9C] =	sst s3  }
0xc: {  	[smem:$0x3F9D] =	sst s4  }
0xd: {  	[smem:$0x3F9E] =	sst s5  }
0xe: {  	[smem:$0x3F9F] =	sst s6  }
0xf: {  	[smem:$0x3FA0] =	sst s7  }
0x10: {  	[smem:$0x3FA1] =	sst s8  }
0x11: {  	[smem:$0x3FA2] =	sst s9;
	s0 =	simm.s32 @!p0 $0x0  }
0x12: {  	s1 =	sld [smem:$0x3F88];
	s0 =	simm.s32 @p0 $0x1  }
0x13: {  	[smem:$0x3FA3] =	sst s0;
	s0 =	simm.s32 @!p1 $0x0  }
0x14: {  	s2 =	sld [smem:$0x3F87];
	s0 =	simm.s32 @p1 $0x1  }
0x15: {  	[smem:$0x3FA4] =	sst s0;
	s0 =	simm.s32 @!p2 $0x0  }
0x16: {  	s3 =	sld [smem:$0x3FDB];
	s0 =	simm.s32 @p2 $0x1  }
0x17: {  	s4 =	simm.s32 $0x1BF5;
	[smem:$0x3FA6] =	sst s0  }
0x18: {  	s0 =	sld [smem:$0x3F89];
	_ =	swait.ge [sflag:s4], $0x0  }
0x19: {  	s7 =	sld [smem:$0x3F8A]  }
0x1a: {  	s8 =	sadd.s32 $0xFFFFE003, lr  }
0x1b: {  	s9 =	sadd.s32 $0xFFFFFEF7, lr;
	s5 =	simm.s32 $0xFFFFFFFF;
	p2 =	slt.u32 s8, $0xFFFFF086  }
0x1c: {  	p1 =	slt.u32 s9, $0xF7A;
	s5 =	simm.s32 @!p2 $0x0  }
0x1d: {  	s5 =	simm.s32 @p1 $0x1;
	p0 =	seq.s32 s7, s2  }
0x1e: {  	s7 =	smul.u32 @!p0 $0xF7A, s2;
	p2 =	seq.s32 @!p0 s5, $0x0  }
0x1f: {  	s9 =	smul.u32 $0xF7A, s1;
	s8 =	simm.s32 @!p0 $0x1BF5;
	p2 =	por !p2, p0  }
0x20: {  	[sflag:s8] =	ssyncset.s32 @!p0 $0xFFFFF086;
	s6 =	sadd.s32 @!p0 s3, s7;
	s7 =	simm.s32 @!p0 $0x108  }
0x21: {  	s3 =	sadd.s32 s3, s9;
	s6 =	sadd.s32 @!p0 $0x88, s6;
	s7 =	simm.s32 @p2 $0x1082  }
0x22: {  	[simem:s7], [sflag:s8] =	dma.local @!p0 [hbm:s6], $0xF7A  }
0x23: {  	s9 =	sor.u32 $0xD0000000, s2;
	s6 =	simm.s32 $0x108;
	_ =	swait.ge @!p0 [sflag:s8], $0x0  }
0x24: {  	s3 =	sadd.s32 $0x88, s3;
	s6 =	simm.s32 @!p1 $0x1082;
	[sflag:s4] =	ssyncset.s32 $0xFFFFF086  }
0x25: {  	[simem:s6], [sflag:s4] =	dma.local [hbm:s3], $0xF7A  }
0x26: {  	[smem:$0x3F8A] =	sst s1;
	(tag) =	ssettag s2;
	_ =	strace s9  }
0x27: {  	s1 =	sld [smem:$0x3F9A]  }
0x28: {  	s2 =	sld [smem:$0x3F9B]  }
0x29: {  	s4 =	sld [smem:$0x3F9D]  }
0x2a: {  	p0 =	seq.s32 s5, $0x0;
	s5 =	sld [smem:$0x3F9E]  }
0x2b: {  	s6 =	sld [smem:$0x3F9F]  }
0x2c: {  	s7 =	sld [smem:$0x3FA0]  }
0x2d: {  	s3 =	simm.s32 $0x108;
	s8 =	sld [smem:$0x3FA1]  }
0x2e: {  	s3 =	simm.s32 @!p0 $0x1082;
	s9 =	sld [smem:$0x3FA2]  }
0x2f: {  	lr =	sadd.s32 s0, s3;
	s0 =	sld [smem:$0x3F99]  }
0x30: {  	s3 =	sld [smem:$0x3F9C]  }
0x31: {  	[smem:$0x3FA5] =	sst s10  }
0x32: {  	s10 =	sld [smem:$0x3FA3];
	_ =	sdelay $0x3  }
0x33: {  	p0 =	seq.s32 s10, $0x1;
	s10 =	sld [smem:$0x3FA5];
	_ =	sdelay $0x3  }
0x34: {  	[smem:$0x3FA5] =	sst s10  }
0x35: {  	s10 =	sld [smem:$0x3FA4];
	_ =	sdelay $0x3  }
0x36: {  	p1 =	seq.s32 s10, $0x1;
	s10 =	sld [smem:$0x3FA5];
	_ =	sdelay $0x3  }
0x37: {  	[smem:$0x3FA5] =	sst s10  }
0x38: {  	s10 =	sld [smem:$0x3FA6]  }
0x39: {  	_ = 	snop;
	(pc) =	sbr.ind lr, $3  }
0x3a: {  	_ = 	snop  }
0x3b: {  	_ = 	snop  }
0x3c: {  	p2 =	seq.s32 s10, $0x1;
	s10 =	sld [smem:$0x3FA5]  }
0x3d: {  	_ =	shalt  }
0x3e: {  	_ =	shalt  }
0x3f: {  	_ =	shalt  }
0x40: {  	_ =	shalt  }
0x41: {  	_ =	shalt  }
0x42: {  	_ =	shalt  }
0x43: {  	_ =	shalt  }
0x44: {  	_ =	shalt  }
0x45: {  	_ =	shalt  }
0x46: {  	_ =	shalt  }
0x47: {  	_ =	shalt  }
0x48: {  	_ =	shalt  }
0x49: {  	_ =	shalt  }
0x4a: {  	_ =	shalt  }
0x4b: {  	_ =	shalt  }
0x4c: {  	_ =	shalt  }
0x4d: {  	_ =	shalt  }
0x4e: {  	_ =	shalt  }
0x4f: {  	_ =	shalt  }
0x50: {  	_ =	shalt  }
0x51: {  	_ =	shalt  }
0x52: {  	_ =	shalt  }
0x53: {  	_ =	shalt  }
0x54: {  	_ =	shalt  }
0x55: {  	_ =	shalt  }
0x56: {  	_ =	shalt  }
0x57: {  	_ =	shalt  }
0x58: {  	_ =	shalt  }
0x59: {  	_ =	shalt  }
0x5a: {  	_ =	shalt  }
0x5b: {  	_ =	shalt  }
0x5c: {  	_ =	shalt  }
0x5d: {  	_ =	shalt  }
0x5e: {  	_ =	shalt  }
0x5f: {  	_ =	shalt  }
0x60: {  	_ =	shalt  }
0x61: {  	_ =	shalt  }
0x62: {  	_ =	shalt  }
0x63: {  	_ =	shalt  }
0x64: {  	_ =	shalt  }
0x65: {  	_ =	shalt  }
0x66: {  	_ =	shalt  }
0x67: {  	_ =	shalt  }
0x68: {  	_ =	shalt  }
0x69: {  	_ =	shalt  }
0x6a: {  	_ =	shalt  }
0x6b: {  	_ =	shalt  }
0x6c: {  	_ =	shalt  }
0x6d: {  	_ =	shalt  }
0x6e: {  	_ =	shalt  }
0x6f: {  	_ =	shalt  }
0x70: {  	_ =	shalt  }
0x71: {  	_ =	shalt  }
0x72: {  	_ =	shalt  }
0x73: {  	_ =	shalt  }
0x74: {  	_ =	shalt  }
0x75: {  	_ =	shalt  }
0x76: {  	_ =	shalt  }
0x77: {  	_ =	shalt  }
0x78: {  	_ =	shalt  }
0x79: {  	_ =	shalt  }
0x7a: {  	_ =	shalt  }
0x7b: {  	_ =	shalt  }
0x7c: {  	_ =	shalt  }
0x7d: {  	_ =	shalt  }
0x7e: {  	_ =	shalt  }
0x7f: {  	_ =	shalt  }
0x80: {  	_ =	shalt  }
0x81: {  	_ =	shalt  }
0x82: {  	_ =	shalt  }
0x83: {  	_ =	shalt  }
0x84: {  	_ =	shalt  }
0x85: {  	_ =	shalt  }
0x86: {  	_ =	shalt  }
0x87: {  	_ =	shalt  }
.Lfunc_end0:
.L_simem_size_0:
called_computation.2_lowered:
.L_overlay_start_0:
0x88: {  	s2 =	sld [smem:$0x3FD9]  }
0x89: {  	s3 =	sld [smem:$0x3FFE];
	_ =	sdelay $0x1  }
0x8a: {  	s1 =	srdreg.scid  }
0x8b: {  	s0 =	sand.u32 $0x1, s1  }
0x8c: {  	s16 =	sshll.u32 s0, $0xA;
	s2 =	sadd.s32 s3, s2  }
0x8d: {  	s2 =	sadd.s32 s2, s16  }
0x8e: {  	[smem:$0x3FB1] =	sst s2  }
0x8f: {  	_ = 	snop  }
0x90: {  	(tm) =	ssettm $0x1  }
0x91: {  	s17 =	sld [smem:$0x3FFB];
	_ =	sdelay $0x3  }
0x92: {  	_ =	strace s17  }
0x93: {  	s2 =	sld [smem:$0x3FFC];
	_ =	sdelay $0x3  }
0x94: {  	_ =	strace s2  }
0x95: {  	s2 =	sld [smem:$0x3FFD];
	_ =	sdelay $0x3  }
0x96: {  	_ =	strace s2  }
0x97: {  	_ =	strace $0x8FFFFFFF  }
0x98: {  	s18 =	sld [smem:$0x3FDB];
	_ =	sdelay $0x1  }
0x99: {  	s19 =	simm.s32 $_scs_section_size  }
0x9a: {  	s4 =	simm.s32 $_size__tile_overlayer_lowered;
	s5 =	simm.s32 $_tile_overlayer_lowered  }
0x9b: {  	s22 =	simm.s32 $0x1BFF;
	s21 =	sshll.u32 s5, $0x1;
	s2 =	sadd.s32 s19, s18  }
0x9c: {  	s6 =	simm.s32 $0x0;
	s20 =	sshll.u32 s4, $0x1;
	s4 =	sadd.s32 s21, s2  }
0x9d: {  	[timem:s6], [sflag:s22] =	dma.local [hbm:s4], s20  }
0x9e: {  	_ =	swait.ge [sflag:s22], s20  }
0x9f: {  	s3 =	ssub.s32 $0x0, s20;
	[sflag:s22] =	ssyncset.done $0x0  }
0xa0: {  	[sflag:s22] =	ssyncadd.s32 s3;
	_ =	sdelay $0x1  }
0xa1: {  	s23 =	simm.s32 $0x1B8B  }
0xa2: {  	_ =	swait.ge [sflag:s23], $0x1  }
0xa3: {  	[sflag:s23] =	ssyncset.done $0x0  }
0xa4: {  	s25 =	simm.s32 $0x1B8E;
	s24 =	sld [smem:$0x3FFE];
	[sflag:s23] =	ssyncadd.s32 $0xFFFFFFFF  }
0xa5: {  	s26 =	simm.s32 $execute0_lowered;
	[smem:$0x3FD2] =	sst s25  }
0xa6: {  	s4 =	sshll.u32 s26, $0x1;
	_ =	strace $0x8000004C;
	[dreg:$0x1] =	wrdreg $0xFFFFFFFF  }
0xa7: {  	s28 =	simm.s32 $_size_execute0_lowered;
	s2 =	sadd.s32 s2, s4;
	[dreg:$0x0] =	wrdreg $0x0  }
0xa8: {  	s4 =	sshll.u32 s28, $0x1;
	[dreg:$0x2] =	wrdreg s2  }
0xa9: {  	[dreg:$0x3] =	wrdreg s4  }
0xaa: {  	[dreg:$0x4] =	wrdreg $0xC0  }
0xab: {  	_ =	task [dreg:s6], $0x5FFFF  }
0xac: {  	[dreg:$0x1] =	wrdreg $0xFFFFFFFF  }
0xad: {  	[dreg:$0x0] =	wrdreg $0x60  }
0xae: {  	[dreg:$0x2] =	wrdreg s24  }
0xaf: {  	[dreg:$0x3] =	wrdreg $0x9  }
0xb0: {  	_ =	task.clear_ibuf [dreg:s6], $0x4FFFF;
	_ =	strace $0x9000004C  }
0xb1: {  	s29 =	simm.s32 $0x9;
	_ =	strace $0x8000004E  }
0xb2: {  	_ =	swait.ge [sflag:s29], $0x1  }
0xb3: {  	[sflag:s29] =	ssyncadd.s32 $0xFFFFFFFF  }
0xb4: {  	_ =	strace $0x9000004E  }
0xb5: {  	_ =	sfence  }
0xb6: {  	s30 =	sld [smem:$0x0];
	_ =	sdelay $0x2  }
0xb7: {  	s31 =	sshll.u32 s1, $0xD;
	s1 =	sshrl.u32 s1, $0x2  }
0xb8: {  	s3 =	sand.u32 $0x4000, s31;
	s1 =	sadd.s32 s1, s30  }
0xb9: {  	s0 =	sor.u32 s3, s0;
	s1 =	sshll.u32 s1, $0x11  }
0xba: {  	s0 =	sor.u32 s1, s0  }
0xbb: {  	s0 =	sadd.s32 $0x8F2B, s0  }
0xbc: {  	[sflag:s0] =	ssyncadd.remote.s32 $0x1  }
0xbd: {  	_ =	sfence.sel $0xFFFF  }
0xbe: {  	[dreg:$0x0] =	wrdreg $0xFFFFFFFF;
	(pc) =	sbr.abs _section_cstart, $3  }
0xbf: {  	[dreg:$0x1] =	wrdreg $0xFFFFFFFF  }
0xc0: {  	_ =	task.clear_ibuf [dreg:s6], $0x2FFFF;
	_ =	strace $0x9FFFFFFF  }
0xc1: {  	(tm) =	ssettm $0x7FFFFFFF  }
tec
execute0_lowered:
.L_overlay_start_1:
0x0: {  	(tag) =	ssettag $0x1  }
0x1: {  	s1 =	srdreg.scid  }
0x2: {  	s0 =	stileid.u32;
	s5 =	rddreg [dreg:$0x0]  }
0x3: {  	s2 =	simm.s32 $0x0;
	s12 =	simm.s32 $0x1000;
	s13 =	simm.s32 $0x1800  }
0x4: {  	s14 =	simm.s32 $0x2000;
	s15 =	simm.s32 $0x2800;
	s16 =	simm.s32 $0x4400  }
0x5: {  	s18 =	simm.s32 $0x7C00;
	s6 =	sand.u32 $0x1, s1;
	s17 =	smul.u32 $0x1C00, s0  }
0x6: {  	s19 =	simm.s32 $0x0;
	[smem:$0x7FF] =	sst s2;
	s3 =	smul.u32 $0x70000, s6  }
0x7: {  	s1 =	rddreg [dreg:$0x1];
	_ =	strace $0x8000004D;
	s7 =	ssub.s32 $0x2, s6  }
0x8: {  	s9 =	sshrl.u32 s7, $0x1;
	s4 =	sadd.s32 s17, s3;
	s3 =	sadd.s32 $0x78800, s5  }
0x9: {  	v0 =	vmov s17;
	s11 =	ssub.s32 s7, s9;
	s17 =	simm.s32 $0x6000;
	s8 =	sshrl.u32 s4, $0x3  }
0xa: {  	s4 =	sadd.s32 $0x4200, s5;
	s10 =	sadd.s32 s8, s5;
	s5 =	smul.u32 $0x49800, s6  }
0xb: {  	s6 =	sadd.s32 $0xC2000, s10;
	s7 =	sadd.s32 $0xC5800, s10;
	s8 =	sadd.s32 $0xC9000, s10  }
0xc: {  	v1 =	vimm.f32 $0.0e+00;
	s9 =	sadd.s32 $0xCC800, s10;
	s10 =	smax.u32 s11, $0x1;
	s11 =	simm.s32 $0x1  }
.LBB2_1:
0xd: {  	s20 =	simm.s32 $0x40;
	s21 =	simm.s32 $0x0  }
.LBB2_2:
0xe: {  	p0 =	sne.s32 s20, $0x1BFC0;
	[tilespmem:s21+$0x2800] =	vst v1;
	s21 =	smov.u32 s20;
	s20 =	sadd.s32 $0x40, s20  }
.Ltmp0:
0xf: {  	(pc) =	sbr.rel @p0 .LBB2_2-.Ltmp0, $2  }
0x10: {  	_ =	sdelay $0x2  }
0x11: {  	s21 =	sshra.s32 s21, $0x2  }
0x12: {  	[tilespmem:s21+$0x2800] =	vst v1;
	s20 =	simm.s32 $0x0;
	s21 =	simm.s32 $0x0  }
.LBB2_4:
0x13: {  	s22 =	sshll.u32 s21, $0xB  }
0x14: {  	s22 =	sadd.s32 s5, s22  }
0x15: {  	s22 =	sshrl.u32 s22, $0x3  }
0x16: {  	s23 =	sadd.s32 s4, s22  }
0x17: {  	[tilespmem:s20], [sflag:$0x1] =	stream.linear.gather [hbm4b:s23+s20], $0x800, $0x38;
	[tilespmem:$0x9800] =	vst v63  }
0x18: {  	_ =	swait.ge [sflag:s11], $0x800  }
0x19: {  	[sflag:s11] =	ssyncset.done $0x0  }
0x1a: {  	s30 =	sadd.s32 s3, s22;
	s22 =	simm.s32 $0x800;
	[sflag:s11] =	ssyncadd.s32 $0xFFFFF800  }
0x1b: {  	[tilespmem:s22], [sflag:$0x1] =	stream.linear.gather [hbm4b:s30+s20], $0x800, $0x38;
	[tilespmem:$0x9800] =	vst v63  }
0x1c: {  	_ =	swait.ge [sflag:s11], $0x800  }
0x1d: {  	[sflag:s11] =	ssyncset.done $0x0  }
0x1e: {  	s24 =	sadd.s32 $0x12600, s30;
	[sflag:s11] =	ssyncadd.s32 $0xFFFFF800  }
0x1f: {  	[tilespmem:s12], [sflag:$0x1] =	stream.linear.gather [hbm4b:s24+s20], $0x800, $0x38;
	[tilespmem:$0x9800] =	vst v63  }
0x20: {  	_ =	swait.ge [sflag:s11], $0x800  }
0x21: {  	[sflag:s11] =	ssyncset.done $0x0  }
0x22: {  	s31 =	sadd.s32 $0x24C00, s30;
	[sflag:s11] =	ssyncadd.s32 $0xFFFFF800  }
0x23: {  	[tilespmem:s13], [sflag:$0x1] =	stream.linear.gather [hbm4b:s31+s20], $0x800, $0x38;
	[tilespmem:$0x9800] =	vst v63  }
0x24: {  	_ =	swait.ge [sflag:s11], $0x800  }
0x25: {  	[sflag:s11] =	ssyncset.done $0x0  }
0x26: {  	s23 =	sadd.s32 $0x37200, s30;
	[sflag:s11] =	ssyncadd.s32 $0xFFFFF800  }
0x27: {  	[tilespmem:s14], [sflag:$0x1] =	stream.linear.gather [hbm4b:s23+s20], $0x800, $0x38;
	[tilespmem:$0x9800] =	vst v63  }
0x28: {  	_ =	swait.ge [sflag:s11], $0x800  }
0x29: {  	[sflag:s11] =	ssyncset.done $0x0  }
0x2a: {  	[sflag:s11] =	ssyncadd.s32 $0xFFFFF800  }
0x2b: {  	s25 =	simm.s32 $0x0;
	s24 =	simm.s32 $0x10;
	s23 =	simm.s32 $0x0;
	v2 =	vld [tilespmem:s20+$0x0]  }
.LBB2_5:
0x2c: {  	p0 =	sne.s32 s24, $0x7F0;
	v3 =	vld [tilespmem:s22+$0x0];
	_ =	sdelay $0x3  }
0x2d: {  	v2 =	vsub.s32 v2, v0  }
0x2e: {  	vm1 =	vgt.s32 v2, $0x0  }
0x2f: {  	vm0 =	vlt.u32 v2, $0x1C00;
	v2 =	vnsel vm1, $0x0, v2  }
0x30: {  	v2 =	vmin.u32 v2, $0x1BFF;
	_ =	sdelay $0x3  }
0x31: {  	v4 =	vadd.s32 $0x1C00, v2  }
0x32: {  	s26 =	sand.u32 $0x7F0, s23;
	s23 =	smov.u32 s24;
	[tilespmem:v2+s15+$0x0] =	vst.idx.add.f32.msk vm0, v3;
	v3 =	vand.u32 $0x3F80, v4;
	v4 =	vand.u32 $0x7F, v2  }
0x33: {  	v5 =	vld [tilespmem:s26+$0x1000];
	v3 =	vor.u32 v4, v3;
	_ =	sdelay $0x3  }
0x34: {  	v6 =	vadd.s32 $0x3800, v2  }
0x35: {  	[tilespmem:v3+s15+$0x0] =	vst.idx.add.f32.msk vm0, v5;
	v3 =	vand.u32 $0x7F80, v6  }
0x36: {  	v5 =	vld [tilespmem:s26+$0x1800];
	v3 =	vor.u32 v4, v3;
	_ =	sdelay $0x3  }
0x37: {  	v2 =	vadd.s32 $0x5400, v2  }
0x38: {  	v2 =	vand.u32 $0x7F80, v2;
	[tilespmem:v3+s15+$0x0] =	vst.idx.add.f32.msk vm0, v5  }
0x39: {  	v2 =	vor.u32 v4, v2;
	v3 =	vld [tilespmem:s26+$0x2000];
	_ =	sdelay $0x1  }
.Ltmp1:
0x3a: {  	(pc) =	sbr.rel @p0 .LBB2_5-.Ltmp1, $3  }
0x3b: {  	_ =	sdelay $0x1  }
0x3c: {  	s25 =	sadd.s32 $0x10, s25;
	[tilespmem:v2+s15+$0x0] =	vst.idx.add.f32.msk vm0, v3  }
0x3d: {  	s24 =	sadd.s32 $0x10, s24;
	s22 =	sadd.s32 $0x10, s22;
	v2 =	vld [tilespmem:s25+$0x0]  }
0x3e: {  	_ =	sdelay $0x3  }
0x3f: {  	v2 =	vsub.s32 v2, v0  }
0x40: {  	vm0 =	vgt.s32 v2, $0x0  }
0x41: {  	vm1 =	vlt.u32 v2, $0x1C00;
	v2 =	vnsel vm0, $0x0, v2  }
0x42: {  	v3 =	vld [tilespmem:s22+$0x0];
	v2 =	vmin.u32 v2, $0x1BFF;
	_ =	sdelay $0x3  }
0x43: {  	v4 =	vadd.s32 $0x1C00, v2  }
0x44: {  	s31 =	sand.u32 $0x7F0, s23;
	v63 =	vand.u32 $0x7F, v2;
	[tilespmem:v2+s15+$0x0] =	vst.idx.add.f32.msk vm1, v3;
	v3 =	vand.u32 $0x3F80, v4  }
0x45: {  	v5 =	vld [tilespmem:s31+$0x1000];
	v3 =	vor.u32 v63, v3;
	_ =	sdelay $0x3  }
0x46: {  	v6 =	vadd.s32 $0x3800, v2  }
0x47: {  	[tilespmem:v3+s15+$0x0] =	vst.idx.add.f32.msk vm1, v5;
	v3 =	vand.u32 $0x7F80, v6  }
0x48: {  	v5 =	vld [tilespmem:s31+$0x1800];
	v3 =	vor.u32 v63, v3;
	_ =	sdelay $0x3  }
0x49: {  	v2 =	vadd.s32 $0x5400, v2  }
0x4a: {  	s21 =	sadd.s32 $0x1, s21;
	v2 =	vand.u32 $0x7F80, v2;
	[tilespmem:v3+s15+$0x0] =	vst.idx.add.f32.msk vm1, v5  }
0x4b: {  	p0 =	sne.s32 s21, $0x93;
	v2 =	vor.u32 v63, v2;
	v3 =	vld [tilespmem:s31+$0x2000]  }
.Ltmp2:
0x4c: {  	_ = 	snop;
	(pc) =	sbr.rel @p0 .LBB2_4-.Ltmp2, $2  }
0x4d: {  	_ =	sdelay $0x2  }
0x4e: {  	[tilespmem:v2+s15+$0x0] =	vst.idx.add.f32.msk vm1, v3  }
0x4f: {  	[hbm4b:s6+s2] =	stream.linear.scatter [tilespmem:s15], [sflag:$0x1], $0x1C00, $0x38;
	[tilespmem:$0x9800] =	vst v63  }
0x50: {  	_ =	swait.ge [sflag:s11], $0x1C00  }
0x51: {  	[sflag:s11] =	ssyncset.done $0x0  }
0x52: {  	[sflag:s11] =	ssyncadd.s32 $0xFFFFE400  }
0x53: {  	[hbm4b:s7+s2] =	stream.linear.scatter [tilespmem:s16], [sflag:$0x1], $0x1C00, $0x38;
	[tilespmem:$0x9800] =	vst v63  }
0x54: {  	_ =	swait.ge [sflag:s11], $0x1C00  }
0x55: {  	[sflag:s11] =	ssyncset.done $0x0  }
0x56: {  	[sflag:s11] =	ssyncadd.s32 $0xFFFFE400  }
0x57: {  	[hbm4b:s8+s2] =	stream.linear.scatter [tilespmem:s17], [sflag:$0x1], $0x1C00, $0x38;
	[tilespmem:$0x9800] =	vst v63  }
0x58: {  	s19 =	sadd.s32 $0x1, s19;
	_ =	swait.ge [sflag:s11], $0x1C00  }
0x59: {  	p0 =	sne.s32 s19, s10;
	[sflag:s11] =	ssyncset.done $0x0  }
.Ltmp3:
0x5a: {  	[sflag:s11] =	ssyncadd.s32 $0xFFFFE400;
	(pc) =	sbr.rel @p0 .LBB2_1-.Ltmp3, $4  }
0x5b: {  	[hbm4b:s9+s2] =	stream.linear.scatter [tilespmem:s18], [sflag:$0x1], $0x1C00, $0x38;
	[tilespmem:$0x9800] =	vst v63  }
0x5c: {  	_ =	swait.ge [sflag:s11], $0x1C00  }
0x5d: {  	[sflag:s11] =	ssyncset.done $0x0  }
0x5e: {  	[sflag:s11] =	ssyncadd.s32 $0xFFFFE400  }
0x5f: {  	_ =	sfence.sel $0x180000  }
0x60: {  	[bflag:$0x0] =	sbarrier.arrive $0xFFFF  }
0x61: {  	p0 =	sne.s32 s0, $0x0;
	_ =	strace $0x9000004D  }
0x62: {  	s0 =	sadd.s32 @!p0 $0x100000, s1;
	[bflag:$0x2] =	sbarrier.arrive $0xFFFF  }
0x63: {  	[sflag:s0] =	ssyncadd.tile.s32 @!p0 $0x1;
	_ =	shalt  }
.Lfunc_end2:
_tile_overlayer_lowered:
.L_overlay_start_2:
0x64: {  	(tag) =	ssettag $0x2  }
0x65: {  	s0 =	rddreg [dreg:$0x0];
	s2 =	stileid.u32  }
0x66: {  	s1 =	rddreg [dreg:$0x1];
	p0 =	sne.s32 s2, $0x0  }
0x67: {  	s3 =	rddreg [dreg:$0x2];
	[bflag:$0x3] =	sbarrier.arrive $0xFFFF;
	s2 =	simm.s32 @!p0 $0x1C01  }
0x68: {  	[timem:s3], [sflag:s2] =	dma.local @!p0 [hbm:s0], s1  }
0x69: {  	s0 =	simm.s32 @!p0 $0x1  }
0x6a: {  	_ =	swait.ge @!p0 [sflag:s0], s1  }
0x6b: {  	s1 =	ssub.s32 @!p0 $0x0, s1;
	[sflag:s0] =	ssyncset.done @!p0 $0x0  }
0x6c: {  	[sflag:s0] =	ssyncadd.s32 @!p0 s1  }
0x6d: {  	[bflag:$0x3] =	sbarrier.arrive $0xFFFF  }
0x6e: {  	_ =	shalt  }

// kernel: sparse-core-data-format-call.cloned.1.call-start
scs
called_computation_lowered:
.L_overlay_start_0:
0x0: {  	s1 =	sld [smem:$0x3FD9]  }
0x1: {  	s2 =	sld [smem:$0x3FFE];
	_ =	sdelay $0x1  }
0x2: {  	s3 =	srdreg.scid  }
0x3: {  	s0 =	sand.u32 $0x1, s3  }
0x4: {  	s17 =	sshll.u32 s0, $0xA;
	s1 =	sadd.s32 s2, s1  }
0x5: {  	s1 =	sadd.s32 s1, s17  }
0x6: {  	[smem:$0x3FB1] =	sst s1  }
0x7: {  	_ = 	snop  }
0x8: {  	(tm) =	ssettm $0x1  }
0x9: {  	s18 =	sld [smem:$0x3FFB];
	_ =	sdelay $0x3  }
0xa: {  	_ =	strace s18  }
0xb: {  	s1 =	sld [smem:$0x3FFC];
	_ =	sdelay $0x3  }
0xc: {  	_ =	strace s1  }
0xd: {  	s1 =	sld [smem:$0x3FFD];
	_ =	sdelay $0x3  }
0xe: {  	_ =	strace s1  }
0xf: {  	_ =	strace $0x8FFFFFFF  }
0x10: {  	s19 =	sld [smem:$0x3FDB];
	_ =	sdelay $0x1  }
0x11: {  	s20 =	simm.s32 $_scs_section_size  }
0x12: {  	s4 =	simm.s32 $_size__tile_overlayer_lowered;
	s5 =	simm.s32 $_tile_overlayer_lowered  }
0x13: {  	s23 =	simm.s32 $0x1BFF;
	s22 =	sshll.u32 s5, $0x1;
	s1 =	sadd.s32 s20, s19  }
0x14: {  	s6 =	simm.s32 $0x0;
	s21 =	sshll.u32 s4, $0x1;
	s4 =	sadd.s32 s22, s1  }
0x15: {  	[timem:s6], [sflag:s23] =	dma.local [hbm:s4], s21  }
0x16: {  	_ =	swait.ge [sflag:s23], s21  }
0x17: {  	s2 =	ssub.s32 $0x0, s21;
	[sflag:s23] =	ssyncset.done $0x0  }
0x18: {  	[sflag:s23] =	ssyncadd.s32 s2;
	_ =	sdelay $0x1  }
0x19: {  	s24 =	simm.s32 $0x1B8B  }
0x1a: {  	_ =	swait.ge [sflag:s24], $0x1  }
0x1b: {  	[sflag:s24] =	ssyncset.done $0x0  }
0x1c: {  	s26 =	simm.s32 $0x1B8E;
	s25 =	sld [smem:$0x3FFE];
	[sflag:s24] =	ssyncadd.s32 $0xFFFFFFFF  }
0x1d: {  	s27 =	simm.s32 $execute0_lowered;
	[smem:$0x3FD2] =	sst s26  }
0x1e: {  	s4 =	sshll.u32 s27, $0x1;
	_ =	strace $0x80000049;
	[dreg:$0x1] =	wrdreg $0xFFFFFFFF  }
0x1f: {  	s28 =	simm.s32 $_size_execute0_lowered;
	s1 =	sadd.s32 s1, s4;
	[dreg:$0x0] =	wrdreg $0x0  }
0x20: {  	s4 =	sshll.u32 s28, $0x1;
	[dreg:$0x2] =	wrdreg s1  }
0x21: {  	[dreg:$0x3] =	wrdreg s4  }
0x22: {  	[dreg:$0x4] =	wrdreg $0xC0  }
0x23: {  	_ =	task [dreg:s6], $0x5FFFF  }
0x24: {  	[dreg:$0x1] =	wrdreg $0xFFFFFFFF  }
0x25: {  	[dreg:$0x0] =	wrdreg $0x60  }
0x26: {  	[dreg:$0x2] =	wrdreg s25  }
0x27: {  	[dreg:$0x3] =	wrdreg $0x9  }
0x28: {  	_ =	task.clear_ibuf [dreg:s6], $0x4FFFF;
	_ =	strace $0x90000049  }
0x29: {  	s29 =	simm.s32 $0x9;
	_ =	strace $0x8000004B  }
0x2a: {  	_ =	swait.ge [sflag:s29], $0x1  }
0x2b: {  	[sflag:s29] =	ssyncadd.s32 $0xFFFFFFFF  }
0x2c: {  	_ =	strace $0x9000004B  }
0x2d: {  	_ =	sfence  }
0x2e: {  	s30 =	sld [smem:$0x0];
	_ =	sdelay $0x2  }
0x2f: {  	s31 =	sshll.u32 s3, $0xD;
	s3 =	sshrl.u32 s3, $0x2  }
0x30: {  	s2 =	sand.u32 $0x4000, s31;
	s1 =	sadd.s32 s3, s30  }
0x31: {  	s0 =	sor.u32 s2, s0;
	s1 =	sshll.u32 s1, $0x11  }
0x32: {  	s0 =	sor.u32 s1, s0  }
0x33: {  	s0 =	sadd.s32 $0x8F2B, s0  }
0x34: {  	[sflag:s0] =	ssyncadd.remote.s32 $0x1  }
0x35: {  	_ =	sfence.sel $0xFFFF  }
0x36: {  	[dreg:$0x0] =	wrdreg $0xFFFFFFFF;
	(pc) =	sbr.abs _section_cstart, $3  }
0x37: {  	[dreg:$0x1] =	wrdreg $0xFFFFFFFF  }
0x38: {  	_ =	task.clear_ibuf [dreg:s6], $0x2FFFF;
	_ =	strace $0x9FFFFFFF  }
0x39: {  	(tm) =	ssettm $0x7FFFFFFF  }
tec
execute0_lowered:
.L_overlay_start_1:
0x0: {  	(tag) =	ssettag $0x1  }
0x1: {  	s0 =	srdreg.scid  }
0x2: {  	s1 =	sshll.u32 s0, $0x4  }
0x3: {  	s0 =	stileid.u32;
	s1 =	sand.u32 $0x10, s1  }
0x4: {  	s6 =	rddreg [dreg:$0x0];
	s1 =	sor.u32 s0, s1  }
0x5: {  	s4 =	simm.s32 $0x1;
	s7 =	simm.s32 $0x2;
	s2 =	sshll.u32 s1, $0x4  }
0x6: {  	s14 =	simm.s32 $0x0;
	s8 =	simm.s32 $0x800;
	s3 =	ssub.s32 $0x620, s2  }
0x7: {  	s9 =	simm.s32 $0x31000;
	s10 =	simm.s32 $0x0;
	s31 =	sand.u32 $0x1F0, s3  }
0x8: {  	s15 =	simm.s32 $0x0;
	s12 =	simm.s32 $0x0;
	p0 =	sne.s32 s31, $0x0  }
.Ltmp0:
0x9: {  	s3 =	sshrl.u32 s3, $0x9;
	s4 =	simm.s32 @!p0 $0x0;
	(pc) =	sbr.rel .LBB1_1-.Ltmp0, $4  }
0xa: {  	s13 =	simm.s32 $0x0;
	s1 =	rddreg [dreg:$0x1];
	s5 =	sadd.s32 s4, s3  }
0xb: {  	_ =	strace $0x8000004A;
	s4 =	simm.s32 $0x1;
	s5 =	smul.u32 $0x6, s5  }
0xc: {  	s11 =	smov.u32 s2;
	s3 =	sadd.s32 $0x16800, s6;
	[sflag:s4] =	ssyncpa.u1 $0x0  }
0xd: {  	s6 =	sadd.s32 $0x13C800, s6;
	[sflag:s7] =	ssyncpa.u1 $0x0;
	s7 =	sor.u32 $0x1, s5  }
.LBB1_7:
0xe: {  	s16 =	sadd.s32 $0x200, s11  }
0xf: {  	s14 =	simm.s32 $0x1;
	p1 =	sgt.s32 s16, $0x61F  }
0x10: {  	s14 =	simm.s32 @!p1 $0x0  }
0x11: {  	s18 =	sadd.s32 s14, s12  }
0x12: {  	s16 =	smov.u32 @p1 s2;
	p1 =	sgt.s32 s18, $0x5  }
0x13: {  	s18 =	simm.s32 @p1 $0x0;
	p1 =	sne.s32 s13, s7  }
.Ltmp1:
0x14: {  	p0 =	slt.u32 s13, $0x2;
	(pc) =	sbr.rel @!p1 .LBB1_8-.Ltmp1, $4  }
0x15: {  	s17 =	simm.s32 @!p0 $0x2  }
0x16: {  	s15 =	smov.u32 s12;
	s10 =	sadd.s32 $0x4000, s10;
	_ =	swait.ge @!p0 [sflag:s17], $0x4000  }
0x17: {  	[sflag:s17] =	ssyncset.done @!p0 $0x0;
	s14 =	smov.u32 s11;
	s11 =	smov.u32 s16  }
0x18: {  	[sflag:s17] =	ssyncadd.s32 @!p0 $0xFFFFC000;
	s13 =	sadd.s32 $0x1, s13;
	s12 =	smov.u32 s18  }
.LBB1_1:
0x19: {  	p0 =	sge.u32 s13, s5  }
0x1a: {  	s16 =	smul.u32 @!p0 $0x31000, s12  }
0x1b: {  	s31 =	sadd.s32 $0xFFFFFFFF, s13;
	s17 =	sxor.u32 @!p0 $0xFFFFFFFF, s13  }
0x1c: {  	s18 =	sshll.u32 @!p0 s11, $0x7;
	s17 =	sshll.u32 @!p0 s17, $0xE;
	s16 =	sadd.s32 @!p0 s3, s16  }
0x1d: {  	s17 =	sand.u32 @!p0 $0x4000, s17;
	s16 =	sadd.s32 @!p0 s18, s16;
	s18 =	simm.s32 @!p0 $0x0  }
0x1e: {  	[tilespmem:s17], [sflag:$0x1] =	stream.linear.gather @!p0 [hbm4b:s16+s18], $0x4000, $0x38;
	[tilespmem:$0x10000] =	vst v63  }
0x1f: {  	p0 =	sge.u32 s31, s5  }
.Ltmp2:
0x20: {  	_ = 	snop;
	(pc) =	sbr.rel @p0 .LBB1_7-.Ltmp2, $1  }
0x21: {  	_ =	sdelay $0x3  }
0x22: {  	s16 =	sand.u32 $0x4000, s10  }
0x23: {  	_ =	swait.ge [sflag:s4], $0x4000;
	s19 =	sshll.u32 s13, $0xE;
	s17 =	sor.u32 $0x8040, s16  }
0x24: {  	s18 =	sor.u32 $0x40, s16;
	[sflag:s4] =	ssyncset.done $0x0;
	s31 =	sand.u32 $0x4000, s19  }
0x25: {  	s19 =	simm.s32 $0x0;
	[sflag:s4] =	ssyncadd.s32 $0xFFFFC000;
	s16 =	sor.u32 $0x8000, s31  }
.LBB1_3:
0x26: {  	v0 =	vmov s18;
	_ =	sdelay $0x3  }
0x27: {  	s21 =	simm.s32 $0x0  }
0x28: {  	v6 =	vld.idx.msk [tilespmem:v0+s21+$0x30 ss:$0x1], $0xffff  }
0x29: {  	v7 =	vld.idx.msk [tilespmem:v0+s21+$0xFFFFFFC0 ss:$0x1], $0xffff  }
0x2a: {  	v5 =	vld.idx.msk [tilespmem:v0+s21+$0xFFFFFFD0 ss:$0x1], $0xffff  }
0x2b: {  	v4 =	vld.idx.msk [tilespmem:v0+s21+$0xFFFFFFE0 ss:$0x1], $0xffff  }
0x2c: {  	v3 =	vld.idx.msk [tilespmem:v0+s21+$0xFFFFFFF0 ss:$0x1], $0xffff  }
0x2d: {  	v1 =	vld.idx.msk [tilespmem:v0+s21+$0x0 ss:$0x1], $0xffff  }
0x2e: {  	v2 =	vld.idx.msk [tilespmem:v0+s21+$0x10 ss:$0x1], $0xffff;
	[tilespmem:s17+$0x30] =	vst v6  }
0x2f: {  	s20 =	simm.s32 $0x80;
	s22 =	simm.s32 $0x400;
	[tilespmem:s17+$0xFFFFFFC0] =	vst v7;
	v6 =	vld.idx.msk [tilespmem:v0+s21+$0x20 ss:$0x1], $0xffff;
	s21 =	smov.u32 s17  }
.LBB1_4:
0x30: {  	p0 =	sne.s32 s22, $0xE00;
	v7 =	vld.idx.msk [tilespmem:v0+s20+$0x30 ss:$0x1], $0xffff;
	[tilespmem:s21+$0xFFFFFFD0] =	vst v5  }
0x31: {  	v8 =	vld.idx.msk [tilespmem:v0+s20+$0xFFFFFFC0 ss:$0x1], $0xffff;
	[tilespmem:s21+$0xFFFFFFE0] =	vst v4  }
0x32: {  	v5 =	vld.idx.msk [tilespmem:v0+s20+$0xFFFFFFD0 ss:$0x1], $0xffff;
	[tilespmem:s21+$0xFFFFFFF0] =	vst v3  }
.Ltmp3:
0x33: {  	v4 =	vld.idx.msk [tilespmem:v0+s20+$0xFFFFFFE0 ss:$0x1], $0xffff;
	[tilespmem:s21+$0x0] =	vst v1;
	(pc) =	sbr.rel @p0 .LBB1_4-.Ltmp3, $4  }
0x34: {  	v3 =	vld.idx.msk [tilespmem:v0+s20+$0xFFFFFFF0 ss:$0x1], $0xffff;
	[tilespmem:s21+$0x10] =	vst v2  }
0x35: {  	v1 =	vld.idx.msk [tilespmem:v0+s20+$0x0 ss:$0x1], $0xffff;
	[tilespmem:s21+$0x20] =	vst v6;
	s21 =	sadd.s32 $0x800, s21  }
0x36: {  	v2 =	vld.idx.msk [tilespmem:v0+s20+$0x10 ss:$0x1], $0xffff;
	[tilespmem:s21+$0x30] =	vst v7  }
0x37: {  	[tilespmem:s21+$0xFFFFFFC0] =	vst v8;
	v6 =	vld.idx.msk [tilespmem:v0+s20+$0x20 ss:$0x1], $0xffff;
	s20 =	sshra.s32 s22, $0x2;
	s22 =	sadd.s32 $0x200, s22  }
0x38: {  	_ =	sdelay $0x2  }
0x39: {  	[tilespmem:s21+$0xFFFFFFD0] =	vst v5  }
0x3a: {  	v56 =	vld.idx.msk [tilespmem:v0+s20+$0x30 ss:$0x1], $0xffff;
	[tilespmem:s21+$0xFFFFFFE0] =	vst v4  }
0x3b: {  	v57 =	vld.idx.msk [tilespmem:v0+s20+$0xFFFFFFC0 ss:$0x1], $0xffff;
	[tilespmem:s21+$0xFFFFFFF0] =	vst v3  }
0x3c: {  	v58 =	vld.idx.msk [tilespmem:v0+s20+$0xFFFFFFD0 ss:$0x1], $0xffff;
	[tilespmem:s21+$0x0] =	vst v1  }
0x3d: {  	v59 =	vld.idx.msk [tilespmem:v0+s20+$0xFFFFFFE0 ss:$0x1], $0xffff;
	[tilespmem:s21+$0x10] =	vst v2  }
0x3e: {  	v60 =	vld.idx.msk [tilespmem:v0+s20+$0xFFFFFFF0 ss:$0x1], $0xffff;
	s31 =	sadd.s32 $0x800, s21;
	[tilespmem:s21+$0x20] =	vst v6  }
0x3f: {  	v61 =	vld.idx.msk [tilespmem:v0+s20+$0x0 ss:$0x1], $0xffff;
	[tilespmem:s31+$0x30] =	vst v56  }
0x40: {  	v62 =	vld.idx.msk [tilespmem:v0+s20+$0x10 ss:$0x1], $0xffff;
	s19 =	sadd.s32 $0x1, s19;
	[tilespmem:s31+$0xFFFFFFC0] =	vst v57  }
0x41: {  	v63 =	vld.idx.msk [tilespmem:v0+s20+$0x20 ss:$0x1], $0xffff;
	p0 =	sne.s32 s19, $0x10;
	[tilespmem:s31+$0xFFFFFFD0] =	vst v58  }
.Ltmp4:
0x42: {  	[tilespmem:s31+$0xFFFFFFE0] =	vst v59;
	(pc) =	sbr.rel @p0 .LBB1_3-.Ltmp4, $4  }
0x43: {  	[tilespmem:s31+$0xFFFFFFF0] =	vst v60  }
0x44: {  	[tilespmem:s31+$0x0] =	vst v61  }
0x45: {  	[tilespmem:s31+$0x10] =	vst v62  }
0x46: {  	s17 =	sadd.s32 $0x80, s17;
	s18 =	sadd.s32 $0x400, s18;
	[tilespmem:s31+$0x20] =	vst v63  }
0x47: {  	s14 =	sand.u32 $0x1FFFFFF, s14  }
0x48: {  	s17 =	smulhi.u32 $0x14E5E0B, s14;
	_ =	sdelay $0x1  }
0x49: {  	s15 =	smul.u32 $0x31000, s15;
	s17 =	sshrl.u32 s17, $0x3  }
0x4a: {  	s17 =	smul.u32 $0x620, s17  }
.Ltmp5:
0x4b: {  	_ = 	snop;
	(pc) =	sbr.rel .LBB1_7-.Ltmp5, $4  }
0x4c: {  	s14 =	ssub.s32 s14, s17  }
0x4d: {  	s15 =	sadd.s32 s6, s15;
	s14 =	sshll.u32 s14, $0x4  }
0x4e: {  	s14 =	sadd.s32 s14, s15  }
0x4f: {  	[hbm4b:s14+s8] =	stream.strided.scatter [tilespmem:s16], [sflag:$0x2], $0x4000, s9, s8, $0x38;
	[tilespmem:$0x10000] =	vst v63  }
.LBB1_8:
0x50: {  	_ =	sfence.sel $0x180000  }
0x51: {  	s2 =	simm.s32 $0x1;
	[bflag:$0x0] =	sbarrier.arrive $0xFFFF  }
0x52: {  	s31 =	simm.s32 $0x2;
	[sflag:s2] =	ssyncpa.u1 $0x1  }
0x53: {  	[sflag:s31] =	ssyncpa.u1 $0x1  }
0x54: {  	p0 =	sne.s32 s0, $0x0;
	_ =	strace $0x9000004A  }
0x55: {  	s0 =	sadd.s32 @!p0 $0x100000, s1;
	[bflag:$0x2] =	sbarrier.arrive $0xFFFF  }
0x56: {  	[sflag:s0] =	ssyncadd.tile.s32 @!p0 $0x1;
	_ =	shalt  }
.Lfunc_end1:
_tile_overlayer_lowered:
.L_overlay_start_2:
0x57: {  	(tag) =	ssettag $0x2  }
0x58: {  	s0 =	rddreg [dreg:$0x0];
	s2 =	stileid.u32  }
0x59: {  	s1 =	rddreg [dreg:$0x1];
	p0 =	sne.s32 s2, $0x0  }
0x5a: {  	s3 =	rddreg [dreg:$0x2];
	[bflag:$0x3] =	sbarrier.arrive $0xFFFF;
	s2 =	simm.s32 @!p0 $0x1C01  }
0x5b: {  	[timem:s3], [sflag:s2] =	dma.local @!p0 [hbm:s0], s1  }
0x5c: {  	s0 =	simm.s32 @!p0 $0x1  }
0x5d: {  	_ =	swait.ge @!p0 [sflag:s0], s1  }
0x5e: {  	s1 =	ssub.s32 @!p0 $0x0, s1;
	[sflag:s0] =	ssyncset.done @!p0 $0x0  }
0x5f: {  	[sflag:s0] =	ssyncadd.s32 @!p0 s1  }
0x60: {  	[bflag:$0x3] =	sbarrier.arrive $0xFFFF  }
0x61: {  	_ =	shalt  }

</sc_bundles>
